<compile_context>
chip_gen: v7x
topology: tpu7x:2x2x1
jax: 0.10.2.dev20260603
libtpu: 0.0.44.dev20260713+nightly
codegen_flags: <defaults>
</compile_context>

<pallas_src>
import jax
import jax.numpy as jnp
from jax import lax
from jax.experimental import pallas as pl
from jax.experimental.pallas import tpu as pltpu
from jax.experimental.pallas import tpu_sc as plsc

B = 4096
V = 1000000
LT = 20
LD = 200
LTP = 24
D = 64
NC = 2
NS = 16
NW = NC * NS
BPW = B // NW
NP = BPW // 2
OUT_D = 4 * D


def _row_step(rows_v, r, carry):
    m0, m1, m2, m3, s0, s1, s2, s3 = carry
    v0 = rows_v[r, pl.ds(0, 16)]
    v1 = rows_v[r, pl.ds(16, 16)]
    v2 = rows_v[r, pl.ds(32, 16)]
    v3 = rows_v[r, pl.ds(48, 16)]
    return (jnp.maximum(m0, v0), jnp.maximum(m1, v1),
            jnp.maximum(m2, v2), jnp.maximum(m3, v3),
            s0 + v0, s1 + v1, s2 + v2, s3 + v3)


def _reduce_init():
    neg = jnp.full((16,), -1e30, dtype=jnp.float32)
    zero = jnp.zeros((16,), dtype=jnp.float32)
    return (neg, neg, neg, neg, zero, zero, zero, zero)


def _seg_reduce4(rows_v, start, ln, unroll=4):
    nu = lax.div(ln, unroll)

    def bodyu(i, carry):
        r = start + unroll * i
        for j in range(unroll):
            carry = _row_step(rows_v, r + j, carry)
        return carry

    carry = lax.fori_loop(0, nu, bodyu, _reduce_init())

    def tail(t, carry):
        return _row_step(rows_v, start + t, carry)

    return lax.fori_loop(unroll * nu, ln, tail, carry)


def _sc_body(title_hbm, desc_hbm, tlen_hbm, dlen_hbm, w_hbm, out_hbm,
             tidx_v, didx_v, tlen_v, dlen_v,
             trows0, drows0, trows1, drows1, out_v, sem0, sem1):
    wid = lax.axis_index("s") * NC + lax.axis_index("c")
    base = wid * BPW

    pltpu.sync_copy(title_hbm.at[pl.ds(base * LTP, BPW * LTP)], tidx_v)
    pltpu.sync_copy(desc_hbm.at[pl.ds(base, BPW)], didx_v)
    pltpu.sync_copy(tlen_hbm.at[pl.ds(base, BPW)], tlen_v.at[pl.ds(0, BPW)])
    pltpu.sync_copy(dlen_hbm.at[pl.ds(base, BPW)], dlen_v.at[pl.ds(0, BPW)])

    def pair_copies(g, trows_v, drows_v, sem):
        e0 = 2 * g
        toff = pl.multiple_of(e0 * LTP, 8)
        return (
            pltpu.make_async_copy(w_hbm.at[tidx_v.at[pl.ds(toff, 2 * LTP)]],
                                  trows_v, sem),
            pltpu.make_async_copy(w_hbm.at[didx_v.at[e0, pl.ds(0, 104)]],
                                  drows_v.at[pl.ds(0, 104)], sem),
            pltpu.make_async_copy(w_hbm.at[didx_v.at[e0, pl.ds(104, 96)]],
                                  drows_v.at[pl.ds(104, 96)], sem),
            pltpu.make_async_copy(w_hbm.at[didx_v.at[e0 + 1, pl.ds(0, 104)]],
                                  drows_v.at[pl.ds(LD, 104)], sem),
            pltpu.make_async_copy(w_hbm.at[didx_v.at[e0 + 1, pl.ds(104, 96)]],
                                  drows_v.at[pl.ds(LD + 104, 96)], sem),
        )

    def start(g, trows_v, drows_v, sem):
        for cp in pair_copies(g, trows_v, drows_v, sem):
            cp.start()

    def reduce_elem(e, trows_v, drows_v, tstart, dstart):
        tl = tlen_v[pl.ds(e, 16)][0]
        dl = dlen_v[pl.ds(e, 16)][0]

        tm0, tm1, tm2, tm3, ts0, ts1, ts2, ts3 = _seg_reduce4(trows_v, tstart, tl)
        dm0, dm1, dm2, dm3, ds0, ds1, ds2, ds3 = _seg_reduce4(drows_v, dstart, dl,
                                                              unroll=8)

        one = jnp.ones((16,), dtype=jnp.float32)
        t_inv = one / jnp.broadcast_to(jnp.maximum(tl, 1).astype(jnp.float32), (16,))
        d_inv = one / jnp.broadcast_to(jnp.maximum(dl, 1).astype(jnp.float32), (16,))
        t_ok = tl > 0
        d_ok = dl > 0
        zero = jnp.zeros((16,), dtype=jnp.float32)

        for c, (tm, dm, ts, ds) in enumerate(
            ((tm0, dm0, ts0, ds0), (tm1, dm1, ts1, ds1),
             (tm2, dm2, ts2, ds2), (tm3, dm3, ts3, ds3))):
            out_v[e, pl.ds(c * 16, 16)] = jnp.where(t_ok, tm, zero)
            out_v[e, pl.ds(D + c * 16, 16)] = jnp.where(d_ok, dm, zero)
            out_v[e, pl.ds(2 * D + c * 16, 16)] = ts * t_inv
            out_v[e, pl.ds(3 * D + c * 16, 16)] = ds * d_inv

    def finish(g, trows_v, drows_v, sem):
        for cp in pair_copies(g, trows_v, drows_v, sem):
            cp.wait()
        e0 = 2 * g
        reduce_elem(e0, trows_v, drows_v, 0, 0)
        reduce_elem(e0 + 1, trows_v, drows_v, LTP, LD)

    start(0, trows0, drows0, sem0)

    def body(h, _):
        p0 = 2 * h
        p1 = p0 + 1
        start(p1, trows1, drows1, sem1)
        finish(p0, trows0, drows0, sem0)

        @pl.when(p1 + 1 < NP)
        def _():
            start(p1 + 1, trows0, drows0, sem0)

        finish(p1, trows1, drows1, sem1)
        return 0

    lax.fori_loop(0, NP // 2, body, 0)
    pltpu.sync_copy(out_v, out_hbm.at[pl.ds(base, BPW)])


@jax.jit
def _swem_cat_sc(title24, desc, t_len, d_len, W):
    mesh = plsc.VectorSubcoreMesh(core_axis_name="c", subcore_axis_name="s")
    f = pl.kernel(
        _sc_body,
        out_type=jax.ShapeDtypeStruct((B, OUT_D), jnp.float32),
        mesh=mesh,
        compiler_params=pltpu.CompilerParams(use_tc_tiling_on_sc=False),
        scratch_types=[
            pltpu.VMEM((BPW * LTP,), jnp.int32),
            pltpu.VMEM((BPW, LD), jnp.int32),
            pltpu.VMEM((BPW + 16,), jnp.int32),
            pltpu.VMEM((BPW + 16,), jnp.int32),
            pltpu.VMEM((2 * LTP, D), jnp.float32),
            pltpu.VMEM((2 * LD, D), jnp.float32),
            pltpu.VMEM((2 * LTP, D), jnp.float32),
            pltpu.VMEM((2 * LD, D), jnp.float32),
            pltpu.VMEM((BPW, OUT_D), jnp.float32),
            pltpu.SemaphoreType.DMA,
            pltpu.SemaphoreType.DMA,
        ],
    )
    return f(title24, desc, t_len, d_len, W)


def kernel(title, desc, t_len, d_len, mode, W):
    pad = (jax.lax.broadcasted_iota(jnp.int32, (B, LTP - LT), 0) * 977
           + jax.lax.broadcasted_iota(jnp.int32, (B, LTP - LT), 1) * 131071) % V
    title24 = jnp.concatenate([title, pad], axis=1)
    return _swem_cat_sc(title24.reshape(-1), desc, t_len, d_len, W)

# --- scband reference (transcript-rebuilt; emitter-appended) ---
"""Pipeline reference for scband-swem-cat-11081015624207 (READ-ONLY COPY).

The authoritative reference and input builder live on the scoring server;
editing this copy changes nothing except your own understanding.
"""

import jax, jax.numpy as jnp
import numpy as np

B = 4096
LT = 20
LD = 200
V = 1000000
D = 64


def setup_inputs(seed: int = 0) -> dict:
    key = jax.random.key(seed)
    k1, k2, k3, k4, k5 = jax.random.split(key, 5)
    title = jax.random.randint(k1, (B, LT), 0, V, dtype=jnp.int32)
    desc = jax.random.randint(k2, (B, LD), 0, V, dtype=jnp.int32)
    t_len = jax.random.randint(k3, (B,), 0, LT, dtype=jnp.int32)
    d_len = jax.random.randint(k4, (B,), 0, LD, dtype=jnp.int32)
    W = jax.random.normal(k5, (V, D), dtype=jnp.float32)
    W = W.at[0].set(0.0)  # padding_idx=0
    return {"title": title, "desc": desc, "t_len": t_len, "d_len": d_len, "mode": 0, "W": W}


def _swem(vec, lens):
    # vec: [B, L, D], lens: [B]
    L = vec.shape[1]
    mask = jnp.arange(L)[None, :] < lens[:, None]  # [B, L]
    valid = (lens > 0)[:, None]  # [B, 1]
    mx = jnp.max(jnp.where(mask[..., None], vec, -1e30), axis=1)
    mx = jnp.where(valid, mx, 0.0)
    denom = jnp.maximum(lens, 1).astype(vec.dtype)[:, None]
    avg = jnp.sum(jnp.where(mask[..., None], vec, 0.0), axis=1) / denom
    avg = jnp.where(valid, avg, 0.0)
    return mx, avg


def reference(title, desc, t_len, d_len, mode, W):
    title_vec = jnp.take(W, title, axis=0)  # [B, LT, D]
    desc_vec = jnp.take(W, desc, axis=0)    # [B, LD, D]
    t_max, t_avg = _swem(title_vec, t_len)
    d_max, d_avg = _swem(desc_vec, d_len)
    output = jnp.concatenate([t_max, d_max, t_avg, d_avg], axis=1)  # [B, 4*D]
    return output

if __name__ == "__main__":
    import jax
    _d = setup_inputs()
    print(jax.jit(kernel)(*tuple(_d.values())))

</pallas_src>

<mosaic_0001>
#map = affine_map<(d0, d1) -> (0)>
#map1 = affine_map<(d0, d1) -> (0, 0)>
module attributes {stable_mosaic.version = 14 : i64} {
  func.func @_sc_body(%arg0: i32, %arg1: i32, %arg2: memref<98304xi32, #tpu.memory_space<hbm>>, %arg3: memref<4096x200xi32, #tpu.memory_space<hbm>>, %arg4: memref<4096xi32, #tpu.memory_space<hbm>>, %arg5: memref<4096xi32, #tpu.memory_space<hbm>>, %arg6: memref<1000000x64xf32, #tpu.memory_space<hbm>>, %arg7: memref<4096x256xf32, #tpu.memory_space<hbm>>, %arg8: memref<3072xi32, #tpu.memory_space<vmem>>, %arg9: memref<128x200xi32, #tpu.memory_space<vmem>>, %arg10: memref<144xi32, #tpu.memory_space<vmem>>, %arg11: memref<144xi32, #tpu.memory_space<vmem>>, %arg12: memref<48x64xf32, #tpu.memory_space<vmem>>, %arg13: memref<400x64xf32, #tpu.memory_space<vmem>>, %arg14: memref<48x64xf32, #tpu.memory_space<vmem>>, %arg15: memref<400x64xf32, #tpu.memory_space<vmem>>, %arg16: memref<128x256xf32, #tpu.memory_space<vmem>>, %arg17: memref<!tpu.dma_semaphore, #tpu.memory_space<semaphore_mem>>, %arg18: memref<!tpu.dma_semaphore, #tpu.memory_space<semaphore_mem>>) attributes {dimension_semantics = [#tpu.dimension_semantics<core_parallel>, #tpu.dimension_semantics<subcore_parallel>], iteration_bounds = array<i64: 2, 16>, scalar_prefetch = 0 : i64, scratch_operands = 11 : i64, tpu.core_type = #tpu.core_type<sc_vector_subcore>, window_params = [{transform_indices = #map}, {transform_indices = #map1}, {transform_indices = #map}, {transform_indices = #map}, {transform_indices = #map1}, {transform_indices = #map1}]} {
    %mul3A = arith.constant 2 : i32
    %mul3A_0 = arith.muli %arg1, %mul3A : i32
    %add3A = arith.addi %mul3A_0, %arg0 : i32
    %mul3A_1 = arith.constant 128 : i32
    %mul3A_2 = arith.muli %add3A, %mul3A_1 : i32
    %mul3A_3 = arith.constant 24 : i32
    %mul3A_4 = arith.muli %mul3A_2, %mul3A_3 : i32
    "tpu.region"() ({
      %run_scoped3A = tpu.sem_alloc : memref<!tpu.dma_semaphore, #tpu.memory_space<semaphore_mem>>
      %dma_start3A_55 = tpu.memref_slice %arg2[%mul3A_4] : memref<98304xi32, #tpu.memory_space<hbm>> -> memref<3072xi32, #tpu.memory_space<hbm>>
      %dma_start3A_56 = tpu.memref_slice %arg2[%mul3A_4] : memref<98304xi32, #tpu.memory_space<hbm>> -> memref<3072xi32, #tpu.memory_space<hbm>>
      tpu.enqueue_dma source(%dma_start3A_56 : memref<3072xi32, #tpu.memory_space<hbm>>) target(%arg8 : memref<3072xi32, #tpu.memory_space<vmem>>) target_semaphore(%run_scoped3A : memref<!tpu.dma_semaphore, #tpu.memory_space<semaphore_mem>>)
      %dma_wait3A = tpu.memref_slice %arg2[%mul3A_4] : memref<98304xi32, #tpu.memory_space<hbm>> -> memref<3072xi32, #tpu.memory_space<hbm>>
      %dma_wait3A_57 = tpu.memref_slice %arg2[%mul3A_4] : memref<98304xi32, #tpu.memory_space<hbm>> -> memref<3072xi32, #tpu.memory_space<hbm>>
      tpu.wait_dma2 semaphore(%run_scoped3A : memref<!tpu.dma_semaphore, #tpu.memory_space<semaphore_mem>>) src(%dma_wait3A_57 : memref<3072xi32, #tpu.memory_space<hbm>>) dst(%arg8 : memref<3072xi32, #tpu.memory_space<vmem>>)
      tpu.yield
    }) : () -> ()
    "tpu.region"() ({
      %run_scoped3A = tpu.sem_alloc : memref<!tpu.dma_semaphore, #tpu.memory_space<semaphore_mem>>
      %dma_start3A_55 = arith.constant 0 : i32
      %dma_start3A_56 = tpu.memref_slice %arg3[%mul3A_2, %dma_start3A_55] : memref<4096x200xi32, #tpu.memory_space<hbm>> -> memref<128x200xi32, #tpu.memory_space<hbm>>
      %dma_start3A_57 = arith.constant 0 : i32
      %dma_start3A_58 = tpu.memref_slice %arg3[%mul3A_2, %dma_start3A_57] : memref<4096x200xi32, #tpu.memory_space<hbm>> -> memref<128x200xi32, #tpu.memory_space<hbm>>
      tpu.enqueue_dma source(%dma_start3A_58 : memref<128x200xi32, #tpu.memory_space<hbm>>) target(%arg9 : memref<128x200xi32, #tpu.memory_space<vmem>>) target_semaphore(%run_scoped3A : memref<!tpu.dma_semaphore, #tpu.memory_space<semaphore_mem>>)
      %dma_wait3A = arith.constant 0 : i32
      %dma_wait3A_59 = tpu.memref_slice %arg3[%mul3A_2, %dma_wait3A] : memref<4096x200xi32, #tpu.memory_space<hbm>> -> memref<128x200xi32, #tpu.memory_space<hbm>>
      %dma_wait3A_60 = arith.constant 0 : i32
      %dma_wait3A_61 = tpu.memref_slice %arg3[%mul3A_2, %dma_wait3A_60] : memref<4096x200xi32, #tpu.memory_space<hbm>> -> memref<128x200xi32, #tpu.memory_space<hbm>>
      tpu.wait_dma2 semaphore(%run_scoped3A : memref<!tpu.dma_semaphore, #tpu.memory_space<semaphore_mem>>) src(%dma_wait3A_61 : memref<128x200xi32, #tpu.memory_space<hbm>>) dst(%arg9 : memref<128x200xi32, #tpu.memory_space<vmem>>)
      tpu.yield
    }) : () -> ()
    "tpu.region"() ({
      %run_scoped3A = tpu.sem_alloc : memref<!tpu.dma_semaphore, #tpu.memory_space<semaphore_mem>>
      %dma_start3A_55 = arith.constant 0 : i32
      %dma_start3A_56 = tpu.memref_slice %arg10[%dma_start3A_55] : memref<144xi32, #tpu.memory_space<vmem>> -> memref<128xi32, #tpu.memory_space<vmem>>
      %dma_start3A_57 = tpu.memref_slice %arg4[%mul3A_2] : memref<4096xi32, #tpu.memory_space<hbm>> -> memref<128xi32, #tpu.memory_space<hbm>>
      %dma_start3A_58 = arith.constant 0 : i32
      %dma_start3A_59 = tpu.memref_slice %arg10[%dma_start3A_58] : memref<144xi32, #tpu.memory_space<vmem>> -> memref<128xi32, #tpu.memory_space<vmem>>
      %dma_start3A_60 = tpu.memref_slice %arg4[%mul3A_2] : memref<4096xi32, #tpu.memory_space<hbm>> -> memref<128xi32, #tpu.memory_space<hbm>>
      tpu.enqueue_dma source(%dma_start3A_60 : memref<128xi32, #tpu.memory_space<hbm>>) target(%dma_start3A_59 : memref<128xi32, #tpu.memory_space<vmem>>) target_semaphore(%run_scoped3A : memref<!tpu.dma_semaphore, #tpu.memory_space<semaphore_mem>>)
      %dma_wait3A = arith.constant 0 : i32
      %dma_wait3A_61 = tpu.memref_slice %arg10[%dma_wait3A] : memref<144xi32, #tpu.memory_space<vmem>> -> memref<128xi32, #tpu.memory_space<vmem>>
      %dma_wait3A_62 = tpu.memref_slice %arg4[%mul3A_2] : memref<4096xi32, #tpu.memory_space<hbm>> -> memref<128xi32, #tpu.memory_space<hbm>>
      %dma_wait3A_63 = arith.constant 0 : i32
      %dma_wait3A_64 = tpu.memref_slice %arg10[%dma_wait3A_63] : memref<144xi32, #tpu.memory_space<vmem>> -> memref<128xi32, #tpu.memory_space<vmem>>
      %dma_wait3A_65 = tpu.memref_slice %arg4[%mul3A_2] : memref<4096xi32, #tpu.memory_space<hbm>> -> memref<128xi32, #tpu.memory_space<hbm>>
      tpu.wait_dma2 semaphore(%run_scoped3A : memref<!tpu.dma_semaphore, #tpu.memory_space<semaphore_mem>>) src(%dma_wait3A_65 : memref<128xi32, #tpu.memory_space<hbm>>) dst(%dma_wait3A_64 : memref<128xi32, #tpu.memory_space<vmem>>)
      tpu.yield
    }) : () -> ()
    "tpu.region"() ({
      %run_scoped3A = tpu.sem_alloc : memref<!tpu.dma_semaphore, #tpu.memory_space<semaphore_mem>>
      %dma_start3A_55 = arith.constant 0 : i32
      %dma_start3A_56 = tpu.memref_slice %arg11[%dma_start3A_55] : memref<144xi32, #tpu.memory_space<vmem>> -> memref<128xi32, #tpu.memory_space<vmem>>
      %dma_start3A_57 = tpu.memref_slice %arg5[%mul3A_2] : memref<4096xi32, #tpu.memory_space<hbm>> -> memref<128xi32, #tpu.memory_space<hbm>>
      %dma_start3A_58 = arith.constant 0 : i32
      %dma_start3A_59 = tpu.memref_slice %arg11[%dma_start3A_58] : memref<144xi32, #tpu.memory_space<vmem>> -> memref<128xi32, #tpu.memory_space<vmem>>
      %dma_start3A_60 = tpu.memref_slice %arg5[%mul3A_2] : memref<4096xi32, #tpu.memory_space<hbm>> -> memref<128xi32, #tpu.memory_space<hbm>>
      tpu.enqueue_dma source(%dma_start3A_60 : memref<128xi32, #tpu.memory_space<hbm>>) target(%dma_start3A_59 : memref<128xi32, #tpu.memory_space<vmem>>) target_semaphore(%run_scoped3A : memref<!tpu.dma_semaphore, #tpu.memory_space<semaphore_mem>>)
      %dma_wait3A = arith.constant 0 : i32
      %dma_wait3A_61 = tpu.memref_slice %arg11[%dma_wait3A] : memref<144xi32, #tpu.memory_space<vmem>> -> memref<128xi32, #tpu.memory_space<vmem>>
      %dma_wait3A_62 = tpu.memref_slice %arg5[%mul3A_2] : memref<4096xi32, #tpu.memory_space<hbm>> -> memref<128xi32, #tpu.memory_space<hbm>>
      %dma_wait3A_63 = arith.constant 0 : i32
      %dma_wait3A_64 = tpu.memref_slice %arg11[%dma_wait3A_63] : memref<144xi32, #tpu.memory_space<vmem>> -> memref<128xi32, #tpu.memory_space<vmem>>
      %dma_wait3A_65 = tpu.memref_slice %arg5[%mul3A_2] : memref<4096xi32, #tpu.memory_space<hbm>> -> memref<128xi32, #tpu.memory_space<hbm>>
      tpu.wait_dma2 semaphore(%run_scoped3A : memref<!tpu.dma_semaphore, #tpu.memory_space<semaphore_mem>>) src(%dma_wait3A_65 : memref<128xi32, #tpu.memory_space<hbm>>) dst(%dma_wait3A_64 : memref<128xi32, #tpu.memory_space<vmem>>)
      tpu.yield
    }) : () -> ()
    %multiple_of3A = arith.constant 0 : i32
    %multiple_of3A_5 = tpu.assume_multiple %multiple_of3A, 8 : i32
    %dma_start3A = tpu.memref_slice %arg8[%multiple_of3A_5] : memref<3072xi32, #tpu.memory_space<vmem>> -> memref<48xi32, #tpu.memory_space<vmem>>
    %dma_start3A_6 = arith.constant 0 : i32
    %dma_start3A_7 = arith.constant 0 : i32
    %dma_start3A_8 = tpu.memref_slice %arg6[%dma_start3A_6, %dma_start3A_7] : memref<1000000x64xf32, #tpu.memory_space<hbm>> -> memref<1000000x64xf32, #tpu.memory_space<hbm>>
    tpu.enqueue_indirect_dma source(%dma_start3A_8 : memref<1000000x64xf32, #tpu.memory_space<hbm>>) target(%arg12 : memref<48x64xf32, #tpu.memory_space<vmem>>) offsets(%dma_start3A : memref<48xi32, #tpu.memory_space<vmem>>) semaphore(%arg17 : memref<!tpu.dma_semaphore, #tpu.memory_space<semaphore_mem>>)
    %dma_start3A_9 = arith.constant 0 : i32
    %dma_start3A_10 = arith.constant 0 : i32
    %dma_start3A_11 = arith.constant 0 : i32
    %dma_start3A_12 = tpu.memref_slice %arg13[%dma_start3A_10, %dma_start3A_11] : memref<400x64xf32, #tpu.memory_space<vmem>> -> memref<104x64xf32, #tpu.memory_space<vmem>>
    %dma_start3A_13 = arith.constant 0 : i32
    %dma_start3A_14 = tpu.memref_slice %arg9[%dma_start3A_9, %dma_start3A_13] : memref<128x200xi32, #tpu.memory_space<vmem>> -> memref<1x104xi32, #tpu.memory_space<vmem>>
    %dma_start3A_15 = tpu.memref_squeeze %dma_start3A_14 : memref<1x104xi32, #tpu.memory_space<vmem>> -> memref<104xi32, #tpu.memory_space<vmem>>
    %dma_start3A_16 = arith.constant 0 : i32
    %dma_start3A_17 = arith.constant 0 : i32
    %dma_start3A_18 = tpu.memref_slice %arg6[%dma_start3A_16, %dma_start3A_17] : memref<1000000x64xf32, #tpu.memory_space<hbm>> -> memref<1000000x64xf32, #tpu.memory_space<hbm>>
    tpu.enqueue_indirect_dma source(%dma_start3A_18 : memref<1000000x64xf32, #tpu.memory_space<hbm>>) target(%dma_start3A_12 : memref<104x64xf32, #tpu.memory_space<vmem>>) offsets(%dma_start3A_15 : memref<104xi32, #tpu.memory_space<vmem>>) semaphore(%arg17 : memref<!tpu.dma_semaphore, #tpu.memory_space<semaphore_mem>>)
    %dma_start3A_19 = arith.constant 0 : i32
    %dma_start3A_20 = arith.constant 104 : i32
    %dma_start3A_21 = arith.constant 0 : i32
    %dma_start3A_22 = tpu.memref_slice %arg13[%dma_start3A_20, %dma_start3A_21] : memref<400x64xf32, #tpu.memory_space<vmem>> -> memref<96x64xf32, #tpu.memory_space<vmem>>
    %dma_start3A_23 = arith.constant 104 : i32
    %dma_start3A_24 = tpu.memref_slice %arg9[%dma_start3A_19, %dma_start3A_23] : memref<128x200xi32, #tpu.memory_space<vmem>> -> memref<1x96xi32, #tpu.memory_space<vmem>>
    %dma_start3A_25 = tpu.memref_squeeze %dma_start3A_24 : memref<1x96xi32, #tpu.memory_space<vmem>> -> memref<96xi32, #tpu.memory_space<vmem>>
    %dma_start3A_26 = arith.constant 0 : i32
    %dma_start3A_27 = arith.constant 0 : i32
    %dma_start3A_28 = tpu.memref_slice %arg6[%dma_start3A_26, %dma_start3A_27] : memref<1000000x64xf32, #tpu.memory_space<hbm>> -> memref<1000000x64xf32, #tpu.memory_space<hbm>>
    tpu.enqueue_indirect_dma source(%dma_start3A_28 : memref<1000000x64xf32, #tpu.memory_space<hbm>>) target(%dma_start3A_22 : memref<96x64xf32, #tpu.memory_space<vmem>>) offsets(%dma_start3A_25 : memref<96xi32, #tpu.memory_space<vmem>>) semaphore(%arg17 : memref<!tpu.dma_semaphore, #tpu.memory_space<semaphore_mem>>)
    %dma_start3A_29 = arith.constant 1 : i32
    %dma_start3A_30 = arith.constant 200 : i32
    %dma_start3A_31 = arith.constant 0 : i32
    %dma_start3A_32 = tpu.memref_slice %arg13[%dma_start3A_30, %dma_start3A_31] : memref<400x64xf32, #tpu.memory_space<vmem>> -> memref<104x64xf32, #tpu.memory_space<vmem>>
    %dma_start3A_33 = arith.constant 0 : i32
    %dma_start3A_34 = tpu.memref_slice %arg9[%dma_start3A_29, %dma_start3A_33] : memref<128x200xi32, #tpu.memory_space<vmem>> -> memref<1x104xi32, #tpu.memory_space<vmem>>
    %dma_start3A_35 = tpu.memref_squeeze %dma_start3A_34 : memref<1x104xi32, #tpu.memory_space<vmem>> -> memref<104xi32, #tpu.memory_space<vmem>>
    %dma_start3A_36 = arith.constant 0 : i32
    %dma_start3A_37 = arith.constant 0 : i32
    %dma_start3A_38 = tpu.memref_slice %arg6[%dma_start3A_36, %dma_start3A_37] : memref<1000000x64xf32, #tpu.memory_space<hbm>> -> memref<1000000x64xf32, #tpu.memory_space<hbm>>
    tpu.enqueue_indirect_dma source(%dma_start3A_38 : memref<1000000x64xf32, #tpu.memory_space<hbm>>) target(%dma_start3A_32 : memref<104x64xf32, #tpu.memory_space<vmem>>) offsets(%dma_start3A_35 : memref<104xi32, #tpu.memory_space<vmem>>) semaphore(%arg17 : memref<!tpu.dma_semaphore, #tpu.memory_space<semaphore_mem>>)
    %dma_start3A_39 = arith.constant 1 : i32
    %dma_start3A_40 = arith.constant 304 : i32
    %dma_start3A_41 = arith.constant 0 : i32
    %dma_start3A_42 = tpu.memref_slice %arg13[%dma_start3A_40, %dma_start3A_41] : memref<400x64xf32, #tpu.memory_space<vmem>> -> memref<96x64xf32, #tpu.memory_space<vmem>>
    %dma_start3A_43 = arith.constant 104 : i32
    %dma_start3A_44 = tpu.memref_slice %arg9[%dma_start3A_39, %dma_start3A_43] : memref<128x200xi32, #tpu.memory_space<vmem>> -> memref<1x96xi32, #tpu.memory_space<vmem>>
    %dma_start3A_45 = tpu.memref_squeeze %dma_start3A_44 : memref<1x96xi32, #tpu.memory_space<vmem>> -> memref<96xi32, #tpu.memory_space<vmem>>
    %dma_start3A_46 = arith.constant 0 : i32
    %dma_start3A_47 = arith.constant 0 : i32
    %dma_start3A_48 = tpu.memref_slice %arg6[%dma_start3A_46, %dma_start3A_47] : memref<1000000x64xf32, #tpu.memory_space<hbm>> -> memref<1000000x64xf32, #tpu.memory_space<hbm>>
    tpu.enqueue_indirect_dma source(%dma_start3A_48 : memref<1000000x64xf32, #tpu.memory_space<hbm>>) target(%dma_start3A_42 : memref<96x64xf32, #tpu.memory_space<vmem>>) offsets(%dma_start3A_45 : memref<96xi32, #tpu.memory_space<vmem>>) semaphore(%arg17 : memref<!tpu.dma_semaphore, #tpu.memory_space<semaphore_mem>>)
    %scan3A = arith.constant 0 : i32
    %scan3A_49 = arith.constant 0 : i32
    %scan3A_50 = arith.constant 32 : i32
    %scan3A_51 = arith.addi %scan3A_49, %scan3A_50 : i32
    %scan3A_52 = arith.constant 1 : i32
    %scan3A_53 = scf.for %scan3A_55 = %scan3A_49 to %scan3A_51 step %scan3A_52 iter_args(%scan3A_56 = %scan3A) -> (i32)  : i32 {
      %mul3A_57 = arith.constant 2 : i32
      %mul3A_58 = arith.muli %mul3A_57, %scan3A_55 : i32
      %add3A_59 = arith.constant 1 : i32
      %add3A_60 = arith.addi %mul3A_58, %add3A_59 : i32
      %mul3A_61 = arith.constant 2 : i32
      %mul3A_62 = arith.muli %mul3A_61, %add3A_60 : i32
      %mul3A_63 = arith.constant 24 : i32
      %mul3A_64 = arith.muli %mul3A_62, %mul3A_63 : i32
      %multiple_of3A_65 = tpu.assume_multiple %mul3A_64, 8 : i32
      %add3A_66 = arith.constant 1 : i32
      %add3A_67 = arith.addi %mul3A_62, %add3A_66 : i32
      %add3A_68 = arith.constant 1 : i32
      %add3A_69 = arith.addi %mul3A_62, %add3A_68 : i32
      %dma_start3A_70 = tpu.memref_slice %arg8[%multiple_of3A_65] : memref<3072xi32, #tpu.memory_space<vmem>> -> memref<48xi32, #tpu.memory_space<vmem>>
      %dma_start3A_71 = arith.constant 0 : i32
      %dma_start3A_72 = arith.constant 0 : i32
      %dma_start3A_73 = tpu.memref_slice %arg6[%dma_start3A_71, %dma_start3A_72] : memref<1000000x64xf32, #tpu.memory_space<hbm>> -> memref<1000000x64xf32, #tpu.memory_space<hbm>>
      tpu.enqueue_indirect_dma source(%dma_start3A_73 : memref<1000000x64xf32, #tpu.memory_space<hbm>>) target(%arg14 : memref<48x64xf32, #tpu.memory_space<vmem>>) offsets(%dma_start3A_70 : memref<48xi32, #tpu.memory_space<vmem>>) semaphore(%arg18 : memref<!tpu.dma_semaphore, #tpu.memory_space<semaphore_mem>>)
      %dma_start3A_74 = arith.constant 0 : i32
      %dma_start3A_75 = arith.constant 0 : i32
      %dma_start3A_76 = tpu.memref_slice %arg15[%dma_start3A_74, %dma_start3A_75] : memref<400x64xf32, #tpu.memory_space<vmem>> -> memref<104x64xf32, #tpu.memory_space<vmem>>
      %dma_start3A_77 = arith.constant 0 : i32
      %dma_start3A_78 = tpu.memref_slice %arg9[%mul3A_62, %dma_start3A_77] : memref<128x200xi32, #tpu.memory_space<vmem>> -> memref<1x104xi32, #tpu.memory_space<vmem>>
      %dma_start3A_79 = tpu.memref_squeeze %dma_start3A_78 : memref<1x104xi32, #tpu.memory_space<vmem>> -> memref<104xi32, #tpu.memory_space<vmem>>
      %dma_start3A_80 = arith.constant 0 : i32
      %dma_start3A_81 = arith.constant 0 : i32
      %dma_start3A_82 = tpu.memref_slice %arg6[%dma_start3A_80, %dma_start3A_81] : memref<1000000x64xf32, #tpu.memory_space<hbm>> -> memref<1000000x64xf32, #tpu.memory_space<hbm>>
      tpu.enqueue_indirect_dma source(%dma_start3A_82 : memref<1000000x64xf32, #tpu.memory_space<hbm>>) target(%dma_start3A_76 : memref<104x64xf32, #tpu.memory_space<vmem>>) offsets(%dma_start3A_79 : memref<104xi32, #tpu.memory_space<vmem>>) semaphore(%arg18 : memref<!tpu.dma_semaphore, #tpu.memory_space<semaphore_mem>>)
      %dma_start3A_83 = arith.constant 104 : i32
      %dma_start3A_84 = arith.constant 0 : i32
      %dma_start3A_85 = tpu.memref_slice %arg15[%dma_start3A_83, %dma_start3A_84] : memref<400x64xf32, #tpu.memory_space<vmem>> -> memref<96x64xf32, #tpu.memory_space<vmem>>
      %dma_start3A_86 = arith.constant 104 : i32
      %dma_start3A_87 = tpu.memref_slice %arg9[%mul3A_62, %dma_start3A_86] : memref<128x200xi32, #tpu.memory_space<vmem>> -> memref<1x96xi32, #tpu.memory_space<vmem>>
      %dma_start3A_88 = tpu.memref_squeeze %dma_start3A_87 : memref<1x96xi32, #tpu.memory_space<vmem>> -> memref<96xi32, #tpu.memory_space<vmem>>
      %dma_start3A_89 = arith.constant 0 : i32
      %dma_start3A_90 = arith.constant 0 : i32
      %dma_start3A_91 = tpu.memref_slice %arg6[%dma_start3A_89, %dma_start3A_90] : memref<1000000x64xf32, #tpu.memory_space<hbm>> -> memref<1000000x64xf32, #tpu.memory_space<hbm>>
      tpu.enqueue_indirect_dma source(%dma_start3A_91 : memref<1000000x64xf32, #tpu.memory_space<hbm>>) target(%dma_start3A_85 : memref<96x64xf32, #tpu.memory_space<vmem>>) offsets(%dma_start3A_88 : memref<96xi32, #tpu.memory_space<vmem>>) semaphore(%arg18 : memref<!tpu.dma_semaphore, #tpu.memory_space<semaphore_mem>>)
      %dma_start3A_92 = arith.constant 200 : i32
      %dma_start3A_93 = arith.constant 0 : i32
      %dma_start3A_94 = tpu.memref_slice %arg15[%dma_start3A_92, %dma_start3A_93] : memref<400x64xf32, #tpu.memory_space<vmem>> -> memref<104x64xf32, #tpu.memory_space<vmem>>
      %dma_start3A_95 = arith.constant 0 : i32
      %dma_start3A_96 = tpu.memref_slice %arg9[%add3A_67, %dma_start3A_95] : memref<128x200xi32, #tpu.memory_space<vmem>> -> memref<1x104xi32, #tpu.memory_space<vmem>>
      %dma_start3A_97 = tpu.memref_squeeze %dma_start3A_96 : memref<1x104xi32, #tpu.memory_space<vmem>> -> memref<104xi32, #tpu.memory_space<vmem>>
      %dma_start3A_98 = arith.constant 0 : i32
      %dma_start3A_99 = arith.constant 0 : i32
      %dma_start3A_100 = tpu.memref_slice %arg6[%dma_start3A_98, %dma_start3A_99] : memref<1000000x64xf32, #tpu.memory_space<hbm>> -> memref<1000000x64xf32, #tpu.memory_space<hbm>>
      tpu.enqueue_indirect_dma source(%dma_start3A_100 : memref<1000000x64xf32, #tpu.memory_space<hbm>>) target(%dma_start3A_94 : memref<104x64xf32, #tpu.memory_space<vmem>>) offsets(%dma_start3A_97 : memref<104xi32, #tpu.memory_space<vmem>>) semaphore(%arg18 : memref<!tpu.dma_semaphore, #tpu.memory_space<semaphore_mem>>)
      %dma_start3A_101 = arith.constant 304 : i32
      %dma_start3A_102 = arith.constant 0 : i32
      %dma_start3A_103 = tpu.memref_slice %arg15[%dma_start3A_101, %dma_start3A_102] : memref<400x64xf32, #tpu.memory_space<vmem>> -> memref<96x64xf32, #tpu.memory_space<vmem>>
      %dma_start3A_104 = arith.constant 104 : i32
      %dma_start3A_105 = tpu.memref_slice %arg9[%add3A_69, %dma_start3A_104] : memref<128x200xi32, #tpu.memory_space<vmem>> -> memref<1x96xi32, #tpu.memory_space<vmem>>
      %dma_start3A_106 = tpu.memref_squeeze %dma_start3A_105 : memref<1x96xi32, #tpu.memory_space<vmem>> -> memref<96xi32, #tpu.memory_space<vmem>>
      %dma_start3A_107 = arith.constant 0 : i32
      %dma_start3A_108 = arith.constant 0 : i32
      %dma_start3A_109 = tpu.memref_slice %arg6[%dma_start3A_107, %dma_start3A_108] : memref<1000000x64xf32, #tpu.memory_space<hbm>> -> memref<1000000x64xf32, #tpu.memory_space<hbm>>
      tpu.enqueue_indirect_dma source(%dma_start3A_109 : memref<1000000x64xf32, #tpu.memory_space<hbm>>) target(%dma_start3A_103 : memref<96x64xf32, #tpu.memory_space<vmem>>) offsets(%dma_start3A_106 : memref<96xi32, #tpu.memory_space<vmem>>) semaphore(%arg18 : memref<!tpu.dma_semaphore, #tpu.memory_space<semaphore_mem>>)
      %mul3A_110 = arith.constant 2 : i32
      %mul3A_111 = arith.muli %mul3A_110, %mul3A_58 : i32
      %mul3A_112 = arith.constant 24 : i32
      %mul3A_113 = arith.muli %mul3A_111, %mul3A_112 : i32
      %multiple_of3A_114 = tpu.assume_multiple %mul3A_113, 8 : i32
      %add3A_115 = arith.constant 1 : i32
      %add3A_116 = arith.addi %mul3A_111, %add3A_115 : i32
      %add3A_117 = arith.constant 1 : i32
      %add3A_118 = arith.addi %mul3A_111, %add3A_117 : i32
      %dma_wait3A = tpu.memref_slice %arg8[%multiple_of3A_114] : memref<3072xi32, #tpu.memory_space<vmem>> -> memref<48xi32, #tpu.memory_space<vmem>>
      %dma_wait3A_119 = arith.constant 0 : i32
      %dma_wait3A_120 = arith.constant 0 : i32
      %dma_wait3A_121 = tpu.memref_slice %arg6[%dma_wait3A_119, %dma_wait3A_120] : memref<1000000x64xf32, #tpu.memory_space<hbm>> -> memref<1000000x64xf32, #tpu.memory_space<hbm>>
      tpu.wait_indirect_dma semaphore(%arg17 : memref<!tpu.dma_semaphore, #tpu.memory_space<semaphore_mem>>) src(%dma_wait3A_121 : memref<1000000x64xf32, #tpu.memory_space<hbm>>) dst(%arg12 : memref<48x64xf32, #tpu.memory_space<vmem>>)
      %dma_wait3A_122 = arith.constant 0 : i32
      %dma_wait3A_123 = arith.constant 0 : i32
      %dma_wait3A_124 = tpu.memref_slice %arg13[%dma_wait3A_122, %dma_wait3A_123] : memref<400x64xf32, #tpu.memory_space<vmem>> -> memref<104x64xf32, #tpu.memory_space<vmem>>
      %dma_wait3A_125 = arith.constant 0 : i32
      %dma_wait3A_126 = tpu.memref_slice %arg9[%mul3A_111, %dma_wait3A_125] : memref<128x200xi32, #tpu.memory_space<vmem>> -> memref<1x104xi32, #tpu.memory_space<vmem>>
      %dma_wait3A_127 = tpu.memref_squeeze %dma_wait3A_126 : memref<1x104xi32, #tpu.memory_space<vmem>> -> memref<104xi32, #tpu.memory_space<vmem>>
      %dma_wait3A_128 = arith.constant 0 : i32
      %dma_wait3A_129 = arith.constant 0 : i32
      %dma_wait3A_130 = tpu.memref_slice %arg6[%dma_wait3A_128, %dma_wait3A_129] : memref<1000000x64xf32, #tpu.memory_space<hbm>> -> memref<1000000x64xf32, #tpu.memory_space<hbm>>
      tpu.wait_indirect_dma semaphore(%arg17 : memref<!tpu.dma_semaphore, #tpu.memory_space<semaphore_mem>>) src(%dma_wait3A_130 : memref<1000000x64xf32, #tpu.memory_space<hbm>>) dst(%dma_wait3A_124 : memref<104x64xf32, #tpu.memory_space<vmem>>)
      %dma_wait3A_131 = arith.constant 104 : i32
      %dma_wait3A_132 = arith.constant 0 : i32
      %dma_wait3A_133 = tpu.memref_slice %arg13[%dma_wait3A_131, %dma_wait3A_132] : memref<400x64xf32, #tpu.memory_space<vmem>> -> memref<96x64xf32, #tpu.memory_space<vmem>>
      %dma_wait3A_134 = arith.constant 104 : i32
      %dma_wait3A_135 = tpu.memref_slice %arg9[%mul3A_111, %dma_wait3A_134] : memref<128x200xi32, #tpu.memory_space<vmem>> -> memref<1x96xi32, #tpu.memory_space<vmem>>
      %dma_wait3A_136 = tpu.memref_squeeze %dma_wait3A_135 : memref<1x96xi32, #tpu.memory_space<vmem>> -> memref<96xi32, #tpu.memory_space<vmem>>
      %dma_wait3A_137 = arith.constant 0 : i32
      %dma_wait3A_138 = arith.constant 0 : i32
      %dma_wait3A_139 = tpu.memref_slice %arg6[%dma_wait3A_137, %dma_wait3A_138] : memref<1000000x64xf32, #tpu.memory_space<hbm>> -> memref<1000000x64xf32, #tpu.memory_space<hbm>>
      tpu.wait_indirect_dma semaphore(%arg17 : memref<!tpu.dma_semaphore, #tpu.memory_space<semaphore_mem>>) src(%dma_wait3A_139 : memref<1000000x64xf32, #tpu.memory_space<hbm>>) dst(%dma_wait3A_133 : memref<96x64xf32, #tpu.memory_space<vmem>>)
      %dma_wait3A_140 = arith.constant 200 : i32
      %dma_wait3A_141 = arith.constant 0 : i32
      %dma_wait3A_142 = tpu.memref_slice %arg13[%dma_wait3A_140, %dma_wait3A_141] : memref<400x64xf32, #tpu.memory_space<vmem>> -> memref<104x64xf32, #tpu.memory_space<vmem>>
      %dma_wait3A_143 = arith.constant 0 : i32
      %dma_wait3A_144 = tpu.memref_slice %arg9[%add3A_116, %dma_wait3A_143] : memref<128x200xi32, #tpu.memory_space<vmem>> -> memref<1x104xi32, #tpu.memory_space<vmem>>
      %dma_wait3A_145 = tpu.memref_squeeze %dma_wait3A_144 : memref<1x104xi32, #tpu.memory_space<vmem>> -> memref<104xi32, #tpu.memory_space<vmem>>
      %dma_wait3A_146 = arith.constant 0 : i32
      %dma_wait3A_147 = arith.constant 0 : i32
      %dma_wait3A_148 = tpu.memref_slice %arg6[%dma_wait3A_146, %dma_wait3A_147] : memref<1000000x64xf32, #tpu.memory_space<hbm>> -> memref<1000000x64xf32, #tpu.memory_space<hbm>>
      tpu.wait_indirect_dma semaphore(%arg17 : memref<!tpu.dma_semaphore, #tpu.memory_space<semaphore_mem>>) src(%dma_wait3A_148 : memref<1000000x64xf32, #tpu.memory_space<hbm>>) dst(%dma_wait3A_142 : memref<104x64xf32, #tpu.memory_space<vmem>>)
      %dma_wait3A_149 = arith.constant 304 : i32
      %dma_wait3A_150 = arith.constant 0 : i32
      %dma_wait3A_151 = tpu.memref_slice %arg13[%dma_wait3A_149, %dma_wait3A_150] : memref<400x64xf32, #tpu.memory_space<vmem>> -> memref<96x64xf32, #tpu.memory_space<vmem>>
      %dma_wait3A_152 = arith.constant 104 : i32
      %dma_wait3A_153 = tpu.memref_slice %arg9[%add3A_118, %dma_wait3A_152] : memref<128x200xi32, #tpu.memory_space<vmem>> -> memref<1x96xi32, #tpu.memory_space<vmem>>
      %dma_wait3A_154 = tpu.memref_squeeze %dma_wait3A_153 : memref<1x96xi32, #tpu.memory_space<vmem>> -> memref<96xi32, #tpu.memory_space<vmem>>
      %dma_wait3A_155 = arith.constant 0 : i32
      %dma_wait3A_156 = arith.constant 0 : i32
      %dma_wait3A_157 = tpu.memref_slice %arg6[%dma_wait3A_155, %dma_wait3A_156] : memref<1000000x64xf32, #tpu.memory_space<hbm>> -> memref<1000000x64xf32, #tpu.memory_space<hbm>>
      tpu.wait_indirect_dma semaphore(%arg17 : memref<!tpu.dma_semaphore, #tpu.memory_space<semaphore_mem>>) src(%dma_wait3A_157 : memref<1000000x64xf32, #tpu.memory_space<hbm>>) dst(%dma_wait3A_151 : memref<96x64xf32, #tpu.memory_space<vmem>>)
      %mul3A_158 = arith.constant 2 : i32
      %mul3A_159 = arith.muli %mul3A_158, %mul3A_58 : i32
      %get3A = arith.index_cast %mul3A_159 : i32 to index
      %get3A_160 = tpu.vector_load %arg10[%get3A] {strides = array<i32>} : memref<144xi32, #tpu.memory_space<vmem>>, vector<16xi32>,
      %get3A_161 = vector.shape_cast %get3A_160 : vector<16xi32> to vector<16xi32>
      %slice3A = vector.extract_strided_slice %get3A_161 {offsets = [0], sizes = [1], strides = [1]} : vector<16xi32> to vector<1xi32>
      %squeeze3A = vector.extract %slice3A[0] : i32 from vector<1xi32>
      %get3A_162 = arith.index_cast %mul3A_159 : i32 to index
      %get3A_163 = tpu.vector_load %arg11[%get3A_162] {strides = array<i32>} : memref<144xi32, #tpu.memory_space<vmem>>, vector<16xi32>,
      %get3A_164 = vector.shape_cast %get3A_163 : vector<16xi32> to vector<16xi32>
      %slice3A_165 = vector.extract_strided_slice %get3A_164 {offsets = [0], sizes = [1], strides = [1]} : vector<16xi32> to vector<1xi32>
      %squeeze3A_166 = vector.extract %slice3A_165[0] : i32 from vector<1xi32>
      %div3A = arith.constant 4 : i32
      %div3A_167 = arith.divsi %squeeze3A, %div3A : i32
      %broadcast_in_dim3A = arith.constant -1.000000e+30 : f32
      %broadcast_in_dim3A_168 = vector.broadcast %broadcast_in_dim3A : f32 to vector<16xf32>
      %broadcast_in_dim3A_169 = arith.constant 0.000000e+00 : f32
      %broadcast_in_dim3A_170 = vector.broadcast %broadcast_in_dim3A_169 : f32 to vector<16xf32>
      %while3A = arith.constant 0 : i32
      %while3A_171 = arith.subi %div3A_167, %while3A : i32
      %while3A_172 = arith.addi %while3A, %while3A_171 : i32
      %while3A_173 = arith.constant 1 : i32
      %while3A_174 = arith.divsi %while3A_171, %while3A_173 : i32
      %while3A_175 = arith.muli %while3A_174, %while3A_173 : i32
      %while3A_176 = arith.addi %while3A, %while3A_175 : i32
      %while3A_177 = arith.constant 1 : i32
      %while3A_178:8 = scf.for %while3A_938 = %while3A to %while3A_176 step %while3A_177 iter_args(%while3A_939 = %broadcast_in_dim3A_168, %while3A_940 = %broadcast_in_dim3A_168, %while3A_941 = %broadcast_in_dim3A_168, %while3A_942 = %broadcast_in_dim3A_168, %while3A_943 = %broadcast_in_dim3A_170, %while3A_944 = %broadcast_in_dim3A_170, %while3A_945 = %broadcast_in_dim3A_170, %while3A_946 = %broadcast_in_dim3A_170) -> (vector<16xf32>, vector<16xf32>, vector<16xf32>, vector<16xf32>, vector<16xf32>, vector<16xf32>, vector<16xf32>, vector<16xf32>)  : i32 {
        %mul3A_947 = arith.constant 4 : i32
        %mul3A_948 = arith.muli %mul3A_947, %while3A_938 : i32
        %add3A_949 = arith.constant 0 : i32
        %add3A_950 = arith.addi %add3A_949, %mul3A_948 : i32
        %add3A_951 = arith.constant 0 : i32
        %add3A_952 = arith.addi %add3A_950, %add3A_951 : i32
        %get3A_953 = arith.index_cast %add3A_952 : i32 to index
        %get3A_954 = arith.constant 0 : index
        %get3A_955 = tpu.vector_load %arg12[%get3A_953, %get3A_954] {strides = array<i32>} : memref<48x64xf32, #tpu.memory_space<vmem>>, vector<1x16xf32>,
        %get3A_956 = vector.shape_cast %get3A_955 : vector<1x16xf32> to vector<16xf32>
        %get3A_957 = arith.index_cast %add3A_952 : i32 to index
        %get3A_958 = arith.constant 16 : index
        %get3A_959 = tpu.vector_load %arg12[%get3A_957, %get3A_958] {strides = array<i32>} : memref<48x64xf32, #tpu.memory_space<vmem>>, vector<1x16xf32>,
        %get3A_960 = vector.shape_cast %get3A_959 : vector<1x16xf32> to vector<16xf32>
        %get3A_961 = arith.index_cast %add3A_952 : i32 to index
        %get3A_962 = arith.constant 32 : index
        %get3A_963 = tpu.vector_load %arg12[%get3A_961, %get3A_962] {strides = array<i32>} : memref<48x64xf32, #tpu.memory_space<vmem>>, vector<1x16xf32>,
        %get3A_964 = vector.shape_cast %get3A_963 : vector<1x16xf32> to vector<16xf32>
        %get3A_965 = arith.index_cast %add3A_952 : i32 to index
        %get3A_966 = arith.constant 48 : index
        %get3A_967 = tpu.vector_load %arg12[%get3A_965, %get3A_966] {strides = array<i32>} : memref<48x64xf32, #tpu.memory_space<vmem>>, vector<1x16xf32>,
        %get3A_968 = vector.shape_cast %get3A_967 : vector<1x16xf32> to vector<16xf32>
        %max3A_969 = arith.maximumf %while3A_939, %get3A_956 : vector<16xf32>
        %max3A_970 = arith.maximumf %while3A_940, %get3A_960 : vector<16xf32>
        %max3A_971 = arith.maximumf %while3A_941, %get3A_964 : vector<16xf32>
        %max3A_972 = arith.maximumf %while3A_942, %get3A_968 : vector<16xf32>
        %add3A_973 = arith.addf %while3A_943, %get3A_956 : vector<16xf32>
        %add3A_974 = arith.addf %while3A_944, %get3A_960 : vector<16xf32>
        %add3A_975 = arith.addf %while3A_945, %get3A_964 : vector<16xf32>
        %add3A_976 = arith.addf %while3A_946, %get3A_968 : vector<16xf32>
        %add3A_977 = arith.constant 1 : i32
        %add3A_978 = arith.addi %add3A_950, %add3A_977 : i32
        %get3A_979 = arith.index_cast %add3A_978 : i32 to index
        %get3A_980 = arith.constant 0 : index
        %get3A_981 = tpu.vector_load %arg12[%get3A_979, %get3A_980] {strides = array<i32>} : memref<48x64xf32, #tpu.memory_space<vmem>>, vector<1x16xf32>,
        %get3A_982 = vector.shape_cast %get3A_981 : vector<1x16xf32> to vector<16xf32>
        %get3A_983 = arith.index_cast %add3A_978 : i32 to index
        %get3A_984 = arith.constant 16 : index
        %get3A_985 = tpu.vector_load %arg12[%get3A_983, %get3A_984] {strides = array<i32>} : memref<48x64xf32, #tpu.memory_space<vmem>>, vector<1x16xf32>,
        %get3A_986 = vector.shape_cast %get3A_985 : vector<1x16xf32> to vector<16xf32>
        %get3A_987 = arith.index_cast %add3A_978 : i32 to index
        %get3A_988 = arith.constant 32 : index
        %get3A_989 = tpu.vector_load %arg12[%get3A_987, %get3A_988] {strides = array<i32>} : memref<48x64xf32, #tpu.memory_space<vmem>>, vector<1x16xf32>,
        %get3A_990 = vector.shape_cast %get3A_989 : vector<1x16xf32> to vector<16xf32>
        %get3A_991 = arith.index_cast %add3A_978 : i32 to index
        %get3A_992 = arith.constant 48 : index
        %get3A_993 = tpu.vector_load %arg12[%get3A_991, %get3A_992] {strides = array<i32>} : memref<48x64xf32, #tpu.memory_space<vmem>>, vector<1x16xf32>,
        %get3A_994 = vector.shape_cast %get3A_993 : vector<1x16xf32> to vector<16xf32>
        %max3A_995 = arith.maximumf %max3A_969, %get3A_982 : vector<16xf32>
        %max3A_996 = arith.maximumf %max3A_970, %get3A_986 : vector<16xf32>
        %max3A_997 = arith.maximumf %max3A_971, %get3A_990 : vector<16xf32>
        %max3A_998 = arith.maximumf %max3A_972, %get3A_994 : vector<16xf32>
        %add3A_999 = arith.addf %add3A_973, %get3A_982 : vector<16xf32>
        %add3A_1000 = arith.addf %add3A_974, %get3A_986 : vector<16xf32>
        %add3A_1001 = arith.addf %add3A_975, %get3A_990 : vector<16xf32>
        %add3A_1002 = arith.addf %add3A_976, %get3A_994 : vector<16xf32>
        %add3A_1003 = arith.constant 2 : i32
        %add3A_1004 = arith.addi %add3A_950, %add3A_1003 : i32
        %get3A_1005 = arith.index_cast %add3A_1004 : i32 to index
        %get3A_1006 = arith.constant 0 : index
        %get3A_1007 = tpu.vector_load %arg12[%get3A_1005, %get3A_1006] {strides = array<i32>} : memref<48x64xf32, #tpu.memory_space<vmem>>, vector<1x16xf32>,
        %get3A_1008 = vector.shape_cast %get3A_1007 : vector<1x16xf32> to vector<16xf32>
        %get3A_1009 = arith.index_cast %add3A_1004 : i32 to index
        %get3A_1010 = arith.constant 16 : index
        %get3A_1011 = tpu.vector_load %arg12[%get3A_1009, %get3A_1010] {strides = array<i32>} : memref<48x64xf32, #tpu.memory_space<vmem>>, vector<1x16xf32>,
        %get3A_1012 = vector.shape_cast %get3A_1011 : vector<1x16xf32> to vector<16xf32>
        %get3A_1013 = arith.index_cast %add3A_1004 : i32 to index
        %get3A_1014 = arith.constant 32 : index
        %get3A_1015 = tpu.vector_load %arg12[%get3A_1013, %get3A_1014] {strides = array<i32>} : memref<48x64xf32, #tpu.memory_space<vmem>>, vector<1x16xf32>,
        %get3A_1016 = vector.shape_cast %get3A_1015 : vector<1x16xf32> to vector<16xf32>
        %get3A_1017 = arith.index_cast %add3A_1004 : i32 to index
        %get3A_1018 = arith.constant 48 : index
        %get3A_1019 = tpu.vector_load %arg12[%get3A_1017, %get3A_1018] {strides = array<i32>} : memref<48x64xf32, #tpu.memory_space<vmem>>, vector<1x16xf32>,
        %get3A_1020 = vector.shape_cast %get3A_1019 : vector<1x16xf32> to vector<16xf32>
        %max3A_1021 = arith.maximumf %max3A_995, %get3A_1008 : vector<16xf32>
        %max3A_1022 = arith.maximumf %max3A_996, %get3A_1012 : vector<16xf32>
        %max3A_1023 = arith.maximumf %max3A_997, %get3A_1016 : vector<16xf32>
        %max3A_1024 = arith.maximumf %max3A_998, %get3A_1020 : vector<16xf32>
        %add3A_1025 = arith.addf %add3A_999, %get3A_1008 : vector<16xf32>
        %add3A_1026 = arith.addf %add3A_1000, %get3A_1012 : vector<16xf32>
        %add3A_1027 = arith.addf %add3A_1001, %get3A_1016 : vector<16xf32>
        %add3A_1028 = arith.addf %add3A_1002, %get3A_1020 : vector<16xf32>
        %add3A_1029 = arith.constant 3 : i32
        %add3A_1030 = arith.addi %add3A_950, %add3A_1029 : i32
        %get3A_1031 = arith.index_cast %add3A_1030 : i32 to index
        %get3A_1032 = arith.constant 0 : index
        %get3A_1033 = tpu.vector_load %arg12[%get3A_1031, %get3A_1032] {strides = array<i32>} : memref<48x64xf32, #tpu.memory_space<vmem>>, vector<1x16xf32>,
        %get3A_1034 = vector.shape_cast %get3A_1033 : vector<1x16xf32> to vector<16xf32>
        %get3A_1035 = arith.index_cast %add3A_1030 : i32 to index
        %get3A_1036 = arith.constant 16 : index
        %get3A_1037 = tpu.vector_load %arg12[%get3A_1035, %get3A_1036] {strides = array<i32>} : memref<48x64xf32, #tpu.memory_space<vmem>>, vector<1x16xf32>,
        %get3A_1038 = vector.shape_cast %get3A_1037 : vector<1x16xf32> to vector<16xf32>
        %get3A_1039 = arith.index_cast %add3A_1030 : i32 to index
        %get3A_1040 = arith.constant 32 : index
        %get3A_1041 = tpu.vector_load %arg12[%get3A_1039, %get3A_1040] {strides = array<i32>} : memref<48x64xf32, #tpu.memory_space<vmem>>, vector<1x16xf32>,
        %get3A_1042 = vector.shape_cast %get3A_1041 : vector<1x16xf32> to vector<16xf32>
        %get3A_1043 = arith.index_cast %add3A_1030 : i32 to index
        %get3A_1044 = arith.constant 48 : index
        %get3A_1045 = tpu.vector_load %arg12[%get3A_1043, %get3A_1044] {strides = array<i32>} : memref<48x64xf32, #tpu.memory_space<vmem>>, vector<1x16xf32>,
        %get3A_1046 = vector.shape_cast %get3A_1045 : vector<1x16xf32> to vector<16xf32>
        %max3A_1047 = arith.maximumf %max3A_1021, %get3A_1034 : vector<16xf32>
        %max3A_1048 = arith.maximumf %max3A_1022, %get3A_1038 : vector<16xf32>
        %max3A_1049 = arith.maximumf %max3A_1023, %get3A_1042 : vector<16xf32>
        %max3A_1050 = arith.maximumf %max3A_1024, %get3A_1046 : vector<16xf32>
        %add3A_1051 = arith.addf %add3A_1025, %get3A_1034 : vector<16xf32>
        %add3A_1052 = arith.addf %add3A_1026, %get3A_1038 : vector<16xf32>
        %add3A_1053 = arith.addf %add3A_1027, %get3A_1042 : vector<16xf32>
        %add3A_1054 = arith.addf %add3A_1028, %get3A_1046 : vector<16xf32>
        scf.yield %max3A_1047, %max3A_1048, %max3A_1049, %max3A_1050, %add3A_1051, %add3A_1052, %add3A_1053, %add3A_1054 : vector<16xf32>, vector<16xf32>, vector<16xf32>, vector<16xf32>, vector<16xf32>, vector<16xf32>, vector<16xf32>, vector<16xf32>
      }
      %while3A_179 = arith.constant 1 : i32
      %while3A_180:8 = scf.for %while3A_938 = %while3A_176 to %while3A_172 step %while3A_179 iter_args(%while3A_939 = %while3A_178#0, %while3A_940 = %while3A_178#1, %while3A_941 = %while3A_178#2, %while3A_942 = %while3A_178#3, %while3A_943 = %while3A_178#4, %while3A_944 = %while3A_178#5, %while3A_945 = %while3A_178#6, %while3A_946 = %while3A_178#7) -> (vector<16xf32>, vector<16xf32>, vector<16xf32>, vector<16xf32>, vector<16xf32>, vector<16xf32>, vector<16xf32>, vector<16xf32>)  : i32 {
        %mul3A_947 = arith.constant 4 : i32
        %mul3A_948 = arith.muli %mul3A_947, %while3A_938 : i32
        %add3A_949 = arith.constant 0 : i32
        %add3A_950 = arith.addi %add3A_949, %mul3A_948 : i32
        %add3A_951 = arith.constant 0 : i32
        %add3A_952 = arith.addi %add3A_950, %add3A_951 : i32
        %get3A_953 = arith.index_cast %add3A_952 : i32 to index
        %get3A_954 = arith.constant 0 : index
        %get3A_955 = tpu.vector_load %arg12[%get3A_953, %get3A_954] {strides = array<i32>} : memref<48x64xf32, #tpu.memory_space<vmem>>, vector<1x16xf32>,
        %get3A_956 = vector.shape_cast %get3A_955 : vector<1x16xf32> to vector<16xf32>
        %get3A_957 = arith.index_cast %add3A_952 : i32 to index
        %get3A_958 = arith.constant 16 : index
        %get3A_959 = tpu.vector_load %arg12[%get3A_957, %get3A_958] {strides = array<i32>} : memref<48x64xf32, #tpu.memory_space<vmem>>, vector<1x16xf32>,
        %get3A_960 = vector.shape_cast %get3A_959 : vector<1x16xf32> to vector<16xf32>
        %get3A_961 = arith.index_cast %add3A_952 : i32 to index
        %get3A_962 = arith.constant 32 : index
        %get3A_963 = tpu.vector_load %arg12[%get3A_961, %get3A_962] {strides = array<i32>} : memref<48x64xf32, #tpu.memory_space<vmem>>, vector<1x16xf32>,
        %get3A_964 = vector.shape_cast %get3A_963 : vector<1x16xf32> to vector<16xf32>
        %get3A_965 = arith.index_cast %add3A_952 : i32 to index
        %get3A_966 = arith.constant 48 : index
        %get3A_967 = tpu.vector_load %arg12[%get3A_965, %get3A_966] {strides = array<i32>} : memref<48x64xf32, #tpu.memory_space<vmem>>, vector<1x16xf32>,
        %get3A_968 = vector.shape_cast %get3A_967 : vector<1x16xf32> to vector<16xf32>
        %max3A_969 = arith.maximumf %while3A_939, %get3A_956 : vector<16xf32>
        %max3A_970 = arith.maximumf %while3A_940, %get3A_960 : vector<16xf32>
        %max3A_971 = arith.maximumf %while3A_941, %get3A_964 : vector<16xf32>
        %max3A_972 = arith.maximumf %while3A_942, %get3A_968 : vector<16xf32>
        %add3A_973 = arith.addf %while3A_943, %get3A_956 : vector<16xf32>
        %add3A_974 = arith.addf %while3A_944, %get3A_960 : vector<16xf32>
        %add3A_975 = arith.addf %while3A_945, %get3A_964 : vector<16xf32>
        %add3A_976 = arith.addf %while3A_946, %get3A_968 : vector<16xf32>
        %add3A_977 = arith.constant 1 : i32
        %add3A_978 = arith.addi %add3A_950, %add3A_977 : i32
        %get3A_979 = arith.index_cast %add3A_978 : i32 to index
        %get3A_980 = arith.constant 0 : index
        %get3A_981 = tpu.vector_load %arg12[%get3A_979, %get3A_980] {strides = array<i32>} : memref<48x64xf32, #tpu.memory_space<vmem>>, vector<1x16xf32>,
        %get3A_982 = vector.shape_cast %get3A_981 : vector<1x16xf32> to vector<16xf32>
        %get3A_983 = arith.index_cast %add3A_978 : i32 to index
        %get3A_984 = arith.constant 16 : index
        %get3A_985 = tpu.vector_load %arg12[%get3A_983, %get3A_984] {strides = array<i32>} : memref<48x64xf32, #tpu.memory_space<vmem>>, vector<1x16xf32>,
        %get3A_986 = vector.shape_cast %get3A_985 : vector<1x16xf32> to vector<16xf32>
        %get3A_987 = arith.index_cast %add3A_978 : i32 to index
        %get3A_988 = arith.constant 32 : index
        %get3A_989 = tpu.vector_load %arg12[%get3A_987, %get3A_988] {strides = array<i32>} : memref<48x64xf32, #tpu.memory_space<vmem>>, vector<1x16xf32>,
        %get3A_990 = vector.shape_cast %get3A_989 : vector<1x16xf32> to vector<16xf32>
        %get3A_991 = arith.index_cast %add3A_978 : i32 to index
        %get3A_992 = arith.constant 48 : index
        %get3A_993 = tpu.vector_load %arg12[%get3A_991, %get3A_992] {strides = array<i32>} : memref<48x64xf32, #tpu.memory_space<vmem>>, vector<1x16xf32>,
        %get3A_994 = vector.shape_cast %get3A_993 : vector<1x16xf32> to vector<16xf32>
        %max3A_995 = arith.maximumf %max3A_969, %get3A_982 : vector<16xf32>
        %max3A_996 = arith.maximumf %max3A_970, %get3A_986 : vector<16xf32>
        %max3A_997 = arith.maximumf %max3A_971, %get3A_990 : vector<16xf32>
        %max3A_998 = arith.maximumf %max3A_972, %get3A_994 : vector<16xf32>
        %add3A_999 = arith.addf %add3A_973, %get3A_982 : vector<16xf32>
        %add3A_1000 = arith.addf %add3A_974, %get3A_986 : vector<16xf32>
        %add3A_1001 = arith.addf %add3A_975, %get3A_990 : vector<16xf32>
        %add3A_1002 = arith.addf %add3A_976, %get3A_994 : vector<16xf32>
        %add3A_1003 = arith.constant 2 : i32
        %add3A_1004 = arith.addi %add3A_950, %add3A_1003 : i32
        %get3A_1005 = arith.index_cast %add3A_1004 : i32 to index
        %get3A_1006 = arith.constant 0 : index
        %get3A_1007 = tpu.vector_load %arg12[%get3A_1005, %get3A_1006] {strides = array<i32>} : memref<48x64xf32, #tpu.memory_space<vmem>>, vector<1x16xf32>,
        %get3A_1008 = vector.shape_cast %get3A_1007 : vector<1x16xf32> to vector<16xf32>
        %get3A_1009 = arith.index_cast %add3A_1004 : i32 to index
        %get3A_1010 = arith.constant 16 : index
        %get3A_1011 = tpu.vector_load %arg12[%get3A_1009, %get3A_1010] {strides = array<i32>} : memref<48x64xf32, #tpu.memory_space<vmem>>, vector<1x16xf32>,
        %get3A_1012 = vector.shape_cast %get3A_1011 : vector<1x16xf32> to vector<16xf32>
        %get3A_1013 = arith.index_cast %add3A_1004 : i32 to index
        %get3A_1014 = arith.constant 32 : index
        %get3A_1015 = tpu.vector_load %arg12[%get3A_1013, %get3A_1014] {strides = array<i32>} : memref<48x64xf32, #tpu.memory_space<vmem>>, vector<1x16xf32>,
        %get3A_1016 = vector.shape_cast %get3A_1015 : vector<1x16xf32> to vector<16xf32>
        %get3A_1017 = arith.index_cast %add3A_1004 : i32 to index
        %get3A_1018 = arith.constant 48 : index
        %get3A_1019 = tpu.vector_load %arg12[%get3A_1017, %get3A_1018] {strides = array<i32>} : memref<48x64xf32, #tpu.memory_space<vmem>>, vector<1x16xf32>,
        %get3A_1020 = vector.shape_cast %get3A_1019 : vector<1x16xf32> to vector<16xf32>
        %max3A_1021 = arith.maximumf %max3A_995, %get3A_1008 : vector<16xf32>
        %max3A_1022 = arith.maximumf %max3A_996, %get3A_1012 : vector<16xf32>
        %max3A_1023 = arith.maximumf %max3A_997, %get3A_1016 : vector<16xf32>
        %max3A_1024 = arith.maximumf %max3A_998, %get3A_1020 : vector<16xf32>
        %add3A_1025 = arith.addf %add3A_999, %get3A_1008 : vector<16xf32>
        %add3A_1026 = arith.addf %add3A_1000, %get3A_1012 : vector<16xf32>
        %add3A_1027 = arith.addf %add3A_1001, %get3A_1016 : vector<16xf32>
        %add3A_1028 = arith.addf %add3A_1002, %get3A_1020 : vector<16xf32>
        %add3A_1029 = arith.constant 3 : i32
        %add3A_1030 = arith.addi %add3A_950, %add3A_1029 : i32
        %get3A_1031 = arith.index_cast %add3A_1030 : i32 to index
        %get3A_1032 = arith.constant 0 : index
        %get3A_1033 = tpu.vector_load %arg12[%get3A_1031, %get3A_1032] {strides = array<i32>} : memref<48x64xf32, #tpu.memory_space<vmem>>, vector<1x16xf32>,
        %get3A_1034 = vector.shape_cast %get3A_1033 : vector<1x16xf32> to vector<16xf32>
        %get3A_1035 = arith.index_cast %add3A_1030 : i32 to index
        %get3A_1036 = arith.constant 16 : index
        %get3A_1037 = tpu.vector_load %arg12[%get3A_1035, %get3A_1036] {strides = array<i32>} : memref<48x64xf32, #tpu.memory_space<vmem>>, vector<1x16xf32>,
        %get3A_1038 = vector.shape_cast %get3A_1037 : vector<1x16xf32> to vector<16xf32>
        %get3A_1039 = arith.index_cast %add3A_1030 : i32 to index
        %get3A_1040 = arith.constant 32 : index
        %get3A_1041 = tpu.vector_load %arg12[%get3A_1039, %get3A_1040] {strides = array<i32>} : memref<48x64xf32, #tpu.memory_space<vmem>>, vector<1x16xf32>,
        %get3A_1042 = vector.shape_cast %get3A_1041 : vector<1x16xf32> to vector<16xf32>
        %get3A_1043 = arith.index_cast %add3A_1030 : i32 to index
        %get3A_1044 = arith.constant 48 : index
        %get3A_1045 = tpu.vector_load %arg12[%get3A_1043, %get3A_1044] {strides = array<i32>} : memref<48x64xf32, #tpu.memory_space<vmem>>, vector<1x16xf32>,
        %get3A_1046 = vector.shape_cast %get3A_1045 : vector<1x16xf32> to vector<16xf32>
        %max3A_1047 = arith.maximumf %max3A_1021, %get3A_1034 : vector<16xf32>
        %max3A_1048 = arith.maximumf %max3A_1022, %get3A_1038 : vector<16xf32>
        %max3A_1049 = arith.maximumf %max3A_1023, %get3A_1042 : vector<16xf32>
        %max3A_1050 = arith.maximumf %max3A_1024, %get3A_1046 : vector<16xf32>
        %add3A_1051 = arith.addf %add3A_1025, %get3A_1034 : vector<16xf32>
        %add3A_1052 = arith.addf %add3A_1026, %get3A_1038 : vector<16xf32>
        %add3A_1053 = arith.addf %add3A_1027, %get3A_1042 : vector<16xf32>
        %add3A_1054 = arith.addf %add3A_1028, %get3A_1046 : vector<16xf32>
        scf.yield %max3A_1047, %max3A_1048, %max3A_1049, %max3A_1050, %add3A_1051, %add3A_1052, %add3A_1053, %add3A_1054 : vector<16xf32>, vector<16xf32>, vector<16xf32>, vector<16xf32>, vector<16xf32>, vector<16xf32>, vector<16xf32>, vector<16xf32>
      }
      %mul3A_181 = arith.constant 4 : i32
      %mul3A_182 = arith.muli %mul3A_181, %div3A_167 : i32
      %while3A_183 = arith.subi %squeeze3A, %mul3A_182 : i32
      %while3A_184 = arith.addi %mul3A_182, %while3A_183 : i32
      %while3A_185 = arith.constant 1 : i32
      %while3A_186 = arith.divsi %while3A_183, %while3A_185 : i32
      %while3A_187 = arith.muli %while3A_186, %while3A_185 : i32
      %while3A_188 = arith.addi %mul3A_182, %while3A_187 : i32
      %while3A_189 = arith.constant 1 : i32
      %while3A_190:8 = scf.for %while3A_938 = %mul3A_182 to %while3A_188 step %while3A_189 iter_args(%while3A_939 = %while3A_180#0, %while3A_940 = %while3A_180#1, %while3A_941 = %while3A_180#2, %while3A_942 = %while3A_180#3, %while3A_943 = %while3A_180#4, %while3A_944 = %while3A_180#5, %while3A_945 = %while3A_180#6, %while3A_946 = %while3A_180#7) -> (vector<16xf32>, vector<16xf32>, vector<16xf32>, vector<16xf32>, vector<16xf32>, vector<16xf32>, vector<16xf32>, vector<16xf32>)  : i32 {
        %add3A_947 = arith.constant 0 : i32
        %add3A_948 = arith.addi %add3A_947, %while3A_938 : i32
        %get3A_949 = arith.index_cast %add3A_948 : i32 to index
        %get3A_950 = arith.constant 0 : index
        %get3A_951 = tpu.vector_load %arg12[%get3A_949, %get3A_950] {strides = array<i32>} : memref<48x64xf32, #tpu.memory_space<vmem>>, vector<1x16xf32>,
        %get3A_952 = vector.shape_cast %get3A_951 : vector<1x16xf32> to vector<16xf32>
        %get3A_953 = arith.index_cast %add3A_948 : i32 to index
        %get3A_954 = arith.constant 16 : index
        %get3A_955 = tpu.vector_load %arg12[%get3A_953, %get3A_954] {strides = array<i32>} : memref<48x64xf32, #tpu.memory_space<vmem>>, vector<1x16xf32>,
        %get3A_956 = vector.shape_cast %get3A_955 : vector<1x16xf32> to vector<16xf32>
        %get3A_957 = arith.index_cast %add3A_948 : i32 to index
        %get3A_958 = arith.constant 32 : index
        %get3A_959 = tpu.vector_load %arg12[%get3A_957, %get3A_958] {strides = array<i32>} : memref<48x64xf32, #tpu.memory_space<vmem>>, vector<1x16xf32>,
        %get3A_960 = vector.shape_cast %get3A_959 : vector<1x16xf32> to vector<16xf32>
        %get3A_961 = arith.index_cast %add3A_948 : i32 to index
        %get3A_962 = arith.constant 48 : index
        %get3A_963 = tpu.vector_load %arg12[%get3A_961, %get3A_962] {strides = array<i32>} : memref<48x64xf32, #tpu.memory_space<vmem>>, vector<1x16xf32>,
        %get3A_964 = vector.shape_cast %get3A_963 : vector<1x16xf32> to vector<16xf32>
        %max3A_965 = arith.maximumf %while3A_939, %get3A_952 : vector<16xf32>
        %max3A_966 = arith.maximumf %while3A_940, %get3A_956 : vector<16xf32>
        %max3A_967 = arith.maximumf %while3A_941, %get3A_960 : vector<16xf32>
        %max3A_968 = arith.maximumf %while3A_942, %get3A_964 : vector<16xf32>
        %add3A_969 = arith.addf %while3A_943, %get3A_952 : vector<16xf32>
        %add3A_970 = arith.addf %while3A_944, %get3A_956 : vector<16xf32>
        %add3A_971 = arith.addf %while3A_945, %get3A_960 : vector<16xf32>
        %add3A_972 = arith.addf %while3A_946, %get3A_964 : vector<16xf32>
        scf.yield %max3A_965, %max3A_966, %max3A_967, %max3A_968, %add3A_969, %add3A_970, %add3A_971, %add3A_972 : vector<16xf32>, vector<16xf32>, vector<16xf32>, vector<16xf32>, vector<16xf32>, vector<16xf32>, vector<16xf32>, vector<16xf32>
      }
      %while3A_191 = arith.constant 1 : i32
      %while3A_192:8 = scf.for %while3A_938 = %while3A_188 to %while3A_184 step %while3A_191 iter_args(%while3A_939 = %while3A_190#0, %while3A_940 = %while3A_190#1, %while3A_941 = %while3A_190#2, %while3A_942 = %while3A_190#3, %while3A_943 = %while3A_190#4, %while3A_944 = %while3A_190#5, %while3A_945 = %while3A_190#6, %while3A_946 = %while3A_190#7) -> (vector<16xf32>, vector<16xf32>, vector<16xf32>, vector<16xf32>, vector<16xf32>, vector<16xf32>, vector<16xf32>, vector<16xf32>)  : i32 {
        %add3A_947 = arith.constant 0 : i32
        %add3A_948 = arith.addi %add3A_947, %while3A_938 : i32
        %get3A_949 = arith.index_cast %add3A_948 : i32 to index
        %get3A_950 = arith.constant 0 : index
        %get3A_951 = tpu.vector_load %arg12[%get3A_949, %get3A_950] {strides = array<i32>} : memref<48x64xf32, #tpu.memory_space<vmem>>, vector<1x16xf32>,
        %get3A_952 = vector.shape_cast %get3A_951 : vector<1x16xf32> to vector<16xf32>
        %get3A_953 = arith.index_cast %add3A_948 : i32 to index
        %get3A_954 = arith.constant 16 : index
        %get3A_955 = tpu.vector_load %arg12[%get3A_953, %get3A_954] {strides = array<i32>} : memref<48x64xf32, #tpu.memory_space<vmem>>, vector<1x16xf32>,
        %get3A_956 = vector.shape_cast %get3A_955 : vector<1x16xf32> to vector<16xf32>
        %get3A_957 = arith.index_cast %add3A_948 : i32 to index
        %get3A_958 = arith.constant 32 : index
        %get3A_959 = tpu.vector_load %arg12[%get3A_957, %get3A_958] {strides = array<i32>} : memref<48x64xf32, #tpu.memory_space<vmem>>, vector<1x16xf32>,
        %get3A_960 = vector.shape_cast %get3A_959 : vector<1x16xf32> to vector<16xf32>
        %get3A_961 = arith.index_cast %add3A_948 : i32 to index
        %get3A_962 = arith.constant 48 : index
        %get3A_963 = tpu.vector_load %arg12[%get3A_961, %get3A_962] {strides = array<i32>} : memref<48x64xf32, #tpu.memory_space<vmem>>, vector<1x16xf32>,
        %get3A_964 = vector.shape_cast %get3A_963 : vector<1x16xf32> to vector<16xf32>
        %max3A_965 = arith.maximumf %while3A_939, %get3A_952 : vector<16xf32>
        %max3A_966 = arith.maximumf %while3A_940, %get3A_956 : vector<16xf32>
        %max3A_967 = arith.maximumf %while3A_941, %get3A_960 : vector<16xf32>
        %max3A_968 = arith.maximumf %while3A_942, %get3A_964 : vector<16xf32>
        %add3A_969 = arith.addf %while3A_943, %get3A_952 : vector<16xf32>
        %add3A_970 = arith.addf %while3A_944, %get3A_956 : vector<16xf32>
        %add3A_971 = arith.addf %while3A_945, %get3A_960 : vector<16xf32>
        %add3A_972 = arith.addf %while3A_946, %get3A_964 : vector<16xf32>
        scf.yield %max3A_965, %max3A_966, %max3A_967, %max3A_968, %add3A_969, %add3A_970, %add3A_971, %add3A_972 : vector<16xf32>, vector<16xf32>, vector<16xf32>, vector<16xf32>, vector<16xf32>, vector<16xf32>, vector<16xf32>, vector<16xf32>
      }
      %div3A_193 = arith.constant 8 : i32
      %div3A_194 = arith.divsi %squeeze3A_166, %div3A_193 : i32
      %broadcast_in_dim3A_195 = arith.constant -1.000000e+30 : f32
      %broadcast_in_dim3A_196 = vector.broadcast %broadcast_in_dim3A_195 : f32 to vector<16xf32>
      %broadcast_in_dim3A_197 = arith.constant 0.000000e+00 : f32
      %broadcast_in_dim3A_198 = vector.broadcast %broadcast_in_dim3A_197 : f32 to vector<16xf32>
      %while3A_199 = arith.constant 0 : i32
      %while3A_200 = arith.subi %div3A_194, %while3A_199 : i32
      %while3A_201 = arith.addi %while3A_199, %while3A_200 : i32
      %while3A_202 = arith.constant 1 : i32
      %while3A_203 = arith.divsi %while3A_200, %while3A_202 : i32
      %while3A_204 = arith.muli %while3A_203, %while3A_202 : i32
      %while3A_205 = arith.addi %while3A_199, %while3A_204 : i32
      %while3A_206 = arith.constant 1 : i32
      %while3A_207:8 = scf.for %while3A_938 = %while3A_199 to %while3A_205 step %while3A_206 iter_args(%while3A_939 = %broadcast_in_dim3A_196, %while3A_940 = %broadcast_in_dim3A_196, %while3A_941 = %broadcast_in_dim3A_196, %while3A_942 = %broadcast_in_dim3A_196, %while3A_943 = %broadcast_in_dim3A_198, %while3A_944 = %broadcast_in_dim3A_198, %while3A_945 = %broadcast_in_dim3A_198, %while3A_946 = %broadcast_in_dim3A_198) -> (vector<16xf32>, vector<16xf32>, vector<16xf32>, vector<16xf32>, vector<16xf32>, vector<16xf32>, vector<16xf32>, vector<16xf32>)  : i32 {
        %mul3A_947 = arith.constant 8 : i32
        %mul3A_948 = arith.muli %mul3A_947, %while3A_938 : i32
        %add3A_949 = arith.constant 0 : i32
        %add3A_950 = arith.addi %add3A_949, %mul3A_948 : i32
        %add3A_951 = arith.constant 0 : i32
        %add3A_952 = arith.addi %add3A_950, %add3A_951 : i32
        %get3A_953 = arith.index_cast %add3A_952 : i32 to index
        %get3A_954 = arith.constant 0 : index
        %get3A_955 = tpu.vector_load %arg13[%get3A_953, %get3A_954] {strides = array<i32>} : memref<400x64xf32, #tpu.memory_space<vmem>>, vector<1x16xf32>,
        %get3A_956 = vector.shape_cast %get3A_955 : vector<1x16xf32> to vector<16xf32>
        %get3A_957 = arith.index_cast %add3A_952 : i32 to index
        %get3A_958 = arith.constant 16 : index
        %get3A_959 = tpu.vector_load %arg13[%get3A_957, %get3A_958] {strides = array<i32>} : memref<400x64xf32, #tpu.memory_space<vmem>>, vector<1x16xf32>,
        %get3A_960 = vector.shape_cast %get3A_959 : vector<1x16xf32> to vector<16xf32>
        %get3A_961 = arith.index_cast %add3A_952 : i32 to index
        %get3A_962 = arith.constant 32 : index
        %get3A_963 = tpu.vector_load %arg13[%get3A_961, %get3A_962] {strides = array<i32>} : memref<400x64xf32, #tpu.memory_space<vmem>>, vector<1x16xf32>,
        %get3A_964 = vector.shape_cast %get3A_963 : vector<1x16xf32> to vector<16xf32>
        %get3A_965 = arith.index_cast %add3A_952 : i32 to index
        %get3A_966 = arith.constant 48 : index
        %get3A_967 = tpu.vector_load %arg13[%get3A_965, %get3A_966] {strides = array<i32>} : memref<400x64xf32, #tpu.memory_space<vmem>>, vector<1x16xf32>,
        %get3A_968 = vector.shape_cast %get3A_967 : vector<1x16xf32> to vector<16xf32>
        %max3A_969 = arith.maximumf %while3A_939, %get3A_956 : vector<16xf32>
        %max3A_970 = arith.maximumf %while3A_940, %get3A_960 : vector<16xf32>
        %max3A_971 = arith.maximumf %while3A_941, %get3A_964 : vector<16xf32>
        %max3A_972 = arith.maximumf %while3A_942, %get3A_968 : vector<16xf32>
        %add3A_973 = arith.addf %while3A_943, %get3A_956 : vector<16xf32>
        %add3A_974 = arith.addf %while3A_944, %get3A_960 : vector<16xf32>
        %add3A_975 = arith.addf %while3A_945, %get3A_964 : vector<16xf32>
        %add3A_976 = arith.addf %while3A_946, %get3A_968 : vector<16xf32>
        %add3A_977 = arith.constant 1 : i32
        %add3A_978 = arith.addi %add3A_950, %add3A_977 : i32
        %get3A_979 = arith.index_cast %add3A_978 : i32 to index
        %get3A_980 = arith.constant 0 : index
        %get3A_981 = tpu.vector_load %arg13[%get3A_979, %get3A_980] {strides = array<i32>} : memref<400x64xf32, #tpu.memory_space<vmem>>, vector<1x16xf32>,
        %get3A_982 = vector.shape_cast %get3A_981 : vector<1x16xf32> to vector<16xf32>
        %get3A_983 = arith.index_cast %add3A_978 : i32 to index
        %get3A_984 = arith.constant 16 : index
        %get3A_985 = tpu.vector_load %arg13[%get3A_983, %get3A_984] {strides = array<i32>} : memref<400x64xf32, #tpu.memory_space<vmem>>, vector<1x16xf32>,
        %get3A_986 = vector.shape_cast %get3A_985 : vector<1x16xf32> to vector<16xf32>
        %get3A_987 = arith.index_cast %add3A_978 : i32 to index
        %get3A_988 = arith.constant 32 : index
        %get3A_989 = tpu.vector_load %arg13[%get3A_987, %get3A_988] {strides = array<i32>} : memref<400x64xf32, #tpu.memory_space<vmem>>, vector<1x16xf32>,
        %get3A_990 = vector.shape_cast %get3A_989 : vector<1x16xf32> to vector<16xf32>
        %get3A_991 = arith.index_cast %add3A_978 : i32 to index
        %get3A_992 = arith.constant 48 : index
        %get3A_993 = tpu.vector_load %arg13[%get3A_991, %get3A_992] {strides = array<i32>} : memref<400x64xf32, #tpu.memory_space<vmem>>, vector<1x16xf32>,
        %get3A_994 = vector.shape_cast %get3A_993 : vector<1x16xf32> to vector<16xf32>
        %max3A_995 = arith.maximumf %max3A_969, %get3A_982 : vector<16xf32>
        %max3A_996 = arith.maximumf %max3A_970, %get3A_986 : vector<16xf32>
        %max3A_997 = arith.maximumf %max3A_971, %get3A_990 : vector<16xf32>
        %max3A_998 = arith.maximumf %max3A_972, %get3A_994 : vector<16xf32>
        %add3A_999 = arith.addf %add3A_973, %get3A_982 : vector<16xf32>
        %add3A_1000 = arith.addf %add3A_974, %get3A_986 : vector<16xf32>
        %add3A_1001 = arith.addf %add3A_975, %get3A_990 : vector<16xf32>
        %add3A_1002 = arith.addf %add3A_976, %get3A_994 : vector<16xf32>
        %add3A_1003 = arith.constant 2 : i32
        %add3A_1004 = arith.addi %add3A_950, %add3A_1003 : i32
        %get3A_1005 = arith.index_cast %add3A_1004 : i32 to index
        %get3A_1006 = arith.constant 0 : index
        %get3A_1007 = tpu.vector_load %arg13[%get3A_1005, %get3A_1006] {strides = array<i32>} : memref<400x64xf32, #tpu.memory_space<vmem>>, vector<1x16xf32>,
        %get3A_1008 = vector.shape_cast %get3A_1007 : vector<1x16xf32> to vector<16xf32>
        %get3A_1009 = arith.index_cast %add3A_1004 : i32 to index
        %get3A_1010 = arith.constant 16 : index
        %get3A_1011 = tpu.vector_load %arg13[%get3A_1009, %get3A_1010] {strides = array<i32>} : memref<400x64xf32, #tpu.memory_space<vmem>>, vector<1x16xf32>,
        %get3A_1012 = vector.shape_cast %get3A_1011 : vector<1x16xf32> to vector<16xf32>
        %get3A_1013 = arith.index_cast %add3A_1004 : i32 to index
        %get3A_1014 = arith.constant 32 : index
        %get3A_1015 = tpu.vector_load %arg13[%get3A_1013, %get3A_1014] {strides = array<i32>} : memref<400x64xf32, #tpu.memory_space<vmem>>, vector<1x16xf32>,
        %get3A_1016 = vector.shape_cast %get3A_1015 : vector<1x16xf32> to vector<16xf32>
        %get3A_1017 = arith.index_cast %add3A_1004 : i32 to index
        %get3A_1018 = arith.constant 48 : index
        %get3A_1019 = tpu.vector_load %arg13[%get3A_1017, %get3A_1018] {strides = array<i32>} : memref<400x64xf32, #tpu.memory_space<vmem>>, vector<1x16xf32>,
        %get3A_1020 = vector.shape_cast %get3A_1019 : vector<1x16xf32> to vector<16xf32>
        %max3A_1021 = arith.maximumf %max3A_995, %get3A_1008 : vector<16xf32>
        %max3A_1022 = arith.maximumf %max3A_996, %get3A_1012 : vector<16xf32>
        %max3A_1023 = arith.maximumf %max3A_997, %get3A_1016 : vector<16xf32>
        %max3A_1024 = arith.maximumf %max3A_998, %get3A_1020 : vector<16xf32>
        %add3A_1025 = arith.addf %add3A_999, %get3A_1008 : vector<16xf32>
        %add3A_1026 = arith.addf %add3A_1000, %get3A_1012 : vector<16xf32>
        %add3A_1027 = arith.addf %add3A_1001, %get3A_1016 : vector<16xf32>
        %add3A_1028 = arith.addf %add3A_1002, %get3A_1020 : vector<16xf32>
        %add3A_1029 = arith.constant 3 : i32
        %add3A_1030 = arith.addi %add3A_950, %add3A_1029 : i32
        %get3A_1031 = arith.index_cast %add3A_1030 : i32 to index
        %get3A_1032 = arith.constant 0 : index
        %get3A_1033 = tpu.vector_load %arg13[%get3A_1031, %get3A_1032] {strides = array<i32>} : memref<400x64xf32, #tpu.memory_space<vmem>>, vector<1x16xf32>,
        %get3A_1034 = vector.shape_cast %get3A_1033 : vector<1x16xf32> to vector<16xf32>
        %get3A_1035 = arith.index_cast %add3A_1030 : i32 to index
        %get3A_1036 = arith.constant 16 : index
        %get3A_1037 = tpu.vector_load %arg13[%get3A_1035, %get3A_1036] {strides = array<i32>} : memref<400x64xf32, #tpu.memory_space<vmem>>, vector<1x16xf32>,
        %get3A_1038 = vector.shape_cast %get3A_1037 : vector<1x16xf32> to vector<16xf32>
        %get3A_1039 = arith.index_cast %add3A_1030 : i32 to index
        %get3A_1040 = arith.constant 32 : index
        %get3A_1041 = tpu.vector_load %arg13[%get3A_1039, %get3A_1040] {strides = array<i32>} : memref<400x64xf32, #tpu.memory_space<vmem>>, vector<1x16xf32>,
        %get3A_1042 = vector.shape_cast %get3A_1041 : vector<1x16xf32> to vector<16xf32>
        %get3A_1043 = arith.index_cast %add3A_1030 : i32 to index
        %get3A_1044 = arith.constant 48 : index
        %get3A_1045 = tpu.vector_load %arg13[%get3A_1043, %get3A_1044] {strides = array<i32>} : memref<400x64xf32, #tpu.memory_space<vmem>>, vector<1x16xf32>,
        %get3A_1046 = vector.shape_cast %get3A_1045 : vector<1x16xf32> to vector<16xf32>
        %max3A_1047 = arith.maximumf %max3A_1021, %get3A_1034 : vector<16xf32>
        %max3A_1048 = arith.maximumf %max3A_1022, %get3A_1038 : vector<16xf32>
        %max3A_1049 = arith.maximumf %max3A_1023, %get3A_1042 : vector<16xf32>
        %max3A_1050 = arith.maximumf %max3A_1024, %get3A_1046 : vector<16xf32>
        %add3A_1051 = arith.addf %add3A_1025, %get3A_1034 : vector<16xf32>
        %add3A_1052 = arith.addf %add3A_1026, %get3A_1038 : vector<16xf32>
        %add3A_1053 = arith.addf %add3A_1027, %get3A_1042 : vector<16xf32>
        %add3A_1054 = arith.addf %add3A_1028, %get3A_1046 : vector<16xf32>
        %add3A_1055 = arith.constant 4 : i32
        %add3A_1056 = arith.addi %add3A_950, %add3A_1055 : i32
        %get3A_1057 = arith.index_cast %add3A_1056 : i32 to index
        %get3A_1058 = arith.constant 0 : index
        %get3A_1059 = tpu.vector_load %arg13[%get3A_1057, %get3A_1058] {strides = array<i32>} : memref<400x64xf32, #tpu.memory_space<vmem>>, vector<1x16xf32>,
        %get3A_1060 = vector.shape_cast %get3A_1059 : vector<1x16xf32> to vector<16xf32>
        %get3A_1061 = arith.index_cast %add3A_1056 : i32 to index
        %get3A_1062 = arith.constant 16 : index
        %get3A_1063 = tpu.vector_load %arg13[%get3A_1061, %get3A_1062] {strides = array<i32>} : memref<400x64xf32, #tpu.memory_space<vmem>>, vector<1x16xf32>,
        %get3A_1064 = vector.shape_cast %get3A_1063 : vector<1x16xf32> to vector<16xf32>
        %get3A_1065 = arith.index_cast %add3A_1056 : i32 to index
        %get3A_1066 = arith.constant 32 : index
        %get3A_1067 = tpu.vector_load %arg13[%get3A_1065, %get3A_1066] {strides = array<i32>} : memref<400x64xf32, #tpu.memory_space<vmem>>, vector<1x16xf32>,
        %get3A_1068 = vector.shape_cast %get3A_1067 : vector<1x16xf32> to vector<16xf32>
        %get3A_1069 = arith.index_cast %add3A_1056 : i32 to index
        %get3A_1070 = arith.constant 48 : index
        %get3A_1071 = tpu.vector_load %arg13[%get3A_1069, %get3A_1070] {strides = array<i32>} : memref<400x64xf32, #tpu.memory_space<vmem>>, vector<1x16xf32>,
        %get3A_1072 = vector.shape_cast %get3A_1071 : vector<1x16xf32> to vector<16xf32>
        %max3A_1073 = arith.maximumf %max3A_1047, %get3A_1060 : vector<16xf32>
        %max3A_1074 = arith.maximumf %max3A_1048, %get3A_1064 : vector<16xf32>
        %max3A_1075 = arith.maximumf %max3A_1049, %get3A_1068 : vector<16xf32>
        %max3A_1076 = arith.maximumf %max3A_1050, %get3A_1072 : vector<16xf32>
        %add3A_1077 = arith.addf %add3A_1051, %get3A_1060 : vector<16xf32>
        %add3A_1078 = arith.addf %add3A_1052, %get3A_1064 : vector<16xf32>
        %add3A_1079 = arith.addf %add3A_1053, %get3A_1068 : vector<16xf32>
        %add3A_1080 = arith.addf %add3A_1054, %get3A_1072 : vector<16xf32>
        %add3A_1081 = arith.constant 5 : i32
        %add3A_1082 = arith.addi %add3A_950, %add3A_1081 : i32
        %get3A_1083 = arith.index_cast %add3A_1082 : i32 to index
        %get3A_1084 = arith.constant 0 : index
        %get3A_1085 = tpu.vector_load %arg13[%get3A_1083, %get3A_1084] {strides = array<i32>} : memref<400x64xf32, #tpu.memory_space<vmem>>, vector<1x16xf32>,
        %get3A_1086 = vector.shape_cast %get3A_1085 : vector<1x16xf32> to vector<16xf32>
        %get3A_1087 = arith.index_cast %add3A_1082 : i32 to index
        %get3A_1088 = arith.constant 16 : index
        %get3A_1089 = tpu.vector_load %arg13[%get3A_1087, %get3A_1088] {strides = array<i32>} : memref<400x64xf32, #tpu.memory_space<vmem>>, vector<1x16xf32>,
        %get3A_1090 = vector.shape_cast %get3A_1089 : vector<1x16xf32> to vector<16xf32>
        %get3A_1091 = arith.index_cast %add3A_1082 : i32 to index
        %get3A_1092 = arith.constant 32 : index
        %get3A_1093 = tpu.vector_load %arg13[%get3A_1091, %get3A_1092] {strides = array<i32>} : memref<400x64xf32, #tpu.memory_space<vmem>>, vector<1x16xf32>,
        %get3A_1094 = vector.shape_cast %get3A_1093 : vector<1x16xf32> to vector<16xf32>
        %get3A_1095 = arith.index_cast %add3A_1082 : i32 to index
        %get3A_1096 = arith.constant 48 : index
        %get3A_1097 = tpu.vector_load %arg13[%get3A_1095, %get3A_1096] {strides = array<i32>} : memref<400x64xf32, #tpu.memory_space<vmem>>, vector<1x16xf32>,
        %get3A_1098 = vector.shape_cast %get3A_1097 : vector<1x16xf32> to vector<16xf32>
        %max3A_1099 = arith.maximumf %max3A_1073, %get3A_1086 : vector<16xf32>
        %max3A_1100 = arith.maximumf %max3A_1074, %get3A_1090 : vector<16xf32>
        %max3A_1101 = arith.maximumf %max3A_1075, %get3A_1094 : vector<16xf32>
        %max3A_1102 = arith.maximumf %max3A_1076, %get3A_1098 : vector<16xf32>
        %add3A_1103 = arith.addf %add3A_1077, %get3A_1086 : vector<16xf32>
        %add3A_1104 = arith.addf %add3A_1078, %get3A_1090 : vector<16xf32>
        %add3A_1105 = arith.addf %add3A_1079, %get3A_1094 : vector<16xf32>
        %add3A_1106 = arith.addf %add3A_1080, %get3A_1098 : vector<16xf32>
        %add3A_1107 = arith.constant 6 : i32
        %add3A_1108 = arith.addi %add3A_950, %add3A_1107 : i32
        %get3A_1109 = arith.index_cast %add3A_1108 : i32 to index
        %get3A_1110 = arith.constant 0 : index
        %get3A_1111 = tpu.vector_load %arg13[%get3A_1109, %get3A_1110] {strides = array<i32>} : memref<400x64xf32, #tpu.memory_space<vmem>>, vector<1x16xf32>,
        %get3A_1112 = vector.shape_cast %get3A_1111 : vector<1x16xf32> to vector<16xf32>
        %get3A_1113 = arith.index_cast %add3A_1108 : i32 to index
        %get3A_1114 = arith.constant 16 : index
        %get3A_1115 = tpu.vector_load %arg13[%get3A_1113, %get3A_1114] {strides = array<i32>} : memref<400x64xf32, #tpu.memory_space<vmem>>, vector<1x16xf32>,
        %get3A_1116 = vector.shape_cast %get3A_1115 : vector<1x16xf32> to vector<16xf32>
        %get3A_1117 = arith.index_cast %add3A_1108 : i32 to index
        %get3A_1118 = arith.constant 32 : index
        %get3A_1119 = tpu.vector_load %arg13[%get3A_1117, %get3A_1118] {strides = array<i32>} : memref<400x64xf32, #tpu.memory_space<vmem>>, vector<1x16xf32>,
        %get3A_1120 = vector.shape_cast %get3A_1119 : vector<1x16xf32> to vector<16xf32>
        %get3A_1121 = arith.index_cast %add3A_1108 : i32 to index
        %get3A_1122 = arith.constant 48 : index
        %get3A_1123 = tpu.vector_load %arg13[%get3A_1121, %get3A_1122] {strides = array<i32>} : memref<400x64xf32, #tpu.memory_space<vmem>>, vector<1x16xf32>,
        %get3A_1124 = vector.shape_cast %get3A_1123 : vector<1x16xf32> to vector<16xf32>
        %max3A_1125 = arith.maximumf %max3A_1099, %get3A_1112 : vector<16xf32>
        %max3A_1126 = arith.maximumf %max3A_1100, %get3A_1116 : vector<16xf32>
        %max3A_1127 = arith.maximumf %max3A_1101, %get3A_1120 : vector<16xf32>
        %max3A_1128 = arith.maximumf %max3A_1102, %get3A_1124 : vector<16xf32>
        %add3A_1129 = arith.addf %add3A_1103, %get3A_1112 : vector<16xf32>
        %add3A_1130 = arith.addf %add3A_1104, %get3A_1116 : vector<16xf32>
        %add3A_1131 = arith.addf %add3A_1105, %get3A_1120 : vector<16xf32>
        %add3A_1132 = arith.addf %add3A_1106, %get3A_1124 : vector<16xf32>
        %add3A_1133 = arith.constant 7 : i32
        %add3A_1134 = arith.addi %add3A_950, %add3A_1133 : i32
        %get3A_1135 = arith.index_cast %add3A_1134 : i32 to index
        %get3A_1136 = arith.constant 0 : index
        %get3A_1137 = tpu.vector_load %arg13[%get3A_1135, %get3A_1136] {strides = array<i32>} : memref<400x64xf32, #tpu.memory_space<vmem>>, vector<1x16xf32>,
        %get3A_1138 = vector.shape_cast %get3A_1137 : vector<1x16xf32> to vector<16xf32>
        %get3A_1139 = arith.index_cast %add3A_1134 : i32 to index
        %get3A_1140 = arith.constant 16 : index
        %get3A_1141 = tpu.vector_load %arg13[%get3A_1139, %get3A_1140] {strides = array<i32>} : memref<400x64xf32, #tpu.memory_space<vmem>>, vector<1x16xf32>,
        %get3A_1142 = vector.shape_cast %get3A_1141 : vector<1x16xf32> to vector<16xf32>
        %get3A_1143 = arith.index_cast %add3A_1134 : i32 to index
        %get3A_1144 = arith.constant 32 : index
        %get3A_1145 = tpu.vector_load %arg13[%get3A_1143, %get3A_1144] {strides = array<i32>} : memref<400x64xf32, #tpu.memory_space<vmem>>, vector<1x16xf32>,
        %get3A_1146 = vector.shape_cast %get3A_1145 : vector<1x16xf32> to vector<16xf32>
        %get3A_1147 = arith.index_cast %add3A_1134 : i32 to index
        %get3A_1148 = arith.constant 48 : index
        %get3A_1149 = tpu.vector_load %arg13[%get3A_1147, %get3A_1148] {strides = array<i32>} : memref<400x64xf32, #tpu.memory_space<vmem>>, vector<1x16xf32>,
        %get3A_1150 = vector.shape_cast %get3A_1149 : vector<1x16xf32> to vector<16xf32>
        %max3A_1151 = arith.maximumf %max3A_1125, %get3A_1138 : vector<16xf32>
        %max3A_1152 = arith.maximumf %max3A_1126, %get3A_1142 : vector<16xf32>
        %max3A_1153 = arith.maximumf %max3A_1127, %get3A_1146 : vector<16xf32>
        %max3A_1154 = arith.maximumf %max3A_1128, %get3A_1150 : vector<16xf32>
        %add3A_1155 = arith.addf %add3A_1129, %get3A_1138 : vector<16xf32>
        %add3A_1156 = arith.addf %add3A_1130, %get3A_1142 : vector<16xf32>
        %add3A_1157 = arith.addf %add3A_1131, %get3A_1146 : vector<16xf32>
        %add3A_1158 = arith.addf %add3A_1132, %get3A_1150 : vector<16xf32>
        scf.yield %max3A_1151, %max3A_1152, %max3A_1153, %max3A_1154, %add3A_1155, %add3A_1156, %add3A_1157, %add3A_1158 : vector<16xf32>, vector<16xf32>, vector<16xf32>, vector<16xf32>, vector<16xf32>, vector<16xf32>, vector<16xf32>, vector<16xf32>
      }
      %while3A_208 = arith.constant 1 : i32
      %while3A_209:8 = scf.for %while3A_938 = %while3A_205 to %while3A_201 step %while3A_208 iter_args(%while3A_939 = %while3A_207#0, %while3A_940 = %while3A_207#1, %while3A_941 = %while3A_207#2, %while3A_942 = %while3A_207#3, %while3A_943 = %while3A_207#4, %while3A_944 = %while3A_207#5, %while3A_945 = %while3A_207#6, %while3A_946 = %while3A_207#7) -> (vector<16xf32>, vector<16xf32>, vector<16xf32>, vector<16xf32>, vector<16xf32>, vector<16xf32>, vector<16xf32>, vector<16xf32>)  : i32 {
        %mul3A_947 = arith.constant 8 : i32
        %mul3A_948 = arith.muli %mul3A_947, %while3A_938 : i32
        %add3A_949 = arith.constant 0 : i32
        %add3A_950 = arith.addi %add3A_949, %mul3A_948 : i32
        %add3A_951 = arith.constant 0 : i32
        %add3A_952 = arith.addi %add3A_950, %add3A_951 : i32
        %get3A_953 = arith.index_cast %add3A_952 : i32 to index
        %get3A_954 = arith.constant 0 : index
        %get3A_955 = tpu.vector_load %arg13[%get3A_953, %get3A_954] {strides = array<i32>} : memref<400x64xf32, #tpu.memory_space<vmem>>, vector<1x16xf32>,
        %get3A_956 = vector.shape_cast %get3A_955 : vector<1x16xf32> to vector<16xf32>
        %get3A_957 = arith.index_cast %add3A_952 : i32 to index
        %get3A_958 = arith.constant 16 : index
        %get3A_959 = tpu.vector_load %arg13[%get3A_957, %get3A_958] {strides = array<i32>} : memref<400x64xf32, #tpu.memory_space<vmem>>, vector<1x16xf32>,
        %get3A_960 = vector.shape_cast %get3A_959 : vector<1x16xf32> to vector<16xf32>
        %get3A_961 = arith.index_cast %add3A_952 : i32 to index
        %get3A_962 = arith.constant 32 : index
        %get3A_963 = tpu.vector_load %arg13[%get3A_961, %get3A_962] {strides = array<i32>} : memref<400x64xf32, #tpu.memory_space<vmem>>, vector<1x16xf32>,
        %get3A_964 = vector.shape_cast %get3A_963 : vector<1x16xf32> to vector<16xf32>
        %get3A_965 = arith.index_cast %add3A_952 : i32 to index
        %get3A_966 = arith.constant 48 : index
        %get3A_967 = tpu.vector_load %arg13[%get3A_965, %get3A_966] {strides = array<i32>} : memref<400x64xf32, #tpu.memory_space<vmem>>, vector<1x16xf32>,
        %get3A_968 = vector.shape_cast %get3A_967 : vector<1x16xf32> to vector<16xf32>
        %max3A_969 = arith.maximumf %while3A_939, %get3A_956 : vector<16xf32>
        %max3A_970 = arith.maximumf %while3A_940, %get3A_960 : vector<16xf32>
        %max3A_971 = arith.maximumf %while3A_941, %get3A_964 : vector<16xf32>
        %max3A_972 = arith.maximumf %while3A_942, %get3A_968 : vector<16xf32>
        %add3A_973 = arith.addf %while3A_943, %get3A_956 : vector<16xf32>
        %add3A_974 = arith.addf %while3A_944, %get3A_960 : vector<16xf32>
        %add3A_975 = arith.addf %while3A_945, %get3A_964 : vector<16xf32>
        %add3A_976 = arith.addf %while3A_946, %get3A_968 : vector<16xf32>
        %add3A_977 = arith.constant 1 : i32
        %add3A_978 = arith.addi %add3A_950, %add3A_977 : i32
        %get3A_979 = arith.index_cast %add3A_978 : i32 to index
        %get3A_980 = arith.constant 0 : index
        %get3A_981 = tpu.vector_load %arg13[%get3A_979, %get3A_980] {strides = array<i32>} : memref<400x64xf32, #tpu.memory_space<vmem>>, vector<1x16xf32>,
        %get3A_982 = vector.shape_cast %get3A_981 : vector<1x16xf32> to vector<16xf32>
        %get3A_983 = arith.index_cast %add3A_978 : i32 to index
        %get3A_984 = arith.constant 16 : index
        %get3A_985 = tpu.vector_load %arg13[%get3A_983, %get3A_984] {strides = array<i32>} : memref<400x64xf32, #tpu.memory_space<vmem>>, vector<1x16xf32>,
        %get3A_986 = vector.shape_cast %get3A_985 : vector<1x16xf32> to vector<16xf32>
        %get3A_987 = arith.index_cast %add3A_978 : i32 to index
        %get3A_988 = arith.constant 32 : index
        %get3A_989 = tpu.vector_load %arg13[%get3A_987, %get3A_988] {strides = array<i32>} : memref<400x64xf32, #tpu.memory_space<vmem>>, vector<1x16xf32>,
        %get3A_990 = vector.shape_cast %get3A_989 : vector<1x16xf32> to vector<16xf32>
        %get3A_991 = arith.index_cast %add3A_978 : i32 to index
        %get3A_992 = arith.constant 48 : index
        %get3A_993 = tpu.vector_load %arg13[%get3A_991, %get3A_992] {strides = array<i32>} : memref<400x64xf32, #tpu.memory_space<vmem>>, vector<1x16xf32>,
        %get3A_994 = vector.shape_cast %get3A_993 : vector<1x16xf32> to vector<16xf32>
        %max3A_995 = arith.maximumf %max3A_969, %get3A_982 : vector<16xf32>
        %max3A_996 = arith.maximumf %max3A_970, %get3A_986 : vector<16xf32>
        %max3A_997 = arith.maximumf %max3A_971, %get3A_990 : vector<16xf32>
        %max3A_998 = arith.maximumf %max3A_972, %get3A_994 : vector<16xf32>
        %add3A_999 = arith.addf %add3A_973, %get3A_982 : vector<16xf32>
        %add3A_1000 = arith.addf %add3A_974, %get3A_986 : vector<16xf32>
        %add3A_1001 = arith.addf %add3A_975, %get3A_990 : vector<16xf32>
        %add3A_1002 = arith.addf %add3A_976, %get3A_994 : vector<16xf32>
        %add3A_1003 = arith.constant 2 : i32
        %add3A_1004 = arith.addi %add3A_950, %add3A_1003 : i32
        %get3A_1005 = arith.index_cast %add3A_1004 : i32 to index
        %get3A_1006 = arith.constant 0 : index
        %get3A_1007 = tpu.vector_load %arg13[%get3A_1005, %get3A_1006] {strides = array<i32>} : memref<400x64xf32, #tpu.memory_space<vmem>>, vector<1x16xf32>,
        %get3A_1008 = vector.shape_cast %get3A_1007 : vector<1x16xf32> to vector<16xf32>
        %get3A_1009 = arith.index_cast %add3A_1004 : i32 to index
        %get3A_1010 = arith.constant 16 : index
        %get3A_1011 = tpu.vector_load %arg13[%get3A_1009, %get3A_1010] {strides = array<i32>} : memref<400x64xf32, #tpu.memory_space<vmem>>, vector<1x16xf32>,
        %get3A_1012 = vector.shape_cast %get3A_1011 : vector<1x16xf32> to vector<16xf32>
        %get3A_1013 = arith.index_cast %add3A_1004 : i32 to index
        %get3A_1014 = arith.constant 32 : index
        %get3A_1015 = tpu.vector_load %arg13[%get3A_1013, %get3A_1014] {strides = array<i32>} : memref<400x64xf32, #tpu.memory_space<vmem>>, vector<1x16xf32>,
        %get3A_1016 = vector.shape_cast %get3A_1015 : vector<1x16xf32> to vector<16xf32>
        %get3A_1017 = arith.index_cast %add3A_1004 : i32 to index
        %get3A_1018 = arith.constant 48 : index
        %get3A_1019 = tpu.vector_load %arg13[%get3A_1017, %get3A_1018] {strides = array<i32>} : memref<400x64xf32, #tpu.memory_space<vmem>>, vector<1x16xf32>,
        %get3A_1020 = vector.shape_cast %get3A_1019 : vector<1x16xf32> to vector<16xf32>
        %max3A_1021 = arith.maximumf %max3A_995, %get3A_1008 : vector<16xf32>
        %max3A_1022 = arith.maximumf %max3A_996, %get3A_1012 : vector<16xf32>
        %max3A_1023 = arith.maximumf %max3A_997, %get3A_1016 : vector<16xf32>
        %max3A_1024 = arith.maximumf %max3A_998, %get3A_1020 : vector<16xf32>
        %add3A_1025 = arith.addf %add3A_999, %get3A_1008 : vector<16xf32>
        %add3A_1026 = arith.addf %add3A_1000, %get3A_1012 : vector<16xf32>
        %add3A_1027 = arith.addf %add3A_1001, %get3A_1016 : vector<16xf32>
        %add3A_1028 = arith.addf %add3A_1002, %get3A_1020 : vector<16xf32>
        %add3A_1029 = arith.constant 3 : i32
        %add3A_1030 = arith.addi %add3A_950, %add3A_1029 : i32
        %get3A_1031 = arith.index_cast %add3A_1030 : i32 to index
        %get3A_1032 = arith.constant 0 : index
        %get3A_1033 = tpu.vector_load %arg13[%get3A_1031, %get3A_1032] {strides = array<i32>} : memref<400x64xf32, #tpu.memory_space<vmem>>, vector<1x16xf32>,
        %get3A_1034 = vector.shape_cast %get3A_1033 : vector<1x16xf32> to vector<16xf32>
        %get3A_1035 = arith.index_cast %add3A_1030 : i32 to index
        %get3A_1036 = arith.constant 16 : index
        %get3A_1037 = tpu.vector_load %arg13[%get3A_1035, %get3A_1036] {strides = array<i32>} : memref<400x64xf32, #tpu.memory_space<vmem>>, vector<1x16xf32>,
        %get3A_1038 = vector.shape_cast %get3A_1037 : vector<1x16xf32> to vector<16xf32>
        %get3A_1039 = arith.index_cast %add3A_1030 : i32 to index
        %get3A_1040 = arith.constant 32 : index
        %get3A_1041 = tpu.vector_load %arg13[%get3A_1039, %get3A_1040] {strides = array<i32>} : memref<400x64xf32, #tpu.memory_space<vmem>>, vector<1x16xf32>,
        %get3A_1042 = vector.shape_cast %get3A_1041 : vector<1x16xf32> to vector<16xf32>
        %get3A_1043 = arith.index_cast %add3A_1030 : i32 to index
        %get3A_1044 = arith.constant 48 : index
        %get3A_1045 = tpu.vector_load %arg13[%get3A_1043, %get3A_1044] {strides = array<i32>} : memref<400x64xf32, #tpu.memory_space<vmem>>, vector<1x16xf32>,
        %get3A_1046 = vector.shape_cast %get3A_1045 : vector<1x16xf32> to vector<16xf32>
        %max3A_1047 = arith.maximumf %max3A_1021, %get3A_1034 : vector<16xf32>
        %max3A_1048 = arith.maximumf %max3A_1022, %get3A_1038 : vector<16xf32>
        %max3A_1049 = arith.maximumf %max3A_1023, %get3A_1042 : vector<16xf32>
        %max3A_1050 = arith.maximumf %max3A_1024, %get3A_1046 : vector<16xf32>
        %add3A_1051 = arith.addf %add3A_1025, %get3A_1034 : vector<16xf32>
        %add3A_1052 = arith.addf %add3A_1026, %get3A_1038 : vector<16xf32>
        %add3A_1053 = arith.addf %add3A_1027, %get3A_1042 : vector<16xf32>
        %add3A_1054 = arith.addf %add3A_1028, %get3A_1046 : vector<16xf32>
        %add3A_1055 = arith.constant 4 : i32
        %add3A_1056 = arith.addi %add3A_950, %add3A_1055 : i32
        %get3A_1057 = arith.index_cast %add3A_1056 : i32 to index
        %get3A_1058 = arith.constant 0 : index
        %get3A_1059 = tpu.vector_load %arg13[%get3A_1057, %get3A_1058] {strides = array<i32>} : memref<400x64xf32, #tpu.memory_space<vmem>>, vector<1x16xf32>,
        %get3A_1060 = vector.shape_cast %get3A_1059 : vector<1x16xf32> to vector<16xf32>
        %get3A_1061 = arith.index_cast %add3A_1056 : i32 to index
        %get3A_1062 = arith.constant 16 : index
        %get3A_1063 = tpu.vector_load %arg13[%get3A_1061, %get3A_1062] {strides = array<i32>} : memref<400x64xf32, #tpu.memory_space<vmem>>, vector<1x16xf32>,
        %get3A_1064 = vector.shape_cast %get3A_1063 : vector<1x16xf32> to vector<16xf32>
        %get3A_1065 = arith.index_cast %add3A_1056 : i32 to index
        %get3A_1066 = arith.constant 32 : index
        %get3A_1067 = tpu.vector_load %arg13[%get3A_1065, %get3A_1066] {strides = array<i32>} : memref<400x64xf32, #tpu.memory_space<vmem>>, vector<1x16xf32>,
        %get3A_1068 = vector.shape_cast %get3A_1067 : vector<1x16xf32> to vector<16xf32>
        %get3A_1069 = arith.index_cast %add3A_1056 : i32 to index
        %get3A_1070 = arith.constant 48 : index
        %get3A_1071 = tpu.vector_load %arg13[%get3A_1069, %get3A_1070] {strides = array<i32>} : memref<400x64xf32, #tpu.memory_space<vmem>>, vector<1x16xf32>,
        %get3A_1072 = vector.shape_cast %get3A_1071 : vector<1x16xf32> to vector<16xf32>
        %max3A_1073 = arith.maximumf %max3A_1047, %get3A_1060 : vector<16xf32>
        %max3A_1074 = arith.maximumf %max3A_1048, %get3A_1064 : vector<16xf32>
        %max3A_1075 = arith.maximumf %max3A_1049, %get3A_1068 : vector<16xf32>
        %max3A_1076 = arith.maximumf %max3A_1050, %get3A_1072 : vector<16xf32>
        %add3A_1077 = arith.addf %add3A_1051, %get3A_1060 : vector<16xf32>
        %add3A_1078 = arith.addf %add3A_1052, %get3A_1064 : vector<16xf32>
        %add3A_1079 = arith.addf %add3A_1053, %get3A_1068 : vector<16xf32>
        %add3A_1080 = arith.addf %add3A_1054, %get3A_1072 : vector<16xf32>
        %add3A_1081 = arith.constant 5 : i32
        %add3A_1082 = arith.addi %add3A_950, %add3A_1081 : i32
        %get3A_1083 = arith.index_cast %add3A_1082 : i32 to index
        %get3A_1084 = arith.constant 0 : index
        %get3A_1085 = tpu.vector_load %arg13[%get3A_1083, %get3A_1084] {strides = array<i32>} : memref<400x64xf32, #tpu.memory_space<vmem>>, vector<1x16xf32>,
        %get3A_1086 = vector.shape_cast %get3A_1085 : vector<1x16xf32> to vector<16xf32>
        %get3A_1087 = arith.index_cast %add3A_1082 : i32 to index
        %get3A_1088 = arith.constant 16 : index
        %get3A_1089 = tpu.vector_load %arg13[%get3A_1087, %get3A_1088] {strides = array<i32>} : memref<400x64xf32, #tpu.memory_space<vmem>>, vector<1x16xf32>,
        %get3A_1090 = vector.shape_cast %get3A_1089 : vector<1x16xf32> to vector<16xf32>
        %get3A_1091 = arith.index_cast %add3A_1082 : i32 to index
        %get3A_1092 = arith.constant 32 : index
        %get3A_1093 = tpu.vector_load %arg13[%get3A_1091, %get3A_1092] {strides = array<i32>} : memref<400x64xf32, #tpu.memory_space<vmem>>, vector<1x16xf32>,
        %get3A_1094 = vector.shape_cast %get3A_1093 : vector<1x16xf32> to vector<16xf32>
        %get3A_1095 = arith.index_cast %add3A_1082 : i32 to index
        %get3A_1096 = arith.constant 48 : index
        %get3A_1097 = tpu.vector_load %arg13[%get3A_1095, %get3A_1096] {strides = array<i32>} : memref<400x64xf32, #tpu.memory_space<vmem>>, vector<1x16xf32>,
        %get3A_1098 = vector.shape_cast %get3A_1097 : vector<1x16xf32> to vector<16xf32>
        %max3A_1099 = arith.maximumf %max3A_1073, %get3A_1086 : vector<16xf32>
        %max3A_1100 = arith.maximumf %max3A_1074, %get3A_1090 : vector<16xf32>
        %max3A_1101 = arith.maximumf %max3A_1075, %get3A_1094 : vector<16xf32>
        %max3A_1102 = arith.maximumf %max3A_1076, %get3A_1098 : vector<16xf32>
        %add3A_1103 = arith.addf %add3A_1077, %get3A_1086 : vector<16xf32>
        %add3A_1104 = arith.addf %add3A_1078, %get3A_1090 : vector<16xf32>
        %add3A_1105 = arith.addf %add3A_1079, %get3A_1094 : vector<16xf32>
        %add3A_1106 = arith.addf %add3A_1080, %get3A_1098 : vector<16xf32>
        %add3A_1107 = arith.constant 6 : i32
        %add3A_1108 = arith.addi %add3A_950, %add3A_1107 : i32
        %get3A_1109 = arith.index_cast %add3A_1108 : i32 to index
        %get3A_1110 = arith.constant 0 : index
        %get3A_1111 = tpu.vector_load %arg13[%get3A_1109, %get3A_1110] {strides = array<i32>} : memref<400x64xf32, #tpu.memory_space<vmem>>, vector<1x16xf32>,
        %get3A_1112 = vector.shape_cast %get3A_1111 : vector<1x16xf32> to vector<16xf32>
        %get3A_1113 = arith.index_cast %add3A_1108 : i32 to index
        %get3A_1114 = arith.constant 16 : index
        %get3A_1115 = tpu.vector_load %arg13[%get3A_1113, %get3A_1114] {strides = array<i32>} : memref<400x64xf32, #tpu.memory_space<vmem>>, vector<1x16xf32>,
        %get3A_1116 = vector.shape_cast %get3A_1115 : vector<1x16xf32> to vector<16xf32>
        %get3A_1117 = arith.index_cast %add3A_1108 : i32 to index
        %get3A_1118 = arith.constant 32 : index
        %get3A_1119 = tpu.vector_load %arg13[%get3A_1117, %get3A_1118] {strides = array<i32>} : memref<400x64xf32, #tpu.memory_space<vmem>>, vector<1x16xf32>,
        %get3A_1120 = vector.shape_cast %get3A_1119 : vector<1x16xf32> to vector<16xf32>
        %get3A_1121 = arith.index_cast %add3A_1108 : i32 to index
        %get3A_1122 = arith.constant 48 : index
        %get3A_1123 = tpu.vector_load %arg13[%get3A_1121, %get3A_1122] {strides = array<i32>} : memref<400x64xf32, #tpu.memory_space<vmem>>, vector<1x16xf32>,
        %get3A_1124 = vector.shape_cast %get3A_1123 : vector<1x16xf32> to vector<16xf32>
        %max3A_1125 = arith.maximumf %max3A_1099, %get3A_1112 : vector<16xf32>
        %max3A_1126 = arith.maximumf %max3A_1100, %get3A_1116 : vector<16xf32>
        %max3A_1127 = arith.maximumf %max3A_1101, %get3A_1120 : vector<16xf32>
        %max3A_1128 = arith.maximumf %max3A_1102, %get3A_1124 : vector<16xf32>
        %add3A_1129 = arith.addf %add3A_1103, %get3A_1112 : vector<16xf32>
        %add3A_1130 = arith.addf %add3A_1104, %get3A_1116 : vector<16xf32>
        %add3A_1131 = arith.addf %add3A_1105, %get3A_1120 : vector<16xf32>
        %add3A_1132 = arith.addf %add3A_1106, %get3A_1124 : vector<16xf32>
        %add3A_1133 = arith.constant 7 : i32
        %add3A_1134 = arith.addi %add3A_950, %add3A_1133 : i32
        %get3A_1135 = arith.index_cast %add3A_1134 : i32 to index
        %get3A_1136 = arith.constant 0 : index
        %get3A_1137 = tpu.vector_load %arg13[%get3A_1135, %get3A_1136] {strides = array<i32>} : memref<400x64xf32, #tpu.memory_space<vmem>>, vector<1x16xf32>,
        %get3A_1138 = vector.shape_cast %get3A_1137 : vector<1x16xf32> to vector<16xf32>
        %get3A_1139 = arith.index_cast %add3A_1134 : i32 to index
        %get3A_1140 = arith.constant 16 : index
        %get3A_1141 = tpu.vector_load %arg13[%get3A_1139, %get3A_1140] {strides = array<i32>} : memref<400x64xf32, #tpu.memory_space<vmem>>, vector<1x16xf32>,
        %get3A_1142 = vector.shape_cast %get3A_1141 : vector<1x16xf32> to vector<16xf32>
        %get3A_1143 = arith.index_cast %add3A_1134 : i32 to index
        %get3A_1144 = arith.constant 32 : index
        %get3A_1145 = tpu.vector_load %arg13[%get3A_1143, %get3A_1144] {strides = array<i32>} : memref<400x64xf32, #tpu.memory_space<vmem>>, vector<1x16xf32>,
        %get3A_1146 = vector.shape_cast %get3A_1145 : vector<1x16xf32> to vector<16xf32>
        %get3A_1147 = arith.index_cast %add3A_1134 : i32 to index
        %get3A_1148 = arith.constant 48 : index
        %get3A_1149 = tpu.vector_load %arg13[%get3A_1147, %get3A_1148] {strides = array<i32>} : memref<400x64xf32, #tpu.memory_space<vmem>>, vector<1x16xf32>,
        %get3A_1150 = vector.shape_cast %get3A_1149 : vector<1x16xf32> to vector<16xf32>
        %max3A_1151 = arith.maximumf %max3A_1125, %get3A_1138 : vector<16xf32>
        %max3A_1152 = arith.maximumf %max3A_1126, %get3A_1142 : vector<16xf32>
        %max3A_1153 = arith.maximumf %max3A_1127, %get3A_1146 : vector<16xf32>
        %max3A_1154 = arith.maximumf %max3A_1128, %get3A_1150 : vector<16xf32>
        %add3A_1155 = arith.addf %add3A_1129, %get3A_1138 : vector<16xf32>
        %add3A_1156 = arith.addf %add3A_1130, %get3A_1142 : vector<16xf32>
        %add3A_1157 = arith.addf %add3A_1131, %get3A_1146 : vector<16xf32>
        %add3A_1158 = arith.addf %add3A_1132, %get3A_1150 : vector<16xf32>
        scf.yield %max3A_1151, %max3A_1152, %max3A_1153, %max3A_1154, %add3A_1155, %add3A_1156, %add3A_1157, %add3A_1158 : vector<16xf32>, vector<16xf32>, vector<16xf32>, vector<16xf32>, vector<16xf32>, vector<16xf32>, vector<16xf32>, vector<16xf32>
      }
      %mul3A_210 = arith.constant 8 : i32
      %mul3A_211 = arith.muli %mul3A_210, %div3A_194 : i32
      %while3A_212 = arith.subi %squeeze3A_166, %mul3A_211 : i32
      %while3A_213 = arith.addi %mul3A_211, %while3A_212 : i32
      %while3A_214 = arith.constant 1 : i32
      %while3A_215 = arith.divsi %while3A_212, %while3A_214 : i32
      %while3A_216 = arith.muli %while3A_215, %while3A_214 : i32
      %while3A_217 = arith.addi %mul3A_211, %while3A_216 : i32
      %while3A_218 = arith.constant 1 : i32
      %while3A_219:8 = scf.for %while3A_938 = %mul3A_211 to %while3A_217 step %while3A_218 iter_args(%while3A_939 = %while3A_209#0, %while3A_940 = %while3A_209#1, %while3A_941 = %while3A_209#2, %while3A_942 = %while3A_209#3, %while3A_943 = %while3A_209#4, %while3A_944 = %while3A_209#5, %while3A_945 = %while3A_209#6, %while3A_946 = %while3A_209#7) -> (vector<16xf32>, vector<16xf32>, vector<16xf32>, vector<16xf32>, vector<16xf32>, vector<16xf32>, vector<16xf32>, vector<16xf32>)  : i32 {
        %add3A_947 = arith.constant 0 : i32
        %add3A_948 = arith.addi %add3A_947, %while3A_938 : i32
        %get3A_949 = arith.index_cast %add3A_948 : i32 to index
        %get3A_950 = arith.constant 0 : index
        %get3A_951 = tpu.vector_load %arg13[%get3A_949, %get3A_950] {strides = array<i32>} : memref<400x64xf32, #tpu.memory_space<vmem>>, vector<1x16xf32>,
        %get3A_952 = vector.shape_cast %get3A_951 : vector<1x16xf32> to vector<16xf32>
        %get3A_953 = arith.index_cast %add3A_948 : i32 to index
        %get3A_954 = arith.constant 16 : index
        %get3A_955 = tpu.vector_load %arg13[%get3A_953, %get3A_954] {strides = array<i32>} : memref<400x64xf32, #tpu.memory_space<vmem>>, vector<1x16xf32>,
        %get3A_956 = vector.shape_cast %get3A_955 : vector<1x16xf32> to vector<16xf32>
        %get3A_957 = arith.index_cast %add3A_948 : i32 to index
        %get3A_958 = arith.constant 32 : index
        %get3A_959 = tpu.vector_load %arg13[%get3A_957, %get3A_958] {strides = array<i32>} : memref<400x64xf32, #tpu.memory_space<vmem>>, vector<1x16xf32>,
        %get3A_960 = vector.shape_cast %get3A_959 : vector<1x16xf32> to vector<16xf32>
        %get3A_961 = arith.index_cast %add3A_948 : i32 to index
        %get3A_962 = arith.constant 48 : index
        %get3A_963 = tpu.vector_load %arg13[%get3A_961, %get3A_962] {strides = array<i32>} : memref<400x64xf32, #tpu.memory_space<vmem>>, vector<1x16xf32>,
        %get3A_964 = vector.shape_cast %get3A_963 : vector<1x16xf32> to vector<16xf32>
        %max3A_965 = arith.maximumf %while3A_939, %get3A_952 : vector<16xf32>
        %max3A_966 = arith.maximumf %while3A_940, %get3A_956 : vector<16xf32>
        %max3A_967 = arith.maximumf %while3A_941, %get3A_960 : vector<16xf32>
        %max3A_968 = arith.maximumf %while3A_942, %get3A_964 : vector<16xf32>
        %add3A_969 = arith.addf %while3A_943, %get3A_952 : vector<16xf32>
        %add3A_970 = arith.addf %while3A_944, %get3A_956 : vector<16xf32>
        %add3A_971 = arith.addf %while3A_945, %get3A_960 : vector<16xf32>
        %add3A_972 = arith.addf %while3A_946, %get3A_964 : vector<16xf32>
        scf.yield %max3A_965, %max3A_966, %max3A_967, %max3A_968, %add3A_969, %add3A_970, %add3A_971, %add3A_972 : vector<16xf32>, vector<16xf32>, vector<16xf32>, vector<16xf32>, vector<16xf32>, vector<16xf32>, vector<16xf32>, vector<16xf32>
      }
      %while3A_220 = arith.constant 1 : i32
      %while3A_221:8 = scf.for %while3A_938 = %while3A_217 to %while3A_213 step %while3A_220 iter_args(%while3A_939 = %while3A_219#0, %while3A_940 = %while3A_219#1, %while3A_941 = %while3A_219#2, %while3A_942 = %while3A_219#3, %while3A_943 = %while3A_219#4, %while3A_944 = %while3A_219#5, %while3A_945 = %while3A_219#6, %while3A_946 = %while3A_219#7) -> (vector<16xf32>, vector<16xf32>, vector<16xf32>, vector<16xf32>, vector<16xf32>, vector<16xf32>, vector<16xf32>, vector<16xf32>)  : i32 {
        %add3A_947 = arith.constant 0 : i32
        %add3A_948 = arith.addi %add3A_947, %while3A_938 : i32
        %get3A_949 = arith.index_cast %add3A_948 : i32 to index
        %get3A_950 = arith.constant 0 : index
        %get3A_951 = tpu.vector_load %arg13[%get3A_949, %get3A_950] {strides = array<i32>} : memref<400x64xf32, #tpu.memory_space<vmem>>, vector<1x16xf32>,
        %get3A_952 = vector.shape_cast %get3A_951 : vector<1x16xf32> to vector<16xf32>
        %get3A_953 = arith.index_cast %add3A_948 : i32 to index
        %get3A_954 = arith.constant 16 : index
        %get3A_955 = tpu.vector_load %arg13[%get3A_953, %get3A_954] {strides = array<i32>} : memref<400x64xf32, #tpu.memory_space<vmem>>, vector<1x16xf32>,
        %get3A_956 = vector.shape_cast %get3A_955 : vector<1x16xf32> to vector<16xf32>
        %get3A_957 = arith.index_cast %add3A_948 : i32 to index
        %get3A_958 = arith.constant 32 : index
        %get3A_959 = tpu.vector_load %arg13[%get3A_957, %get3A_958] {strides = array<i32>} : memref<400x64xf32, #tpu.memory_space<vmem>>, vector<1x16xf32>,
        %get3A_960 = vector.shape_cast %get3A_959 : vector<1x16xf32> to vector<16xf32>
        %get3A_961 = arith.index_cast %add3A_948 : i32 to index
        %get3A_962 = arith.constant 48 : index
        %get3A_963 = tpu.vector_load %arg13[%get3A_961, %get3A_962] {strides = array<i32>} : memref<400x64xf32, #tpu.memory_space<vmem>>, vector<1x16xf32>,
        %get3A_964 = vector.shape_cast %get3A_963 : vector<1x16xf32> to vector<16xf32>
        %max3A_965 = arith.maximumf %while3A_939, %get3A_952 : vector<16xf32>
        %max3A_966 = arith.maximumf %while3A_940, %get3A_956 : vector<16xf32>
        %max3A_967 = arith.maximumf %while3A_941, %get3A_960 : vector<16xf32>
        %max3A_968 = arith.maximumf %while3A_942, %get3A_964 : vector<16xf32>
        %add3A_969 = arith.addf %while3A_943, %get3A_952 : vector<16xf32>
        %add3A_970 = arith.addf %while3A_944, %get3A_956 : vector<16xf32>
        %add3A_971 = arith.addf %while3A_945, %get3A_960 : vector<16xf32>
        %add3A_972 = arith.addf %while3A_946, %get3A_964 : vector<16xf32>
        scf.yield %max3A_965, %max3A_966, %max3A_967, %max3A_968, %add3A_969, %add3A_970, %add3A_971, %add3A_972 : vector<16xf32>, vector<16xf32>, vector<16xf32>, vector<16xf32>, vector<16xf32>, vector<16xf32>, vector<16xf32>, vector<16xf32>
      }
      %broadcast_in_dim3A_222 = arith.constant 1.000000e+00 : f32
      %broadcast_in_dim3A_223 = vector.broadcast %broadcast_in_dim3A_222 : f32 to vector<16xf32>
      %max3A = arith.constant 1 : i32
      %max3A_224 = arith.maxsi %squeeze3A, %max3A : i32
      %convert_element_type3A = arith.sitofp %max3A_224 : i32 to f32
      %broadcast_in_dim3A_225 = vector.broadcast %convert_element_type3A : f32 to vector<16xf32>
      %div3A_226 = arith.divf %broadcast_in_dim3A_223, %broadcast_in_dim3A_225 : vector<16xf32>
      %max3A_227 = arith.constant 1 : i32
      %max3A_228 = arith.maxsi %squeeze3A_166, %max3A_227 : i32
      %convert_element_type3A_229 = arith.sitofp %max3A_228 : i32 to f32
      %broadcast_in_dim3A_230 = vector.broadcast %convert_element_type3A_229 : f32 to vector<16xf32>
      %div3A_231 = arith.divf %broadcast_in_dim3A_223, %broadcast_in_dim3A_230 : vector<16xf32>
      %gt3A = arith.constant 0 : i32
      %gt3A_232 = arith.cmpi sgt, %squeeze3A, %gt3A : i32
      %gt3A_233 = arith.constant 0 : i32
      %gt3A_234 = arith.cmpi sgt, %squeeze3A_166, %gt3A_233 : i32
      %broadcast_in_dim3A_235 = arith.constant 0.000000e+00 : f32
      %broadcast_in_dim3A_236 = vector.broadcast %broadcast_in_dim3A_235 : f32 to vector<16xf32>
      %select_n3A = arith.select %gt3A_232, %while3A_192#0, %broadcast_in_dim3A_236 : vector<16xf32>
      %swap3A = arith.index_cast %mul3A_159 : i32 to index
      %swap3A_237 = arith.constant 0 : index
      %swap3A_238 = tpu.vector_load %arg16[%swap3A, %swap3A_237] {strides = array<i32>} : memref<128x256xf32, #tpu.memory_space<vmem>>, vector<1x16xf32>,
      %swap3A_239 = vector.shape_cast %swap3A_238 : vector<1x16xf32> to vector<16xf32>
      %swap3A_240 = vector.shape_cast %select_n3A : vector<16xf32> to vector<1x16xf32>
      tpu.vector_store %arg16[%swap3A, %swap3A_237], %swap3A_240 {strides = array<i32>} : memref<128x256xf32, #tpu.memory_space<vmem>>, vector<1x16xf32>,
      %select_n3A_241 = arith.select %gt3A_234, %while3A_221#0, %broadcast_in_dim3A_236 : vector<16xf32>
      %swap3A_242 = arith.index_cast %mul3A_159 : i32 to index
      %swap3A_243 = arith.constant 64 : index
      %swap3A_244 = tpu.vector_load %arg16[%swap3A_242, %swap3A_243] {strides = array<i32>} : memref<128x256xf32, #tpu.memory_space<vmem>>, vector<1x16xf32>,
      %swap3A_245 = vector.shape_cast %swap3A_244 : vector<1x16xf32> to vector<16xf32>
      %swap3A_246 = vector.shape_cast %select_n3A_241 : vector<16xf32> to vector<1x16xf32>
      tpu.vector_store %arg16[%swap3A_242, %swap3A_243], %swap3A_246 {strides = array<i32>} : memref<128x256xf32, #tpu.memory_space<vmem>>, vector<1x16xf32>,
      %mul3A_247 = arith.mulf %while3A_192#4, %div3A_226 : vector<16xf32>
      %swap3A_248 = arith.index_cast %mul3A_159 : i32 to index
      %swap3A_249 = arith.constant 128 : index
      %swap3A_250 = tpu.vector_load %arg16[%swap3A_248, %swap3A_249] {strides = array<i32>} : memref<128x256xf32, #tpu.memory_space<vmem>>, vector<1x16xf32>,
      %swap3A_251 = vector.shape_cast %swap3A_250 : vector<1x16xf32> to vector<16xf32>
      %swap3A_252 = vector.shape_cast %mul3A_247 : vector<16xf32> to vector<1x16xf32>
      tpu.vector_store %arg16[%swap3A_248, %swap3A_249], %swap3A_252 {strides = array<i32>} : memref<128x256xf32, #tpu.memory_space<vmem>>, vector<1x16xf32>,
      %mul3A_253 = arith.mulf %while3A_221#4, %div3A_231 : vector<16xf32>
      %swap3A_254 = arith.index_cast %mul3A_159 : i32 to index
      %swap3A_255 = arith.constant 192 : index
      %swap3A_256 = tpu.vector_load %arg16[%swap3A_254, %swap3A_255] {strides = array<i32>} : memref<128x256xf32, #tpu.memory_space<vmem>>, vector<1x16xf32>,
      %swap3A_257 = vector.shape_cast %swap3A_256 : vector<1x16xf32> to vector<16xf32>
      %swap3A_258 = vector.shape_cast %mul3A_253 : vector<16xf32> to vector<1x16xf32>
      tpu.vector_store %arg16[%swap3A_254, %swap3A_255], %swap3A_258 {strides = array<i32>} : memref<128x256xf32, #tpu.memory_space<vmem>>, vector<1x16xf32>,
      %select_n3A_259 = arith.select %gt3A_232, %while3A_192#1, %broadcast_in_dim3A_236 : vector<16xf32>
      %swap3A_260 = arith.index_cast %mul3A_159 : i32 to index
      %swap3A_261 = arith.constant 16 : index
      %swap3A_262 = tpu.vector_load %arg16[%swap3A_260, %swap3A_261] {strides = array<i32>} : memref<128x256xf32, #tpu.memory_space<vmem>>, vector<1x16xf32>,
      %swap3A_263 = vector.shape_cast %swap3A_262 : vector<1x16xf32> to vector<16xf32>
      %swap3A_264 = vector.shape_cast %select_n3A_259 : vector<16xf32> to vector<1x16xf32>
      tpu.vector_store %arg16[%swap3A_260, %swap3A_261], %swap3A_264 {strides = array<i32>} : memref<128x256xf32, #tpu.memory_space<vmem>>, vector<1x16xf32>,
      %select_n3A_265 = arith.select %gt3A_234, %while3A_221#1, %broadcast_in_dim3A_236 : vector<16xf32>
      %swap3A_266 = arith.index_cast %mul3A_159 : i32 to index
      %swap3A_267 = arith.constant 80 : index
      %swap3A_268 = tpu.vector_load %arg16[%swap3A_266, %swap3A_267] {strides = array<i32>} : memref<128x256xf32, #tpu.memory_space<vmem>>, vector<1x16xf32>,
      %swap3A_269 = vector.shape_cast %swap3A_268 : vector<1x16xf32> to vector<16xf32>
      %swap3A_270 = vector.shape_cast %select_n3A_265 : vector<16xf32> to vector<1x16xf32>
      tpu.vector_store %arg16[%swap3A_266, %swap3A_267], %swap3A_270 {strides = array<i32>} : memref<128x256xf32, #tpu.memory_space<vmem>>, vector<1x16xf32>,
      %mul3A_271 = arith.mulf %while3A_192#5, %div3A_226 : vector<16xf32>
      %swap3A_272 = arith.index_cast %mul3A_159 : i32 to index
      %swap3A_273 = arith.constant 144 : index
      %swap3A_274 = tpu.vector_load %arg16[%swap3A_272, %swap3A_273] {strides = array<i32>} : memref<128x256xf32, #tpu.memory_space<vmem>>, vector<1x16xf32>,
      %swap3A_275 = vector.shape_cast %swap3A_274 : vector<1x16xf32> to vector<16xf32>
      %swap3A_276 = vector.shape_cast %mul3A_271 : vector<16xf32> to vector<1x16xf32>
      tpu.vector_store %arg16[%swap3A_272, %swap3A_273], %swap3A_276 {strides = array<i32>} : memref<128x256xf32, #tpu.memory_space<vmem>>, vector<1x16xf32>,
      %mul3A_277 = arith.mulf %while3A_221#5, %div3A_231 : vector<16xf32>
      %swap3A_278 = arith.index_cast %mul3A_159 : i32 to index
      %swap3A_279 = arith.constant 208 : index
      %swap3A_280 = tpu.vector_load %arg16[%swap3A_278, %swap3A_279] {strides = array<i32>} : memref<128x256xf32, #tpu.memory_space<vmem>>, vector<1x16xf32>,
      %swap3A_281 = vector.shape_cast %swap3A_280 : vector<1x16xf32> to vector<16xf32>
      %swap3A_282 = vector.shape_cast %mul3A_277 : vector<16xf32> to vector<1x16xf32>
      tpu.vector_store %arg16[%swap3A_278, %swap3A_279], %swap3A_282 {strides = array<i32>} : memref<128x256xf32, #tpu.memory_space<vmem>>, vector<1x16xf32>,
      %select_n3A_283 = arith.select %gt3A_232, %while3A_192#2, %broadcast_in_dim3A_236 : vector<16xf32>
      %swap3A_284 = arith.index_cast %mul3A_159 : i32 to index
      %swap3A_285 = arith.constant 32 : index
      %swap3A_286 = tpu.vector_load %arg16[%swap3A_284, %swap3A_285] {strides = array<i32>} : memref<128x256xf32, #tpu.memory_space<vmem>>, vector<1x16xf32>,
      %swap3A_287 = vector.shape_cast %swap3A_286 : vector<1x16xf32> to vector<16xf32>
      %swap3A_288 = vector.shape_cast %select_n3A_283 : vector<16xf32> to vector<1x16xf32>
      tpu.vector_store %arg16[%swap3A_284, %swap3A_285], %swap3A_288 {strides = array<i32>} : memref<128x256xf32, #tpu.memory_space<vmem>>, vector<1x16xf32>,
      %select_n3A_289 = arith.select %gt3A_234, %while3A_221#2, %broadcast_in_dim3A_236 : vector<16xf32>
      %swap3A_290 = arith.index_cast %mul3A_159 : i32 to index
      %swap3A_291 = arith.constant 96 : index
      %swap3A_292 = tpu.vector_load %arg16[%swap3A_290, %swap3A_291] {strides = array<i32>} : memref<128x256xf32, #tpu.memory_space<vmem>>, vector<1x16xf32>,
      %swap3A_293 = vector.shape_cast %swap3A_292 : vector<1x16xf32> to vector<16xf32>
      %swap3A_294 = vector.shape_cast %select_n3A_289 : vector<16xf32> to vector<1x16xf32>
      tpu.vector_store %arg16[%swap3A_290, %swap3A_291], %swap3A_294 {strides = array<i32>} : memref<128x256xf32, #tpu.memory_space<vmem>>, vector<1x16xf32>,
      %mul3A_295 = arith.mulf %while3A_192#6, %div3A_226 : vector<16xf32>
      %swap3A_296 = arith.index_cast %mul3A_159 : i32 to index
      %swap3A_297 = arith.constant 160 : index
      %swap3A_298 = tpu.vector_load %arg16[%swap3A_296, %swap3A_297] {strides = array<i32>} : memref<128x256xf32, #tpu.memory_space<vmem>>, vector<1x16xf32>,
      %swap3A_299 = vector.shape_cast %swap3A_298 : vector<1x16xf32> to vector<16xf32>
      %swap3A_300 = vector.shape_cast %mul3A_295 : vector<16xf32> to vector<1x16xf32>
      tpu.vector_store %arg16[%swap3A_296, %swap3A_297], %swap3A_300 {strides = array<i32>} : memref<128x256xf32, #tpu.memory_space<vmem>>, vector<1x16xf32>,
      %mul3A_301 = arith.mulf %while3A_221#6, %div3A_231 : vector<16xf32>
      %swap3A_302 = arith.index_cast %mul3A_159 : i32 to index
      %swap3A_303 = arith.constant 224 : index
      %swap3A_304 = tpu.vector_load %arg16[%swap3A_302, %swap3A_303] {strides = array<i32>} : memref<128x256xf32, #tpu.memory_space<vmem>>, vector<1x16xf32>,
      %swap3A_305 = vector.shape_cast %swap3A_304 : vector<1x16xf32> to vector<16xf32>
      %swap3A_306 = vector.shape_cast %mul3A_301 : vector<16xf32> to vector<1x16xf32>
      tpu.vector_store %arg16[%swap3A_302, %swap3A_303], %swap3A_306 {strides = array<i32>} : memref<128x256xf32, #tpu.memory_space<vmem>>, vector<1x16xf32>,
      %select_n3A_307 = arith.select %gt3A_232, %while3A_192#3, %broadcast_in_dim3A_236 : vector<16xf32>
      %swap3A_308 = arith.index_cast %mul3A_159 : i32 to index
      %swap3A_309 = arith.constant 48 : index
      %swap3A_310 = tpu.vector_load %arg16[%swap3A_308, %swap3A_309] {strides = array<i32>} : memref<128x256xf32, #tpu.memory_space<vmem>>, vector<1x16xf32>,
      %swap3A_311 = vector.shape_cast %swap3A_310 : vector<1x16xf32> to vector<16xf32>
      %swap3A_312 = vector.shape_cast %select_n3A_307 : vector<16xf32> to vector<1x16xf32>
      tpu.vector_store %arg16[%swap3A_308, %swap3A_309], %swap3A_312 {strides = array<i32>} : memref<128x256xf32, #tpu.memory_space<vmem>>, vector<1x16xf32>,
      %select_n3A_313 = arith.select %gt3A_234, %while3A_221#3, %broadcast_in_dim3A_236 : vector<16xf32>
      %swap3A_314 = arith.index_cast %mul3A_159 : i32 to index
      %swap3A_315 = arith.constant 112 : index
      %swap3A_316 = tpu.vector_load %arg16[%swap3A_314, %swap3A_315] {strides = array<i32>} : memref<128x256xf32, #tpu.memory_space<vmem>>, vector<1x16xf32>,
      %swap3A_317 = vector.shape_cast %swap3A_316 : vector<1x16xf32> to vector<16xf32>
      %swap3A_318 = vector.shape_cast %select_n3A_313 : vector<16xf32> to vector<1x16xf32>
      tpu.vector_store %arg16[%swap3A_314, %swap3A_315], %swap3A_318 {strides = array<i32>} : memref<128x256xf32, #tpu.memory_space<vmem>>, vector<1x16xf32>,
      %mul3A_319 = arith.mulf %while3A_192#7, %div3A_226 : vector<16xf32>
      %swap3A_320 = arith.index_cast %mul3A_159 : i32 to index
      %swap3A_321 = arith.constant 176 : index
      %swap3A_322 = tpu.vector_load %arg16[%swap3A_320, %swap3A_321] {strides = array<i32>} : memref<128x256xf32, #tpu.memory_space<vmem>>, vector<1x16xf32>,
      %swap3A_323 = vector.shape_cast %swap3A_322 : vector<1x16xf32> to vector<16xf32>
      %swap3A_324 = vector.shape_cast %mul3A_319 : vector<16xf32> to vector<1x16xf32>
      tpu.vector_store %arg16[%swap3A_320, %swap3A_321], %swap3A_324 {strides = array<i32>} : memref<128x256xf32, #tpu.memory_space<vmem>>, vector<1x16xf32>,
      %mul3A_325 = arith.mulf %while3A_221#7, %div3A_231 : vector<16xf32>
      %swap3A_326 = arith.index_cast %mul3A_159 : i32 to index
      %swap3A_327 = arith.constant 240 : index
      %swap3A_328 = tpu.vector_load %arg16[%swap3A_326, %swap3A_327] {strides = array<i32>} : memref<128x256xf32, #tpu.memory_space<vmem>>, vector<1x16xf32>,
      %swap3A_329 = vector.shape_cast %swap3A_328 : vector<1x16xf32> to vector<16xf32>
      %swap3A_330 = vector.shape_cast %mul3A_325 : vector<16xf32> to vector<1x16xf32>
      tpu.vector_store %arg16[%swap3A_326, %swap3A_327], %swap3A_330 {strides = array<i32>} : memref<128x256xf32, #tpu.memory_space<vmem>>, vector<1x16xf32>,
      %add3A_331 = arith.constant 1 : i32
      %add3A_332 = arith.addi %mul3A_159, %add3A_331 : i32
      %get3A_333 = arith.index_cast %add3A_332 : i32 to index
      %get3A_334 = tpu.vector_load %arg10[%get3A_333] {strides = array<i32>} : memref<144xi32, #tpu.memory_space<vmem>>, vector<16xi32>,
      %get3A_335 = vector.shape_cast %get3A_334 : vector<16xi32> to vector<16xi32>
      %slice3A_336 = vector.extract_strided_slice %get3A_335 {offsets = [0], sizes = [1], strides = [1]} : vector<16xi32> to vector<1xi32>
      %squeeze3A_337 = vector.extract %slice3A_336[0] : i32 from vector<1xi32>
      %get3A_338 = arith.index_cast %add3A_332 : i32 to index
      %get3A_339 = tpu.vector_load %arg11[%get3A_338] {strides = array<i32>} : memref<144xi32, #tpu.memory_space<vmem>>, vector<16xi32>,
      %get3A_340 = vector.shape_cast %get3A_339 : vector<16xi32> to vector<16xi32>
      %slice3A_341 = vector.extract_strided_slice %get3A_340 {offsets = [0], sizes = [1], strides = [1]} : vector<16xi32> to vector<1xi32>
      %squeeze3A_342 = vector.extract %slice3A_341[0] : i32 from vector<1xi32>
      %div3A_343 = arith.constant 4 : i32
      %div3A_344 = arith.divsi %squeeze3A_337, %div3A_343 : i32
      %broadcast_in_dim3A_345 = arith.constant -1.000000e+30 : f32
      %broadcast_in_dim3A_346 = vector.broadcast %broadcast_in_dim3A_345 : f32 to vector<16xf32>
      %broadcast_in_dim3A_347 = arith.constant 0.000000e+00 : f32
      %broadcast_in_dim3A_348 = vector.broadcast %broadcast_in_dim3A_347 : f32 to vector<16xf32>
      %while3A_349 = arith.constant 0 : i32
      %while3A_350 = arith.subi %div3A_344, %while3A_349 : i32
      %while3A_351 = arith.addi %while3A_349, %while3A_350 : i32
      %while3A_352 = arith.constant 1 : i32
      %while3A_353 = arith.divsi %while3A_350, %while3A_352 : i32
      %while3A_354 = arith.muli %while3A_353, %while3A_352 : i32
      %while3A_355 = arith.addi %while3A_349, %while3A_354 : i32
      %while3A_356 = arith.constant 1 : i32
      %while3A_357:8 = scf.for %while3A_938 = %while3A_349 to %while3A_355 step %while3A_356 iter_args(%while3A_939 = %broadcast_in_dim3A_346, %while3A_940 = %broadcast_in_dim3A_346, %while3A_941 = %broadcast_in_dim3A_346, %while3A_942 = %broadcast_in_dim3A_346, %while3A_943 = %broadcast_in_dim3A_348, %while3A_944 = %broadcast_in_dim3A_348, %while3A_945 = %broadcast_in_dim3A_348, %while3A_946 = %broadcast_in_dim3A_348) -> (vector<16xf32>, vector<16xf32>, vector<16xf32>, vector<16xf32>, vector<16xf32>, vector<16xf32>, vector<16xf32>, vector<16xf32>)  : i32 {
        %mul3A_947 = arith.constant 4 : i32
        %mul3A_948 = arith.muli %mul3A_947, %while3A_938 : i32
        %add3A_949 = arith.constant 24 : i32
        %add3A_950 = arith.addi %add3A_949, %mul3A_948 : i32
        %add3A_951 = arith.constant 0 : i32
        %add3A_952 = arith.addi %add3A_950, %add3A_951 : i32
        %get3A_953 = arith.index_cast %add3A_952 : i32 to index
        %get3A_954 = arith.constant 0 : index
        %get3A_955 = tpu.vector_load %arg12[%get3A_953, %get3A_954] {strides = array<i32>} : memref<48x64xf32, #tpu.memory_space<vmem>>, vector<1x16xf32>,
        %get3A_956 = vector.shape_cast %get3A_955 : vector<1x16xf32> to vector<16xf32>
        %get3A_957 = arith.index_cast %add3A_952 : i32 to index
        %get3A_958 = arith.constant 16 : index
        %get3A_959 = tpu.vector_load %arg12[%get3A_957, %get3A_958] {strides = array<i32>} : memref<48x64xf32, #tpu.memory_space<vmem>>, vector<1x16xf32>,
        %get3A_960 = vector.shape_cast %get3A_959 : vector<1x16xf32> to vector<16xf32>
        %get3A_961 = arith.index_cast %add3A_952 : i32 to index
        %get3A_962 = arith.constant 32 : index
        %get3A_963 = tpu.vector_load %arg12[%get3A_961, %get3A_962] {strides = array<i32>} : memref<48x64xf32, #tpu.memory_space<vmem>>, vector<1x16xf32>,
        %get3A_964 = vector.shape_cast %get3A_963 : vector<1x16xf32> to vector<16xf32>
        %get3A_965 = arith.index_cast %add3A_952 : i32 to index
        %get3A_966 = arith.constant 48 : index
        %get3A_967 = tpu.vector_load %arg12[%get3A_965, %get3A_966] {strides = array<i32>} : memref<48x64xf32, #tpu.memory_space<vmem>>, vector<1x16xf32>,
        %get3A_968 = vector.shape_cast %get3A_967 : vector<1x16xf32> to vector<16xf32>
        %max3A_969 = arith.maximumf %while3A_939, %get3A_956 : vector<16xf32>
        %max3A_970 = arith.maximumf %while3A_940, %get3A_960 : vector<16xf32>
        %max3A_971 = arith.maximumf %while3A_941, %get3A_964 : vector<16xf32>
        %max3A_972 = arith.maximumf %while3A_942, %get3A_968 : vector<16xf32>
        %add3A_973 = arith.addf %while3A_943, %get3A_956 : vector<16xf32>
        %add3A_974 = arith.addf %while3A_944, %get3A_960 : vector<16xf32>
        %add3A_975 = arith.addf %while3A_945, %get3A_964 : vector<16xf32>
        %add3A_976 = arith.addf %while3A_946, %get3A_968 : vector<16xf32>
        %add3A_977 = arith.constant 1 : i32
        %add3A_978 = arith.addi %add3A_950, %add3A_977 : i32
        %get3A_979 = arith.index_cast %add3A_978 : i32 to index
        %get3A_980 = arith.constant 0 : index
        %get3A_981 = tpu.vector_load %arg12[%get3A_979, %get3A_980] {strides = array<i32>} : memref<48x64xf32, #tpu.memory_space<vmem>>, vector<1x16xf32>,
        %get3A_982 = vector.shape_cast %get3A_981 : vector<1x16xf32> to vector<16xf32>
        %get3A_983 = arith.index_cast %add3A_978 : i32 to index
        %get3A_984 = arith.constant 16 : index
        %get3A_985 = tpu.vector_load %arg12[%get3A_983, %get3A_984] {strides = array<i32>} : memref<48x64xf32, #tpu.memory_space<vmem>>, vector<1x16xf32>,
        %get3A_986 = vector.shape_cast %get3A_985 : vector<1x16xf32> to vector<16xf32>
        %get3A_987 = arith.index_cast %add3A_978 : i32 to index
        %get3A_988 = arith.constant 32 : index
        %get3A_989 = tpu.vector_load %arg12[%get3A_987, %get3A_988] {strides = array<i32>} : memref<48x64xf32, #tpu.memory_space<vmem>>, vector<1x16xf32>,
        %get3A_990 = vector.shape_cast %get3A_989 : vector<1x16xf32> to vector<16xf32>
        %get3A_991 = arith.index_cast %add3A_978 : i32 to index
        %get3A_992 = arith.constant 48 : index
        %get3A_993 = tpu.vector_load %arg12[%get3A_991, %get3A_992] {strides = array<i32>} : memref<48x64xf32, #tpu.memory_space<vmem>>, vector<1x16xf32>,
        %get3A_994 = vector.shape_cast %get3A_993 : vector<1x16xf32> to vector<16xf32>
        %max3A_995 = arith.maximumf %max3A_969, %get3A_982 : vector<16xf32>
        %max3A_996 = arith.maximumf %max3A_970, %get3A_986 : vector<16xf32>
        %max3A_997 = arith.maximumf %max3A_971, %get3A_990 : vector<16xf32>
        %max3A_998 = arith.maximumf %max3A_972, %get3A_994 : vector<16xf32>
        %add3A_999 = arith.addf %add3A_973, %get3A_982 : vector<16xf32>
        %add3A_1000 = arith.addf %add3A_974, %get3A_986 : vector<16xf32>
        %add3A_1001 = arith.addf %add3A_975, %get3A_990 : vector<16xf32>
        %add3A_1002 = arith.addf %add3A_976, %get3A_994 : vector<16xf32>
        %add3A_1003 = arith.constant 2 : i32
        %add3A_1004 = arith.addi %add3A_950, %add3A_1003 : i32
        %get3A_1005 = arith.index_cast %add3A_1004 : i32 to index
        %get3A_1006 = arith.constant 0 : index
        %get3A_1007 = tpu.vector_load %arg12[%get3A_1005, %get3A_1006] {strides = array<i32>} : memref<48x64xf32, #tpu.memory_space<vmem>>, vector<1x16xf32>,
        %get3A_1008 = vector.shape_cast %get3A_1007 : vector<1x16xf32> to vector<16xf32>
        %get3A_1009 = arith.index_cast %add3A_1004 : i32 to index
        %get3A_1010 = arith.constant 16 : index
        %get3A_1011 = tpu.vector_load %arg12[%get3A_1009, %get3A_1010] {strides = array<i32>} : memref<48x64xf32, #tpu.memory_space<vmem>>, vector<1x16xf32>,
        %get3A_1012 = vector.shape_cast %get3A_1011 : vector<1x16xf32> to vector<16xf32>
        %get3A_1013 = arith.index_cast %add3A_1004 : i32 to index
        %get3A_1014 = arith.constant 32 : index
        %get3A_1015 = tpu.vector_load %arg12[%get3A_1013, %get3A_1014] {strides = array<i32>} : memref<48x64xf32, #tpu.memory_space<vmem>>, vector<1x16xf32>,
        %get3A_1016 = vector.shape_cast %get3A_1015 : vector<1x16xf32> to vector<16xf32>
        %get3A_1017 = arith.index_cast %add3A_1004 : i32 to index
        %get3A_1018 = arith.constant 48 : index
        %get3A_1019 = tpu.vector_load %arg12[%get3A_1017, %get3A_1018] {strides = array<i32>} : memref<48x64xf32, #tpu.memory_space<vmem>>, vector<1x16xf32>,
        %get3A_1020 = vector.shape_cast %get3A_1019 : vector<1x16xf32> to vector<16xf32>
        %max3A_1021 = arith.maximumf %max3A_995, %get3A_1008 : vector<16xf32>
        %max3A_1022 = arith.maximumf %max3A_996, %get3A_1012 : vector<16xf32>
        %max3A_1023 = arith.maximumf %max3A_997, %get3A_1016 : vector<16xf32>
        %max3A_1024 = arith.maximumf %max3A_998, %get3A_1020 : vector<16xf32>
        %add3A_1025 = arith.addf %add3A_999, %get3A_1008 : vector<16xf32>
        %add3A_1026 = arith.addf %add3A_1000, %get3A_1012 : vector<16xf32>
        %add3A_1027 = arith.addf %add3A_1001, %get3A_1016 : vector<16xf32>
        %add3A_1028 = arith.addf %add3A_1002, %get3A_1020 : vector<16xf32>
        %add3A_1029 = arith.constant 3 : i32
        %add3A_1030 = arith.addi %add3A_950, %add3A_1029 : i32
        %get3A_1031 = arith.index_cast %add3A_1030 : i32 to index
        %get3A_1032 = arith.constant 0 : index
        %get3A_1033 = tpu.vector_load %arg12[%get3A_1031, %get3A_1032] {strides = array<i32>} : memref<48x64xf32, #tpu.memory_space<vmem>>, vector<1x16xf32>,
        %get3A_1034 = vector.shape_cast %get3A_1033 : vector<1x16xf32> to vector<16xf32>
        %get3A_1035 = arith.index_cast %add3A_1030 : i32 to index
        %get3A_1036 = arith.constant 16 : index
        %get3A_1037 = tpu.vector_load %arg12[%get3A_1035, %get3A_1036] {strides = array<i32>} : memref<48x64xf32, #tpu.memory_space<vmem>>, vector<1x16xf32>,
        %get3A_1038 = vector.shape_cast %get3A_1037 : vector<1x16xf32> to vector<16xf32>
        %get3A_1039 = arith.index_cast %add3A_1030 : i32 to index
        %get3A_1040 = arith.constant 32 : index
        %get3A_1041 = tpu.vector_load %arg12[%get3A_1039, %get3A_1040] {strides = array<i32>} : memref<48x64xf32, #tpu.memory_space<vmem>>, vector<1x16xf32>,
        %get3A_1042 = vector.shape_cast %get3A_1041 : vector<1x16xf32> to vector<16xf32>
        %get3A_1043 = arith.index_cast %add3A_1030 : i32 to index
        %get3A_1044 = arith.constant 48 : index
        %get3A_1045 = tpu.vector_load %arg12[%get3A_1043, %get3A_1044] {strides = array<i32>} : memref<48x64xf32, #tpu.memory_space<vmem>>, vector<1x16xf32>,
        %get3A_1046 = vector.shape_cast %get3A_1045 : vector<1x16xf32> to vector<16xf32>
        %max3A_1047 = arith.maximumf %max3A_1021, %get3A_1034 : vector<16xf32>
        %max3A_1048 = arith.maximumf %max3A_1022, %get3A_1038 : vector<16xf32>
        %max3A_1049 = arith.maximumf %max3A_1023, %get3A_1042 : vector<16xf32>
        %max3A_1050 = arith.maximumf %max3A_1024, %get3A_1046 : vector<16xf32>
        %add3A_1051 = arith.addf %add3A_1025, %get3A_1034 : vector<16xf32>
        %add3A_1052 = arith.addf %add3A_1026, %get3A_1038 : vector<16xf32>
        %add3A_1053 = arith.addf %add3A_1027, %get3A_1042 : vector<16xf32>
        %add3A_1054 = arith.addf %add3A_1028, %get3A_1046 : vector<16xf32>
        scf.yield %max3A_1047, %max3A_1048, %max3A_1049, %max3A_1050, %add3A_1051, %add3A_1052, %add3A_1053, %add3A_1054 : vector<16xf32>, vector<16xf32>, vector<16xf32>, vector<16xf32>, vector<16xf32>, vector<16xf32>, vector<16xf32>, vector<16xf32>
      }
      %while3A_358 = arith.constant 1 : i32
      %while3A_359:8 = scf.for %while3A_938 = %while3A_355 to %while3A_351 step %while3A_358 iter_args(%while3A_939 = %while3A_357#0, %while3A_940 = %while3A_357#1, %while3A_941 = %while3A_357#2, %while3A_942 = %while3A_357#3, %while3A_943 = %while3A_357#4, %while3A_944 = %while3A_357#5, %while3A_945 = %while3A_357#6, %while3A_946 = %while3A_357#7) -> (vector<16xf32>, vector<16xf32>, vector<16xf32>, vector<16xf32>, vector<16xf32>, vector<16xf32>, vector<16xf32>, vector<16xf32>)  : i32 {
        %mul3A_947 = arith.constant 4 : i32
        %mul3A_948 = arith.muli %mul3A_947, %while3A_938 : i32
        %add3A_949 = arith.constant 24 : i32
        %add3A_950 = arith.addi %add3A_949, %mul3A_948 : i32
        %add3A_951 = arith.constant 0 : i32
        %add3A_952 = arith.addi %add3A_950, %add3A_951 : i32
        %get3A_953 = arith.index_cast %add3A_952 : i32 to index
        %get3A_954 = arith.constant 0 : index
        %get3A_955 = tpu.vector_load %arg12[%get3A_953, %get3A_954] {strides = array<i32>} : memref<48x64xf32, #tpu.memory_space<vmem>>, vector<1x16xf32>,
        %get3A_956 = vector.shape_cast %get3A_955 : vector<1x16xf32> to vector<16xf32>
        %get3A_957 = arith.index_cast %add3A_952 : i32 to index
        %get3A_958 = arith.constant 16 : index
        %get3A_959 = tpu.vector_load %arg12[%get3A_957, %get3A_958] {strides = array<i32>} : memref<48x64xf32, #tpu.memory_space<vmem>>, vector<1x16xf32>,
        %get3A_960 = vector.shape_cast %get3A_959 : vector<1x16xf32> to vector<16xf32>
        %get3A_961 = arith.index_cast %add3A_952 : i32 to index
        %get3A_962 = arith.constant 32 : index
        %get3A_963 = tpu.vector_load %arg12[%get3A_961, %get3A_962] {strides = array<i32>} : memref<48x64xf32, #tpu.memory_space<vmem>>, vector<1x16xf32>,
        %get3A_964 = vector.shape_cast %get3A_963 : vector<1x16xf32> to vector<16xf32>
        %get3A_965 = arith.index_cast %add3A_952 : i32 to index
        %get3A_966 = arith.constant 48 : index
        %get3A_967 = tpu.vector_load %arg12[%get3A_965, %get3A_966] {strides = array<i32>} : memref<48x64xf32, #tpu.memory_space<vmem>>, vector<1x16xf32>,
        %get3A_968 = vector.shape_cast %get3A_967 : vector<1x16xf32> to vector<16xf32>
        %max3A_969 = arith.maximumf %while3A_939, %get3A_956 : vector<16xf32>
        %max3A_970 = arith.maximumf %while3A_940, %get3A_960 : vector<16xf32>
        %max3A_971 = arith.maximumf %while3A_941, %get3A_964 : vector<16xf32>
        %max3A_972 = arith.maximumf %while3A_942, %get3A_968 : vector<16xf32>
        %add3A_973 = arith.addf %while3A_943, %get3A_956 : vector<16xf32>
        %add3A_974 = arith.addf %while3A_944, %get3A_960 : vector<16xf32>
        %add3A_975 = arith.addf %while3A_945, %get3A_964 : vector<16xf32>
        %add3A_976 = arith.addf %while3A_946, %get3A_968 : vector<16xf32>
        %add3A_977 = arith.constant 1 : i32
        %add3A_978 = arith.addi %add3A_950, %add3A_977 : i32
        %get3A_979 = arith.index_cast %add3A_978 : i32 to index
        %get3A_980 = arith.constant 0 : index
        %get3A_981 = tpu.vector_load %arg12[%get3A_979, %get3A_980] {strides = array<i32>} : memref<48x64xf32, #tpu.memory_space<vmem>>, vector<1x16xf32>,
        %get3A_982 = vector.shape_cast %get3A_981 : vector<1x16xf32> to vector<16xf32>
        %get3A_983 = arith.index_cast %add3A_978 : i32 to index
        %get3A_984 = arith.constant 16 : index
        %get3A_985 = tpu.vector_load %arg12[%get3A_983, %get3A_984] {strides = array<i32>} : memref<48x64xf32, #tpu.memory_space<vmem>>, vector<1x16xf32>,
        %get3A_986 = vector.shape_cast %get3A_985 : vector<1x16xf32> to vector<16xf32>
        %get3A_987 = arith.index_cast %add3A_978 : i32 to index
        %get3A_988 = arith.constant 32 : index
        %get3A_989 = tpu.vector_load %arg12[%get3A_987, %get3A_988] {strides = array<i32>} : memref<48x64xf32, #tpu.memory_space<vmem>>, vector<1x16xf32>,
        %get3A_990 = vector.shape_cast %get3A_989 : vector<1x16xf32> to vector<16xf32>
        %get3A_991 = arith.index_cast %add3A_978 : i32 to index
        %get3A_992 = arith.constant 48 : index
        %get3A_993 = tpu.vector_load %arg12[%get3A_991, %get3A_992] {strides = array<i32>} : memref<48x64xf32, #tpu.memory_space<vmem>>, vector<1x16xf32>,
        %get3A_994 = vector.shape_cast %get3A_993 : vector<1x16xf32> to vector<16xf32>
        %max3A_995 = arith.maximumf %max3A_969, %get3A_982 : vector<16xf32>
        %max3A_996 = arith.maximumf %max3A_970, %get3A_986 : vector<16xf32>
        %max3A_997 = arith.maximumf %max3A_971, %get3A_990 : vector<16xf32>
        %max3A_998 = arith.maximumf %max3A_972, %get3A_994 : vector<16xf32>
        %add3A_999 = arith.addf %add3A_973, %get3A_982 : vector<16xf32>
        %add3A_1000 = arith.addf %add3A_974, %get3A_986 : vector<16xf32>
        %add3A_1001 = arith.addf %add3A_975, %get3A_990 : vector<16xf32>
        %add3A_1002 = arith.addf %add3A_976, %get3A_994 : vector<16xf32>
        %add3A_1003 = arith.constant 2 : i32
        %add3A_1004 = arith.addi %add3A_950, %add3A_1003 : i32
        %get3A_1005 = arith.index_cast %add3A_1004 : i32 to index
        %get3A_1006 = arith.constant 0 : index
        %get3A_1007 = tpu.vector_load %arg12[%get3A_1005, %get3A_1006] {strides = array<i32>} : memref<48x64xf32, #tpu.memory_space<vmem>>, vector<1x16xf32>,
        %get3A_1008 = vector.shape_cast %get3A_1007 : vector<1x16xf32> to vector<16xf32>
        %get3A_1009 = arith.index_cast %add3A_1004 : i32 to index
        %get3A_1010 = arith.constant 16 : index
        %get3A_1011 = tpu.vector_load %arg12[%get3A_1009, %get3A_1010] {strides = array<i32>} : memref<48x64xf32, #tpu.memory_space<vmem>>, vector<1x16xf32>,
        %get3A_1012 = vector.shape_cast %get3A_1011 : vector<1x16xf32> to vector<16xf32>
        %get3A_1013 = arith.index_cast %add3A_1004 : i32 to index
        %get3A_1014 = arith.constant 32 : index
        %get3A_1015 = tpu.vector_load %arg12[%get3A_1013, %get3A_1014] {strides = array<i32>} : memref<48x64xf32, #tpu.memory_space<vmem>>, vector<1x16xf32>,
        %get3A_1016 = vector.shape_cast %get3A_1015 : vector<1x16xf32> to vector<16xf32>
        %get3A_1017 = arith.index_cast %add3A_1004 : i32 to index
        %get3A_1018 = arith.constant 48 : index
        %get3A_1019 = tpu.vector_load %arg12[%get3A_1017, %get3A_1018] {strides = array<i32>} : memref<48x64xf32, #tpu.memory_space<vmem>>, vector<1x16xf32>,
        %get3A_1020 = vector.shape_cast %get3A_1019 : vector<1x16xf32> to vector<16xf32>
        %max3A_1021 = arith.maximumf %max3A_995, %get3A_1008 : vector<16xf32>
        %max3A_1022 = arith.maximumf %max3A_996, %get3A_1012 : vector<16xf32>
        %max3A_1023 = arith.maximumf %max3A_997, %get3A_1016 : vector<16xf32>
        %max3A_1024 = arith.maximumf %max3A_998, %get3A_1020 : vector<16xf32>
        %add3A_1025 = arith.addf %add3A_999, %get3A_1008 : vector<16xf32>
        %add3A_1026 = arith.addf %add3A_1000, %get3A_1012 : vector<16xf32>
        %add3A_1027 = arith.addf %add3A_1001, %get3A_1016 : vector<16xf32>
        %add3A_1028 = arith.addf %add3A_1002, %get3A_1020 : vector<16xf32>
        %add3A_1029 = arith.constant 3 : i32
        %add3A_1030 = arith.addi %add3A_950, %add3A_1029 : i32
        %get3A_1031 = arith.index_cast %add3A_1030 : i32 to index
        %get3A_1032 = arith.constant 0 : index
        %get3A_1033 = tpu.vector_load %arg12[%get3A_1031, %get3A_1032] {strides = array<i32>} : memref<48x64xf32, #tpu.memory_space<vmem>>, vector<1x16xf32>,
        %get3A_1034 = vector.shape_cast %get3A_1033 : vector<1x16xf32> to vector<16xf32>
        %get3A_1035 = arith.index_cast %add3A_1030 : i32 to index
        %get3A_1036 = arith.constant 16 : index
        %get3A_1037 = tpu.vector_load %arg12[%get3A_1035, %get3A_1036] {strides = array<i32>} : memref<48x64xf32, #tpu.memory_space<vmem>>, vector<1x16xf32>,
        %get3A_1038 = vector.shape_cast %get3A_1037 : vector<1x16xf32> to vector<16xf32>
        %get3A_1039 = arith.index_cast %add3A_1030 : i32 to index
        %get3A_1040 = arith.constant 32 : index
        %get3A_1041 = tpu.vector_load %arg12[%get3A_1039, %get3A_1040] {strides = array<i32>} : memref<48x64xf32, #tpu.memory_space<vmem>>, vector<1x16xf32>,
        %get3A_1042 = vector.shape_cast %get3A_1041 : vector<1x16xf32> to vector<16xf32>
        %get3A_1043 = arith.index_cast %add3A_1030 : i32 to index
        %get3A_1044 = arith.constant 48 : index
        %get3A_1045 = tpu.vector_load %arg12[%get3A_1043, %get3A_1044] {strides = array<i32>} : memref<48x64xf32, #tpu.memory_space<vmem>>, vector<1x16xf32>,
        %get3A_1046 = vector.shape_cast %get3A_1045 : vector<1x16xf32> to vector<16xf32>
        %max3A_1047 = arith.maximumf %max3A_1021, %get3A_1034 : vector<16xf32>
        %max3A_1048 = arith.maximumf %max3A_1022, %get3A_1038 : vector<16xf32>
        %max3A_1049 = arith.maximumf %max3A_1023, %get3A_1042 : vector<16xf32>
        %max3A_1050 = arith.maximumf %max3A_1024, %get3A_1046 : vector<16xf32>
        %add3A_1051 = arith.addf %add3A_1025, %get3A_1034 : vector<16xf32>
        %add3A_1052 = arith.addf %add3A_1026, %get3A_1038 : vector<16xf32>
        %add3A_1053 = arith.addf %add3A_1027, %get3A_1042 : vector<16xf32>
        %add3A_1054 = arith.addf %add3A_1028, %get3A_1046 : vector<16xf32>
        scf.yield %max3A_1047, %max3A_1048, %max3A_1049, %max3A_1050, %add3A_1051, %add3A_1052, %add3A_1053, %add3A_1054 : vector<16xf32>, vector<16xf32>, vector<16xf32>, vector<16xf32>, vector<16xf32>, vector<16xf32>, vector<16xf32>, vector<16xf32>
      }
      %mul3A_360 = arith.constant 4 : i32
      %mul3A_361 = arith.muli %mul3A_360, %div3A_344 : i32
      %while3A_362 = arith.subi %squeeze3A_337, %mul3A_361 : i32
      %while3A_363 = arith.addi %mul3A_361, %while3A_362 : i32
      %while3A_364 = arith.constant 1 : i32
      %while3A_365 = arith.divsi %while3A_362, %while3A_364 : i32
      %while3A_366 = arith.muli %while3A_365, %while3A_364 : i32
      %while3A_367 = arith.addi %mul3A_361, %while3A_366 : i32
      %while3A_368 = arith.constant 1 : i32
      %while3A_369:8 = scf.for %while3A_938 = %mul3A_361 to %while3A_367 step %while3A_368 iter_args(%while3A_939 = %while3A_359#0, %while3A_940 = %while3A_359#1, %while3A_941 = %while3A_359#2, %while3A_942 = %while3A_359#3, %while3A_943 = %while3A_359#4, %while3A_944 = %while3A_359#5, %while3A_945 = %while3A_359#6, %while3A_946 = %while3A_359#7) -> (vector<16xf32>, vector<16xf32>, vector<16xf32>, vector<16xf32>, vector<16xf32>, vector<16xf32>, vector<16xf32>, vector<16xf32>)  : i32 {
        %add3A_947 = arith.constant 24 : i32
        %add3A_948 = arith.addi %add3A_947, %while3A_938 : i32
        %get3A_949 = arith.index_cast %add3A_948 : i32 to index
        %get3A_950 = arith.constant 0 : index
        %get3A_951 = tpu.vector_load %arg12[%get3A_949, %get3A_950] {strides = array<i32>} : memref<48x64xf32, #tpu.memory_space<vmem>>, vector<1x16xf32>,
        %get3A_952 = vector.shape_cast %get3A_951 : vector<1x16xf32> to vector<16xf32>
        %get3A_953 = arith.index_cast %add3A_948 : i32 to index
        %get3A_954 = arith.constant 16 : index
        %get3A_955 = tpu.vector_load %arg12[%get3A_953, %get3A_954] {strides = array<i32>} : memref<48x64xf32, #tpu.memory_space<vmem>>, vector<1x16xf32>,
        %get3A_956 = vector.shape_cast %get3A_955 : vector<1x16xf32> to vector<16xf32>
        %get3A_957 = arith.index_cast %add3A_948 : i32 to index
        %get3A_958 = arith.constant 32 : index
        %get3A_959 = tpu.vector_load %arg12[%get3A_957, %get3A_958] {strides = array<i32>} : memref<48x64xf32, #tpu.memory_space<vmem>>, vector<1x16xf32>,
        %get3A_960 = vector.shape_cast %get3A_959 : vector<1x16xf32> to vector<16xf32>
        %get3A_961 = arith.index_cast %add3A_948 : i32 to index
        %get3A_962 = arith.constant 48 : index
        %get3A_963 = tpu.vector_load %arg12[%get3A_961, %get3A_962] {strides = array<i32>} : memref<48x64xf32, #tpu.memory_space<vmem>>, vector<1x16xf32>,
        %get3A_964 = vector.shape_cast %get3A_963 : vector<1x16xf32> to vector<16xf32>
        %max3A_965 = arith.maximumf %while3A_939, %get3A_952 : vector<16xf32>
        %max3A_966 = arith.maximumf %while3A_940, %get3A_956 : vector<16xf32>
        %max3A_967 = arith.maximumf %while3A_941, %get3A_960 : vector<16xf32>
        %max3A_968 = arith.maximumf %while3A_942, %get3A_964 : vector<16xf32>
        %add3A_969 = arith.addf %while3A_943, %get3A_952 : vector<16xf32>
        %add3A_970 = arith.addf %while3A_944, %get3A_956 : vector<16xf32>
        %add3A_971 = arith.addf %while3A_945, %get3A_960 : vector<16xf32>
        %add3A_972 = arith.addf %while3A_946, %get3A_964 : vector<16xf32>
        scf.yield %max3A_965, %max3A_966, %max3A_967, %max3A_968, %add3A_969, %add3A_970, %add3A_971, %add3A_972 : vector<16xf32>, vector<16xf32>, vector<16xf32>, vector<16xf32>, vector<16xf32>, vector<16xf32>, vector<16xf32>, vector<16xf32>
      }
      %while3A_370 = arith.constant 1 : i32
      %while3A_371:8 = scf.for %while3A_938 = %while3A_367 to %while3A_363 step %while3A_370 iter_args(%while3A_939 = %while3A_369#0, %while3A_940 = %while3A_369#1, %while3A_941 = %while3A_369#2, %while3A_942 = %while3A_369#3, %while3A_943 = %while3A_369#4, %while3A_944 = %while3A_369#5, %while3A_945 = %while3A_369#6, %while3A_946 = %while3A_369#7) -> (vector<16xf32>, vector<16xf32>, vector<16xf32>, vector<16xf32>, vector<16xf32>, vector<16xf32>, vector<16xf32>, vector<16xf32>)  : i32 {
        %add3A_947 = arith.constant 24 : i32
        %add3A_948 = arith.addi %add3A_947, %while3A_938 : i32
        %get3A_949 = arith.index_cast %add3A_948 : i32 to index
        %get3A_950 = arith.constant 0 : index
        %get3A_951 = tpu.vector_load %arg12[%get3A_949, %get3A_950] {strides = array<i32>} : memref<48x64xf32, #tpu.memory_space<vmem>>, vector<1x16xf32>,
        %get3A_952 = vector.shape_cast %get3A_951 : vector<1x16xf32> to vector<16xf32>
        %get3A_953 = arith.index_cast %add3A_948 : i32 to index
        %get3A_954 = arith.constant 16 : index
        %get3A_955 = tpu.vector_load %arg12[%get3A_953, %get3A_954] {strides = array<i32>} : memref<48x64xf32, #tpu.memory_space<vmem>>, vector<1x16xf32>,
        %get3A_956 = vector.shape_cast %get3A_955 : vector<1x16xf32> to vector<16xf32>
        %get3A_957 = arith.index_cast %add3A_948 : i32 to index
        %get3A_958 = arith.constant 32 : index
        %get3A_959 = tpu.vector_load %arg12[%get3A_957, %get3A_958] {strides = array<i32>} : memref<48x64xf32, #tpu.memory_space<vmem>>, vector<1x16xf32>,
        %get3A_960 = vector.shape_cast %get3A_959 : vector<1x16xf32> to vector<16xf32>
        %get3A_961 = arith.index_cast %add3A_948 : i32 to index
        %get3A_962 = arith.constant 48 : index
        %get3A_963 = tpu.vector_load %arg12[%get3A_961, %get3A_962] {strides = array<i32>} : memref<48x64xf32, #tpu.memory_space<vmem>>, vector<1x16xf32>,
        %get3A_964 = vector.shape_cast %get3A_963 : vector<1x16xf32> to vector<16xf32>
        %max3A_965 = arith.maximumf %while3A_939, %get3A_952 : vector<16xf32>
        %max3A_966 = arith.maximumf %while3A_940, %get3A_956 : vector<16xf32>
        %max3A_967 = arith.maximumf %while3A_941, %get3A_960 : vector<16xf32>
        %max3A_968 = arith.maximumf %while3A_942, %get3A_964 : vector<16xf32>
        %add3A_969 = arith.addf %while3A_943, %get3A_952 : vector<16xf32>
        %add3A_970 = arith.addf %while3A_944, %get3A_956 : vector<16xf32>
        %add3A_971 = arith.addf %while3A_945, %get3A_960 : vector<16xf32>
        %add3A_972 = arith.addf %while3A_946, %get3A_964 : vector<16xf32>
        scf.yield %max3A_965, %max3A_966, %max3A_967, %max3A_968, %add3A_969, %add3A_970, %add3A_971, %add3A_972 : vector<16xf32>, vector<16xf32>, vector<16xf32>, vector<16xf32>, vector<16xf32>, vector<16xf32>, vector<16xf32>, vector<16xf32>
      }
      %div3A_372 = arith.constant 8 : i32
      %div3A_373 = arith.divsi %squeeze3A_342, %div3A_372 : i32
      %broadcast_in_dim3A_374 = arith.constant -1.000000e+30 : f32
      %broadcast_in_dim3A_375 = vector.broadcast %broadcast_in_dim3A_374 : f32 to vector<16xf32>
      %broadcast_in_dim3A_376 = arith.constant 0.000000e+00 : f32
      %broadcast_in_dim3A_377 = vector.broadcast %broadcast_in_dim3A_376 : f32 to vector<16xf32>
      %while3A_378 = arith.constant 0 : i32
      %while3A_379 = arith.subi %div3A_373, %while3A_378 : i32
      %while3A_380 = arith.addi %while3A_378, %while3A_379 : i32
      %while3A_381 = arith.constant 1 : i32
      %while3A_382 = arith.divsi %while3A_379, %while3A_381 : i32
      %while3A_383 = arith.muli %while3A_382, %while3A_381 : i32
      %while3A_384 = arith.addi %while3A_378, %while3A_383 : i32
      %while3A_385 = arith.constant 1 : i32
      %while3A_386:8 = scf.for %while3A_938 = %while3A_378 to %while3A_384 step %while3A_385 iter_args(%while3A_939 = %broadcast_in_dim3A_375, %while3A_940 = %broadcast_in_dim3A_375, %while3A_941 = %broadcast_in_dim3A_375, %while3A_942 = %broadcast_in_dim3A_375, %while3A_943 = %broadcast_in_dim3A_377, %while3A_944 = %broadcast_in_dim3A_377, %while3A_945 = %broadcast_in_dim3A_377, %while3A_946 = %broadcast_in_dim3A_377) -> (vector<16xf32>, vector<16xf32>, vector<16xf32>, vector<16xf32>, vector<16xf32>, vector<16xf32>, vector<16xf32>, vector<16xf32>)  : i32 {
        %mul3A_947 = arith.constant 8 : i32
        %mul3A_948 = arith.muli %mul3A_947, %while3A_938 : i32
        %add3A_949 = arith.constant 200 : i32
        %add3A_950 = arith.addi %add3A_949, %mul3A_948 : i32
        %add3A_951 = arith.constant 0 : i32
        %add3A_952 = arith.addi %add3A_950, %add3A_951 : i32
        %get3A_953 = arith.index_cast %add3A_952 : i32 to index
        %get3A_954 = arith.constant 0 : index
        %get3A_955 = tpu.vector_load %arg13[%get3A_953, %get3A_954] {strides = array<i32>} : memref<400x64xf32, #tpu.memory_space<vmem>>, vector<1x16xf32>,
        %get3A_956 = vector.shape_cast %get3A_955 : vector<1x16xf32> to vector<16xf32>
        %get3A_957 = arith.index_cast %add3A_952 : i32 to index
        %get3A_958 = arith.constant 16 : index
        %get3A_959 = tpu.vector_load %arg13[%get3A_957, %get3A_958] {strides = array<i32>} : memref<400x64xf32, #tpu.memory_space<vmem>>, vector<1x16xf32>,
        %get3A_960 = vector.shape_cast %get3A_959 : vector<1x16xf32> to vector<16xf32>
        %get3A_961 = arith.index_cast %add3A_952 : i32 to index
        %get3A_962 = arith.constant 32 : index
        %get3A_963 = tpu.vector_load %arg13[%get3A_961, %get3A_962] {strides = array<i32>} : memref<400x64xf32, #tpu.memory_space<vmem>>, vector<1x16xf32>,
        %get3A_964 = vector.shape_cast %get3A_963 : vector<1x16xf32> to vector<16xf32>
        %get3A_965 = arith.index_cast %add3A_952 : i32 to index
        %get3A_966 = arith.constant 48 : index
        %get3A_967 = tpu.vector_load %arg13[%get3A_965, %get3A_966] {strides = array<i32>} : memref<400x64xf32, #tpu.memory_space<vmem>>, vector<1x16xf32>,
        %get3A_968 = vector.shape_cast %get3A_967 : vector<1x16xf32> to vector<16xf32>
        %max3A_969 = arith.maximumf %while3A_939, %get3A_956 : vector<16xf32>
        %max3A_970 = arith.maximumf %while3A_940, %get3A_960 : vector<16xf32>
        %max3A_971 = arith.maximumf %while3A_941, %get3A_964 : vector<16xf32>
        %max3A_972 = arith.maximumf %while3A_942, %get3A_968 : vector<16xf32>
        %add3A_973 = arith.addf %while3A_943, %get3A_956 : vector<16xf32>
        %add3A_974 = arith.addf %while3A_944, %get3A_960 : vector<16xf32>
        %add3A_975 = arith.addf %while3A_945, %get3A_964 : vector<16xf32>
        %add3A_976 = arith.addf %while3A_946, %get3A_968 : vector<16xf32>
        %add3A_977 = arith.constant 1 : i32
        %add3A_978 = arith.addi %add3A_950, %add3A_977 : i32
        %get3A_979 = arith.index_cast %add3A_978 : i32 to index
        %get3A_980 = arith.constant 0 : index
        %get3A_981 = tpu.vector_load %arg13[%get3A_979, %get3A_980] {strides = array<i32>} : memref<400x64xf32, #tpu.memory_space<vmem>>, vector<1x16xf32>,
        %get3A_982 = vector.shape_cast %get3A_981 : vector<1x16xf32> to vector<16xf32>
        %get3A_983 = arith.index_cast %add3A_978 : i32 to index
        %get3A_984 = arith.constant 16 : index
        %get3A_985 = tpu.vector_load %arg13[%get3A_983, %get3A_984] {strides = array<i32>} : memref<400x64xf32, #tpu.memory_space<vmem>>, vector<1x16xf32>,
        %get3A_986 = vector.shape_cast %get3A_985 : vector<1x16xf32> to vector<16xf32>
        %get3A_987 = arith.index_cast %add3A_978 : i32 to index
        %get3A_988 = arith.constant 32 : index
        %get3A_989 = tpu.vector_load %arg13[%get3A_987, %get3A_988] {strides = array<i32>} : memref<400x64xf32, #tpu.memory_space<vmem>>, vector<1x16xf32>,
        %get3A_990 = vector.shape_cast %get3A_989 : vector<1x16xf32> to vector<16xf32>
        %get3A_991 = arith.index_cast %add3A_978 : i32 to index
        %get3A_992 = arith.constant 48 : index
        %get3A_993 = tpu.vector_load %arg13[%get3A_991, %get3A_992] {strides = array<i32>} : memref<400x64xf32, #tpu.memory_space<vmem>>, vector<1x16xf32>,
        %get3A_994 = vector.shape_cast %get3A_993 : vector<1x16xf32> to vector<16xf32>
        %max3A_995 = arith.maximumf %max3A_969, %get3A_982 : vector<16xf32>
        %max3A_996 = arith.maximumf %max3A_970, %get3A_986 : vector<16xf32>
        %max3A_997 = arith.maximumf %max3A_971, %get3A_990 : vector<16xf32>
        %max3A_998 = arith.maximumf %max3A_972, %get3A_994 : vector<16xf32>
        %add3A_999 = arith.addf %add3A_973, %get3A_982 : vector<16xf32>
        %add3A_1000 = arith.addf %add3A_974, %get3A_986 : vector<16xf32>
        %add3A_1001 = arith.addf %add3A_975, %get3A_990 : vector<16xf32>
        %add3A_1002 = arith.addf %add3A_976, %get3A_994 : vector<16xf32>
        %add3A_1003 = arith.constant 2 : i32
        %add3A_1004 = arith.addi %add3A_950, %add3A_1003 : i32
        %get3A_1005 = arith.index_cast %add3A_1004 : i32 to index
        %get3A_1006 = arith.constant 0 : index
        %get3A_1007 = tpu.vector_load %arg13[%get3A_1005, %get3A_1006] {strides = array<i32>} : memref<400x64xf32, #tpu.memory_space<vmem>>, vector<1x16xf32>,
        %get3A_1008 = vector.shape_cast %get3A_1007 : vector<1x16xf32> to vector<16xf32>
        %get3A_1009 = arith.index_cast %add3A_1004 : i32 to index
        %get3A_1010 = arith.constant 16 : index
        %get3A_1011 = tpu.vector_load %arg13[%get3A_1009, %get3A_1010] {strides = array<i32>} : memref<400x64xf32, #tpu.memory_space<vmem>>, vector<1x16xf32>,
        %get3A_1012 = vector.shape_cast %get3A_1011 : vector<1x16xf32> to vector<16xf32>
        %get3A_1013 = arith.index_cast %add3A_1004 : i32 to index
        %get3A_1014 = arith.constant 32 : index
        %get3A_1015 = tpu.vector_load %arg13[%get3A_1013, %get3A_1014] {strides = array<i32>} : memref<400x64xf32, #tpu.memory_space<vmem>>, vector<1x16xf32>,
        %get3A_1016 = vector.shape_cast %get3A_1015 : vector<1x16xf32> to vector<16xf32>
        %get3A_1017 = arith.index_cast %add3A_1004 : i32 to index
        %get3A_1018 = arith.constant 48 : index
        %get3A_1019 = tpu.vector_load %arg13[%get3A_1017, %get3A_1018] {strides = array<i32>} : memref<400x64xf32, #tpu.memory_space<vmem>>, vector<1x16xf32>,
        %get3A_1020 = vector.shape_cast %get3A_1019 : vector<1x16xf32> to vector<16xf32>
        %max3A_1021 = arith.maximumf %max3A_995, %get3A_1008 : vector<16xf32>
        %max3A_1022 = arith.maximumf %max3A_996, %get3A_1012 : vector<16xf32>
        %max3A_1023 = arith.maximumf %max3A_997, %get3A_1016 : vector<16xf32>
        %max3A_1024 = arith.maximumf %max3A_998, %get3A_1020 : vector<16xf32>
        %add3A_1025 = arith.addf %add3A_999, %get3A_1008 : vector<16xf32>
        %add3A_1026 = arith.addf %add3A_1000, %get3A_1012 : vector<16xf32>
        %add3A_1027 = arith.addf %add3A_1001, %get3A_1016 : vector<16xf32>
        %add3A_1028 = arith.addf %add3A_1002, %get3A_1020 : vector<16xf32>
        %add3A_1029 = arith.constant 3 : i32
        %add3A_1030 = arith.addi %add3A_950, %add3A_1029 : i32
        %get3A_1031 = arith.index_cast %add3A_1030 : i32 to index
        %get3A_1032 = arith.constant 0 : index
        %get3A_1033 = tpu.vector_load %arg13[%get3A_1031, %get3A_1032] {strides = array<i32>} : memref<400x64xf32, #tpu.memory_space<vmem>>, vector<1x16xf32>,
        %get3A_1034 = vector.shape_cast %get3A_1033 : vector<1x16xf32> to vector<16xf32>
        %get3A_1035 = arith.index_cast %add3A_1030 : i32 to index
        %get3A_1036 = arith.constant 16 : index
        %get3A_1037 = tpu.vector_load %arg13[%get3A_1035, %get3A_1036] {strides = array<i32>} : memref<400x64xf32, #tpu.memory_space<vmem>>, vector<1x16xf32>,
        %get3A_1038 = vector.shape_cast %get3A_1037 : vector<1x16xf32> to vector<16xf32>
        %get3A_1039 = arith.index_cast %add3A_1030 : i32 to index
        %get3A_1040 = arith.constant 32 : index
        %get3A_1041 = tpu.vector_load %arg13[%get3A_1039, %get3A_1040] {strides = array<i32>} : memref<400x64xf32, #tpu.memory_space<vmem>>, vector<1x16xf32>,
        %get3A_1042 = vector.shape_cast %get3A_1041 : vector<1x16xf32> to vector<16xf32>
        %get3A_1043 = arith.index_cast %add3A_1030 : i32 to index
        %get3A_1044 = arith.constant 48 : index
        %get3A_1045 = tpu.vector_load %arg13[%get3A_1043, %get3A_1044] {strides = array<i32>} : memref<400x64xf32, #tpu.memory_space<vmem>>, vector<1x16xf32>,
        %get3A_1046 = vector.shape_cast %get3A_1045 : vector<1x16xf32> to vector<16xf32>
        %max3A_1047 = arith.maximumf %max3A_1021, %get3A_1034 : vector<16xf32>
        %max3A_1048 = arith.maximumf %max3A_1022, %get3A_1038 : vector<16xf32>
        %max3A_1049 = arith.maximumf %max3A_1023, %get3A_1042 : vector<16xf32>
        %max3A_1050 = arith.maximumf %max3A_1024, %get3A_1046 : vector<16xf32>
        %add3A_1051 = arith.addf %add3A_1025, %get3A_1034 : vector<16xf32>
        %add3A_1052 = arith.addf %add3A_1026, %get3A_1038 : vector<16xf32>
        %add3A_1053 = arith.addf %add3A_1027, %get3A_1042 : vector<16xf32>
        %add3A_1054 = arith.addf %add3A_1028, %get3A_1046 : vector<16xf32>
        %add3A_1055 = arith.constant 4 : i32
        %add3A_1056 = arith.addi %add3A_950, %add3A_1055 : i32
        %get3A_1057 = arith.index_cast %add3A_1056 : i32 to index
        %get3A_1058 = arith.constant 0 : index
        %get3A_1059 = tpu.vector_load %arg13[%get3A_1057, %get3A_1058] {strides = array<i32>} : memref<400x64xf32, #tpu.memory_space<vmem>>, vector<1x16xf32>,
        %get3A_1060 = vector.shape_cast %get3A_1059 : vector<1x16xf32> to vector<16xf32>
        %get3A_1061 = arith.index_cast %add3A_1056 : i32 to index
        %get3A_1062 = arith.constant 16 : index
        %get3A_1063 = tpu.vector_load %arg13[%get3A_1061, %get3A_1062] {strides = array<i32>} : memref<400x64xf32, #tpu.memory_space<vmem>>, vector<1x16xf32>,
        %get3A_1064 = vector.shape_cast %get3A_1063 : vector<1x16xf32> to vector<16xf32>
        %get3A_1065 = arith.index_cast %add3A_1056 : i32 to index
        %get3A_1066 = arith.constant 32 : index
        %get3A_1067 = tpu.vector_load %arg13[%get3A_1065, %get3A_1066] {strides = array<i32>} : memref<400x64xf32, #tpu.memory_space<vmem>>, vector<1x16xf32>,
        %get3A_1068 = vector.shape_cast %get3A_1067 : vector<1x16xf32> to vector<16xf32>
        %get3A_1069 = arith.index_cast %add3A_1056 : i32 to index
        %get3A_1070 = arith.constant 48 : index
        %get3A_1071 = tpu.vector_load %arg13[%get3A_1069, %get3A_1070] {strides = array<i32>} : memref<400x64xf32, #tpu.memory_space<vmem>>, vector<1x16xf32>,
        %get3A_1072 = vector.shape_cast %get3A_1071 : vector<1x16xf32> to vector<16xf32>
        %max3A_1073 = arith.maximumf %max3A_1047, %get3A_1060 : vector<16xf32>
        %max3A_1074 = arith.maximumf %max3A_1048, %get3A_1064 : vector<16xf32>
        %max3A_1075 = arith.maximumf %max3A_1049, %get3A_1068 : vector<16xf32>
        %max3A_1076 = arith.maximumf %max3A_1050, %get3A_1072 : vector<16xf32>
        %add3A_1077 = arith.addf %add3A_1051, %get3A_1060 : vector<16xf32>
        %add3A_1078 = arith.addf %add3A_1052, %get3A_1064 : vector<16xf32>
        %add3A_1079 = arith.addf %add3A_1053, %get3A_1068 : vector<16xf32>
        %add3A_1080 = arith.addf %add3A_1054, %get3A_1072 : vector<16xf32>
        %add3A_1081 = arith.constant 5 : i32
        %add3A_1082 = arith.addi %add3A_950, %add3A_1081 : i32
        %get3A_1083 = arith.index_cast %add3A_1082 : i32 to index
        %get3A_1084 = arith.constant 0 : index
        %get3A_1085 = tpu.vector_load %arg13[%get3A_1083, %get3A_1084] {strides = array<i32>} : memref<400x64xf32, #tpu.memory_space<vmem>>, vector<1x16xf32>,
        %get3A_1086 = vector.shape_cast %get3A_1085 : vector<1x16xf32> to vector<16xf32>
        %get3A_1087 = arith.index_cast %add3A_1082 : i32 to index
        %get3A_1088 = arith.constant 16 : index
        %get3A_1089 = tpu.vector_load %arg13[%get3A_1087, %get3A_1088] {strides = array<i32>} : memref<400x64xf32, #tpu.memory_space<vmem>>, vector<1x16xf32>,
        %get3A_1090 = vector.shape_cast %get3A_1089 : vector<1x16xf32> to vector<16xf32>
        %get3A_1091 = arith.index_cast %add3A_1082 : i32 to index
        %get3A_1092 = arith.constant 32 : index
        %get3A_1093 = tpu.vector_load %arg13[%get3A_1091, %get3A_1092] {strides = array<i32>} : memref<400x64xf32, #tpu.memory_space<vmem>>, vector<1x16xf32>,
        %get3A_1094 = vector.shape_cast %get3A_1093 : vector<1x16xf32> to vector<16xf32>
        %get3A_1095 = arith.index_cast %add3A_1082 : i32 to index
        %get3A_1096 = arith.constant 48 : index
        %get3A_1097 = tpu.vector_load %arg13[%get3A_1095, %get3A_1096] {strides = array<i32>} : memref<400x64xf32, #tpu.memory_space<vmem>>, vector<1x16xf32>,
        %get3A_1098 = vector.shape_cast %get3A_1097 : vector<1x16xf32> to vector<16xf32>
        %max3A_1099 = arith.maximumf %max3A_1073, %get3A_1086 : vector<16xf32>
        %max3A_1100 = arith.maximumf %max3A_1074, %get3A_1090 : vector<16xf32>
        %max3A_1101 = arith.maximumf %max3A_1075, %get3A_1094 : vector<16xf32>
        %max3A_1102 = arith.maximumf %max3A_1076, %get3A_1098 : vector<16xf32>
        %add3A_1103 = arith.addf %add3A_1077, %get3A_1086 : vector<16xf32>
        %add3A_1104 = arith.addf %add3A_1078, %get3A_1090 : vector<16xf32>
        %add3A_1105 = arith.addf %add3A_1079, %get3A_1094 : vector<16xf32>
        %add3A_1106 = arith.addf %add3A_1080, %get3A_1098 : vector<16xf32>
        %add3A_1107 = arith.constant 6 : i32
        %add3A_1108 = arith.addi %add3A_950, %add3A_1107 : i32
        %get3A_1109 = arith.index_cast %add3A_1108 : i32 to index
        %get3A_1110 = arith.constant 0 : index
        %get3A_1111 = tpu.vector_load %arg13[%get3A_1109, %get3A_1110] {strides = array<i32>} : memref<400x64xf32, #tpu.memory_space<vmem>>, vector<1x16xf32>,
        %get3A_1112 = vector.shape_cast %get3A_1111 : vector<1x16xf32> to vector<16xf32>
        %get3A_1113 = arith.index_cast %add3A_1108 : i32 to index
        %get3A_1114 = arith.constant 16 : index
        %get3A_1115 = tpu.vector_load %arg13[%get3A_1113, %get3A_1114] {strides = array<i32>} : memref<400x64xf32, #tpu.memory_space<vmem>>, vector<1x16xf32>,
        %get3A_1116 = vector.shape_cast %get3A_1115 : vector<1x16xf32> to vector<16xf32>
        %get3A_1117 = arith.index_cast %add3A_1108 : i32 to index
        %get3A_1118 = arith.constant 32 : index
        %get3A_1119 = tpu.vector_load %arg13[%get3A_1117, %get3A_1118] {strides = array<i32>} : memref<400x64xf32, #tpu.memory_space<vmem>>, vector<1x16xf32>,
        %get3A_1120 = vector.shape_cast %get3A_1119 : vector<1x16xf32> to vector<16xf32>
        %get3A_1121 = arith.index_cast %add3A_1108 : i32 to index
        %get3A_1122 = arith.constant 48 : index
        %get3A_1123 = tpu.vector_load %arg13[%get3A_1121, %get3A_1122] {strides = array<i32>} : memref<400x64xf32, #tpu.memory_space<vmem>>, vector<1x16xf32>,
        %get3A_1124 = vector.shape_cast %get3A_1123 : vector<1x16xf32> to vector<16xf32>
        %max3A_1125 = arith.maximumf %max3A_1099, %get3A_1112 : vector<16xf32>
        %max3A_1126 = arith.maximumf %max3A_1100, %get3A_1116 : vector<16xf32>
        %max3A_1127 = arith.maximumf %max3A_1101, %get3A_1120 : vector<16xf32>
        %max3A_1128 = arith.maximumf %max3A_1102, %get3A_1124 : vector<16xf32>
        %add3A_1129 = arith.addf %add3A_1103, %get3A_1112 : vector<16xf32>
        %add3A_1130 = arith.addf %add3A_1104, %get3A_1116 : vector<16xf32>
        %add3A_1131 = arith.addf %add3A_1105, %get3A_1120 : vector<16xf32>
        %add3A_1132 = arith.addf %add3A_1106, %get3A_1124 : vector<16xf32>
        %add3A_1133 = arith.constant 7 : i32
        %add3A_1134 = arith.addi %add3A_950, %add3A_1133 : i32
        %get3A_1135 = arith.index_cast %add3A_1134 : i32 to index
        %get3A_1136 = arith.constant 0 : index
        %get3A_1137 = tpu.vector_load %arg13[%get3A_1135, %get3A_1136] {strides = array<i32>} : memref<400x64xf32, #tpu.memory_space<vmem>>, vector<1x16xf32>,
        %get3A_1138 = vector.shape_cast %get3A_1137 : vector<1x16xf32> to vector<16xf32>
        %get3A_1139 = arith.index_cast %add3A_1134 : i32 to index
        %get3A_1140 = arith.constant 16 : index
        %get3A_1141 = tpu.vector_load %arg13[%get3A_1139, %get3A_1140] {strides = array<i32>} : memref<400x64xf32, #tpu.memory_space<vmem>>, vector<1x16xf32>,
        %get3A_1142 = vector.shape_cast %get3A_1141 : vector<1x16xf32> to vector<16xf32>
        %get3A_1143 = arith.index_cast %add3A_1134 : i32 to index
        %get3A_1144 = arith.constant 32 : index
        %get3A_1145 = tpu.vector_load %arg13[%get3A_1143, %get3A_1144] {strides = array<i32>} : memref<400x64xf32, #tpu.memory_space<vmem>>, vector<1x16xf32>,
        %get3A_1146 = vector.shape_cast %get3A_1145 : vector<1x16xf32> to vector<16xf32>
        %get3A_1147 = arith.index_cast %add3A_1134 : i32 to index
        %get3A_1148 = arith.constant 48 : index
        %get3A_1149 = tpu.vector_load %arg13[%get3A_1147, %get3A_1148] {strides = array<i32>} : memref<400x64xf32, #tpu.memory_space<vmem>>, vector<1x16xf32>,
        %get3A_1150 = vector.shape_cast %get3A_1149 : vector<1x16xf32> to vector<16xf32>
        %max3A_1151 = arith.maximumf %max3A_1125, %get3A_1138 : vector<16xf32>
        %max3A_1152 = arith.maximumf %max3A_1126, %get3A_1142 : vector<16xf32>
        %max3A_1153 = arith.maximumf %max3A_1127, %get3A_1146 : vector<16xf32>
        %max3A_1154 = arith.maximumf %max3A_1128, %get3A_1150 : vector<16xf32>
        %add3A_1155 = arith.addf %add3A_1129, %get3A_1138 : vector<16xf32>
        %add3A_1156 = arith.addf %add3A_1130, %get3A_1142 : vector<16xf32>
        %add3A_1157 = arith.addf %add3A_1131, %get3A_1146 : vector<16xf32>
        %add3A_1158 = arith.addf %add3A_1132, %get3A_1150 : vector<16xf32>
        scf.yield %max3A_1151, %max3A_1152, %max3A_1153, %max3A_1154, %add3A_1155, %add3A_1156, %add3A_1157, %add3A_1158 : vector<16xf32>, vector<16xf32>, vector<16xf32>, vector<16xf32>, vector<16xf32>, vector<16xf32>, vector<16xf32>, vector<16xf32>
      }
      %while3A_387 = arith.constant 1 : i32
      %while3A_388:8 = scf.for %while3A_938 = %while3A_384 to %while3A_380 step %while3A_387 iter_args(%while3A_939 = %while3A_386#0, %while3A_940 = %while3A_386#1, %while3A_941 = %while3A_386#2, %while3A_942 = %while3A_386#3, %while3A_943 = %while3A_386#4, %while3A_944 = %while3A_386#5, %while3A_945 = %while3A_386#6, %while3A_946 = %while3A_386#7) -> (vector<16xf32>, vector<16xf32>, vector<16xf32>, vector<16xf32>, vector<16xf32>, vector<16xf32>, vector<16xf32>, vector<16xf32>)  : i32 {
        %mul3A_947 = arith.constant 8 : i32
        %mul3A_948 = arith.muli %mul3A_947, %while3A_938 : i32
        %add3A_949 = arith.constant 200 : i32
        %add3A_950 = arith.addi %add3A_949, %mul3A_948 : i32
        %add3A_951 = arith.constant 0 : i32
        %add3A_952 = arith.addi %add3A_950, %add3A_951 : i32
        %get3A_953 = arith.index_cast %add3A_952 : i32 to index
        %get3A_954 = arith.constant 0 : index
        %get3A_955 = tpu.vector_load %arg13[%get3A_953, %get3A_954] {strides = array<i32>} : memref<400x64xf32, #tpu.memory_space<vmem>>, vector<1x16xf32>,
        %get3A_956 = vector.shape_cast %get3A_955 : vector<1x16xf32> to vector<16xf32>
        %get3A_957 = arith.index_cast %add3A_952 : i32 to index
        %get3A_958 = arith.constant 16 : index
        %get3A_959 = tpu.vector_load %arg13[%get3A_957, %get3A_958] {strides = array<i32>} : memref<400x64xf32, #tpu.memory_space<vmem>>, vector<1x16xf32>,
        %get3A_960 = vector.shape_cast %get3A_959 : vector<1x16xf32> to vector<16xf32>
        %get3A_961 = arith.index_cast %add3A_952 : i32 to index
        %get3A_962 = arith.constant 32 : index
        %get3A_963 = tpu.vector_load %arg13[%get3A_961, %get3A_962] {strides = array<i32>} : memref<400x64xf32, #tpu.memory_space<vmem>>, vector<1x16xf32>,
        %get3A_964 = vector.shape_cast %get3A_963 : vector<1x16xf32> to vector<16xf32>
        %get3A_965 = arith.index_cast %add3A_952 : i32 to index
        %get3A_966 = arith.constant 48 : index
        %get3A_967 = tpu.vector_load %arg13[%get3A_965, %get3A_966] {strides = array<i32>} : memref<400x64xf32, #tpu.memory_space<vmem>>, vector<1x16xf32>,
        %get3A_968 = vector.shape_cast %get3A_967 : vector<1x16xf32> to vector<16xf32>
        %max3A_969 = arith.maximumf %while3A_939, %get3A_956 : vector<16xf32>
        %max3A_970 = arith.maximumf %while3A_940, %get3A_960 : vector<16xf32>
        %max3A_971 = arith.maximumf %while3A_941, %get3A_964 : vector<16xf32>
        %max3A_972 = arith.maximumf %while3A_942, %get3A_968 : vector<16xf32>
        %add3A_973 = arith.addf %while3A_943, %get3A_956 : vector<16xf32>
        %add3A_974 = arith.addf %while3A_944, %get3A_960 : vector<16xf32>
        %add3A_975 = arith.addf %while3A_945, %get3A_964 : vector<16xf32>
        %add3A_976 = arith.addf %while3A_946, %get3A_968 : vector<16xf32>
        %add3A_977 = arith.constant 1 : i32
        %add3A_978 = arith.addi %add3A_950, %add3A_977 : i32
        %get3A_979 = arith.index_cast %add3A_978 : i32 to index
        %get3A_980 = arith.constant 0 : index
        %get3A_981 = tpu.vector_load %arg13[%get3A_979, %get3A_980] {strides = array<i32>} : memref<400x64xf32, #tpu.memory_space<vmem>>, vector<1x16xf32>,
        %get3A_982 = vector.shape_cast %get3A_981 : vector<1x16xf32> to vector<16xf32>
        %get3A_983 = arith.index_cast %add3A_978 : i32 to index
        %get3A_984 = arith.constant 16 : index
        %get3A_985 = tpu.vector_load %arg13[%get3A_983, %get3A_984] {strides = array<i32>} : memref<400x64xf32, #tpu.memory_space<vmem>>, vector<1x16xf32>,
        %get3A_986 = vector.shape_cast %get3A_985 : vector<1x16xf32> to vector<16xf32>
        %get3A_987 = arith.index_cast %add3A_978 : i32 to index
        %get3A_988 = arith.constant 32 : index
        %get3A_989 = tpu.vector_load %arg13[%get3A_987, %get3A_988] {strides = array<i32>} : memref<400x64xf32, #tpu.memory_space<vmem>>, vector<1x16xf32>,
        %get3A_990 = vector.shape_cast %get3A_989 : vector<1x16xf32> to vector<16xf32>
        %get3A_991 = arith.index_cast %add3A_978 : i32 to index
        %get3A_992 = arith.constant 48 : index
        %get3A_993 = tpu.vector_load %arg13[%get3A_991, %get3A_992] {strides = array<i32>} : memref<400x64xf32, #tpu.memory_space<vmem>>, vector<1x16xf32>,
        %get3A_994 = vector.shape_cast %get3A_993 : vector<1x16xf32> to vector<16xf32>
        %max3A_995 = arith.maximumf %max3A_969, %get3A_982 : vector<16xf32>
        %max3A_996 = arith.maximumf %max3A_970, %get3A_986 : vector<16xf32>
        %max3A_997 = arith.maximumf %max3A_971, %get3A_990 : vector<16xf32>
        %max3A_998 = arith.maximumf %max3A_972, %get3A_994 : vector<16xf32>
        %add3A_999 = arith.addf %add3A_973, %get3A_982 : vector<16xf32>
        %add3A_1000 = arith.addf %add3A_974, %get3A_986 : vector<16xf32>
        %add3A_1001 = arith.addf %add3A_975, %get3A_990 : vector<16xf32>
        %add3A_1002 = arith.addf %add3A_976, %get3A_994 : vector<16xf32>
        %add3A_1003 = arith.constant 2 : i32
        %add3A_1004 = arith.addi %add3A_950, %add3A_1003 : i32
        %get3A_1005 = arith.index_cast %add3A_1004 : i32 to index
        %get3A_1006 = arith.constant 0 : index
        %get3A_1007 = tpu.vector_load %arg13[%get3A_1005, %get3A_1006] {strides = array<i32>} : memref<400x64xf32, #tpu.memory_space<vmem>>, vector<1x16xf32>,
        %get3A_1008 = vector.shape_cast %get3A_1007 : vector<1x16xf32> to vector<16xf32>
        %get3A_1009 = arith.index_cast %add3A_1004 : i32 to index
        %get3A_1010 = arith.constant 16 : index
        %get3A_1011 = tpu.vector_load %arg13[%get3A_1009, %get3A_1010] {strides = array<i32>} : memref<400x64xf32, #tpu.memory_space<vmem>>, vector<1x16xf32>,
        %get3A_1012 = vector.shape_cast %get3A_1011 : vector<1x16xf32> to vector<16xf32>
        %get3A_1013 = arith.index_cast %add3A_1004 : i32 to index
        %get3A_1014 = arith.constant 32 : index
        %get3A_1015 = tpu.vector_load %arg13[%get3A_1013, %get3A_1014] {strides = array<i32>} : memref<400x64xf32, #tpu.memory_space<vmem>>, vector<1x16xf32>,
        %get3A_1016 = vector.shape_cast %get3A_1015 : vector<1x16xf32> to vector<16xf32>
        %get3A_1017 = arith.index_cast %add3A_1004 : i32 to index
        %get3A_1018 = arith.constant 48 : index
        %get3A_1019 = tpu.vector_load %arg13[%get3A_1017, %get3A_1018] {strides = array<i32>} : memref<400x64xf32, #tpu.memory_space<vmem>>, vector<1x16xf32>,
        %get3A_1020 = vector.shape_cast %get3A_1019 : vector<1x16xf32> to vector<16xf32>
        %max3A_1021 = arith.maximumf %max3A_995, %get3A_1008 : vector<16xf32>
        %max3A_1022 = arith.maximumf %max3A_996, %get3A_1012 : vector<16xf32>
        %max3A_1023 = arith.maximumf %max3A_997, %get3A_1016 : vector<16xf32>
        %max3A_1024 = arith.maximumf %max3A_998, %get3A_1020 : vector<16xf32>
        %add3A_1025 = arith.addf %add3A_999, %get3A_1008 : vector<16xf32>
        %add3A_1026 = arith.addf %add3A_1000, %get3A_1012 : vector<16xf32>
        %add3A_1027 = arith.addf %add3A_1001, %get3A_1016 : vector<16xf32>
        %add3A_1028 = arith.addf %add3A_1002, %get3A_1020 : vector<16xf32>
        %add3A_1029 = arith.constant 3 : i32
        %add3A_1030 = arith.addi %add3A_950, %add3A_1029 : i32
        %get3A_1031 = arith.index_cast %add3A_1030 : i32 to index
        %get3A_1032 = arith.constant 0 : index
        %get3A_1033 = tpu.vector_load %arg13[%get3A_1031, %get3A_1032] {strides = array<i32>} : memref<400x64xf32, #tpu.memory_space<vmem>>, vector<1x16xf32>,
        %get3A_1034 = vector.shape_cast %get3A_1033 : vector<1x16xf32> to vector<16xf32>
        %get3A_1035 = arith.index_cast %add3A_1030 : i32 to index
        %get3A_1036 = arith.constant 16 : index
        %get3A_1037 = tpu.vector_load %arg13[%get3A_1035, %get3A_1036] {strides = array<i32>} : memref<400x64xf32, #tpu.memory_space<vmem>>, vector<1x16xf32>,
        %get3A_1038 = vector.shape_cast %get3A_1037 : vector<1x16xf32> to vector<16xf32>
        %get3A_1039 = arith.index_cast %add3A_1030 : i32 to index
        %get3A_1040 = arith.constant 32 : index
        %get3A_1041 = tpu.vector_load %arg13[%get3A_1039, %get3A_1040] {strides = array<i32>} : memref<400x64xf32, #tpu.memory_space<vmem>>, vector<1x16xf32>,
        %get3A_1042 = vector.shape_cast %get3A_1041 : vector<1x16xf32> to vector<16xf32>
        %get3A_1043 = arith.index_cast %add3A_1030 : i32 to index
        %get3A_1044 = arith.constant 48 : index
        %get3A_1045 = tpu.vector_load %arg13[%get3A_1043, %get3A_1044] {strides = array<i32>} : memref<400x64xf32, #tpu.memory_space<vmem>>, vector<1x16xf32>,
        %get3A_1046 = vector.shape_cast %get3A_1045 : vector<1x16xf32> to vector<16xf32>
        %max3A_1047 = arith.maximumf %max3A_1021, %get3A_1034 : vector<16xf32>
        %max3A_1048 = arith.maximumf %max3A_1022, %get3A_1038 : vector<16xf32>
        %max3A_1049 = arith.maximumf %max3A_1023, %get3A_1042 : vector<16xf32>
        %max3A_1050 = arith.maximumf %max3A_1024, %get3A_1046 : vector<16xf32>
        %add3A_1051 = arith.addf %add3A_1025, %get3A_1034 : vector<16xf32>
        %add3A_1052 = arith.addf %add3A_1026, %get3A_1038 : vector<16xf32>
        %add3A_1053 = arith.addf %add3A_1027, %get3A_1042 : vector<16xf32>
        %add3A_1054 = arith.addf %add3A_1028, %get3A_1046 : vector<16xf32>
        %add3A_1055 = arith.constant 4 : i32
        %add3A_1056 = arith.addi %add3A_950, %add3A_1055 : i32
        %get3A_1057 = arith.index_cast %add3A_1056 : i32 to index
        %get3A_1058 = arith.constant 0 : index
        %get3A_1059 = tpu.vector_load %arg13[%get3A_1057, %get3A_1058] {strides = array<i32>} : memref<400x64xf32, #tpu.memory_space<vmem>>, vector<1x16xf32>,
        %get3A_1060 = vector.shape_cast %get3A_1059 : vector<1x16xf32> to vector<16xf32>
        %get3A_1061 = arith.index_cast %add3A_1056 : i32 to index
        %get3A_1062 = arith.constant 16 : index
        %get3A_1063 = tpu.vector_load %arg13[%get3A_1061, %get3A_1062] {strides = array<i32>} : memref<400x64xf32, #tpu.memory_space<vmem>>, vector<1x16xf32>,
        %get3A_1064 = vector.shape_cast %get3A_1063 : vector<1x16xf32> to vector<16xf32>
        %get3A_1065 = arith.index_cast %add3A_1056 : i32 to index
        %get3A_1066 = arith.constant 32 : index
        %get3A_1067 = tpu.vector_load %arg13[%get3A_1065, %get3A_1066] {strides = array<i32>} : memref<400x64xf32, #tpu.memory_space<vmem>>, vector<1x16xf32>,
        %get3A_1068 = vector.shape_cast %get3A_1067 : vector<1x16xf32> to vector<16xf32>
        %get3A_1069 = arith.index_cast %add3A_1056 : i32 to index
        %get3A_1070 = arith.constant 48 : index
        %get3A_1071 = tpu.vector_load %arg13[%get3A_1069, %get3A_1070] {strides = array<i32>} : memref<400x64xf32, #tpu.memory_space<vmem>>, vector<1x16xf32>,
        %get3A_1072 = vector.shape_cast %get3A_1071 : vector<1x16xf32> to vector<16xf32>
        %max3A_1073 = arith.maximumf %max3A_1047, %get3A_1060 : vector<16xf32>
        %max3A_1074 = arith.maximumf %max3A_1048, %get3A_1064 : vector<16xf32>
        %max3A_1075 = arith.maximumf %max3A_1049, %get3A_1068 : vector<16xf32>
        %max3A_1076 = arith.maximumf %max3A_1050, %get3A_1072 : vector<16xf32>
        %add3A_1077 = arith.addf %add3A_1051, %get3A_1060 : vector<16xf32>
        %add3A_1078 = arith.addf %add3A_1052, %get3A_1064 : vector<16xf32>
        %add3A_1079 = arith.addf %add3A_1053, %get3A_1068 : vector<16xf32>
        %add3A_1080 = arith.addf %add3A_1054, %get3A_1072 : vector<16xf32>
        %add3A_1081 = arith.constant 5 : i32
        %add3A_1082 = arith.addi %add3A_950, %add3A_1081 : i32
        %get3A_1083 = arith.index_cast %add3A_1082 : i32 to index
        %get3A_1084 = arith.constant 0 : index
        %get3A_1085 = tpu.vector_load %arg13[%get3A_1083, %get3A_1084] {strides = array<i32>} : memref<400x64xf32, #tpu.memory_space<vmem>>, vector<1x16xf32>,
        %get3A_1086 = vector.shape_cast %get3A_1085 : vector<1x16xf32> to vector<16xf32>
        %get3A_1087 = arith.index_cast %add3A_1082 : i32 to index
        %get3A_1088 = arith.constant 16 : index
        %get3A_1089 = tpu.vector_load %arg13[%get3A_1087, %get3A_1088] {strides = array<i32>} : memref<400x64xf32, #tpu.memory_space<vmem>>, vector<1x16xf32>,
        %get3A_1090 = vector.shape_cast %get3A_1089 : vector<1x16xf32> to vector<16xf32>
        %get3A_1091 = arith.index_cast %add3A_1082 : i32 to index
        %get3A_1092 = arith.constant 32 : index
        %get3A_1093 = tpu.vector_load %arg13[%get3A_1091, %get3A_1092] {strides = array<i32>} : memref<400x64xf32, #tpu.memory_space<vmem>>, vector<1x16xf32>,
        %get3A_1094 = vector.shape_cast %get3A_1093 : vector<1x16xf32> to vector<16xf32>
        %get3A_1095 = arith.index_cast %add3A_1082 : i32 to index
        %get3A_1096 = arith.constant 48 : index
        %get3A_1097 = tpu.vector_load %arg13[%get3A_1095, %get3A_1096] {strides = array<i32>} : memref<400x64xf32, #tpu.memory_space<vmem>>, vector<1x16xf32>,
        %get3A_1098 = vector.shape_cast %get3A_1097 : vector<1x16xf32> to vector<16xf32>
        %max3A_1099 = arith.maximumf %max3A_1073, %get3A_1086 : vector<16xf32>
        %max3A_1100 = arith.maximumf %max3A_1074, %get3A_1090 : vector<16xf32>
        %max3A_1101 = arith.maximumf %max3A_1075, %get3A_1094 : vector<16xf32>
        %max3A_1102 = arith.maximumf %max3A_1076, %get3A_1098 : vector<16xf32>
        %add3A_1103 = arith.addf %add3A_1077, %get3A_1086 : vector<16xf32>
        %add3A_1104 = arith.addf %add3A_1078, %get3A_1090 : vector<16xf32>
        %add3A_1105 = arith.addf %add3A_1079, %get3A_1094 : vector<16xf32>
        %add3A_1106 = arith.addf %add3A_1080, %get3A_1098 : vector<16xf32>
        %add3A_1107 = arith.constant 6 : i32
        %add3A_1108 = arith.addi %add3A_950, %add3A_1107 : i32
        %get3A_1109 = arith.index_cast %add3A_1108 : i32 to index
        %get3A_1110 = arith.constant 0 : index
        %get3A_1111 = tpu.vector_load %arg13[%get3A_1109, %get3A_1110] {strides = array<i32>} : memref<400x64xf32, #tpu.memory_space<vmem>>, vector<1x16xf32>,
        %get3A_1112 = vector.shape_cast %get3A_1111 : vector<1x16xf32> to vector<16xf32>
        %get3A_1113 = arith.index_cast %add3A_1108 : i32 to index
        %get3A_1114 = arith.constant 16 : index
        %get3A_1115 = tpu.vector_load %arg13[%get3A_1113, %get3A_1114] {strides = array<i32>} : memref<400x64xf32, #tpu.memory_space<vmem>>, vector<1x16xf32>,
        %get3A_1116 = vector.shape_cast %get3A_1115 : vector<1x16xf32> to vector<16xf32>
        %get3A_1117 = arith.index_cast %add3A_1108 : i32 to index
        %get3A_1118 = arith.constant 32 : index
        %get3A_1119 = tpu.vector_load %arg13[%get3A_1117, %get3A_1118] {strides = array<i32>} : memref<400x64xf32, #tpu.memory_space<vmem>>, vector<1x16xf32>,
        %get3A_1120 = vector.shape_cast %get3A_1119 : vector<1x16xf32> to vector<16xf32>
        %get3A_1121 = arith.index_cast %add3A_1108 : i32 to index
        %get3A_1122 = arith.constant 48 : index
        %get3A_1123 = tpu.vector_load %arg13[%get3A_1121, %get3A_1122] {strides = array<i32>} : memref<400x64xf32, #tpu.memory_space<vmem>>, vector<1x16xf32>,
        %get3A_1124 = vector.shape_cast %get3A_1123 : vector<1x16xf32> to vector<16xf32>
        %max3A_1125 = arith.maximumf %max3A_1099, %get3A_1112 : vector<16xf32>
        %max3A_1126 = arith.maximumf %max3A_1100, %get3A_1116 : vector<16xf32>
        %max3A_1127 = arith.maximumf %max3A_1101, %get3A_1120 : vector<16xf32>
        %max3A_1128 = arith.maximumf %max3A_1102, %get3A_1124 : vector<16xf32>
        %add3A_1129 = arith.addf %add3A_1103, %get3A_1112 : vector<16xf32>
        %add3A_1130 = arith.addf %add3A_1104, %get3A_1116 : vector<16xf32>
        %add3A_1131 = arith.addf %add3A_1105, %get3A_1120 : vector<16xf32>
        %add3A_1132 = arith.addf %add3A_1106, %get3A_1124 : vector<16xf32>
        %add3A_1133 = arith.constant 7 : i32
        %add3A_1134 = arith.addi %add3A_950, %add3A_1133 : i32
        %get3A_1135 = arith.index_cast %add3A_1134 : i32 to index
        %get3A_1136 = arith.constant 0 : index
        %get3A_1137 = tpu.vector_load %arg13[%get3A_1135, %get3A_1136] {strides = array<i32>} : memref<400x64xf32, #tpu.memory_space<vmem>>, vector<1x16xf32>,
        %get3A_1138 = vector.shape_cast %get3A_1137 : vector<1x16xf32> to vector<16xf32>
        %get3A_1139 = arith.index_cast %add3A_1134 : i32 to index
        %get3A_1140 = arith.constant 16 : index
        %get3A_1141 = tpu.vector_load %arg13[%get3A_1139, %get3A_1140] {strides = array<i32>} : memref<400x64xf32, #tpu.memory_space<vmem>>, vector<1x16xf32>,
        %get3A_1142 = vector.shape_cast %get3A_1141 : vector<1x16xf32> to vector<16xf32>
        %get3A_1143 = arith.index_cast %add3A_1134 : i32 to index
        %get3A_1144 = arith.constant 32 : index
        %get3A_1145 = tpu.vector_load %arg13[%get3A_1143, %get3A_1144] {strides = array<i32>} : memref<400x64xf32, #tpu.memory_space<vmem>>, vector<1x16xf32>,
        %get3A_1146 = vector.shape_cast %get3A_1145 : vector<1x16xf32> to vector<16xf32>
        %get3A_1147 = arith.index_cast %add3A_1134 : i32 to index
        %get3A_1148 = arith.constant 48 : index
        %get3A_1149 = tpu.vector_load %arg13[%get3A_1147, %get3A_1148] {strides = array<i32>} : memref<400x64xf32, #tpu.memory_space<vmem>>, vector<1x16xf32>,
        %get3A_1150 = vector.shape_cast %get3A_1149 : vector<1x16xf32> to vector<16xf32>
        %max3A_1151 = arith.maximumf %max3A_1125, %get3A_1138 : vector<16xf32>
        %max3A_1152 = arith.maximumf %max3A_1126, %get3A_1142 : vector<16xf32>
        %max3A_1153 = arith.maximumf %max3A_1127, %get3A_1146 : vector<16xf32>
        %max3A_1154 = arith.maximumf %max3A_1128, %get3A_1150 : vector<16xf32>
        %add3A_1155 = arith.addf %add3A_1129, %get3A_1138 : vector<16xf32>
        %add3A_1156 = arith.addf %add3A_1130, %get3A_1142 : vector<16xf32>
        %add3A_1157 = arith.addf %add3A_1131, %get3A_1146 : vector<16xf32>
        %add3A_1158 = arith.addf %add3A_1132, %get3A_1150 : vector<16xf32>
        scf.yield %max3A_1151, %max3A_1152, %max3A_1153, %max3A_1154, %add3A_1155, %add3A_1156, %add3A_1157, %add3A_1158 : vector<16xf32>, vector<16xf32>, vector<16xf32>, vector<16xf32>, vector<16xf32>, vector<16xf32>, vector<16xf32>, vector<16xf32>
      }
      %mul3A_389 = arith.constant 8 : i32
      %mul3A_390 = arith.muli %mul3A_389, %div3A_373 : i32
      %while3A_391 = arith.subi %squeeze3A_342, %mul3A_390 : i32
      %while3A_392 = arith.addi %mul3A_390, %while3A_391 : i32
      %while3A_393 = arith.constant 1 : i32
      %while3A_394 = arith.divsi %while3A_391, %while3A_393 : i32
      %while3A_395 = arith.muli %while3A_394, %while3A_393 : i32
      %while3A_396 = arith.addi %mul3A_390, %while3A_395 : i32
      %while3A_397 = arith.constant 1 : i32
      %while3A_398:8 = scf.for %while3A_938 = %mul3A_390 to %while3A_396 step %while3A_397 iter_args(%while3A_939 = %while3A_388#0, %while3A_940 = %while3A_388#1, %while3A_941 = %while3A_388#2, %while3A_942 = %while3A_388#3, %while3A_943 = %while3A_388#4, %while3A_944 = %while3A_388#5, %while3A_945 = %while3A_388#6, %while3A_946 = %while3A_388#7) -> (vector<16xf32>, vector<16xf32>, vector<16xf32>, vector<16xf32>, vector<16xf32>, vector<16xf32>, vector<16xf32>, vector<16xf32>)  : i32 {
        %add3A_947 = arith.constant 200 : i32
        %add3A_948 = arith.addi %add3A_947, %while3A_938 : i32
        %get3A_949 = arith.index_cast %add3A_948 : i32 to index
        %get3A_950 = arith.constant 0 : index
        %get3A_951 = tpu.vector_load %arg13[%get3A_949, %get3A_950] {strides = array<i32>} : memref<400x64xf32, #tpu.memory_space<vmem>>, vector<1x16xf32>,
        %get3A_952 = vector.shape_cast %get3A_951 : vector<1x16xf32> to vector<16xf32>
        %get3A_953 = arith.index_cast %add3A_948 : i32 to index
        %get3A_954 = arith.constant 16 : index
        %get3A_955 = tpu.vector_load %arg13[%get3A_953, %get3A_954] {strides = array<i32>} : memref<400x64xf32, #tpu.memory_space<vmem>>, vector<1x16xf32>,
        %get3A_956 = vector.shape_cast %get3A_955 : vector<1x16xf32> to vector<16xf32>
        %get3A_957 = arith.index_cast %add3A_948 : i32 to index
        %get3A_958 = arith.constant 32 : index
        %get3A_959 = tpu.vector_load %arg13[%get3A_957, %get3A_958] {strides = array<i32>} : memref<400x64xf32, #tpu.memory_space<vmem>>, vector<1x16xf32>,
        %get3A_960 = vector.shape_cast %get3A_959 : vector<1x16xf32> to vector<16xf32>
        %get3A_961 = arith.index_cast %add3A_948 : i32 to index
        %get3A_962 = arith.constant 48 : index
        %get3A_963 = tpu.vector_load %arg13[%get3A_961, %get3A_962] {strides = array<i32>} : memref<400x64xf32, #tpu.memory_space<vmem>>, vector<1x16xf32>,
        %get3A_964 = vector.shape_cast %get3A_963 : vector<1x16xf32> to vector<16xf32>
        %max3A_965 = arith.maximumf %while3A_939, %get3A_952 : vector<16xf32>
        %max3A_966 = arith.maximumf %while3A_940, %get3A_956 : vector<16xf32>
        %max3A_967 = arith.maximumf %while3A_941, %get3A_960 : vector<16xf32>
        %max3A_968 = arith.maximumf %while3A_942, %get3A_964 : vector<16xf32>
        %add3A_969 = arith.addf %while3A_943, %get3A_952 : vector<16xf32>
        %add3A_970 = arith.addf %while3A_944, %get3A_956 : vector<16xf32>
        %add3A_971 = arith.addf %while3A_945, %get3A_960 : vector<16xf32>
        %add3A_972 = arith.addf %while3A_946, %get3A_964 : vector<16xf32>
        scf.yield %max3A_965, %max3A_966, %max3A_967, %max3A_968, %add3A_969, %add3A_970, %add3A_971, %add3A_972 : vector<16xf32>, vector<16xf32>, vector<16xf32>, vector<16xf32>, vector<16xf32>, vector<16xf32>, vector<16xf32>, vector<16xf32>
      }
      %while3A_399 = arith.constant 1 : i32
      %while3A_400:8 = scf.for %while3A_938 = %while3A_396 to %while3A_392 step %while3A_399 iter_args(%while3A_939 = %while3A_398#0, %while3A_940 = %while3A_398#1, %while3A_941 = %while3A_398#2, %while3A_942 = %while3A_398#3, %while3A_943 = %while3A_398#4, %while3A_944 = %while3A_398#5, %while3A_945 = %while3A_398#6, %while3A_946 = %while3A_398#7) -> (vector<16xf32>, vector<16xf32>, vector<16xf32>, vector<16xf32>, vector<16xf32>, vector<16xf32>, vector<16xf32>, vector<16xf32>)  : i32 {
        %add3A_947 = arith.constant 200 : i32
        %add3A_948 = arith.addi %add3A_947, %while3A_938 : i32
        %get3A_949 = arith.index_cast %add3A_948 : i32 to index
        %get3A_950 = arith.constant 0 : index
        %get3A_951 = tpu.vector_load %arg13[%get3A_949, %get3A_950] {strides = array<i32>} : memref<400x64xf32, #tpu.memory_space<vmem>>, vector<1x16xf32>,
        %get3A_952 = vector.shape_cast %get3A_951 : vector<1x16xf32> to vector<16xf32>
        %get3A_953 = arith.index_cast %add3A_948 : i32 to index
        %get3A_954 = arith.constant 16 : index
        %get3A_955 = tpu.vector_load %arg13[%get3A_953, %get3A_954] {strides = array<i32>} : memref<400x64xf32, #tpu.memory_space<vmem>>, vector<1x16xf32>,
        %get3A_956 = vector.shape_cast %get3A_955 : vector<1x16xf32> to vector<16xf32>
        %get3A_957 = arith.index_cast %add3A_948 : i32 to index
        %get3A_958 = arith.constant 32 : index
        %get3A_959 = tpu.vector_load %arg13[%get3A_957, %get3A_958] {strides = array<i32>} : memref<400x64xf32, #tpu.memory_space<vmem>>, vector<1x16xf32>,
        %get3A_960 = vector.shape_cast %get3A_959 : vector<1x16xf32> to vector<16xf32>
        %get3A_961 = arith.index_cast %add3A_948 : i32 to index
        %get3A_962 = arith.constant 48 : index
        %get3A_963 = tpu.vector_load %arg13[%get3A_961, %get3A_962] {strides = array<i32>} : memref<400x64xf32, #tpu.memory_space<vmem>>, vector<1x16xf32>,
        %get3A_964 = vector.shape_cast %get3A_963 : vector<1x16xf32> to vector<16xf32>
        %max3A_965 = arith.maximumf %while3A_939, %get3A_952 : vector<16xf32>
        %max3A_966 = arith.maximumf %while3A_940, %get3A_956 : vector<16xf32>
        %max3A_967 = arith.maximumf %while3A_941, %get3A_960 : vector<16xf32>
        %max3A_968 = arith.maximumf %while3A_942, %get3A_964 : vector<16xf32>
        %add3A_969 = arith.addf %while3A_943, %get3A_952 : vector<16xf32>
        %add3A_970 = arith.addf %while3A_944, %get3A_956 : vector<16xf32>
        %add3A_971 = arith.addf %while3A_945, %get3A_960 : vector<16xf32>
        %add3A_972 = arith.addf %while3A_946, %get3A_964 : vector<16xf32>
        scf.yield %max3A_965, %max3A_966, %max3A_967, %max3A_968, %add3A_969, %add3A_970, %add3A_971, %add3A_972 : vector<16xf32>, vector<16xf32>, vector<16xf32>, vector<16xf32>, vector<16xf32>, vector<16xf32>, vector<16xf32>, vector<16xf32>
      }
      %broadcast_in_dim3A_401 = arith.constant 1.000000e+00 : f32
      %broadcast_in_dim3A_402 = vector.broadcast %broadcast_in_dim3A_401 : f32 to vector<16xf32>
      %max3A_403 = arith.constant 1 : i32
      %max3A_404 = arith.maxsi %squeeze3A_337, %max3A_403 : i32
      %convert_element_type3A_405 = arith.sitofp %max3A_404 : i32 to f32
      %broadcast_in_dim3A_406 = vector.broadcast %convert_element_type3A_405 : f32 to vector<16xf32>
      %div3A_407 = arith.divf %broadcast_in_dim3A_402, %broadcast_in_dim3A_406 : vector<16xf32>
      %max3A_408 = arith.constant 1 : i32
      %max3A_409 = arith.maxsi %squeeze3A_342, %max3A_408 : i32
      %convert_element_type3A_410 = arith.sitofp %max3A_409 : i32 to f32
      %broadcast_in_dim3A_411 = vector.broadcast %convert_element_type3A_410 : f32 to vector<16xf32>
      %div3A_412 = arith.divf %broadcast_in_dim3A_402, %broadcast_in_dim3A_411 : vector<16xf32>
      %gt3A_413 = arith.constant 0 : i32
      %gt3A_414 = arith.cmpi sgt, %squeeze3A_337, %gt3A_413 : i32
      %gt3A_415 = arith.constant 0 : i32
      %gt3A_416 = arith.cmpi sgt, %squeeze3A_342, %gt3A_415 : i32
      %broadcast_in_dim3A_417 = arith.constant 0.000000e+00 : f32
      %broadcast_in_dim3A_418 = vector.broadcast %broadcast_in_dim3A_417 : f32 to vector<16xf32>
      %select_n3A_419 = arith.select %gt3A_414, %while3A_371#0, %broadcast_in_dim3A_418 : vector<16xf32>
      %swap3A_420 = arith.index_cast %add3A_332 : i32 to index
      %swap3A_421 = arith.constant 0 : index
      %swap3A_422 = tpu.vector_load %arg16[%swap3A_420, %swap3A_421] {strides = array<i32>} : memref<128x256xf32, #tpu.memory_space<vmem>>, vector<1x16xf32>,
      %swap3A_423 = vector.shape_cast %swap3A_422 : vector<1x16xf32> to vector<16xf32>
      %swap3A_424 = vector.shape_cast %select_n3A_419 : vector<16xf32> to vector<1x16xf32>
      tpu.vector_store %arg16[%swap3A_420, %swap3A_421], %swap3A_424 {strides = array<i32>} : memref<128x256xf32, #tpu.memory_space<vmem>>, vector<1x16xf32>,
      %select_n3A_425 = arith.select %gt3A_416, %while3A_400#0, %broadcast_in_dim3A_418 : vector<16xf32>
      %swap3A_426 = arith.index_cast %add3A_332 : i32 to index
      %swap3A_427 = arith.constant 64 : index
      %swap3A_428 = tpu.vector_load %arg16[%swap3A_426, %swap3A_427] {strides = array<i32>} : memref<128x256xf32, #tpu.memory_space<vmem>>, vector<1x16xf32>,
      %swap3A_429 = vector.shape_cast %swap3A_428 : vector<1x16xf32> to vector<16xf32>
      %swap3A_430 = vector.shape_cast %select_n3A_425 : vector<16xf32> to vector<1x16xf32>
      tpu.vector_store %arg16[%swap3A_426, %swap3A_427], %swap3A_430 {strides = array<i32>} : memref<128x256xf32, #tpu.memory_space<vmem>>, vector<1x16xf32>,
      %mul3A_431 = arith.mulf %while3A_371#4, %div3A_407 : vector<16xf32>
      %swap3A_432 = arith.index_cast %add3A_332 : i32 to index
      %swap3A_433 = arith.constant 128 : index
      %swap3A_434 = tpu.vector_load %arg16[%swap3A_432, %swap3A_433] {strides = array<i32>} : memref<128x256xf32, #tpu.memory_space<vmem>>, vector<1x16xf32>,
      %swap3A_435 = vector.shape_cast %swap3A_434 : vector<1x16xf32> to vector<16xf32>
      %swap3A_436 = vector.shape_cast %mul3A_431 : vector<16xf32> to vector<1x16xf32>
      tpu.vector_store %arg16[%swap3A_432, %swap3A_433], %swap3A_436 {strides = array<i32>} : memref<128x256xf32, #tpu.memory_space<vmem>>, vector<1x16xf32>,
      %mul3A_437 = arith.mulf %while3A_400#4, %div3A_412 : vector<16xf32>
      %swap3A_438 = arith.index_cast %add3A_332 : i32 to index
      %swap3A_439 = arith.constant 192 : index
      %swap3A_440 = tpu.vector_load %arg16[%swap3A_438, %swap3A_439] {strides = array<i32>} : memref<128x256xf32, #tpu.memory_space<vmem>>, vector<1x16xf32>,
      %swap3A_441 = vector.shape_cast %swap3A_440 : vector<1x16xf32> to vector<16xf32>
      %swap3A_442 = vector.shape_cast %mul3A_437 : vector<16xf32> to vector<1x16xf32>
      tpu.vector_store %arg16[%swap3A_438, %swap3A_439], %swap3A_442 {strides = array<i32>} : memref<128x256xf32, #tpu.memory_space<vmem>>, vector<1x16xf32>,
      %select_n3A_443 = arith.select %gt3A_414, %while3A_371#1, %broadcast_in_dim3A_418 : vector<16xf32>
      %swap3A_444 = arith.index_cast %add3A_332 : i32 to index
      %swap3A_445 = arith.constant 16 : index
      %swap3A_446 = tpu.vector_load %arg16[%swap3A_444, %swap3A_445] {strides = array<i32>} : memref<128x256xf32, #tpu.memory_space<vmem>>, vector<1x16xf32>,
      %swap3A_447 = vector.shape_cast %swap3A_446 : vector<1x16xf32> to vector<16xf32>
      %swap3A_448 = vector.shape_cast %select_n3A_443 : vector<16xf32> to vector<1x16xf32>
      tpu.vector_store %arg16[%swap3A_444, %swap3A_445], %swap3A_448 {strides = array<i32>} : memref<128x256xf32, #tpu.memory_space<vmem>>, vector<1x16xf32>,
      %select_n3A_449 = arith.select %gt3A_416, %while3A_400#1, %broadcast_in_dim3A_418 : vector<16xf32>
      %swap3A_450 = arith.index_cast %add3A_332 : i32 to index
      %swap3A_451 = arith.constant 80 : index
      %swap3A_452 = tpu.vector_load %arg16[%swap3A_450, %swap3A_451] {strides = array<i32>} : memref<128x256xf32, #tpu.memory_space<vmem>>, vector<1x16xf32>,
      %swap3A_453 = vector.shape_cast %swap3A_452 : vector<1x16xf32> to vector<16xf32>
      %swap3A_454 = vector.shape_cast %select_n3A_449 : vector<16xf32> to vector<1x16xf32>
      tpu.vector_store %arg16[%swap3A_450, %swap3A_451], %swap3A_454 {strides = array<i32>} : memref<128x256xf32, #tpu.memory_space<vmem>>, vector<1x16xf32>,
      %mul3A_455 = arith.mulf %while3A_371#5, %div3A_407 : vector<16xf32>
      %swap3A_456 = arith.index_cast %add3A_332 : i32 to index
      %swap3A_457 = arith.constant 144 : index
      %swap3A_458 = tpu.vector_load %arg16[%swap3A_456, %swap3A_457] {strides = array<i32>} : memref<128x256xf32, #tpu.memory_space<vmem>>, vector<1x16xf32>,
      %swap3A_459 = vector.shape_cast %swap3A_458 : vector<1x16xf32> to vector<16xf32>
      %swap3A_460 = vector.shape_cast %mul3A_455 : vector<16xf32> to vector<1x16xf32>
      tpu.vector_store %arg16[%swap3A_456, %swap3A_457], %swap3A_460 {strides = array<i32>} : memref<128x256xf32, #tpu.memory_space<vmem>>, vector<1x16xf32>,
      %mul3A_461 = arith.mulf %while3A_400#5, %div3A_412 : vector<16xf32>
      %swap3A_462 = arith.index_cast %add3A_332 : i32 to index
      %swap3A_463 = arith.constant 208 : index
      %swap3A_464 = tpu.vector_load %arg16[%swap3A_462, %swap3A_463] {strides = array<i32>} : memref<128x256xf32, #tpu.memory_space<vmem>>, vector<1x16xf32>,
      %swap3A_465 = vector.shape_cast %swap3A_464 : vector<1x16xf32> to vector<16xf32>
      %swap3A_466 = vector.shape_cast %mul3A_461 : vector<16xf32> to vector<1x16xf32>
      tpu.vector_store %arg16[%swap3A_462, %swap3A_463], %swap3A_466 {strides = array<i32>} : memref<128x256xf32, #tpu.memory_space<vmem>>, vector<1x16xf32>,
      %select_n3A_467 = arith.select %gt3A_414, %while3A_371#2, %broadcast_in_dim3A_418 : vector<16xf32>
      %swap3A_468 = arith.index_cast %add3A_332 : i32 to index
      %swap3A_469 = arith.constant 32 : index
      %swap3A_470 = tpu.vector_load %arg16[%swap3A_468, %swap3A_469] {strides = array<i32>} : memref<128x256xf32, #tpu.memory_space<vmem>>, vector<1x16xf32>,
      %swap3A_471 = vector.shape_cast %swap3A_470 : vector<1x16xf32> to vector<16xf32>
      %swap3A_472 = vector.shape_cast %select_n3A_467 : vector<16xf32> to vector<1x16xf32>
      tpu.vector_store %arg16[%swap3A_468, %swap3A_469], %swap3A_472 {strides = array<i32>} : memref<128x256xf32, #tpu.memory_space<vmem>>, vector<1x16xf32>,
      %select_n3A_473 = arith.select %gt3A_416, %while3A_400#2, %broadcast_in_dim3A_418 : vector<16xf32>
      %swap3A_474 = arith.index_cast %add3A_332 : i32 to index
      %swap3A_475 = arith.constant 96 : index
      %swap3A_476 = tpu.vector_load %arg16[%swap3A_474, %swap3A_475] {strides = array<i32>} : memref<128x256xf32, #tpu.memory_space<vmem>>, vector<1x16xf32>,
      %swap3A_477 = vector.shape_cast %swap3A_476 : vector<1x16xf32> to vector<16xf32>
      %swap3A_478 = vector.shape_cast %select_n3A_473 : vector<16xf32> to vector<1x16xf32>
      tpu.vector_store %arg16[%swap3A_474, %swap3A_475], %swap3A_478 {strides = array<i32>} : memref<128x256xf32, #tpu.memory_space<vmem>>, vector<1x16xf32>,
      %mul3A_479 = arith.mulf %while3A_371#6, %div3A_407 : vector<16xf32>
      %swap3A_480 = arith.index_cast %add3A_332 : i32 to index
      %swap3A_481 = arith.constant 160 : index
      %swap3A_482 = tpu.vector_load %arg16[%swap3A_480, %swap3A_481] {strides = array<i32>} : memref<128x256xf32, #tpu.memory_space<vmem>>, vector<1x16xf32>,
      %swap3A_483 = vector.shape_cast %swap3A_482 : vector<1x16xf32> to vector<16xf32>
      %swap3A_484 = vector.shape_cast %mul3A_479 : vector<16xf32> to vector<1x16xf32>
      tpu.vector_store %arg16[%swap3A_480, %swap3A_481], %swap3A_484 {strides = array<i32>} : memref<128x256xf32, #tpu.memory_space<vmem>>, vector<1x16xf32>,
      %mul3A_485 = arith.mulf %while3A_400#6, %div3A_412 : vector<16xf32>
      %swap3A_486 = arith.index_cast %add3A_332 : i32 to index
      %swap3A_487 = arith.constant 224 : index
      %swap3A_488 = tpu.vector_load %arg16[%swap3A_486, %swap3A_487] {strides = array<i32>} : memref<128x256xf32, #tpu.memory_space<vmem>>, vector<1x16xf32>,
      %swap3A_489 = vector.shape_cast %swap3A_488 : vector<1x16xf32> to vector<16xf32>
      %swap3A_490 = vector.shape_cast %mul3A_485 : vector<16xf32> to vector<1x16xf32>
      tpu.vector_store %arg16[%swap3A_486, %swap3A_487], %swap3A_490 {strides = array<i32>} : memref<128x256xf32, #tpu.memory_space<vmem>>, vector<1x16xf32>,
      %select_n3A_491 = arith.select %gt3A_414, %while3A_371#3, %broadcast_in_dim3A_418 : vector<16xf32>
      %swap3A_492 = arith.index_cast %add3A_332 : i32 to index
      %swap3A_493 = arith.constant 48 : index
      %swap3A_494 = tpu.vector_load %arg16[%swap3A_492, %swap3A_493] {strides = array<i32>} : memref<128x256xf32, #tpu.memory_space<vmem>>, vector<1x16xf32>,
      %swap3A_495 = vector.shape_cast %swap3A_494 : vector<1x16xf32> to vector<16xf32>
      %swap3A_496 = vector.shape_cast %select_n3A_491 : vector<16xf32> to vector<1x16xf32>
      tpu.vector_store %arg16[%swap3A_492, %swap3A_493], %swap3A_496 {strides = array<i32>} : memref<128x256xf32, #tpu.memory_space<vmem>>, vector<1x16xf32>,
      %select_n3A_497 = arith.select %gt3A_416, %while3A_400#3, %broadcast_in_dim3A_418 : vector<16xf32>
      %swap3A_498 = arith.index_cast %add3A_332 : i32 to index
      %swap3A_499 = arith.constant 112 : index
      %swap3A_500 = tpu.vector_load %arg16[%swap3A_498, %swap3A_499] {strides = array<i32>} : memref<128x256xf32, #tpu.memory_space<vmem>>, vector<1x16xf32>,
      %swap3A_501 = vector.shape_cast %swap3A_500 : vector<1x16xf32> to vector<16xf32>
      %swap3A_502 = vector.shape_cast %select_n3A_497 : vector<16xf32> to vector<1x16xf32>
      tpu.vector_store %arg16[%swap3A_498, %swap3A_499], %swap3A_502 {strides = array<i32>} : memref<128x256xf32, #tpu.memory_space<vmem>>, vector<1x16xf32>,
      %mul3A_503 = arith.mulf %while3A_371#7, %div3A_407 : vector<16xf32>
      %swap3A_504 = arith.index_cast %add3A_332 : i32 to index
      %swap3A_505 = arith.constant 176 : index
      %swap3A_506 = tpu.vector_load %arg16[%swap3A_504, %swap3A_505] {strides = array<i32>} : memref<128x256xf32, #tpu.memory_space<vmem>>, vector<1x16xf32>,
      %swap3A_507 = vector.shape_cast %swap3A_506 : vector<1x16xf32> to vector<16xf32>
      %swap3A_508 = vector.shape_cast %mul3A_503 : vector<16xf32> to vector<1x16xf32>
      tpu.vector_store %arg16[%swap3A_504, %swap3A_505], %swap3A_508 {strides = array<i32>} : memref<128x256xf32, #tpu.memory_space<vmem>>, vector<1x16xf32>,
      %mul3A_509 = arith.mulf %while3A_400#7, %div3A_412 : vector<16xf32>
      %swap3A_510 = arith.index_cast %add3A_332 : i32 to index
      %swap3A_511 = arith.constant 240 : index
      %swap3A_512 = tpu.vector_load %arg16[%swap3A_510, %swap3A_511] {strides = array<i32>} : memref<128x256xf32, #tpu.memory_space<vmem>>, vector<1x16xf32>,
      %swap3A_513 = vector.shape_cast %swap3A_512 : vector<1x16xf32> to vector<16xf32>
      %swap3A_514 = vector.shape_cast %mul3A_509 : vector<16xf32> to vector<1x16xf32>
      tpu.vector_store %arg16[%swap3A_510, %swap3A_511], %swap3A_514 {strides = array<i32>} : memref<128x256xf32, #tpu.memory_space<vmem>>, vector<1x16xf32>,
      %add3A_515 = arith.constant 1 : i32
      %add3A_516 = arith.addi %add3A_60, %add3A_515 : i32
      %lt3A = arith.constant 64 : i32
      %lt3A_517 = arith.cmpi slt, %add3A_516, %lt3A : i32
      %convert_element_type3A_518 = arith.extui %lt3A_517 : i1 to i32
      %cond3A = arith.constant 0 : i32
      %cond3A_519 = arith.cmpi ne, %convert_element_type3A_518, %cond3A : i32
      scf.if %cond3A_519 {
        %add3A_938 = arith.constant 1 : i32
        %add3A_939 = arith.addi %add3A_60, %add3A_938 : i32
        %mul3A_940 = arith.constant 2 : i32
        %mul3A_941 = arith.muli %mul3A_940, %add3A_939 : i32
        %mul3A_942 = arith.constant 24 : i32
        %mul3A_943 = arith.muli %mul3A_941, %mul3A_942 : i32
        %multiple_of3A_944 = tpu.assume_multiple %mul3A_943, 8 : i32
        %add3A_945 = arith.constant 1 : i32
        %add3A_946 = arith.addi %mul3A_941, %add3A_945 : i32
        %add3A_947 = arith.constant 1 : i32
        %add3A_948 = arith.addi %mul3A_941, %add3A_947 : i32
        %dma_start3A_949 = tpu.memref_slice %arg8[%multiple_of3A_944] : memref<3072xi32, #tpu.memory_space<vmem>> -> memref<48xi32, #tpu.memory_space<vmem>>
        %dma_start3A_950 = arith.constant 0 : i32
        %dma_start3A_951 = arith.constant 0 : i32
        %dma_start3A_952 = tpu.memref_slice %arg6[%dma_start3A_950, %dma_start3A_951] : memref<1000000x64xf32, #tpu.memory_space<hbm>> -> memref<1000000x64xf32, #tpu.memory_space<hbm>>
        tpu.enqueue_indirect_dma source(%dma_start3A_952 : memref<1000000x64xf32, #tpu.memory_space<hbm>>) target(%arg12 : memref<48x64xf32, #tpu.memory_space<vmem>>) offsets(%dma_start3A_949 : memref<48xi32, #tpu.memory_space<vmem>>) semaphore(%arg17 : memref<!tpu.dma_semaphore, #tpu.memory_space<semaphore_mem>>)
        %dma_start3A_953 = arith.constant 0 : i32
        %dma_start3A_954 = arith.constant 0 : i32
        %dma_start3A_955 = tpu.memref_slice %arg13[%dma_start3A_953, %dma_start3A_954] : memref<400x64xf32, #tpu.memory_space<vmem>> -> memref<104x64xf32, #tpu.memory_space<vmem>>
        %dma_start3A_956 = arith.constant 0 : i32
        %dma_start3A_957 = tpu.memref_slice %arg9[%mul3A_941, %dma_start3A_956] : memref<128x200xi32, #tpu.memory_space<vmem>> -> memref<1x104xi32, #tpu.memory_space<vmem>>
        %dma_start3A_958 = tpu.memref_squeeze %dma_start3A_957 : memref<1x104xi32, #tpu.memory_space<vmem>> -> memref<104xi32, #tpu.memory_space<vmem>>
        %dma_start3A_959 = arith.constant 0 : i32
        %dma_start3A_960 = arith.constant 0 : i32
        %dma_start3A_961 = tpu.memref_slice %arg6[%dma_start3A_959, %dma_start3A_960] : memref<1000000x64xf32, #tpu.memory_space<hbm>> -> memref<1000000x64xf32, #tpu.memory_space<hbm>>
        tpu.enqueue_indirect_dma source(%dma_start3A_961 : memref<1000000x64xf32, #tpu.memory_space<hbm>>) target(%dma_start3A_955 : memref<104x64xf32, #tpu.memory_space<vmem>>) offsets(%dma_start3A_958 : memref<104xi32, #tpu.memory_space<vmem>>) semaphore(%arg17 : memref<!tpu.dma_semaphore, #tpu.memory_space<semaphore_mem>>)
        %dma_start3A_962 = arith.constant 104 : i32
        %dma_start3A_963 = arith.constant 0 : i32
        %dma_start3A_964 = tpu.memref_slice %arg13[%dma_start3A_962, %dma_start3A_963] : memref<400x64xf32, #tpu.memory_space<vmem>> -> memref<96x64xf32, #tpu.memory_space<vmem>>
        %dma_start3A_965 = arith.constant 104 : i32
        %dma_start3A_966 = tpu.memref_slice %arg9[%mul3A_941, %dma_start3A_965] : memref<128x200xi32, #tpu.memory_space<vmem>> -> memref<1x96xi32, #tpu.memory_space<vmem>>
        %dma_start3A_967 = tpu.memref_squeeze %dma_start3A_966 : memref<1x96xi32, #tpu.memory_space<vmem>> -> memref<96xi32, #tpu.memory_space<vmem>>
        %dma_start3A_968 = arith.constant 0 : i32
        %dma_start3A_969 = arith.constant 0 : i32
        %dma_start3A_970 = tpu.memref_slice %arg6[%dma_start3A_968, %dma_start3A_969] : memref<1000000x64xf32, #tpu.memory_space<hbm>> -> memref<1000000x64xf32, #tpu.memory_space<hbm>>
        tpu.enqueue_indirect_dma source(%dma_start3A_970 : memref<1000000x64xf32, #tpu.memory_space<hbm>>) target(%dma_start3A_964 : memref<96x64xf32, #tpu.memory_space<vmem>>) offsets(%dma_start3A_967 : memref<96xi32, #tpu.memory_space<vmem>>) semaphore(%arg17 : memref<!tpu.dma_semaphore, #tpu.memory_space<semaphore_mem>>)
        %dma_start3A_971 = arith.constant 200 : i32
        %dma_start3A_972 = arith.constant 0 : i32
        %dma_start3A_973 = tpu.memref_slice %arg13[%dma_start3A_971, %dma_start3A_972] : memref<400x64xf32, #tpu.memory_space<vmem>> -> memref<104x64xf32, #tpu.memory_space<vmem>>
        %dma_start3A_974 = arith.constant 0 : i32
        %dma_start3A_975 = tpu.memref_slice %arg9[%add3A_946, %dma_start3A_974] : memref<128x200xi32, #tpu.memory_space<vmem>> -> memref<1x104xi32, #tpu.memory_space<vmem>>
        %dma_start3A_976 = tpu.memref_squeeze %dma_start3A_975 : memref<1x104xi32, #tpu.memory_space<vmem>> -> memref<104xi32, #tpu.memory_space<vmem>>
        %dma_start3A_977 = arith.constant 0 : i32
        %dma_start3A_978 = arith.constant 0 : i32
        %dma_start3A_979 = tpu.memref_slice %arg6[%dma_start3A_977, %dma_start3A_978] : memref<1000000x64xf32, #tpu.memory_space<hbm>> -> memref<1000000x64xf32, #tpu.memory_space<hbm>>
        tpu.enqueue_indirect_dma source(%dma_start3A_979 : memref<1000000x64xf32, #tpu.memory_space<hbm>>) target(%dma_start3A_973 : memref<104x64xf32, #tpu.memory_space<vmem>>) offsets(%dma_start3A_976 : memref<104xi32, #tpu.memory_space<vmem>>) semaphore(%arg17 : memref<!tpu.dma_semaphore, #tpu.memory_space<semaphore_mem>>)
        %dma_start3A_980 = arith.constant 304 : i32
        %dma_start3A_981 = arith.constant 0 : i32
        %dma_start3A_982 = tpu.memref_slice %arg13[%dma_start3A_980, %dma_start3A_981] : memref<400x64xf32, #tpu.memory_space<vmem>> -> memref<96x64xf32, #tpu.memory_space<vmem>>
        %dma_start3A_983 = arith.constant 104 : i32
        %dma_start3A_984 = tpu.memref_slice %arg9[%add3A_948, %dma_start3A_983] : memref<128x200xi32, #tpu.memory_space<vmem>> -> memref<1x96xi32, #tpu.memory_space<vmem>>
        %dma_start3A_985 = tpu.memref_squeeze %dma_start3A_984 : memref<1x96xi32, #tpu.memory_space<vmem>> -> memref<96xi32, #tpu.memory_space<vmem>>
        %dma_start3A_986 = arith.constant 0 : i32
        %dma_start3A_987 = arith.constant 0 : i32
        %dma_start3A_988 = tpu.memref_slice %arg6[%dma_start3A_986, %dma_start3A_987] : memref<1000000x64xf32, #tpu.memory_space<hbm>> -> memref<1000000x64xf32, #tpu.memory_space<hbm>>
        tpu.enqueue_indirect_dma source(%dma_start3A_988 : memref<1000000x64xf32, #tpu.memory_space<hbm>>) target(%dma_start3A_982 : memref<96x64xf32, #tpu.memory_space<vmem>>) offsets(%dma_start3A_985 : memref<96xi32, #tpu.memory_space<vmem>>) semaphore(%arg17 : memref<!tpu.dma_semaphore, #tpu.memory_space<semaphore_mem>>)
      } else {
      }
      %mul3A_520 = arith.constant 2 : i32
      %mul3A_521 = arith.muli %mul3A_520, %add3A_60 : i32
      %mul3A_522 = arith.constant 24 : i32
      %mul3A_523 = arith.muli %mul3A_521, %mul3A_522 : i32
      %multiple_of3A_524 = tpu.assume_multiple %mul3A_523, 8 : i32
      %add3A_525 = arith.constant 1 : i32
      %add3A_526 = arith.addi %mul3A_521, %add3A_525 : i32
      %add3A_527 = arith.constant 1 : i32
      %add3A_528 = arith.addi %mul3A_521, %add3A_527 : i32
      %dma_wait3A_529 = tpu.memref_slice %arg8[%multiple_of3A_524] : memref<3072xi32, #tpu.memory_space<vmem>> -> memref<48xi32, #tpu.memory_space<vmem>>
      %dma_wait3A_530 = arith.constant 0 : i32
      %dma_wait3A_531 = arith.constant 0 : i32
      %dma_wait3A_532 = tpu.memref_slice %arg6[%dma_wait3A_530, %dma_wait3A_531] : memref<1000000x64xf32, #tpu.memory_space<hbm>> -> memref<1000000x64xf32, #tpu.memory_space<hbm>>
      tpu.wait_indirect_dma semaphore(%arg18 : memref<!tpu.dma_semaphore, #tpu.memory_space<semaphore_mem>>) src(%dma_wait3A_532 : memref<1000000x64xf32, #tpu.memory_space<hbm>>) dst(%arg14 : memref<48x64xf32, #tpu.memory_space<vmem>>)
      %dma_wait3A_533 = arith.constant 0 : i32
      %dma_wait3A_534 = arith.constant 0 : i32
      %dma_wait3A_535 = tpu.memref_slice %arg15[%dma_wait3A_533, %dma_wait3A_534] : memref<400x64xf32, #tpu.memory_space<vmem>> -> memref<104x64xf32, #tpu.memory_space<vmem>>
      %dma_wait3A_536 = arith.constant 0 : i32
      %dma_wait3A_537 = tpu.memref_slice %arg9[%mul3A_521, %dma_wait3A_536] : memref<128x200xi32, #tpu.memory_space<vmem>> -> memref<1x104xi32, #tpu.memory_space<vmem>>
      %dma_wait3A_538 = tpu.memref_squeeze %dma_wait3A_537 : memref<1x104xi32, #tpu.memory_space<vmem>> -> memref<104xi32, #tpu.memory_space<vmem>>
      %dma_wait3A_539 = arith.constant 0 : i32
      %dma_wait3A_540 = arith.constant 0 : i32
      %dma_wait3A_541 = tpu.memref_slice %arg6[%dma_wait3A_539, %dma_wait3A_540] : memref<1000000x64xf32, #tpu.memory_space<hbm>> -> memref<1000000x64xf32, #tpu.memory_space<hbm>>
      tpu.wait_indirect_dma semaphore(%arg18 : memref<!tpu.dma_semaphore, #tpu.memory_space<semaphore_mem>>) src(%dma_wait3A_541 : memref<1000000x64xf32, #tpu.memory_space<hbm>>) dst(%dma_wait3A_535 : memref<104x64xf32, #tpu.memory_space<vmem>>)
      %dma_wait3A_542 = arith.constant 104 : i32
      %dma_wait3A_543 = arith.constant 0 : i32
      %dma_wait3A_544 = tpu.memref_slice %arg15[%dma_wait3A_542, %dma_wait3A_543] : memref<400x64xf32, #tpu.memory_space<vmem>> -> memref<96x64xf32, #tpu.memory_space<vmem>>
      %dma_wait3A_545 = arith.constant 104 : i32
      %dma_wait3A_546 = tpu.memref_slice %arg9[%mul3A_521, %dma_wait3A_545] : memref<128x200xi32, #tpu.memory_space<vmem>> -> memref<1x96xi32, #tpu.memory_space<vmem>>
      %dma_wait3A_547 = tpu.memref_squeeze %dma_wait3A_546 : memref<1x96xi32, #tpu.memory_space<vmem>> -> memref<96xi32, #tpu.memory_space<vmem>>
      %dma_wait3A_548 = arith.constant 0 : i32
      %dma_wait3A_549 = arith.constant 0 : i32
      %dma_wait3A_550 = tpu.memref_slice %arg6[%dma_wait3A_548, %dma_wait3A_549] : memref<1000000x64xf32, #tpu.memory_space<hbm>> -> memref<1000000x64xf32, #tpu.memory_space<hbm>>
      tpu.wait_indirect_dma semaphore(%arg18 : memref<!tpu.dma_semaphore, #tpu.memory_space<semaphore_mem>>) src(%dma_wait3A_550 : memref<1000000x64xf32, #tpu.memory_space<hbm>>) dst(%dma_wait3A_544 : memref<96x64xf32, #tpu.memory_space<vmem>>)
      %dma_wait3A_551 = arith.constant 200 : i32
      %dma_wait3A_552 = arith.constant 0 : i32
      %dma_wait3A_553 = tpu.memref_slice %arg15[%dma_wait3A_551, %dma_wait3A_552] : memref<400x64xf32, #tpu.memory_space<vmem>> -> memref<104x64xf32, #tpu.memory_space<vmem>>
      %dma_wait3A_554 = arith.constant 0 : i32
      %dma_wait3A_555 = tpu.memref_slice %arg9[%add3A_526, %dma_wait3A_554] : memref<128x200xi32, #tpu.memory_space<vmem>> -> memref<1x104xi32, #tpu.memory_space<vmem>>
      %dma_wait3A_556 = tpu.memref_squeeze %dma_wait3A_555 : memref<1x104xi32, #tpu.memory_space<vmem>> -> memref<104xi32, #tpu.memory_space<vmem>>
      %dma_wait3A_557 = arith.constant 0 : i32
      %dma_wait3A_558 = arith.constant 0 : i32
      %dma_wait3A_559 = tpu.memref_slice %arg6[%dma_wait3A_557, %dma_wait3A_558] : memref<1000000x64xf32, #tpu.memory_space<hbm>> -> memref<1000000x64xf32, #tpu.memory_space<hbm>>
      tpu.wait_indirect_dma semaphore(%arg18 : memref<!tpu.dma_semaphore, #tpu.memory_space<semaphore_mem>>) src(%dma_wait3A_559 : memref<1000000x64xf32, #tpu.memory_space<hbm>>) dst(%dma_wait3A_553 : memref<104x64xf32, #tpu.memory_space<vmem>>)
      %dma_wait3A_560 = arith.constant 304 : i32
      %dma_wait3A_561 = arith.constant 0 : i32
      %dma_wait3A_562 = tpu.memref_slice %arg15[%dma_wait3A_560, %dma_wait3A_561] : memref<400x64xf32, #tpu.memory_space<vmem>> -> memref<96x64xf32, #tpu.memory_space<vmem>>
      %dma_wait3A_563 = arith.constant 104 : i32
      %dma_wait3A_564 = tpu.memref_slice %arg9[%add3A_528, %dma_wait3A_563] : memref<128x200xi32, #tpu.memory_space<vmem>> -> memref<1x96xi32, #tpu.memory_space<vmem>>
      %dma_wait3A_565 = tpu.memref_squeeze %dma_wait3A_564 : memref<1x96xi32, #tpu.memory_space<vmem>> -> memref<96xi32, #tpu.memory_space<vmem>>
      %dma_wait3A_566 = arith.constant 0 : i32
      %dma_wait3A_567 = arith.constant 0 : i32
      %dma_wait3A_568 = tpu.memref_slice %arg6[%dma_wait3A_566, %dma_wait3A_567] : memref<1000000x64xf32, #tpu.memory_space<hbm>> -> memref<1000000x64xf32, #tpu.memory_space<hbm>>
      tpu.wait_indirect_dma semaphore(%arg18 : memref<!tpu.dma_semaphore, #tpu.memory_space<semaphore_mem>>) src(%dma_wait3A_568 : memref<1000000x64xf32, #tpu.memory_space<hbm>>) dst(%dma_wait3A_562 : memref<96x64xf32, #tpu.memory_space<vmem>>)
      %mul3A_569 = arith.constant 2 : i32
      %mul3A_570 = arith.muli %mul3A_569, %add3A_60 : i32
      %get3A_571 = arith.index_cast %mul3A_570 : i32 to index
      %get3A_572 = tpu.vector_load %arg10[%get3A_571] {strides = array<i32>} : memref<144xi32, #tpu.memory_space<vmem>>, vector<16xi32>,
      %get3A_573 = vector.shape_cast %get3A_572 : vector<16xi32> to vector<16xi32>
      %slice3A_574 = vector.extract_strided_slice %get3A_573 {offsets = [0], sizes = [1], strides = [1]} : vector<16xi32> to vector<1xi32>
      %squeeze3A_575 = vector.extract %slice3A_574[0] : i32 from vector<1xi32>
      %get3A_576 = arith.index_cast %mul3A_570 : i32 to index
      %get3A_577 = tpu.vector_load %arg11[%get3A_576] {strides = array<i32>} : memref<144xi32, #tpu.memory_space<vmem>>, vector<16xi32>,
      %get3A_578 = vector.shape_cast %get3A_577 : vector<16xi32> to vector<16xi32>
      %slice3A_579 = vector.extract_strided_slice %get3A_578 {offsets = [0], sizes = [1], strides = [1]} : vector<16xi32> to vector<1xi32>
      %squeeze3A_580 = vector.extract %slice3A_579[0] : i32 from vector<1xi32>
      %div3A_581 = arith.constant 4 : i32
      %div3A_582 = arith.divsi %squeeze3A_575, %div3A_581 : i32
      %broadcast_in_dim3A_583 = arith.constant -1.000000e+30 : f32
      %broadcast_in_dim3A_584 = vector.broadcast %broadcast_in_dim3A_583 : f32 to vector<16xf32>
      %broadcast_in_dim3A_585 = arith.constant 0.000000e+00 : f32
      %broadcast_in_dim3A_586 = vector.broadcast %broadcast_in_dim3A_585 : f32 to vector<16xf32>
      %while3A_587 = arith.constant 0 : i32
      %while3A_588 = arith.subi %div3A_582, %while3A_587 : i32
      %while3A_589 = arith.addi %while3A_587, %while3A_588 : i32
      %while3A_590 = arith.constant 1 : i32
      %while3A_591 = arith.divsi %while3A_588, %while3A_590 : i32
      %while3A_592 = arith.muli %while3A_591, %while3A_590 : i32
      %while3A_593 = arith.addi %while3A_587, %while3A_592 : i32
      %while3A_594 = arith.constant 1 : i32
      %while3A_595:8 = scf.for %while3A_938 = %while3A_587 to %while3A_593 step %while3A_594 iter_args(%while3A_939 = %broadcast_in_dim3A_584, %while3A_940 = %broadcast_in_dim3A_584, %while3A_941 = %broadcast_in_dim3A_584, %while3A_942 = %broadcast_in_dim3A_584, %while3A_943 = %broadcast_in_dim3A_586, %while3A_944 = %broadcast_in_dim3A_586, %while3A_945 = %broadcast_in_dim3A_586, %while3A_946 = %broadcast_in_dim3A_586) -> (vector<16xf32>, vector<16xf32>, vector<16xf32>, vector<16xf32>, vector<16xf32>, vector<16xf32>, vector<16xf32>, vector<16xf32>)  : i32 {
        %mul3A_947 = arith.constant 4 : i32
        %mul3A_948 = arith.muli %mul3A_947, %while3A_938 : i32
        %add3A_949 = arith.constant 0 : i32
        %add3A_950 = arith.addi %add3A_949, %mul3A_948 : i32
        %add3A_951 = arith.constant 0 : i32
        %add3A_952 = arith.addi %add3A_950, %add3A_951 : i32
        %get3A_953 = arith.index_cast %add3A_952 : i32 to index
        %get3A_954 = arith.constant 0 : index
        %get3A_955 = tpu.vector_load %arg14[%get3A_953, %get3A_954] {strides = array<i32>} : memref<48x64xf32, #tpu.memory_space<vmem>>, vector<1x16xf32>,
        %get3A_956 = vector.shape_cast %get3A_955 : vector<1x16xf32> to vector<16xf32>
        %get3A_957 = arith.index_cast %add3A_952 : i32 to index
        %get3A_958 = arith.constant 16 : index
        %get3A_959 = tpu.vector_load %arg14[%get3A_957, %get3A_958] {strides = array<i32>} : memref<48x64xf32, #tpu.memory_space<vmem>>, vector<1x16xf32>,
        %get3A_960 = vector.shape_cast %get3A_959 : vector<1x16xf32> to vector<16xf32>
        %get3A_961 = arith.index_cast %add3A_952 : i32 to index
        %get3A_962 = arith.constant 32 : index
        %get3A_963 = tpu.vector_load %arg14[%get3A_961, %get3A_962] {strides = array<i32>} : memref<48x64xf32, #tpu.memory_space<vmem>>, vector<1x16xf32>,
        %get3A_964 = vector.shape_cast %get3A_963 : vector<1x16xf32> to vector<16xf32>
        %get3A_965 = arith.index_cast %add3A_952 : i32 to index
        %get3A_966 = arith.constant 48 : index
        %get3A_967 = tpu.vector_load %arg14[%get3A_965, %get3A_966] {strides = array<i32>} : memref<48x64xf32, #tpu.memory_space<vmem>>, vector<1x16xf32>,
        %get3A_968 = vector.shape_cast %get3A_967 : vector<1x16xf32> to vector<16xf32>
        %max3A_969 = arith.maximumf %while3A_939, %get3A_956 : vector<16xf32>
        %max3A_970 = arith.maximumf %while3A_940, %get3A_960 : vector<16xf32>
        %max3A_971 = arith.maximumf %while3A_941, %get3A_964 : vector<16xf32>
        %max3A_972 = arith.maximumf %while3A_942, %get3A_968 : vector<16xf32>
        %add3A_973 = arith.addf %while3A_943, %get3A_956 : vector<16xf32>
        %add3A_974 = arith.addf %while3A_944, %get3A_960 : vector<16xf32>
        %add3A_975 = arith.addf %while3A_945, %get3A_964 : vector<16xf32>
        %add3A_976 = arith.addf %while3A_946, %get3A_968 : vector<16xf32>
        %add3A_977 = arith.constant 1 : i32
        %add3A_978 = arith.addi %add3A_950, %add3A_977 : i32
        %get3A_979 = arith.index_cast %add3A_978 : i32 to index
        %get3A_980 = arith.constant 0 : index
        %get3A_981 = tpu.vector_load %arg14[%get3A_979, %get3A_980] {strides = array<i32>} : memref<48x64xf32, #tpu.memory_space<vmem>>, vector<1x16xf32>,
        %get3A_982 = vector.shape_cast %get3A_981 : vector<1x16xf32> to vector<16xf32>
        %get3A_983 = arith.index_cast %add3A_978 : i32 to index
        %get3A_984 = arith.constant 16 : index
        %get3A_985 = tpu.vector_load %arg14[%get3A_983, %get3A_984] {strides = array<i32>} : memref<48x64xf32, #tpu.memory_space<vmem>>, vector<1x16xf32>,
        %get3A_986 = vector.shape_cast %get3A_985 : vector<1x16xf32> to vector<16xf32>
        %get3A_987 = arith.index_cast %add3A_978 : i32 to index
        %get3A_988 = arith.constant 32 : index
        %get3A_989 = tpu.vector_load %arg14[%get3A_987, %get3A_988] {strides = array<i32>} : memref<48x64xf32, #tpu.memory_space<vmem>>, vector<1x16xf32>,
        %get3A_990 = vector.shape_cast %get3A_989 : vector<1x16xf32> to vector<16xf32>
        %get3A_991 = arith.index_cast %add3A_978 : i32 to index
        %get3A_992 = arith.constant 48 : index
        %get3A_993 = tpu.vector_load %arg14[%get3A_991, %get3A_992] {strides = array<i32>} : memref<48x64xf32, #tpu.memory_space<vmem>>, vector<1x16xf32>,
        %get3A_994 = vector.shape_cast %get3A_993 : vector<1x16xf32> to vector<16xf32>
        %max3A_995 = arith.maximumf %max3A_969, %get3A_982 : vector<16xf32>
        %max3A_996 = arith.maximumf %max3A_970, %get3A_986 : vector<16xf32>
        %max3A_997 = arith.maximumf %max3A_971, %get3A_990 : vector<16xf32>
        %max3A_998 = arith.maximumf %max3A_972, %get3A_994 : vector<16xf32>
        %add3A_999 = arith.addf %add3A_973, %get3A_982 : vector<16xf32>
        %add3A_1000 = arith.addf %add3A_974, %get3A_986 : vector<16xf32>
        %add3A_1001 = arith.addf %add3A_975, %get3A_990 : vector<16xf32>
        %add3A_1002 = arith.addf %add3A_976, %get3A_994 : vector<16xf32>
        %add3A_1003 = arith.constant 2 : i32
        %add3A_1004 = arith.addi %add3A_950, %add3A_1003 : i32
        %get3A_1005 = arith.index_cast %add3A_1004 : i32 to index
        %get3A_1006 = arith.constant 0 : index
        %get3A_1007 = tpu.vector_load %arg14[%get3A_1005, %get3A_1006] {strides = array<i32>} : memref<48x64xf32, #tpu.memory_space<vmem>>, vector<1x16xf32>,
        %get3A_1008 = vector.shape_cast %get3A_1007 : vector<1x16xf32> to vector<16xf32>
        %get3A_1009 = arith.index_cast %add3A_1004 : i32 to index
        %get3A_1010 = arith.constant 16 : index
        %get3A_1011 = tpu.vector_load %arg14[%get3A_1009, %get3A_1010] {strides = array<i32>} : memref<48x64xf32, #tpu.memory_space<vmem>>, vector<1x16xf32>,
        %get3A_1012 = vector.shape_cast %get3A_1011 : vector<1x16xf32> to vector<16xf32>
        %get3A_1013 = arith.index_cast %add3A_1004 : i32 to index
        %get3A_1014 = arith.constant 32 : index
        %get3A_1015 = tpu.vector_load %arg14[%get3A_1013, %get3A_1014] {strides = array<i32>} : memref<48x64xf32, #tpu.memory_space<vmem>>, vector<1x16xf32>,
        %get3A_1016 = vector.shape_cast %get3A_1015 : vector<1x16xf32> to vector<16xf32>
        %get3A_1017 = arith.index_cast %add3A_1004 : i32 to index
        %get3A_1018 = arith.constant 48 : index
        %get3A_1019 = tpu.vector_load %arg14[%get3A_1017, %get3A_1018] {strides = array<i32>} : memref<48x64xf32, #tpu.memory_space<vmem>>, vector<1x16xf32>,
        %get3A_1020 = vector.shape_cast %get3A_1019 : vector<1x16xf32> to vector<16xf32>
        %max3A_1021 = arith.maximumf %max3A_995, %get3A_1008 : vector<16xf32>
        %max3A_1022 = arith.maximumf %max3A_996, %get3A_1012 : vector<16xf32>
        %max3A_1023 = arith.maximumf %max3A_997, %get3A_1016 : vector<16xf32>
        %max3A_1024 = arith.maximumf %max3A_998, %get3A_1020 : vector<16xf32>
        %add3A_1025 = arith.addf %add3A_999, %get3A_1008 : vector<16xf32>
        %add3A_1026 = arith.addf %add3A_1000, %get3A_1012 : vector<16xf32>
        %add3A_1027 = arith.addf %add3A_1001, %get3A_1016 : vector<16xf32>
        %add3A_1028 = arith.addf %add3A_1002, %get3A_1020 : vector<16xf32>
        %add3A_1029 = arith.constant 3 : i32
        %add3A_1030 = arith.addi %add3A_950, %add3A_1029 : i32
        %get3A_1031 = arith.index_cast %add3A_1030 : i32 to index
        %get3A_1032 = arith.constant 0 : index
        %get3A_1033 = tpu.vector_load %arg14[%get3A_1031, %get3A_1032] {strides = array<i32>} : memref<48x64xf32, #tpu.memory_space<vmem>>, vector<1x16xf32>,
        %get3A_1034 = vector.shape_cast %get3A_1033 : vector<1x16xf32> to vector<16xf32>
        %get3A_1035 = arith.index_cast %add3A_1030 : i32 to index
        %get3A_1036 = arith.constant 16 : index
        %get3A_1037 = tpu.vector_load %arg14[%get3A_1035, %get3A_1036] {strides = array<i32>} : memref<48x64xf32, #tpu.memory_space<vmem>>, vector<1x16xf32>,
        %get3A_1038 = vector.shape_cast %get3A_1037 : vector<1x16xf32> to vector<16xf32>
        %get3A_1039 = arith.index_cast %add3A_1030 : i32 to index
        %get3A_1040 = arith.constant 32 : index
        %get3A_1041 = tpu.vector_load %arg14[%get3A_1039, %get3A_1040] {strides = array<i32>} : memref<48x64xf32, #tpu.memory_space<vmem>>, vector<1x16xf32>,
        %get3A_1042 = vector.shape_cast %get3A_1041 : vector<1x16xf32> to vector<16xf32>
        %get3A_1043 = arith.index_cast %add3A_1030 : i32 to index
        %get3A_1044 = arith.constant 48 : index
        %get3A_1045 = tpu.vector_load %arg14[%get3A_1043, %get3A_1044] {strides = array<i32>} : memref<48x64xf32, #tpu.memory_space<vmem>>, vector<1x16xf32>,
        %get3A_1046 = vector.shape_cast %get3A_1045 : vector<1x16xf32> to vector<16xf32>
        %max3A_1047 = arith.maximumf %max3A_1021, %get3A_1034 : vector<16xf32>
        %max3A_1048 = arith.maximumf %max3A_1022, %get3A_1038 : vector<16xf32>
        %max3A_1049 = arith.maximumf %max3A_1023, %get3A_1042 : vector<16xf32>
        %max3A_1050 = arith.maximumf %max3A_1024, %get3A_1046 : vector<16xf32>
        %add3A_1051 = arith.addf %add3A_1025, %get3A_1034 : vector<16xf32>
        %add3A_1052 = arith.addf %add3A_1026, %get3A_1038 : vector<16xf32>
        %add3A_1053 = arith.addf %add3A_1027, %get3A_1042 : vector<16xf32>
        %add3A_1054 = arith.addf %add3A_1028, %get3A_1046 : vector<16xf32>
        scf.yield %max3A_1047, %max3A_1048, %max3A_1049, %max3A_1050, %add3A_1051, %add3A_1052, %add3A_1053, %add3A_1054 : vector<16xf32>, vector<16xf32>, vector<16xf32>, vector<16xf32>, vector<16xf32>, vector<16xf32>, vector<16xf32>, vector<16xf32>
      }
      %while3A_596 = arith.constant 1 : i32
      %while3A_597:8 = scf.for %while3A_938 = %while3A_593 to %while3A_589 step %while3A_596 iter_args(%while3A_939 = %while3A_595#0, %while3A_940 = %while3A_595#1, %while3A_941 = %while3A_595#2, %while3A_942 = %while3A_595#3, %while3A_943 = %while3A_595#4, %while3A_944 = %while3A_595#5, %while3A_945 = %while3A_595#6, %while3A_946 = %while3A_595#7) -> (vector<16xf32>, vector<16xf32>, vector<16xf32>, vector<16xf32>, vector<16xf32>, vector<16xf32>, vector<16xf32>, vector<16xf32>)  : i32 {
        %mul3A_947 = arith.constant 4 : i32
        %mul3A_948 = arith.muli %mul3A_947, %while3A_938 : i32
        %add3A_949 = arith.constant 0 : i32
        %add3A_950 = arith.addi %add3A_949, %mul3A_948 : i32
        %add3A_951 = arith.constant 0 : i32
        %add3A_952 = arith.addi %add3A_950, %add3A_951 : i32
        %get3A_953 = arith.index_cast %add3A_952 : i32 to index
        %get3A_954 = arith.constant 0 : index
        %get3A_955 = tpu.vector_load %arg14[%get3A_953, %get3A_954] {strides = array<i32>} : memref<48x64xf32, #tpu.memory_space<vmem>>, vector<1x16xf32>,
        %get3A_956 = vector.shape_cast %get3A_955 : vector<1x16xf32> to vector<16xf32>
        %get3A_957 = arith.index_cast %add3A_952 : i32 to index
        %get3A_958 = arith.constant 16 : index
        %get3A_959 = tpu.vector_load %arg14[%get3A_957, %get3A_958] {strides = array<i32>} : memref<48x64xf32, #tpu.memory_space<vmem>>, vector<1x16xf32>,
        %get3A_960 = vector.shape_cast %get3A_959 : vector<1x16xf32> to vector<16xf32>
        %get3A_961 = arith.index_cast %add3A_952 : i32 to index
        %get3A_962 = arith.constant 32 : index
        %get3A_963 = tpu.vector_load %arg14[%get3A_961, %get3A_962] {strides = array<i32>} : memref<48x64xf32, #tpu.memory_space<vmem>>, vector<1x16xf32>,
        %get3A_964 = vector.shape_cast %get3A_963 : vector<1x16xf32> to vector<16xf32>
        %get3A_965 = arith.index_cast %add3A_952 : i32 to index
        %get3A_966 = arith.constant 48 : index
        %get3A_967 = tpu.vector_load %arg14[%get3A_965, %get3A_966] {strides = array<i32>} : memref<48x64xf32, #tpu.memory_space<vmem>>, vector<1x16xf32>,
        %get3A_968 = vector.shape_cast %get3A_967 : vector<1x16xf32> to vector<16xf32>
        %max3A_969 = arith.maximumf %while3A_939, %get3A_956 : vector<16xf32>
        %max3A_970 = arith.maximumf %while3A_940, %get3A_960 : vector<16xf32>
        %max3A_971 = arith.maximumf %while3A_941, %get3A_964 : vector<16xf32>
        %max3A_972 = arith.maximumf %while3A_942, %get3A_968 : vector<16xf32>
        %add3A_973 = arith.addf %while3A_943, %get3A_956 : vector<16xf32>
        %add3A_974 = arith.addf %while3A_944, %get3A_960 : vector<16xf32>
        %add3A_975 = arith.addf %while3A_945, %get3A_964 : vector<16xf32>
        %add3A_976 = arith.addf %while3A_946, %get3A_968 : vector<16xf32>
        %add3A_977 = arith.constant 1 : i32
        %add3A_978 = arith.addi %add3A_950, %add3A_977 : i32
        %get3A_979 = arith.index_cast %add3A_978 : i32 to index
        %get3A_980 = arith.constant 0 : index
        %get3A_981 = tpu.vector_load %arg14[%get3A_979, %get3A_980] {strides = array<i32>} : memref<48x64xf32, #tpu.memory_space<vmem>>, vector<1x16xf32>,
        %get3A_982 = vector.shape_cast %get3A_981 : vector<1x16xf32> to vector<16xf32>
        %get3A_983 = arith.index_cast %add3A_978 : i32 to index
        %get3A_984 = arith.constant 16 : index
        %get3A_985 = tpu.vector_load %arg14[%get3A_983, %get3A_984] {strides = array<i32>} : memref<48x64xf32, #tpu.memory_space<vmem>>, vector<1x16xf32>,
        %get3A_986 = vector.shape_cast %get3A_985 : vector<1x16xf32> to vector<16xf32>
        %get3A_987 = arith.index_cast %add3A_978 : i32 to index
        %get3A_988 = arith.constant 32 : index
        %get3A_989 = tpu.vector_load %arg14[%get3A_987, %get3A_988] {strides = array<i32>} : memref<48x64xf32, #tpu.memory_space<vmem>>, vector<1x16xf32>,
        %get3A_990 = vector.shape_cast %get3A_989 : vector<1x16xf32> to vector<16xf32>
        %get3A_991 = arith.index_cast %add3A_978 : i32 to index
        %get3A_992 = arith.constant 48 : index
        %get3A_993 = tpu.vector_load %arg14[%get3A_991, %get3A_992] {strides = array<i32>} : memref<48x64xf32, #tpu.memory_space<vmem>>, vector<1x16xf32>,
        %get3A_994 = vector.shape_cast %get3A_993 : vector<1x16xf32> to vector<16xf32>
        %max3A_995 = arith.maximumf %max3A_969, %get3A_982 : vector<16xf32>
        %max3A_996 = arith.maximumf %max3A_970, %get3A_986 : vector<16xf32>
        %max3A_997 = arith.maximumf %max3A_971, %get3A_990 : vector<16xf32>
        %max3A_998 = arith.maximumf %max3A_972, %get3A_994 : vector<16xf32>
        %add3A_999 = arith.addf %add3A_973, %get3A_982 : vector<16xf32>
        %add3A_1000 = arith.addf %add3A_974, %get3A_986 : vector<16xf32>
        %add3A_1001 = arith.addf %add3A_975, %get3A_990 : vector<16xf32>
        %add3A_1002 = arith.addf %add3A_976, %get3A_994 : vector<16xf32>
        %add3A_1003 = arith.constant 2 : i32
        %add3A_1004 = arith.addi %add3A_950, %add3A_1003 : i32
        %get3A_1005 = arith.index_cast %add3A_1004 : i32 to index
        %get3A_1006 = arith.constant 0 : index
        %get3A_1007 = tpu.vector_load %arg14[%get3A_1005, %get3A_1006] {strides = array<i32>} : memref<48x64xf32, #tpu.memory_space<vmem>>, vector<1x16xf32>,
        %get3A_1008 = vector.shape_cast %get3A_1007 : vector<1x16xf32> to vector<16xf32>
        %get3A_1009 = arith.index_cast %add3A_1004 : i32 to index
        %get3A_1010 = arith.constant 16 : index
        %get3A_1011 = tpu.vector_load %arg14[%get3A_1009, %get3A_1010] {strides = array<i32>} : memref<48x64xf32, #tpu.memory_space<vmem>>, vector<1x16xf32>,
        %get3A_1012 = vector.shape_cast %get3A_1011 : vector<1x16xf32> to vector<16xf32>
        %get3A_1013 = arith.index_cast %add3A_1004 : i32 to index
        %get3A_1014 = arith.constant 32 : index
        %get3A_1015 = tpu.vector_load %arg14[%get3A_1013, %get3A_1014] {strides = array<i32>} : memref<48x64xf32, #tpu.memory_space<vmem>>, vector<1x16xf32>,
        %get3A_1016 = vector.shape_cast %get3A_1015 : vector<1x16xf32> to vector<16xf32>
        %get3A_1017 = arith.index_cast %add3A_1004 : i32 to index
        %get3A_1018 = arith.constant 48 : index
        %get3A_1019 = tpu.vector_load %arg14[%get3A_1017, %get3A_1018] {strides = array<i32>} : memref<48x64xf32, #tpu.memory_space<vmem>>, vector<1x16xf32>,
        %get3A_1020 = vector.shape_cast %get3A_1019 : vector<1x16xf32> to vector<16xf32>
        %max3A_1021 = arith.maximumf %max3A_995, %get3A_1008 : vector<16xf32>
        %max3A_1022 = arith.maximumf %max3A_996, %get3A_1012 : vector<16xf32>
        %max3A_1023 = arith.maximumf %max3A_997, %get3A_1016 : vector<16xf32>
        %max3A_1024 = arith.maximumf %max3A_998, %get3A_1020 : vector<16xf32>
        %add3A_1025 = arith.addf %add3A_999, %get3A_1008 : vector<16xf32>
        %add3A_1026 = arith.addf %add3A_1000, %get3A_1012 : vector<16xf32>
        %add3A_1027 = arith.addf %add3A_1001, %get3A_1016 : vector<16xf32>
        %add3A_1028 = arith.addf %add3A_1002, %get3A_1020 : vector<16xf32>
        %add3A_1029 = arith.constant 3 : i32
        %add3A_1030 = arith.addi %add3A_950, %add3A_1029 : i32
        %get3A_1031 = arith.index_cast %add3A_1030 : i32 to index
        %get3A_1032 = arith.constant 0 : index
        %get3A_1033 = tpu.vector_load %arg14[%get3A_1031, %get3A_1032] {strides = array<i32>} : memref<48x64xf32, #tpu.memory_space<vmem>>, vector<1x16xf32>,
        %get3A_1034 = vector.shape_cast %get3A_1033 : vector<1x16xf32> to vector<16xf32>
        %get3A_1035 = arith.index_cast %add3A_1030 : i32 to index
        %get3A_1036 = arith.constant 16 : index
        %get3A_1037 = tpu.vector_load %arg14[%get3A_1035, %get3A_1036] {strides = array<i32>} : memref<48x64xf32, #tpu.memory_space<vmem>>, vector<1x16xf32>,
        %get3A_1038 = vector.shape_cast %get3A_1037 : vector<1x16xf32> to vector<16xf32>
        %get3A_1039 = arith.index_cast %add3A_1030 : i32 to index
        %get3A_1040 = arith.constant 32 : index
        %get3A_1041 = tpu.vector_load %arg14[%get3A_1039, %get3A_1040] {strides = array<i32>} : memref<48x64xf32, #tpu.memory_space<vmem>>, vector<1x16xf32>,
        %get3A_1042 = vector.shape_cast %get3A_1041 : vector<1x16xf32> to vector<16xf32>
        %get3A_1043 = arith.index_cast %add3A_1030 : i32 to index
        %get3A_1044 = arith.constant 48 : index
        %get3A_1045 = tpu.vector_load %arg14[%get3A_1043, %get3A_1044] {strides = array<i32>} : memref<48x64xf32, #tpu.memory_space<vmem>>, vector<1x16xf32>,
        %get3A_1046 = vector.shape_cast %get3A_1045 : vector<1x16xf32> to vector<16xf32>
        %max3A_1047 = arith.maximumf %max3A_1021, %get3A_1034 : vector<16xf32>
        %max3A_1048 = arith.maximumf %max3A_1022, %get3A_1038 : vector<16xf32>
        %max3A_1049 = arith.maximumf %max3A_1023, %get3A_1042 : vector<16xf32>
        %max3A_1050 = arith.maximumf %max3A_1024, %get3A_1046 : vector<16xf32>
        %add3A_1051 = arith.addf %add3A_1025, %get3A_1034 : vector<16xf32>
        %add3A_1052 = arith.addf %add3A_1026, %get3A_1038 : vector<16xf32>
        %add3A_1053 = arith.addf %add3A_1027, %get3A_1042 : vector<16xf32>
        %add3A_1054 = arith.addf %add3A_1028, %get3A_1046 : vector<16xf32>
        scf.yield %max3A_1047, %max3A_1048, %max3A_1049, %max3A_1050, %add3A_1051, %add3A_1052, %add3A_1053, %add3A_1054 : vector<16xf32>, vector<16xf32>, vector<16xf32>, vector<16xf32>, vector<16xf32>, vector<16xf32>, vector<16xf32>, vector<16xf32>
      }
      %mul3A_598 = arith.constant 4 : i32
      %mul3A_599 = arith.muli %mul3A_598, %div3A_582 : i32
      %while3A_600 = arith.subi %squeeze3A_575, %mul3A_599 : i32
      %while3A_601 = arith.addi %mul3A_599, %while3A_600 : i32
      %while3A_602 = arith.constant 1 : i32
      %while3A_603 = arith.divsi %while3A_600, %while3A_602 : i32
      %while3A_604 = arith.muli %while3A_603, %while3A_602 : i32
      %while3A_605 = arith.addi %mul3A_599, %while3A_604 : i32
      %while3A_606 = arith.constant 1 : i32
      %while3A_607:8 = scf.for %while3A_938 = %mul3A_599 to %while3A_605 step %while3A_606 iter_args(%while3A_939 = %while3A_597#0, %while3A_940 = %while3A_597#1, %while3A_941 = %while3A_597#2, %while3A_942 = %while3A_597#3, %while3A_943 = %while3A_597#4, %while3A_944 = %while3A_597#5, %while3A_945 = %while3A_597#6, %while3A_946 = %while3A_597#7) -> (vector<16xf32>, vector<16xf32>, vector<16xf32>, vector<16xf32>, vector<16xf32>, vector<16xf32>, vector<16xf32>, vector<16xf32>)  : i32 {
        %add3A_947 = arith.constant 0 : i32
        %add3A_948 = arith.addi %add3A_947, %while3A_938 : i32
        %get3A_949 = arith.index_cast %add3A_948 : i32 to index
        %get3A_950 = arith.constant 0 : index
        %get3A_951 = tpu.vector_load %arg14[%get3A_949, %get3A_950] {strides = array<i32>} : memref<48x64xf32, #tpu.memory_space<vmem>>, vector<1x16xf32>,
        %get3A_952 = vector.shape_cast %get3A_951 : vector<1x16xf32> to vector<16xf32>
        %get3A_953 = arith.index_cast %add3A_948 : i32 to index
        %get3A_954 = arith.constant 16 : index
        %get3A_955 = tpu.vector_load %arg14[%get3A_953, %get3A_954] {strides = array<i32>} : memref<48x64xf32, #tpu.memory_space<vmem>>, vector<1x16xf32>,
        %get3A_956 = vector.shape_cast %get3A_955 : vector<1x16xf32> to vector<16xf32>
        %get3A_957 = arith.index_cast %add3A_948 : i32 to index
        %get3A_958 = arith.constant 32 : index
        %get3A_959 = tpu.vector_load %arg14[%get3A_957, %get3A_958] {strides = array<i32>} : memref<48x64xf32, #tpu.memory_space<vmem>>, vector<1x16xf32>,
        %get3A_960 = vector.shape_cast %get3A_959 : vector<1x16xf32> to vector<16xf32>
        %get3A_961 = arith.index_cast %add3A_948 : i32 to index
        %get3A_962 = arith.constant 48 : index
        %get3A_963 = tpu.vector_load %arg14[%get3A_961, %get3A_962] {strides = array<i32>} : memref<48x64xf32, #tpu.memory_space<vmem>>, vector<1x16xf32>,
        %get3A_964 = vector.shape_cast %get3A_963 : vector<1x16xf32> to vector<16xf32>
        %max3A_965 = arith.maximumf %while3A_939, %get3A_952 : vector<16xf32>
        %max3A_966 = arith.maximumf %while3A_940, %get3A_956 : vector<16xf32>
        %max3A_967 = arith.maximumf %while3A_941, %get3A_960 : vector<16xf32>
        %max3A_968 = arith.maximumf %while3A_942, %get3A_964 : vector<16xf32>
        %add3A_969 = arith.addf %while3A_943, %get3A_952 : vector<16xf32>
        %add3A_970 = arith.addf %while3A_944, %get3A_956 : vector<16xf32>
        %add3A_971 = arith.addf %while3A_945, %get3A_960 : vector<16xf32>
        %add3A_972 = arith.addf %while3A_946, %get3A_964 : vector<16xf32>
        scf.yield %max3A_965, %max3A_966, %max3A_967, %max3A_968, %add3A_969, %add3A_970, %add3A_971, %add3A_972 : vector<16xf32>, vector<16xf32>, vector<16xf32>, vector<16xf32>, vector<16xf32>, vector<16xf32>, vector<16xf32>, vector<16xf32>
      }
      %while3A_608 = arith.constant 1 : i32
      %while3A_609:8 = scf.for %while3A_938 = %while3A_605 to %while3A_601 step %while3A_608 iter_args(%while3A_939 = %while3A_607#0, %while3A_940 = %while3A_607#1, %while3A_941 = %while3A_607#2, %while3A_942 = %while3A_607#3, %while3A_943 = %while3A_607#4, %while3A_944 = %while3A_607#5, %while3A_945 = %while3A_607#6, %while3A_946 = %while3A_607#7) -> (vector<16xf32>, vector<16xf32>, vector<16xf32>, vector<16xf32>, vector<16xf32>, vector<16xf32>, vector<16xf32>, vector<16xf32>)  : i32 {
        %add3A_947 = arith.constant 0 : i32
        %add3A_948 = arith.addi %add3A_947, %while3A_938 : i32
        %get3A_949 = arith.index_cast %add3A_948 : i32 to index
        %get3A_950 = arith.constant 0 : index
        %get3A_951 = tpu.vector_load %arg14[%get3A_949, %get3A_950] {strides = array<i32>} : memref<48x64xf32, #tpu.memory_space<vmem>>, vector<1x16xf32>,
        %get3A_952 = vector.shape_cast %get3A_951 : vector<1x16xf32> to vector<16xf32>
        %get3A_953 = arith.index_cast %add3A_948 : i32 to index
        %get3A_954 = arith.constant 16 : index
        %get3A_955 = tpu.vector_load %arg14[%get3A_953, %get3A_954] {strides = array<i32>} : memref<48x64xf32, #tpu.memory_space<vmem>>, vector<1x16xf32>,
        %get3A_956 = vector.shape_cast %get3A_955 : vector<1x16xf32> to vector<16xf32>
        %get3A_957 = arith.index_cast %add3A_948 : i32 to index
        %get3A_958 = arith.constant 32 : index
        %get3A_959 = tpu.vector_load %arg14[%get3A_957, %get3A_958] {strides = array<i32>} : memref<48x64xf32, #tpu.memory_space<vmem>>, vector<1x16xf32>,
        %get3A_960 = vector.shape_cast %get3A_959 : vector<1x16xf32> to vector<16xf32>
        %get3A_961 = arith.index_cast %add3A_948 : i32 to index
        %get3A_962 = arith.constant 48 : index
        %get3A_963 = tpu.vector_load %arg14[%get3A_961, %get3A_962] {strides = array<i32>} : memref<48x64xf32, #tpu.memory_space<vmem>>, vector<1x16xf32>,
        %get3A_964 = vector.shape_cast %get3A_963 : vector<1x16xf32> to vector<16xf32>
        %max3A_965 = arith.maximumf %while3A_939, %get3A_952 : vector<16xf32>
        %max3A_966 = arith.maximumf %while3A_940, %get3A_956 : vector<16xf32>
        %max3A_967 = arith.maximumf %while3A_941, %get3A_960 : vector<16xf32>
        %max3A_968 = arith.maximumf %while3A_942, %get3A_964 : vector<16xf32>
        %add3A_969 = arith.addf %while3A_943, %get3A_952 : vector<16xf32>
        %add3A_970 = arith.addf %while3A_944, %get3A_956 : vector<16xf32>
        %add3A_971 = arith.addf %while3A_945, %get3A_960 : vector<16xf32>
        %add3A_972 = arith.addf %while3A_946, %get3A_964 : vector<16xf32>
        scf.yield %max3A_965, %max3A_966, %max3A_967, %max3A_968, %add3A_969, %add3A_970, %add3A_971, %add3A_972 : vector<16xf32>, vector<16xf32>, vector<16xf32>, vector<16xf32>, vector<16xf32>, vector<16xf32>, vector<16xf32>, vector<16xf32>
      }
      %div3A_610 = arith.constant 8 : i32
      %div3A_611 = arith.divsi %squeeze3A_580, %div3A_610 : i32
      %broadcast_in_dim3A_612 = arith.constant -1.000000e+30 : f32
      %broadcast_in_dim3A_613 = vector.broadcast %broadcast_in_dim3A_612 : f32 to vector<16xf32>
      %broadcast_in_dim3A_614 = arith.constant 0.000000e+00 : f32
      %broadcast_in_dim3A_615 = vector.broadcast %broadcast_in_dim3A_614 : f32 to vector<16xf32>
      %while3A_616 = arith.constant 0 : i32
      %while3A_617 = arith.subi %div3A_611, %while3A_616 : i32
      %while3A_618 = arith.addi %while3A_616, %while3A_617 : i32
      %while3A_619 = arith.constant 1 : i32
      %while3A_620 = arith.divsi %while3A_617, %while3A_619 : i32
      %while3A_621 = arith.muli %while3A_620, %while3A_619 : i32
      %while3A_622 = arith.addi %while3A_616, %while3A_621 : i32
      %while3A_623 = arith.constant 1 : i32
      %while3A_624:8 = scf.for %while3A_938 = %while3A_616 to %while3A_622 step %while3A_623 iter_args(%while3A_939 = %broadcast_in_dim3A_613, %while3A_940 = %broadcast_in_dim3A_613, %while3A_941 = %broadcast_in_dim3A_613, %while3A_942 = %broadcast_in_dim3A_613, %while3A_943 = %broadcast_in_dim3A_615, %while3A_944 = %broadcast_in_dim3A_615, %while3A_945 = %broadcast_in_dim3A_615, %while3A_946 = %broadcast_in_dim3A_615) -> (vector<16xf32>, vector<16xf32>, vector<16xf32>, vector<16xf32>, vector<16xf32>, vector<16xf32>, vector<16xf32>, vector<16xf32>)  : i32 {
        %mul3A_947 = arith.constant 8 : i32
        %mul3A_948 = arith.muli %mul3A_947, %while3A_938 : i32
        %add3A_949 = arith.constant 0 : i32
        %add3A_950 = arith.addi %add3A_949, %mul3A_948 : i32
        %add3A_951 = arith.constant 0 : i32
        %add3A_952 = arith.addi %add3A_950, %add3A_951 : i32
        %get3A_953 = arith.index_cast %add3A_952 : i32 to index
        %get3A_954 = arith.constant 0 : index
        %get3A_955 = tpu.vector_load %arg15[%get3A_953, %get3A_954] {strides = array<i32>} : memref<400x64xf32, #tpu.memory_space<vmem>>, vector<1x16xf32>,
        %get3A_956 = vector.shape_cast %get3A_955 : vector<1x16xf32> to vector<16xf32>
        %get3A_957 = arith.index_cast %add3A_952 : i32 to index
        %get3A_958 = arith.constant 16 : index
        %get3A_959 = tpu.vector_load %arg15[%get3A_957, %get3A_958] {strides = array<i32>} : memref<400x64xf32, #tpu.memory_space<vmem>>, vector<1x16xf32>,
        %get3A_960 = vector.shape_cast %get3A_959 : vector<1x16xf32> to vector<16xf32>
        %get3A_961 = arith.index_cast %add3A_952 : i32 to index
        %get3A_962 = arith.constant 32 : index
        %get3A_963 = tpu.vector_load %arg15[%get3A_961, %get3A_962] {strides = array<i32>} : memref<400x64xf32, #tpu.memory_space<vmem>>, vector<1x16xf32>,
        %get3A_964 = vector.shape_cast %get3A_963 : vector<1x16xf32> to vector<16xf32>
        %get3A_965 = arith.index_cast %add3A_952 : i32 to index
        %get3A_966 = arith.constant 48 : index
        %get3A_967 = tpu.vector_load %arg15[%get3A_965, %get3A_966] {strides = array<i32>} : memref<400x64xf32, #tpu.memory_space<vmem>>, vector<1x16xf32>,
        %get3A_968 = vector.shape_cast %get3A_967 : vector<1x16xf32> to vector<16xf32>
        %max3A_969 = arith.maximumf %while3A_939, %get3A_956 : vector<16xf32>
        %max3A_970 = arith.maximumf %while3A_940, %get3A_960 : vector<16xf32>
        %max3A_971 = arith.maximumf %while3A_941, %get3A_964 : vector<16xf32>
        %max3A_972 = arith.maximumf %while3A_942, %get3A_968 : vector<16xf32>
        %add3A_973 = arith.addf %while3A_943, %get3A_956 : vector<16xf32>
        %add3A_974 = arith.addf %while3A_944, %get3A_960 : vector<16xf32>
        %add3A_975 = arith.addf %while3A_945, %get3A_964 : vector<16xf32>
        %add3A_976 = arith.addf %while3A_946, %get3A_968 : vector<16xf32>
        %add3A_977 = arith.constant 1 : i32
        %add3A_978 = arith.addi %add3A_950, %add3A_977 : i32
        %get3A_979 = arith.index_cast %add3A_978 : i32 to index
        %get3A_980 = arith.constant 0 : index
        %get3A_981 = tpu.vector_load %arg15[%get3A_979, %get3A_980] {strides = array<i32>} : memref<400x64xf32, #tpu.memory_space<vmem>>, vector<1x16xf32>,
        %get3A_982 = vector.shape_cast %get3A_981 : vector<1x16xf32> to vector<16xf32>
        %get3A_983 = arith.index_cast %add3A_978 : i32 to index
        %get3A_984 = arith.constant 16 : index
        %get3A_985 = tpu.vector_load %arg15[%get3A_983, %get3A_984] {strides = array<i32>} : memref<400x64xf32, #tpu.memory_space<vmem>>, vector<1x16xf32>,
        %get3A_986 = vector.shape_cast %get3A_985 : vector<1x16xf32> to vector<16xf32>
        %get3A_987 = arith.index_cast %add3A_978 : i32 to index
        %get3A_988 = arith.constant 32 : index
        %get3A_989 = tpu.vector_load %arg15[%get3A_987, %get3A_988] {strides = array<i32>} : memref<400x64xf32, #tpu.memory_space<vmem>>, vector<1x16xf32>,
        %get3A_990 = vector.shape_cast %get3A_989 : vector<1x16xf32> to vector<16xf32>
        %get3A_991 = arith.index_cast %add3A_978 : i32 to index
        %get3A_992 = arith.constant 48 : index
        %get3A_993 = tpu.vector_load %arg15[%get3A_991, %get3A_992] {strides = array<i32>} : memref<400x64xf32, #tpu.memory_space<vmem>>, vector<1x16xf32>,
        %get3A_994 = vector.shape_cast %get3A_993 : vector<1x16xf32> to vector<16xf32>
        %max3A_995 = arith.maximumf %max3A_969, %get3A_982 : vector<16xf32>
        %max3A_996 = arith.maximumf %max3A_970, %get3A_986 : vector<16xf32>
        %max3A_997 = arith.maximumf %max3A_971, %get3A_990 : vector<16xf32>
        %max3A_998 = arith.maximumf %max3A_972, %get3A_994 : vector<16xf32>
        %add3A_999 = arith.addf %add3A_973, %get3A_982 : vector<16xf32>
        %add3A_1000 = arith.addf %add3A_974, %get3A_986 : vector<16xf32>
        %add3A_1001 = arith.addf %add3A_975, %get3A_990 : vector<16xf32>
        %add3A_1002 = arith.addf %add3A_976, %get3A_994 : vector<16xf32>
        %add3A_1003 = arith.constant 2 : i32
        %add3A_1004 = arith.addi %add3A_950, %add3A_1003 : i32
        %get3A_1005 = arith.index_cast %add3A_1004 : i32 to index
        %get3A_1006 = arith.constant 0 : index
        %get3A_1007 = tpu.vector_load %arg15[%get3A_1005, %get3A_1006] {strides = array<i32>} : memref<400x64xf32, #tpu.memory_space<vmem>>, vector<1x16xf32>,
        %get3A_1008 = vector.shape_cast %get3A_1007 : vector<1x16xf32> to vector<16xf32>
        %get3A_1009 = arith.index_cast %add3A_1004 : i32 to index
        %get3A_1010 = arith.constant 16 : index
        %get3A_1011 = tpu.vector_load %arg15[%get3A_1009, %get3A_1010] {strides = array<i32>} : memref<400x64xf32, #tpu.memory_space<vmem>>, vector<1x16xf32>,
        %get3A_1012 = vector.shape_cast %get3A_1011 : vector<1x16xf32> to vector<16xf32>
        %get3A_1013 = arith.index_cast %add3A_1004 : i32 to index
        %get3A_1014 = arith.constant 32 : index
        %get3A_1015 = tpu.vector_load %arg15[%get3A_1013, %get3A_1014] {strides = array<i32>} : memref<400x64xf32, #tpu.memory_space<vmem>>, vector<1x16xf32>,
        %get3A_1016 = vector.shape_cast %get3A_1015 : vector<1x16xf32> to vector<16xf32>
        %get3A_1017 = arith.index_cast %add3A_1004 : i32 to index
        %get3A_1018 = arith.constant 48 : index
        %get3A_1019 = tpu.vector_load %arg15[%get3A_1017, %get3A_1018] {strides = array<i32>} : memref<400x64xf32, #tpu.memory_space<vmem>>, vector<1x16xf32>,
        %get3A_1020 = vector.shape_cast %get3A_1019 : vector<1x16xf32> to vector<16xf32>
        %max3A_1021 = arith.maximumf %max3A_995, %get3A_1008 : vector<16xf32>
        %max3A_1022 = arith.maximumf %max3A_996, %get3A_1012 : vector<16xf32>
        %max3A_1023 = arith.maximumf %max3A_997, %get3A_1016 : vector<16xf32>
        %max3A_1024 = arith.maximumf %max3A_998, %get3A_1020 : vector<16xf32>
        %add3A_1025 = arith.addf %add3A_999, %get3A_1008 : vector<16xf32>
        %add3A_1026 = arith.addf %add3A_1000, %get3A_1012 : vector<16xf32>
        %add3A_1027 = arith.addf %add3A_1001, %get3A_1016 : vector<16xf32>
        %add3A_1028 = arith.addf %add3A_1002, %get3A_1020 : vector<16xf32>
        %add3A_1029 = arith.constant 3 : i32
        %add3A_1030 = arith.addi %add3A_950, %add3A_1029 : i32
        %get3A_1031 = arith.index_cast %add3A_1030 : i32 to index
        %get3A_1032 = arith.constant 0 : index
        %get3A_1033 = tpu.vector_load %arg15[%get3A_1031, %get3A_1032] {strides = array<i32>} : memref<400x64xf32, #tpu.memory_space<vmem>>, vector<1x16xf32>,
        %get3A_1034 = vector.shape_cast %get3A_1033 : vector<1x16xf32> to vector<16xf32>
        %get3A_1035 = arith.index_cast %add3A_1030 : i32 to index
        %get3A_1036 = arith.constant 16 : index
        %get3A_1037 = tpu.vector_load %arg15[%get3A_1035, %get3A_1036] {strides = array<i32>} : memref<400x64xf32, #tpu.memory_space<vmem>>, vector<1x16xf32>,
        %get3A_1038 = vector.shape_cast %get3A_1037 : vector<1x16xf32> to vector<16xf32>
        %get3A_1039 = arith.index_cast %add3A_1030 : i32 to index
        %get3A_1040 = arith.constant 32 : index
        %get3A_1041 = tpu.vector_load %arg15[%get3A_1039, %get3A_1040] {strides = array<i32>} : memref<400x64xf32, #tpu.memory_space<vmem>>, vector<1x16xf32>,
        %get3A_1042 = vector.shape_cast %get3A_1041 : vector<1x16xf32> to vector<16xf32>
        %get3A_1043 = arith.index_cast %add3A_1030 : i32 to index
        %get3A_1044 = arith.constant 48 : index
        %get3A_1045 = tpu.vector_load %arg15[%get3A_1043, %get3A_1044] {strides = array<i32>} : memref<400x64xf32, #tpu.memory_space<vmem>>, vector<1x16xf32>,
        %get3A_1046 = vector.shape_cast %get3A_1045 : vector<1x16xf32> to vector<16xf32>
        %max3A_1047 = arith.maximumf %max3A_1021, %get3A_1034 : vector<16xf32>
        %max3A_1048 = arith.maximumf %max3A_1022, %get3A_1038 : vector<16xf32>
        %max3A_1049 = arith.maximumf %max3A_1023, %get3A_1042 : vector<16xf32>
        %max3A_1050 = arith.maximumf %max3A_1024, %get3A_1046 : vector<16xf32>
        %add3A_1051 = arith.addf %add3A_1025, %get3A_1034 : vector<16xf32>
        %add3A_1052 = arith.addf %add3A_1026, %get3A_1038 : vector<16xf32>
        %add3A_1053 = arith.addf %add3A_1027, %get3A_1042 : vector<16xf32>
        %add3A_1054 = arith.addf %add3A_1028, %get3A_1046 : vector<16xf32>
        %add3A_1055 = arith.constant 4 : i32
        %add3A_1056 = arith.addi %add3A_950, %add3A_1055 : i32
        %get3A_1057 = arith.index_cast %add3A_1056 : i32 to index
        %get3A_1058 = arith.constant 0 : index
        %get3A_1059 = tpu.vector_load %arg15[%get3A_1057, %get3A_1058] {strides = array<i32>} : memref<400x64xf32, #tpu.memory_space<vmem>>, vector<1x16xf32>,
        %get3A_1060 = vector.shape_cast %get3A_1059 : vector<1x16xf32> to vector<16xf32>
        %get3A_1061 = arith.index_cast %add3A_1056 : i32 to index
        %get3A_1062 = arith.constant 16 : index
        %get3A_1063 = tpu.vector_load %arg15[%get3A_1061, %get3A_1062] {strides = array<i32>} : memref<400x64xf32, #tpu.memory_space<vmem>>, vector<1x16xf32>,
        %get3A_1064 = vector.shape_cast %get3A_1063 : vector<1x16xf32> to vector<16xf32>
        %get3A_1065 = arith.index_cast %add3A_1056 : i32 to index
        %get3A_1066 = arith.constant 32 : index
        %get3A_1067 = tpu.vector_load %arg15[%get3A_1065, %get3A_1066] {strides = array<i32>} : memref<400x64xf32, #tpu.memory_space<vmem>>, vector<1x16xf32>,
        %get3A_1068 = vector.shape_cast %get3A_1067 : vector<1x16xf32> to vector<16xf32>
        %get3A_1069 = arith.index_cast %add3A_1056 : i32 to index
        %get3A_1070 = arith.constant 48 : index
        %get3A_1071 = tpu.vector_load %arg15[%get3A_1069, %get3A_1070] {strides = array<i32>} : memref<400x64xf32, #tpu.memory_space<vmem>>, vector<1x16xf32>,
        %get3A_1072 = vector.shape_cast %get3A_1071 : vector<1x16xf32> to vector<16xf32>
        %max3A_1073 = arith.maximumf %max3A_1047, %get3A_1060 : vector<16xf32>
        %max3A_1074 = arith.maximumf %max3A_1048, %get3A_1064 : vector<16xf32>
        %max3A_1075 = arith.maximumf %max3A_1049, %get3A_1068 : vector<16xf32>
        %max3A_1076 = arith.maximumf %max3A_1050, %get3A_1072 : vector<16xf32>
        %add3A_1077 = arith.addf %add3A_1051, %get3A_1060 : vector<16xf32>
        %add3A_1078 = arith.addf %add3A_1052, %get3A_1064 : vector<16xf32>
        %add3A_1079 = arith.addf %add3A_1053, %get3A_1068 : vector<16xf32>
        %add3A_1080 = arith.addf %add3A_1054, %get3A_1072 : vector<16xf32>
        %add3A_1081 = arith.constant 5 : i32
        %add3A_1082 = arith.addi %add3A_950, %add3A_1081 : i32
        %get3A_1083 = arith.index_cast %add3A_1082 : i32 to index
        %get3A_1084 = arith.constant 0 : index
        %get3A_1085 = tpu.vector_load %arg15[%get3A_1083, %get3A_1084] {strides = array<i32>} : memref<400x64xf32, #tpu.memory_space<vmem>>, vector<1x16xf32>,
        %get3A_1086 = vector.shape_cast %get3A_1085 : vector<1x16xf32> to vector<16xf32>
        %get3A_1087 = arith.index_cast %add3A_1082 : i32 to index
        %get3A_1088 = arith.constant 16 : index
        %get3A_1089 = tpu.vector_load %arg15[%get3A_1087, %get3A_1088] {strides = array<i32>} : memref<400x64xf32, #tpu.memory_space<vmem>>, vector<1x16xf32>,
        %get3A_1090 = vector.shape_cast %get3A_1089 : vector<1x16xf32> to vector<16xf32>
        %get3A_1091 = arith.index_cast %add3A_1082 : i32 to index
        %get3A_1092 = arith.constant 32 : index
        %get3A_1093 = tpu.vector_load %arg15[%get3A_1091, %get3A_1092] {strides = array<i32>} : memref<400x64xf32, #tpu.memory_space<vmem>>, vector<1x16xf32>,
        %get3A_1094 = vector.shape_cast %get3A_1093 : vector<1x16xf32> to vector<16xf32>
        %get3A_1095 = arith.index_cast %add3A_1082 : i32 to index
        %get3A_1096 = arith.constant 48 : index
        %get3A_1097 = tpu.vector_load %arg15[%get3A_1095, %get3A_1096] {strides = array<i32>} : memref<400x64xf32, #tpu.memory_space<vmem>>, vector<1x16xf32>,
        %get3A_1098 = vector.shape_cast %get3A_1097 : vector<1x16xf32> to vector<16xf32>
        %max3A_1099 = arith.maximumf %max3A_1073, %get3A_1086 : vector<16xf32>
        %max3A_1100 = arith.maximumf %max3A_1074, %get3A_1090 : vector<16xf32>
        %max3A_1101 = arith.maximumf %max3A_1075, %get3A_1094 : vector<16xf32>
        %max3A_1102 = arith.maximumf %max3A_1076, %get3A_1098 : vector<16xf32>
        %add3A_1103 = arith.addf %add3A_1077, %get3A_1086 : vector<16xf32>
        %add3A_1104 = arith.addf %add3A_1078, %get3A_1090 : vector<16xf32>
        %add3A_1105 = arith.addf %add3A_1079, %get3A_1094 : vector<16xf32>
        %add3A_1106 = arith.addf %add3A_1080, %get3A_1098 : vector<16xf32>
        %add3A_1107 = arith.constant 6 : i32
        %add3A_1108 = arith.addi %add3A_950, %add3A_1107 : i32
        %get3A_1109 = arith.index_cast %add3A_1108 : i32 to index
        %get3A_1110 = arith.constant 0 : index
        %get3A_1111 = tpu.vector_load %arg15[%get3A_1109, %get3A_1110] {strides = array<i32>} : memref<400x64xf32, #tpu.memory_space<vmem>>, vector<1x16xf32>,
        %get3A_1112 = vector.shape_cast %get3A_1111 : vector<1x16xf32> to vector<16xf32>
        %get3A_1113 = arith.index_cast %add3A_1108 : i32 to index
        %get3A_1114 = arith.constant 16 : index
        %get3A_1115 = tpu.vector_load %arg15[%get3A_1113, %get3A_1114] {strides = array<i32>} : memref<400x64xf32, #tpu.memory_space<vmem>>, vector<1x16xf32>,
        %get3A_1116 = vector.shape_cast %get3A_1115 : vector<1x16xf32> to vector<16xf32>
        %get3A_1117 = arith.index_cast %add3A_1108 : i32 to index
        %get3A_1118 = arith.constant 32 : index
        %get3A_1119 = tpu.vector_load %arg15[%get3A_1117, %get3A_1118] {strides = array<i32>} : memref<400x64xf32, #tpu.memory_space<vmem>>, vector<1x16xf32>,
        %get3A_1120 = vector.shape_cast %get3A_1119 : vector<1x16xf32> to vector<16xf32>
        %get3A_1121 = arith.index_cast %add3A_1108 : i32 to index
        %get3A_1122 = arith.constant 48 : index
        %get3A_1123 = tpu.vector_load %arg15[%get3A_1121, %get3A_1122] {strides = array<i32>} : memref<400x64xf32, #tpu.memory_space<vmem>>, vector<1x16xf32>,
        %get3A_1124 = vector.shape_cast %get3A_1123 : vector<1x16xf32> to vector<16xf32>
        %max3A_1125 = arith.maximumf %max3A_1099, %get3A_1112 : vector<16xf32>
        %max3A_1126 = arith.maximumf %max3A_1100, %get3A_1116 : vector<16xf32>
        %max3A_1127 = arith.maximumf %max3A_1101, %get3A_1120 : vector<16xf32>
        %max3A_1128 = arith.maximumf %max3A_1102, %get3A_1124 : vector<16xf32>
        %add3A_1129 = arith.addf %add3A_1103, %get3A_1112 : vector<16xf32>
        %add3A_1130 = arith.addf %add3A_1104, %get3A_1116 : vector<16xf32>
        %add3A_1131 = arith.addf %add3A_1105, %get3A_1120 : vector<16xf32>
        %add3A_1132 = arith.addf %add3A_1106, %get3A_1124 : vector<16xf32>
        %add3A_1133 = arith.constant 7 : i32
        %add3A_1134 = arith.addi %add3A_950, %add3A_1133 : i32
        %get3A_1135 = arith.index_cast %add3A_1134 : i32 to index
        %get3A_1136 = arith.constant 0 : index
        %get3A_1137 = tpu.vector_load %arg15[%get3A_1135, %get3A_1136] {strides = array<i32>} : memref<400x64xf32, #tpu.memory_space<vmem>>, vector<1x16xf32>,
        %get3A_1138 = vector.shape_cast %get3A_1137 : vector<1x16xf32> to vector<16xf32>
        %get3A_1139 = arith.index_cast %add3A_1134 : i32 to index
        %get3A_1140 = arith.constant 16 : index
        %get3A_1141 = tpu.vector_load %arg15[%get3A_1139, %get3A_1140] {strides = array<i32>} : memref<400x64xf32, #tpu.memory_space<vmem>>, vector<1x16xf32>,
        %get3A_1142 = vector.shape_cast %get3A_1141 : vector<1x16xf32> to vector<16xf32>
        %get3A_1143 = arith.index_cast %add3A_1134 : i32 to index
        %get3A_1144 = arith.constant 32 : index
        %get3A_1145 = tpu.vector_load %arg15[%get3A_1143, %get3A_1144] {strides = array<i32>} : memref<400x64xf32, #tpu.memory_space<vmem>>, vector<1x16xf32>,
        %get3A_1146 = vector.shape_cast %get3A_1145 : vector<1x16xf32> to vector<16xf32>
        %get3A_1147 = arith.index_cast %add3A_1134 : i32 to index
        %get3A_1148 = arith.constant 48 : index
        %get3A_1149 = tpu.vector_load %arg15[%get3A_1147, %get3A_1148] {strides = array<i32>} : memref<400x64xf32, #tpu.memory_space<vmem>>, vector<1x16xf32>,
        %get3A_1150 = vector.shape_cast %get3A_1149 : vector<1x16xf32> to vector<16xf32>
        %max3A_1151 = arith.maximumf %max3A_1125, %get3A_1138 : vector<16xf32>
        %max3A_1152 = arith.maximumf %max3A_1126, %get3A_1142 : vector<16xf32>
        %max3A_1153 = arith.maximumf %max3A_1127, %get3A_1146 : vector<16xf32>
        %max3A_1154 = arith.maximumf %max3A_1128, %get3A_1150 : vector<16xf32>
        %add3A_1155 = arith.addf %add3A_1129, %get3A_1138 : vector<16xf32>
        %add3A_1156 = arith.addf %add3A_1130, %get3A_1142 : vector<16xf32>
        %add3A_1157 = arith.addf %add3A_1131, %get3A_1146 : vector<16xf32>
        %add3A_1158 = arith.addf %add3A_1132, %get3A_1150 : vector<16xf32>
        scf.yield %max3A_1151, %max3A_1152, %max3A_1153, %max3A_1154, %add3A_1155, %add3A_1156, %add3A_1157, %add3A_1158 : vector<16xf32>, vector<16xf32>, vector<16xf32>, vector<16xf32>, vector<16xf32>, vector<16xf32>, vector<16xf32>, vector<16xf32>
      }
      %while3A_625 = arith.constant 1 : i32
      %while3A_626:8 = scf.for %while3A_938 = %while3A_622 to %while3A_618 step %while3A_625 iter_args(%while3A_939 = %while3A_624#0, %while3A_940 = %while3A_624#1, %while3A_941 = %while3A_624#2, %while3A_942 = %while3A_624#3, %while3A_943 = %while3A_624#4, %while3A_944 = %while3A_624#5, %while3A_945 = %while3A_624#6, %while3A_946 = %while3A_624#7) -> (vector<16xf32>, vector<16xf32>, vector<16xf32>, vector<16xf32>, vector<16xf32>, vector<16xf32>, vector<16xf32>, vector<16xf32>)  : i32 {
        %mul3A_947 = arith.constant 8 : i32
        %mul3A_948 = arith.muli %mul3A_947, %while3A_938 : i32
        %add3A_949 = arith.constant 0 : i32
        %add3A_950 = arith.addi %add3A_949, %mul3A_948 : i32
        %add3A_951 = arith.constant 0 : i32
        %add3A_952 = arith.addi %add3A_950, %add3A_951 : i32
        %get3A_953 = arith.index_cast %add3A_952 : i32 to index
        %get3A_954 = arith.constant 0 : index
        %get3A_955 = tpu.vector_load %arg15[%get3A_953, %get3A_954] {strides = array<i32>} : memref<400x64xf32, #tpu.memory_space<vmem>>, vector<1x16xf32>,
        %get3A_956 = vector.shape_cast %get3A_955 : vector<1x16xf32> to vector<16xf32>
        %get3A_957 = arith.index_cast %add3A_952 : i32 to index
        %get3A_958 = arith.constant 16 : index
        %get3A_959 = tpu.vector_load %arg15[%get3A_957, %get3A_958] {strides = array<i32>} : memref<400x64xf32, #tpu.memory_space<vmem>>, vector<1x16xf32>,
        %get3A_960 = vector.shape_cast %get3A_959 : vector<1x16xf32> to vector<16xf32>
        %get3A_961 = arith.index_cast %add3A_952 : i32 to index
        %get3A_962 = arith.constant 32 : index
        %get3A_963 = tpu.vector_load %arg15[%get3A_961, %get3A_962] {strides = array<i32>} : memref<400x64xf32, #tpu.memory_space<vmem>>, vector<1x16xf32>,
        %get3A_964 = vector.shape_cast %get3A_963 : vector<1x16xf32> to vector<16xf32>
        %get3A_965 = arith.index_cast %add3A_952 : i32 to index
        %get3A_966 = arith.constant 48 : index
        %get3A_967 = tpu.vector_load %arg15[%get3A_965, %get3A_966] {strides = array<i32>} : memref<400x64xf32, #tpu.memory_space<vmem>>, vector<1x16xf32>,
        %get3A_968 = vector.shape_cast %get3A_967 : vector<1x16xf32> to vector<16xf32>
        %max3A_969 = arith.maximumf %while3A_939, %get3A_956 : vector<16xf32>
        %max3A_970 = arith.maximumf %while3A_940, %get3A_960 : vector<16xf32>
        %max3A_971 = arith.maximumf %while3A_941, %get3A_964 : vector<16xf32>
        %max3A_972 = arith.maximumf %while3A_942, %get3A_968 : vector<16xf32>
        %add3A_973 = arith.addf %while3A_943, %get3A_956 : vector<16xf32>
        %add3A_974 = arith.addf %while3A_944, %get3A_960 : vector<16xf32>
        %add3A_975 = arith.addf %while3A_945, %get3A_964 : vector<16xf32>
        %add3A_976 = arith.addf %while3A_946, %get3A_968 : vector<16xf32>
        %add3A_977 = arith.constant 1 : i32
        %add3A_978 = arith.addi %add3A_950, %add3A_977 : i32
        %get3A_979 = arith.index_cast %add3A_978 : i32 to index
        %get3A_980 = arith.constant 0 : index
        %get3A_981 = tpu.vector_load %arg15[%get3A_979, %get3A_980] {strides = array<i32>} : memref<400x64xf32, #tpu.memory_space<vmem>>, vector<1x16xf32>,
        %get3A_982 = vector.shape_cast %get3A_981 : vector<1x16xf32> to vector<16xf32>
        %get3A_983 = arith.index_cast %add3A_978 : i32 to index
        %get3A_984 = arith.constant 16 : index
        %get3A_985 = tpu.vector_load %arg15[%get3A_983, %get3A_984] {strides = array<i32>} : memref<400x64xf32, #tpu.memory_space<vmem>>, vector<1x16xf32>,
        %get3A_986 = vector.shape_cast %get3A_985 : vector<1x16xf32> to vector<16xf32>
        %get3A_987 = arith.index_cast %add3A_978 : i32 to index
        %get3A_988 = arith.constant 32 : index
        %get3A_989 = tpu.vector_load %arg15[%get3A_987, %get3A_988] {strides = array<i32>} : memref<400x64xf32, #tpu.memory_space<vmem>>, vector<1x16xf32>,
        %get3A_990 = vector.shape_cast %get3A_989 : vector<1x16xf32> to vector<16xf32>
        %get3A_991 = arith.index_cast %add3A_978 : i32 to index
        %get3A_992 = arith.constant 48 : index
        %get3A_993 = tpu.vector_load %arg15[%get3A_991, %get3A_992] {strides = array<i32>} : memref<400x64xf32, #tpu.memory_space<vmem>>, vector<1x16xf32>,
        %get3A_994 = vector.shape_cast %get3A_993 : vector<1x16xf32> to vector<16xf32>
        %max3A_995 = arith.maximumf %max3A_969, %get3A_982 : vector<16xf32>
        %max3A_996 = arith.maximumf %max3A_970, %get3A_986 : vector<16xf32>
        %max3A_997 = arith.maximumf %max3A_971, %get3A_990 : vector<16xf32>
        %max3A_998 = arith.maximumf %max3A_972, %get3A_994 : vector<16xf32>
        %add3A_999 = arith.addf %add3A_973, %get3A_982 : vector<16xf32>
        %add3A_1000 = arith.addf %add3A_974, %get3A_986 : vector<16xf32>
        %add3A_1001 = arith.addf %add3A_975, %get3A_990 : vector<16xf32>
        %add3A_1002 = arith.addf %add3A_976, %get3A_994 : vector<16xf32>
        %add3A_1003 = arith.constant 2 : i32
        %add3A_1004 = arith.addi %add3A_950, %add3A_1003 : i32
        %get3A_1005 = arith.index_cast %add3A_1004 : i32 to index
        %get3A_1006 = arith.constant 0 : index
        %get3A_1007 = tpu.vector_load %arg15[%get3A_1005, %get3A_1006] {strides = array<i32>} : memref<400x64xf32, #tpu.memory_space<vmem>>, vector<1x16xf32>,
        %get3A_1008 = vector.shape_cast %get3A_1007 : vector<1x16xf32> to vector<16xf32>
        %get3A_1009 = arith.index_cast %add3A_1004 : i32 to index
        %get3A_1010 = arith.constant 16 : index
        %get3A_1011 = tpu.vector_load %arg15[%get3A_1009, %get3A_1010] {strides = array<i32>} : memref<400x64xf32, #tpu.memory_space<vmem>>, vector<1x16xf32>,
        %get3A_1012 = vector.shape_cast %get3A_1011 : vector<1x16xf32> to vector<16xf32>
        %get3A_1013 = arith.index_cast %add3A_1004 : i32 to index
        %get3A_1014 = arith.constant 32 : index
        %get3A_1015 = tpu.vector_load %arg15[%get3A_1013, %get3A_1014] {strides = array<i32>} : memref<400x64xf32, #tpu.memory_space<vmem>>, vector<1x16xf32>,
        %get3A_1016 = vector.shape_cast %get3A_1015 : vector<1x16xf32> to vector<16xf32>
        %get3A_1017 = arith.index_cast %add3A_1004 : i32 to index
        %get3A_1018 = arith.constant 48 : index
        %get3A_1019 = tpu.vector_load %arg15[%get3A_1017, %get3A_1018] {strides = array<i32>} : memref<400x64xf32, #tpu.memory_space<vmem>>, vector<1x16xf32>,
        %get3A_1020 = vector.shape_cast %get3A_1019 : vector<1x16xf32> to vector<16xf32>
        %max3A_1021 = arith.maximumf %max3A_995, %get3A_1008 : vector<16xf32>
        %max3A_1022 = arith.maximumf %max3A_996, %get3A_1012 : vector<16xf32>
        %max3A_1023 = arith.maximumf %max3A_997, %get3A_1016 : vector<16xf32>
        %max3A_1024 = arith.maximumf %max3A_998, %get3A_1020 : vector<16xf32>
        %add3A_1025 = arith.addf %add3A_999, %get3A_1008 : vector<16xf32>
        %add3A_1026 = arith.addf %add3A_1000, %get3A_1012 : vector<16xf32>
        %add3A_1027 = arith.addf %add3A_1001, %get3A_1016 : vector<16xf32>
        %add3A_1028 = arith.addf %add3A_1002, %get3A_1020 : vector<16xf32>
        %add3A_1029 = arith.constant 3 : i32
        %add3A_1030 = arith.addi %add3A_950, %add3A_1029 : i32
        %get3A_1031 = arith.index_cast %add3A_1030 : i32 to index
        %get3A_1032 = arith.constant 0 : index
        %get3A_1033 = tpu.vector_load %arg15[%get3A_1031, %get3A_1032] {strides = array<i32>} : memref<400x64xf32, #tpu.memory_space<vmem>>, vector<1x16xf32>,
        %get3A_1034 = vector.shape_cast %get3A_1033 : vector<1x16xf32> to vector<16xf32>
        %get3A_1035 = arith.index_cast %add3A_1030 : i32 to index
        %get3A_1036 = arith.constant 16 : index
        %get3A_1037 = tpu.vector_load %arg15[%get3A_1035, %get3A_1036] {strides = array<i32>} : memref<400x64xf32, #tpu.memory_space<vmem>>, vector<1x16xf32>,
        %get3A_1038 = vector.shape_cast %get3A_1037 : vector<1x16xf32> to vector<16xf32>
        %get3A_1039 = arith.index_cast %add3A_1030 : i32 to index
        %get3A_1040 = arith.constant 32 : index
        %get3A_1041 = tpu.vector_load %arg15[%get3A_1039, %get3A_1040] {strides = array<i32>} : memref<400x64xf32, #tpu.memory_space<vmem>>, vector<1x16xf32>,
        %get3A_1042 = vector.shape_cast %get3A_1041 : vector<1x16xf32> to vector<16xf32>
        %get3A_1043 = arith.index_cast %add3A_1030 : i32 to index
        %get3A_1044 = arith.constant 48 : index
        %get3A_1045 = tpu.vector_load %arg15[%get3A_1043, %get3A_1044] {strides = array<i32>} : memref<400x64xf32, #tpu.memory_space<vmem>>, vector<1x16xf32>,
        %get3A_1046 = vector.shape_cast %get3A_1045 : vector<1x16xf32> to vector<16xf32>
        %max3A_1047 = arith.maximumf %max3A_1021, %get3A_1034 : vector<16xf32>
        %max3A_1048 = arith.maximumf %max3A_1022, %get3A_1038 : vector<16xf32>
        %max3A_1049 = arith.maximumf %max3A_1023, %get3A_1042 : vector<16xf32>
        %max3A_1050 = arith.maximumf %max3A_1024, %get3A_1046 : vector<16xf32>
        %add3A_1051 = arith.addf %add3A_1025, %get3A_1034 : vector<16xf32>
        %add3A_1052 = arith.addf %add3A_1026, %get3A_1038 : vector<16xf32>
        %add3A_1053 = arith.addf %add3A_1027, %get3A_1042 : vector<16xf32>
        %add3A_1054 = arith.addf %add3A_1028, %get3A_1046 : vector<16xf32>
        %add3A_1055 = arith.constant 4 : i32
        %add3A_1056 = arith.addi %add3A_950, %add3A_1055 : i32
        %get3A_1057 = arith.index_cast %add3A_1056 : i32 to index
        %get3A_1058 = arith.constant 0 : index
        %get3A_1059 = tpu.vector_load %arg15[%get3A_1057, %get3A_1058] {strides = array<i32>} : memref<400x64xf32, #tpu.memory_space<vmem>>, vector<1x16xf32>,
        %get3A_1060 = vector.shape_cast %get3A_1059 : vector<1x16xf32> to vector<16xf32>
        %get3A_1061 = arith.index_cast %add3A_1056 : i32 to index
        %get3A_1062 = arith.constant 16 : index
        %get3A_1063 = tpu.vector_load %arg15[%get3A_1061, %get3A_1062] {strides = array<i32>} : memref<400x64xf32, #tpu.memory_space<vmem>>, vector<1x16xf32>,
        %get3A_1064 = vector.shape_cast %get3A_1063 : vector<1x16xf32> to vector<16xf32>
        %get3A_1065 = arith.index_cast %add3A_1056 : i32 to index
        %get3A_1066 = arith.constant 32 : index
        %get3A_1067 = tpu.vector_load %arg15[%get3A_1065, %get3A_1066] {strides = array<i32>} : memref<400x64xf32, #tpu.memory_space<vmem>>, vector<1x16xf32>,
        %get3A_1068 = vector.shape_cast %get3A_1067 : vector<1x16xf32> to vector<16xf32>
        %get3A_1069 = arith.index_cast %add3A_1056 : i32 to index
        %get3A_1070 = arith.constant 48 : index
        %get3A_1071 = tpu.vector_load %arg15[%get3A_1069, %get3A_1070] {strides = array<i32>} : memref<400x64xf32, #tpu.memory_space<vmem>>, vector<1x16xf32>,
        %get3A_1072 = vector.shape_cast %get3A_1071 : vector<1x16xf32> to vector<16xf32>
        %max3A_1073 = arith.maximumf %max3A_1047, %get3A_1060 : vector<16xf32>
        %max3A_1074 = arith.maximumf %max3A_1048, %get3A_1064 : vector<16xf32>
        %max3A_1075 = arith.maximumf %max3A_1049, %get3A_1068 : vector<16xf32>
        %max3A_1076 = arith.maximumf %max3A_1050, %get3A_1072 : vector<16xf32>
        %add3A_1077 = arith.addf %add3A_1051, %get3A_1060 : vector<16xf32>
        %add3A_1078 = arith.addf %add3A_1052, %get3A_1064 : vector<16xf32>
        %add3A_1079 = arith.addf %add3A_1053, %get3A_1068 : vector<16xf32>
        %add3A_1080 = arith.addf %add3A_1054, %get3A_1072 : vector<16xf32>
        %add3A_1081 = arith.constant 5 : i32
        %add3A_1082 = arith.addi %add3A_950, %add3A_1081 : i32
        %get3A_1083 = arith.index_cast %add3A_1082 : i32 to index
        %get3A_1084 = arith.constant 0 : index
        %get3A_1085 = tpu.vector_load %arg15[%get3A_1083, %get3A_1084] {strides = array<i32>} : memref<400x64xf32, #tpu.memory_space<vmem>>, vector<1x16xf32>,
        %get3A_1086 = vector.shape_cast %get3A_1085 : vector<1x16xf32> to vector<16xf32>
        %get3A_1087 = arith.index_cast %add3A_1082 : i32 to index
        %get3A_1088 = arith.constant 16 : index
        %get3A_1089 = tpu.vector_load %arg15[%get3A_1087, %get3A_1088] {strides = array<i32>} : memref<400x64xf32, #tpu.memory_space<vmem>>, vector<1x16xf32>,
        %get3A_1090 = vector.shape_cast %get3A_1089 : vector<1x16xf32> to vector<16xf32>
        %get3A_1091 = arith.index_cast %add3A_1082 : i32 to index
        %get3A_1092 = arith.constant 32 : index
        %get3A_1093 = tpu.vector_load %arg15[%get3A_1091, %get3A_1092] {strides = array<i32>} : memref<400x64xf32, #tpu.memory_space<vmem>>, vector<1x16xf32>,
        %get3A_1094 = vector.shape_cast %get3A_1093 : vector<1x16xf32> to vector<16xf32>
        %get3A_1095 = arith.index_cast %add3A_1082 : i32 to index
        %get3A_1096 = arith.constant 48 : index
        %get3A_1097 = tpu.vector_load %arg15[%get3A_1095, %get3A_1096] {strides = array<i32>} : memref<400x64xf32, #tpu.memory_space<vmem>>, vector<1x16xf32>,
        %get3A_1098 = vector.shape_cast %get3A_1097 : vector<1x16xf32> to vector<16xf32>
        %max3A_1099 = arith.maximumf %max3A_1073, %get3A_1086 : vector<16xf32>
        %max3A_1100 = arith.maximumf %max3A_1074, %get3A_1090 : vector<16xf32>
        %max3A_1101 = arith.maximumf %max3A_1075, %get3A_1094 : vector<16xf32>
        %max3A_1102 = arith.maximumf %max3A_1076, %get3A_1098 : vector<16xf32>
        %add3A_1103 = arith.addf %add3A_1077, %get3A_1086 : vector<16xf32>
        %add3A_1104 = arith.addf %add3A_1078, %get3A_1090 : vector<16xf32>
        %add3A_1105 = arith.addf %add3A_1079, %get3A_1094 : vector<16xf32>
        %add3A_1106 = arith.addf %add3A_1080, %get3A_1098 : vector<16xf32>
        %add3A_1107 = arith.constant 6 : i32
        %add3A_1108 = arith.addi %add3A_950, %add3A_1107 : i32
        %get3A_1109 = arith.index_cast %add3A_1108 : i32 to index
        %get3A_1110 = arith.constant 0 : index
        %get3A_1111 = tpu.vector_load %arg15[%get3A_1109, %get3A_1110] {strides = array<i32>} : memref<400x64xf32, #tpu.memory_space<vmem>>, vector<1x16xf32>,
        %get3A_1112 = vector.shape_cast %get3A_1111 : vector<1x16xf32> to vector<16xf32>
        %get3A_1113 = arith.index_cast %add3A_1108 : i32 to index
        %get3A_1114 = arith.constant 16 : index
        %get3A_1115 = tpu.vector_load %arg15[%get3A_1113, %get3A_1114] {strides = array<i32>} : memref<400x64xf32, #tpu.memory_space<vmem>>, vector<1x16xf32>,
        %get3A_1116 = vector.shape_cast %get3A_1115 : vector<1x16xf32> to vector<16xf32>
        %get3A_1117 = arith.index_cast %add3A_1108 : i32 to index
        %get3A_1118 = arith.constant 32 : index
        %get3A_1119 = tpu.vector_load %arg15[%get3A_1117, %get3A_1118] {strides = array<i32>} : memref<400x64xf32, #tpu.memory_space<vmem>>, vector<1x16xf32>,
        %get3A_1120 = vector.shape_cast %get3A_1119 : vector<1x16xf32> to vector<16xf32>
        %get3A_1121 = arith.index_cast %add3A_1108 : i32 to index
        %get3A_1122 = arith.constant 48 : index
        %get3A_1123 = tpu.vector_load %arg15[%get3A_1121, %get3A_1122] {strides = array<i32>} : memref<400x64xf32, #tpu.memory_space<vmem>>, vector<1x16xf32>,
        %get3A_1124 = vector.shape_cast %get3A_1123 : vector<1x16xf32> to vector<16xf32>
        %max3A_1125 = arith.maximumf %max3A_1099, %get3A_1112 : vector<16xf32>
        %max3A_1126 = arith.maximumf %max3A_1100, %get3A_1116 : vector<16xf32>
        %max3A_1127 = arith.maximumf %max3A_1101, %get3A_1120 : vector<16xf32>
        %max3A_1128 = arith.maximumf %max3A_1102, %get3A_1124 : vector<16xf32>
        %add3A_1129 = arith.addf %add3A_1103, %get3A_1112 : vector<16xf32>
        %add3A_1130 = arith.addf %add3A_1104, %get3A_1116 : vector<16xf32>
        %add3A_1131 = arith.addf %add3A_1105, %get3A_1120 : vector<16xf32>
        %add3A_1132 = arith.addf %add3A_1106, %get3A_1124 : vector<16xf32>
        %add3A_1133 = arith.constant 7 : i32
        %add3A_1134 = arith.addi %add3A_950, %add3A_1133 : i32
        %get3A_1135 = arith.index_cast %add3A_1134 : i32 to index
        %get3A_1136 = arith.constant 0 : index
        %get3A_1137 = tpu.vector_load %arg15[%get3A_1135, %get3A_1136] {strides = array<i32>} : memref<400x64xf32, #tpu.memory_space<vmem>>, vector<1x16xf32>,
        %get3A_1138 = vector.shape_cast %get3A_1137 : vector<1x16xf32> to vector<16xf32>
        %get3A_1139 = arith.index_cast %add3A_1134 : i32 to index
        %get3A_1140 = arith.constant 16 : index
        %get3A_1141 = tpu.vector_load %arg15[%get3A_1139, %get3A_1140] {strides = array<i32>} : memref<400x64xf32, #tpu.memory_space<vmem>>, vector<1x16xf32>,
        %get3A_1142 = vector.shape_cast %get3A_1141 : vector<1x16xf32> to vector<16xf32>
        %get3A_1143 = arith.index_cast %add3A_1134 : i32 to index
        %get3A_1144 = arith.constant 32 : index
        %get3A_1145 = tpu.vector_load %arg15[%get3A_1143, %get3A_1144] {strides = array<i32>} : memref<400x64xf32, #tpu.memory_space<vmem>>, vector<1x16xf32>,
        %get3A_1146 = vector.shape_cast %get3A_1145 : vector<1x16xf32> to vector<16xf32>
        %get3A_1147 = arith.index_cast %add3A_1134 : i32 to index
        %get3A_1148 = arith.constant 48 : index
        %get3A_1149 = tpu.vector_load %arg15[%get3A_1147, %get3A_1148] {strides = array<i32>} : memref<400x64xf32, #tpu.memory_space<vmem>>, vector<1x16xf32>,
        %get3A_1150 = vector.shape_cast %get3A_1149 : vector<1x16xf32> to vector<16xf32>
        %max3A_1151 = arith.maximumf %max3A_1125, %get3A_1138 : vector<16xf32>
        %max3A_1152 = arith.maximumf %max3A_1126, %get3A_1142 : vector<16xf32>
        %max3A_1153 = arith.maximumf %max3A_1127, %get3A_1146 : vector<16xf32>
        %max3A_1154 = arith.maximumf %max3A_1128, %get3A_1150 : vector<16xf32>
        %add3A_1155 = arith.addf %add3A_1129, %get3A_1138 : vector<16xf32>
        %add3A_1156 = arith.addf %add3A_1130, %get3A_1142 : vector<16xf32>
        %add3A_1157 = arith.addf %add3A_1131, %get3A_1146 : vector<16xf32>
        %add3A_1158 = arith.addf %add3A_1132, %get3A_1150 : vector<16xf32>
        scf.yield %max3A_1151, %max3A_1152, %max3A_1153, %max3A_1154, %add3A_1155, %add3A_1156, %add3A_1157, %add3A_1158 : vector<16xf32>, vector<16xf32>, vector<16xf32>, vector<16xf32>, vector<16xf32>, vector<16xf32>, vector<16xf32>, vector<16xf32>
      }
      %mul3A_627 = arith.constant 8 : i32
      %mul3A_628 = arith.muli %mul3A_627, %div3A_611 : i32
      %while3A_629 = arith.subi %squeeze3A_580, %mul3A_628 : i32
      %while3A_630 = arith.addi %mul3A_628, %while3A_629 : i32
      %while3A_631 = arith.constant 1 : i32
      %while3A_632 = arith.divsi %while3A_629, %while3A_631 : i32
      %while3A_633 = arith.muli %while3A_632, %while3A_631 : i32
      %while3A_634 = arith.addi %mul3A_628, %while3A_633 : i32
      %while3A_635 = arith.constant 1 : i32
      %while3A_636:8 = scf.for %while3A_938 = %mul3A_628 to %while3A_634 step %while3A_635 iter_args(%while3A_939 = %while3A_626#0, %while3A_940 = %while3A_626#1, %while3A_941 = %while3A_626#2, %while3A_942 = %while3A_626#3, %while3A_943 = %while3A_626#4, %while3A_944 = %while3A_626#5, %while3A_945 = %while3A_626#6, %while3A_946 = %while3A_626#7) -> (vector<16xf32>, vector<16xf32>, vector<16xf32>, vector<16xf32>, vector<16xf32>, vector<16xf32>, vector<16xf32>, vector<16xf32>)  : i32 {
        %add3A_947 = arith.constant 0 : i32
        %add3A_948 = arith.addi %add3A_947, %while3A_938 : i32
        %get3A_949 = arith.index_cast %add3A_948 : i32 to index
        %get3A_950 = arith.constant 0 : index
        %get3A_951 = tpu.vector_load %arg15[%get3A_949, %get3A_950] {strides = array<i32>} : memref<400x64xf32, #tpu.memory_space<vmem>>, vector<1x16xf32>,
        %get3A_952 = vector.shape_cast %get3A_951 : vector<1x16xf32> to vector<16xf32>
        %get3A_953 = arith.index_cast %add3A_948 : i32 to index
        %get3A_954 = arith.constant 16 : index
        %get3A_955 = tpu.vector_load %arg15[%get3A_953, %get3A_954] {strides = array<i32>} : memref<400x64xf32, #tpu.memory_space<vmem>>, vector<1x16xf32>,
        %get3A_956 = vector.shape_cast %get3A_955 : vector<1x16xf32> to vector<16xf32>
        %get3A_957 = arith.index_cast %add3A_948 : i32 to index
        %get3A_958 = arith.constant 32 : index
        %get3A_959 = tpu.vector_load %arg15[%get3A_957, %get3A_958] {strides = array<i32>} : memref<400x64xf32, #tpu.memory_space<vmem>>, vector<1x16xf32>,
        %get3A_960 = vector.shape_cast %get3A_959 : vector<1x16xf32> to vector<16xf32>
        %get3A_961 = arith.index_cast %add3A_948 : i32 to index
        %get3A_962 = arith.constant 48 : index
        %get3A_963 = tpu.vector_load %arg15[%get3A_961, %get3A_962] {strides = array<i32>} : memref<400x64xf32, #tpu.memory_space<vmem>>, vector<1x16xf32>,
        %get3A_964 = vector.shape_cast %get3A_963 : vector<1x16xf32> to vector<16xf32>
        %max3A_965 = arith.maximumf %while3A_939, %get3A_952 : vector<16xf32>
        %max3A_966 = arith.maximumf %while3A_940, %get3A_956 : vector<16xf32>
        %max3A_967 = arith.maximumf %while3A_941, %get3A_960 : vector<16xf32>
        %max3A_968 = arith.maximumf %while3A_942, %get3A_964 : vector<16xf32>
        %add3A_969 = arith.addf %while3A_943, %get3A_952 : vector<16xf32>
        %add3A_970 = arith.addf %while3A_944, %get3A_956 : vector<16xf32>
        %add3A_971 = arith.addf %while3A_945, %get3A_960 : vector<16xf32>
        %add3A_972 = arith.addf %while3A_946, %get3A_964 : vector<16xf32>
        scf.yield %max3A_965, %max3A_966, %max3A_967, %max3A_968, %add3A_969, %add3A_970, %add3A_971, %add3A_972 : vector<16xf32>, vector<16xf32>, vector<16xf32>, vector<16xf32>, vector<16xf32>, vector<16xf32>, vector<16xf32>, vector<16xf32>
      }
      %while3A_637 = arith.constant 1 : i32
      %while3A_638:8 = scf.for %while3A_938 = %while3A_634 to %while3A_630 step %while3A_637 iter_args(%while3A_939 = %while3A_636#0, %while3A_940 = %while3A_636#1, %while3A_941 = %while3A_636#2, %while3A_942 = %while3A_636#3, %while3A_943 = %while3A_636#4, %while3A_944 = %while3A_636#5, %while3A_945 = %while3A_636#6, %while3A_946 = %while3A_636#7) -> (vector<16xf32>, vector<16xf32>, vector<16xf32>, vector<16xf32>, vector<16xf32>, vector<16xf32>, vector<16xf32>, vector<16xf32>)  : i32 {
        %add3A_947 = arith.constant 0 : i32
        %add3A_948 = arith.addi %add3A_947, %while3A_938 : i32
        %get3A_949 = arith.index_cast %add3A_948 : i32 to index
        %get3A_950 = arith.constant 0 : index
        %get3A_951 = tpu.vector_load %arg15[%get3A_949, %get3A_950] {strides = array<i32>} : memref<400x64xf32, #tpu.memory_space<vmem>>, vector<1x16xf32>,
        %get3A_952 = vector.shape_cast %get3A_951 : vector<1x16xf32> to vector<16xf32>
        %get3A_953 = arith.index_cast %add3A_948 : i32 to index
        %get3A_954 = arith.constant 16 : index
        %get3A_955 = tpu.vector_load %arg15[%get3A_953, %get3A_954] {strides = array<i32>} : memref<400x64xf32, #tpu.memory_space<vmem>>, vector<1x16xf32>,
        %get3A_956 = vector.shape_cast %get3A_955 : vector<1x16xf32> to vector<16xf32>
        %get3A_957 = arith.index_cast %add3A_948 : i32 to index
        %get3A_958 = arith.constant 32 : index
        %get3A_959 = tpu.vector_load %arg15[%get3A_957, %get3A_958] {strides = array<i32>} : memref<400x64xf32, #tpu.memory_space<vmem>>, vector<1x16xf32>,
        %get3A_960 = vector.shape_cast %get3A_959 : vector<1x16xf32> to vector<16xf32>
        %get3A_961 = arith.index_cast %add3A_948 : i32 to index
        %get3A_962 = arith.constant 48 : index
        %get3A_963 = tpu.vector_load %arg15[%get3A_961, %get3A_962] {strides = array<i32>} : memref<400x64xf32, #tpu.memory_space<vmem>>, vector<1x16xf32>,
        %get3A_964 = vector.shape_cast %get3A_963 : vector<1x16xf32> to vector<16xf32>
        %max3A_965 = arith.maximumf %while3A_939, %get3A_952 : vector<16xf32>
        %max3A_966 = arith.maximumf %while3A_940, %get3A_956 : vector<16xf32>
        %max3A_967 = arith.maximumf %while3A_941, %get3A_960 : vector<16xf32>
        %max3A_968 = arith.maximumf %while3A_942, %get3A_964 : vector<16xf32>
        %add3A_969 = arith.addf %while3A_943, %get3A_952 : vector<16xf32>
        %add3A_970 = arith.addf %while3A_944, %get3A_956 : vector<16xf32>
        %add3A_971 = arith.addf %while3A_945, %get3A_960 : vector<16xf32>
        %add3A_972 = arith.addf %while3A_946, %get3A_964 : vector<16xf32>
        scf.yield %max3A_965, %max3A_966, %max3A_967, %max3A_968, %add3A_969, %add3A_970, %add3A_971, %add3A_972 : vector<16xf32>, vector<16xf32>, vector<16xf32>, vector<16xf32>, vector<16xf32>, vector<16xf32>, vector<16xf32>, vector<16xf32>
      }
      %broadcast_in_dim3A_639 = arith.constant 1.000000e+00 : f32
      %broadcast_in_dim3A_640 = vector.broadcast %broadcast_in_dim3A_639 : f32 to vector<16xf32>
      %max3A_641 = arith.constant 1 : i32
      %max3A_642 = arith.maxsi %squeeze3A_575, %max3A_641 : i32
      %convert_element_type3A_643 = arith.sitofp %max3A_642 : i32 to f32
      %broadcast_in_dim3A_644 = vector.broadcast %convert_element_type3A_643 : f32 to vector<16xf32>
      %div3A_645 = arith.divf %broadcast_in_dim3A_640, %broadcast_in_dim3A_644 : vector<16xf32>
      %max3A_646 = arith.constant 1 : i32
      %max3A_647 = arith.maxsi %squeeze3A_580, %max3A_646 : i32
      %convert_element_type3A_648 = arith.sitofp %max3A_647 : i32 to f32
      %broadcast_in_dim3A_649 = vector.broadcast %convert_element_type3A_648 : f32 to vector<16xf32>
      %div3A_650 = arith.divf %broadcast_in_dim3A_640, %broadcast_in_dim3A_649 : vector<16xf32>
      %gt3A_651 = arith.constant 0 : i32
      %gt3A_652 = arith.cmpi sgt, %squeeze3A_575, %gt3A_651 : i32
      %gt3A_653 = arith.constant 0 : i32
      %gt3A_654 = arith.cmpi sgt, %squeeze3A_580, %gt3A_653 : i32
      %broadcast_in_dim3A_655 = arith.constant 0.000000e+00 : f32
      %broadcast_in_dim3A_656 = vector.broadcast %broadcast_in_dim3A_655 : f32 to vector<16xf32>
      %select_n3A_657 = arith.select %gt3A_652, %while3A_609#0, %broadcast_in_dim3A_656 : vector<16xf32>
      %swap3A_658 = arith.index_cast %mul3A_570 : i32 to index
      %swap3A_659 = arith.constant 0 : index
      %swap3A_660 = tpu.vector_load %arg16[%swap3A_658, %swap3A_659] {strides = array<i32>} : memref<128x256xf32, #tpu.memory_space<vmem>>, vector<1x16xf32>,
      %swap3A_661 = vector.shape_cast %swap3A_660 : vector<1x16xf32> to vector<16xf32>
      %swap3A_662 = vector.shape_cast %select_n3A_657 : vector<16xf32> to vector<1x16xf32>
      tpu.vector_store %arg16[%swap3A_658, %swap3A_659], %swap3A_662 {strides = array<i32>} : memref<128x256xf32, #tpu.memory_space<vmem>>, vector<1x16xf32>,
      %select_n3A_663 = arith.select %gt3A_654, %while3A_638#0, %broadcast_in_dim3A_656 : vector<16xf32>
      %swap3A_664 = arith.index_cast %mul3A_570 : i32 to index
      %swap3A_665 = arith.constant 64 : index
      %swap3A_666 = tpu.vector_load %arg16[%swap3A_664, %swap3A_665] {strides = array<i32>} : memref<128x256xf32, #tpu.memory_space<vmem>>, vector<1x16xf32>,
      %swap3A_667 = vector.shape_cast %swap3A_666 : vector<1x16xf32> to vector<16xf32>
      %swap3A_668 = vector.shape_cast %select_n3A_663 : vector<16xf32> to vector<1x16xf32>
      tpu.vector_store %arg16[%swap3A_664, %swap3A_665], %swap3A_668 {strides = array<i32>} : memref<128x256xf32, #tpu.memory_space<vmem>>, vector<1x16xf32>,
      %mul3A_669 = arith.mulf %while3A_609#4, %div3A_645 : vector<16xf32>
      %swap3A_670 = arith.index_cast %mul3A_570 : i32 to index
      %swap3A_671 = arith.constant 128 : index
      %swap3A_672 = tpu.vector_load %arg16[%swap3A_670, %swap3A_671] {strides = array<i32>} : memref<128x256xf32, #tpu.memory_space<vmem>>, vector<1x16xf32>,
      %swap3A_673 = vector.shape_cast %swap3A_672 : vector<1x16xf32> to vector<16xf32>
      %swap3A_674 = vector.shape_cast %mul3A_669 : vector<16xf32> to vector<1x16xf32>
      tpu.vector_store %arg16[%swap3A_670, %swap3A_671], %swap3A_674 {strides = array<i32>} : memref<128x256xf32, #tpu.memory_space<vmem>>, vector<1x16xf32>,
      %mul3A_675 = arith.mulf %while3A_638#4, %div3A_650 : vector<16xf32>
      %swap3A_676 = arith.index_cast %mul3A_570 : i32 to index
      %swap3A_677 = arith.constant 192 : index
      %swap3A_678 = tpu.vector_load %arg16[%swap3A_676, %swap3A_677] {strides = array<i32>} : memref<128x256xf32, #tpu.memory_space<vmem>>, vector<1x16xf32>,
      %swap3A_679 = vector.shape_cast %swap3A_678 : vector<1x16xf32> to vector<16xf32>
      %swap3A_680 = vector.shape_cast %mul3A_675 : vector<16xf32> to vector<1x16xf32>
      tpu.vector_store %arg16[%swap3A_676, %swap3A_677], %swap3A_680 {strides = array<i32>} : memref<128x256xf32, #tpu.memory_space<vmem>>, vector<1x16xf32>,
      %select_n3A_681 = arith.select %gt3A_652, %while3A_609#1, %broadcast_in_dim3A_656 : vector<16xf32>
      %swap3A_682 = arith.index_cast %mul3A_570 : i32 to index
      %swap3A_683 = arith.constant 16 : index
      %swap3A_684 = tpu.vector_load %arg16[%swap3A_682, %swap3A_683] {strides = array<i32>} : memref<128x256xf32, #tpu.memory_space<vmem>>, vector<1x16xf32>,
      %swap3A_685 = vector.shape_cast %swap3A_684 : vector<1x16xf32> to vector<16xf32>
      %swap3A_686 = vector.shape_cast %select_n3A_681 : vector<16xf32> to vector<1x16xf32>
      tpu.vector_store %arg16[%swap3A_682, %swap3A_683], %swap3A_686 {strides = array<i32>} : memref<128x256xf32, #tpu.memory_space<vmem>>, vector<1x16xf32>,
      %select_n3A_687 = arith.select %gt3A_654, %while3A_638#1, %broadcast_in_dim3A_656 : vector<16xf32>
      %swap3A_688 = arith.index_cast %mul3A_570 : i32 to index
      %swap3A_689 = arith.constant 80 : index
      %swap3A_690 = tpu.vector_load %arg16[%swap3A_688, %swap3A_689] {strides = array<i32>} : memref<128x256xf32, #tpu.memory_space<vmem>>, vector<1x16xf32>,
      %swap3A_691 = vector.shape_cast %swap3A_690 : vector<1x16xf32> to vector<16xf32>
      %swap3A_692 = vector.shape_cast %select_n3A_687 : vector<16xf32> to vector<1x16xf32>
      tpu.vector_store %arg16[%swap3A_688, %swap3A_689], %swap3A_692 {strides = array<i32>} : memref<128x256xf32, #tpu.memory_space<vmem>>, vector<1x16xf32>,
      %mul3A_693 = arith.mulf %while3A_609#5, %div3A_645 : vector<16xf32>
      %swap3A_694 = arith.index_cast %mul3A_570 : i32 to index
      %swap3A_695 = arith.constant 144 : index
      %swap3A_696 = tpu.vector_load %arg16[%swap3A_694, %swap3A_695] {strides = array<i32>} : memref<128x256xf32, #tpu.memory_space<vmem>>, vector<1x16xf32>,
      %swap3A_697 = vector.shape_cast %swap3A_696 : vector<1x16xf32> to vector<16xf32>
      %swap3A_698 = vector.shape_cast %mul3A_693 : vector<16xf32> to vector<1x16xf32>
      tpu.vector_store %arg16[%swap3A_694, %swap3A_695], %swap3A_698 {strides = array<i32>} : memref<128x256xf32, #tpu.memory_space<vmem>>, vector<1x16xf32>,
      %mul3A_699 = arith.mulf %while3A_638#5, %div3A_650 : vector<16xf32>
      %swap3A_700 = arith.index_cast %mul3A_570 : i32 to index
      %swap3A_701 = arith.constant 208 : index
      %swap3A_702 = tpu.vector_load %arg16[%swap3A_700, %swap3A_701] {strides = array<i32>} : memref<128x256xf32, #tpu.memory_space<vmem>>, vector<1x16xf32>,
      %swap3A_703 = vector.shape_cast %swap3A_702 : vector<1x16xf32> to vector<16xf32>
      %swap3A_704 = vector.shape_cast %mul3A_699 : vector<16xf32> to vector<1x16xf32>
      tpu.vector_store %arg16[%swap3A_700, %swap3A_701], %swap3A_704 {strides = array<i32>} : memref<128x256xf32, #tpu.memory_space<vmem>>, vector<1x16xf32>,
      %select_n3A_705 = arith.select %gt3A_652, %while3A_609#2, %broadcast_in_dim3A_656 : vector<16xf32>
      %swap3A_706 = arith.index_cast %mul3A_570 : i32 to index
      %swap3A_707 = arith.constant 32 : index
      %swap3A_708 = tpu.vector_load %arg16[%swap3A_706, %swap3A_707] {strides = array<i32>} : memref<128x256xf32, #tpu.memory_space<vmem>>, vector<1x16xf32>,
      %swap3A_709 = vector.shape_cast %swap3A_708 : vector<1x16xf32> to vector<16xf32>
      %swap3A_710 = vector.shape_cast %select_n3A_705 : vector<16xf32> to vector<1x16xf32>
      tpu.vector_store %arg16[%swap3A_706, %swap3A_707], %swap3A_710 {strides = array<i32>} : memref<128x256xf32, #tpu.memory_space<vmem>>, vector<1x16xf32>,
      %select_n3A_711 = arith.select %gt3A_654, %while3A_638#2, %broadcast_in_dim3A_656 : vector<16xf32>
      %swap3A_712 = arith.index_cast %mul3A_570 : i32 to index
      %swap3A_713 = arith.constant 96 : index
      %swap3A_714 = tpu.vector_load %arg16[%swap3A_712, %swap3A_713] {strides = array<i32>} : memref<128x256xf32, #tpu.memory_space<vmem>>, vector<1x16xf32>,
      %swap3A_715 = vector.shape_cast %swap3A_714 : vector<1x16xf32> to vector<16xf32>
      %swap3A_716 = vector.shape_cast %select_n3A_711 : vector<16xf32> to vector<1x16xf32>
      tpu.vector_store %arg16[%swap3A_712, %swap3A_713], %swap3A_716 {strides = array<i32>} : memref<128x256xf32, #tpu.memory_space<vmem>>, vector<1x16xf32>,
      %mul3A_717 = arith.mulf %while3A_609#6, %div3A_645 : vector<16xf32>
      %swap3A_718 = arith.index_cast %mul3A_570 : i32 to index
      %swap3A_719 = arith.constant 160 : index
      %swap3A_720 = tpu.vector_load %arg16[%swap3A_718, %swap3A_719] {strides = array<i32>} : memref<128x256xf32, #tpu.memory_space<vmem>>, vector<1x16xf32>,
      %swap3A_721 = vector.shape_cast %swap3A_720 : vector<1x16xf32> to vector<16xf32>
      %swap3A_722 = vector.shape_cast %mul3A_717 : vector<16xf32> to vector<1x16xf32>
      tpu.vector_store %arg16[%swap3A_718, %swap3A_719], %swap3A_722 {strides = array<i32>} : memref<128x256xf32, #tpu.memory_space<vmem>>, vector<1x16xf32>,
      %mul3A_723 = arith.mulf %while3A_638#6, %div3A_650 : vector<16xf32>
      %swap3A_724 = arith.index_cast %mul3A_570 : i32 to index
      %swap3A_725 = arith.constant 224 : index
      %swap3A_726 = tpu.vector_load %arg16[%swap3A_724, %swap3A_725] {strides = array<i32>} : memref<128x256xf32, #tpu.memory_space<vmem>>, vector<1x16xf32>,
      %swap3A_727 = vector.shape_cast %swap3A_726 : vector<1x16xf32> to vector<16xf32>
      %swap3A_728 = vector.shape_cast %mul3A_723 : vector<16xf32> to vector<1x16xf32>
      tpu.vector_store %arg16[%swap3A_724, %swap3A_725], %swap3A_728 {strides = array<i32>} : memref<128x256xf32, #tpu.memory_space<vmem>>, vector<1x16xf32>,
      %select_n3A_729 = arith.select %gt3A_652, %while3A_609#3, %broadcast_in_dim3A_656 : vector<16xf32>
      %swap3A_730 = arith.index_cast %mul3A_570 : i32 to index
      %swap3A_731 = arith.constant 48 : index
      %swap3A_732 = tpu.vector_load %arg16[%swap3A_730, %swap3A_731] {strides = array<i32>} : memref<128x256xf32, #tpu.memory_space<vmem>>, vector<1x16xf32>,
      %swap3A_733 = vector.shape_cast %swap3A_732 : vector<1x16xf32> to vector<16xf32>
      %swap3A_734 = vector.shape_cast %select_n3A_729 : vector<16xf32> to vector<1x16xf32>
      tpu.vector_store %arg16[%swap3A_730, %swap3A_731], %swap3A_734 {strides = array<i32>} : memref<128x256xf32, #tpu.memory_space<vmem>>, vector<1x16xf32>,
      %select_n3A_735 = arith.select %gt3A_654, %while3A_638#3, %broadcast_in_dim3A_656 : vector<16xf32>
      %swap3A_736 = arith.index_cast %mul3A_570 : i32 to index
      %swap3A_737 = arith.constant 112 : index
      %swap3A_738 = tpu.vector_load %arg16[%swap3A_736, %swap3A_737] {strides = array<i32>} : memref<128x256xf32, #tpu.memory_space<vmem>>, vector<1x16xf32>,
      %swap3A_739 = vector.shape_cast %swap3A_738 : vector<1x16xf32> to vector<16xf32>
      %swap3A_740 = vector.shape_cast %select_n3A_735 : vector<16xf32> to vector<1x16xf32>
      tpu.vector_store %arg16[%swap3A_736, %swap3A_737], %swap3A_740 {strides = array<i32>} : memref<128x256xf32, #tpu.memory_space<vmem>>, vector<1x16xf32>,
      %mul3A_741 = arith.mulf %while3A_609#7, %div3A_645 : vector<16xf32>
      %swap3A_742 = arith.index_cast %mul3A_570 : i32 to index
      %swap3A_743 = arith.constant 176 : index
      %swap3A_744 = tpu.vector_load %arg16[%swap3A_742, %swap3A_743] {strides = array<i32>} : memref<128x256xf32, #tpu.memory_space<vmem>>, vector<1x16xf32>,
      %swap3A_745 = vector.shape_cast %swap3A_744 : vector<1x16xf32> to vector<16xf32>
      %swap3A_746 = vector.shape_cast %mul3A_741 : vector<16xf32> to vector<1x16xf32>
      tpu.vector_store %arg16[%swap3A_742, %swap3A_743], %swap3A_746 {strides = array<i32>} : memref<128x256xf32, #tpu.memory_space<vmem>>, vector<1x16xf32>,
      %mul3A_747 = arith.mulf %while3A_638#7, %div3A_650 : vector<16xf32>
      %swap3A_748 = arith.index_cast %mul3A_570 : i32 to index
      %swap3A_749 = arith.constant 240 : index
      %swap3A_750 = tpu.vector_load %arg16[%swap3A_748, %swap3A_749] {strides = array<i32>} : memref<128x256xf32, #tpu.memory_space<vmem>>, vector<1x16xf32>,
      %swap3A_751 = vector.shape_cast %swap3A_750 : vector<1x16xf32> to vector<16xf32>
      %swap3A_752 = vector.shape_cast %mul3A_747 : vector<16xf32> to vector<1x16xf32>
      tpu.vector_store %arg16[%swap3A_748, %swap3A_749], %swap3A_752 {strides = array<i32>} : memref<128x256xf32, #tpu.memory_space<vmem>>, vector<1x16xf32>,
      %add3A_753 = arith.constant 1 : i32
      %add3A_754 = arith.addi %mul3A_570, %add3A_753 : i32
      %get3A_755 = arith.index_cast %add3A_754 : i32 to index
      %get3A_756 = tpu.vector_load %arg10[%get3A_755] {strides = array<i32>} : memref<144xi32, #tpu.memory_space<vmem>>, vector<16xi32>,
      %get3A_757 = vector.shape_cast %get3A_756 : vector<16xi32> to vector<16xi32>
      %slice3A_758 = vector.extract_strided_slice %get3A_757 {offsets = [0], sizes = [1], strides = [1]} : vector<16xi32> to vector<1xi32>
      %squeeze3A_759 = vector.extract %slice3A_758[0] : i32 from vector<1xi32>
      %get3A_760 = arith.index_cast %add3A_754 : i32 to index
      %get3A_761 = tpu.vector_load %arg11[%get3A_760] {strides = array<i32>} : memref<144xi32, #tpu.memory_space<vmem>>, vector<16xi32>,
      %get3A_762 = vector.shape_cast %get3A_761 : vector<16xi32> to vector<16xi32>
      %slice3A_763 = vector.extract_strided_slice %get3A_762 {offsets = [0], sizes = [1], strides = [1]} : vector<16xi32> to vector<1xi32>
      %squeeze3A_764 = vector.extract %slice3A_763[0] : i32 from vector<1xi32>
      %div3A_765 = arith.constant 4 : i32
      %div3A_766 = arith.divsi %squeeze3A_759, %div3A_765 : i32
      %broadcast_in_dim3A_767 = arith.constant -1.000000e+30 : f32
      %broadcast_in_dim3A_768 = vector.broadcast %broadcast_in_dim3A_767 : f32 to vector<16xf32>
      %broadcast_in_dim3A_769 = arith.constant 0.000000e+00 : f32
      %broadcast_in_dim3A_770 = vector.broadcast %broadcast_in_dim3A_769 : f32 to vector<16xf32>
      %while3A_771 = arith.constant 0 : i32
      %while3A_772 = arith.subi %div3A_766, %while3A_771 : i32
      %while3A_773 = arith.addi %while3A_771, %while3A_772 : i32
      %while3A_774 = arith.constant 1 : i32
      %while3A_775 = arith.divsi %while3A_772, %while3A_774 : i32
      %while3A_776 = arith.muli %while3A_775, %while3A_774 : i32
      %while3A_777 = arith.addi %while3A_771, %while3A_776 : i32
      %while3A_778 = arith.constant 1 : i32
      %while3A_779:8 = scf.for %while3A_938 = %while3A_771 to %while3A_777 step %while3A_778 iter_args(%while3A_939 = %broadcast_in_dim3A_768, %while3A_940 = %broadcast_in_dim3A_768, %while3A_941 = %broadcast_in_dim3A_768, %while3A_942 = %broadcast_in_dim3A_768, %while3A_943 = %broadcast_in_dim3A_770, %while3A_944 = %broadcast_in_dim3A_770, %while3A_945 = %broadcast_in_dim3A_770, %while3A_946 = %broadcast_in_dim3A_770) -> (vector<16xf32>, vector<16xf32>, vector<16xf32>, vector<16xf32>, vector<16xf32>, vector<16xf32>, vector<16xf32>, vector<16xf32>)  : i32 {
        %mul3A_947 = arith.constant 4 : i32
        %mul3A_948 = arith.muli %mul3A_947, %while3A_938 : i32
        %add3A_949 = arith.constant 24 : i32
        %add3A_950 = arith.addi %add3A_949, %mul3A_948 : i32
        %add3A_951 = arith.constant 0 : i32
        %add3A_952 = arith.addi %add3A_950, %add3A_951 : i32
        %get3A_953 = arith.index_cast %add3A_952 : i32 to index
        %get3A_954 = arith.constant 0 : index
        %get3A_955 = tpu.vector_load %arg14[%get3A_953, %get3A_954] {strides = array<i32>} : memref<48x64xf32, #tpu.memory_space<vmem>>, vector<1x16xf32>,
        %get3A_956 = vector.shape_cast %get3A_955 : vector<1x16xf32> to vector<16xf32>
        %get3A_957 = arith.index_cast %add3A_952 : i32 to index
        %get3A_958 = arith.constant 16 : index
        %get3A_959 = tpu.vector_load %arg14[%get3A_957, %get3A_958] {strides = array<i32>} : memref<48x64xf32, #tpu.memory_space<vmem>>, vector<1x16xf32>,
        %get3A_960 = vector.shape_cast %get3A_959 : vector<1x16xf32> to vector<16xf32>
        %get3A_961 = arith.index_cast %add3A_952 : i32 to index
        %get3A_962 = arith.constant 32 : index
        %get3A_963 = tpu.vector_load %arg14[%get3A_961, %get3A_962] {strides = array<i32>} : memref<48x64xf32, #tpu.memory_space<vmem>>, vector<1x16xf32>,
        %get3A_964 = vector.shape_cast %get3A_963 : vector<1x16xf32> to vector<16xf32>
        %get3A_965 = arith.index_cast %add3A_952 : i32 to index
        %get3A_966 = arith.constant 48 : index
        %get3A_967 = tpu.vector_load %arg14[%get3A_965, %get3A_966] {strides = array<i32>} : memref<48x64xf32, #tpu.memory_space<vmem>>, vector<1x16xf32>,
        %get3A_968 = vector.shape_cast %get3A_967 : vector<1x16xf32> to vector<16xf32>
        %max3A_969 = arith.maximumf %while3A_939, %get3A_956 : vector<16xf32>
        %max3A_970 = arith.maximumf %while3A_940, %get3A_960 : vector<16xf32>
        %max3A_971 = arith.maximumf %while3A_941, %get3A_964 : vector<16xf32>
        %max3A_972 = arith.maximumf %while3A_942, %get3A_968 : vector<16xf32>
        %add3A_973 = arith.addf %while3A_943, %get3A_956 : vector<16xf32>
        %add3A_974 = arith.addf %while3A_944, %get3A_960 : vector<16xf32>
        %add3A_975 = arith.addf %while3A_945, %get3A_964 : vector<16xf32>
        %add3A_976 = arith.addf %while3A_946, %get3A_968 : vector<16xf32>
        %add3A_977 = arith.constant 1 : i32
        %add3A_978 = arith.addi %add3A_950, %add3A_977 : i32
        %get3A_979 = arith.index_cast %add3A_978 : i32 to index
        %get3A_980 = arith.constant 0 : index
        %get3A_981 = tpu.vector_load %arg14[%get3A_979, %get3A_980] {strides = array<i32>} : memref<48x64xf32, #tpu.memory_space<vmem>>, vector<1x16xf32>,
        %get3A_982 = vector.shape_cast %get3A_981 : vector<1x16xf32> to vector<16xf32>
        %get3A_983 = arith.index_cast %add3A_978 : i32 to index
        %get3A_984 = arith.constant 16 : index
        %get3A_985 = tpu.vector_load %arg14[%get3A_983, %get3A_984] {strides = array<i32>} : memref<48x64xf32, #tpu.memory_space<vmem>>, vector<1x16xf32>,
        %get3A_986 = vector.shape_cast %get3A_985 : vector<1x16xf32> to vector<16xf32>
        %get3A_987 = arith.index_cast %add3A_978 : i32 to index
        %get3A_988 = arith.constant 32 : index
        %get3A_989 = tpu.vector_load %arg14[%get3A_987, %get3A_988] {strides = array<i32>} : memref<48x64xf32, #tpu.memory_space<vmem>>, vector<1x16xf32>,
        %get3A_990 = vector.shape_cast %get3A_989 : vector<1x16xf32> to vector<16xf32>
        %get3A_991 = arith.index_cast %add3A_978 : i32 to index
        %get3A_992 = arith.constant 48 : index
        %get3A_993 = tpu.vector_load %arg14[%get3A_991, %get3A_992] {strides = array<i32>} : memref<48x64xf32, #tpu.memory_space<vmem>>, vector<1x16xf32>,
        %get3A_994 = vector.shape_cast %get3A_993 : vector<1x16xf32> to vector<16xf32>
        %max3A_995 = arith.maximumf %max3A_969, %get3A_982 : vector<16xf32>
        %max3A_996 = arith.maximumf %max3A_970, %get3A_986 : vector<16xf32>
        %max3A_997 = arith.maximumf %max3A_971, %get3A_990 : vector<16xf32>
        %max3A_998 = arith.maximumf %max3A_972, %get3A_994 : vector<16xf32>
        %add3A_999 = arith.addf %add3A_973, %get3A_982 : vector<16xf32>
        %add3A_1000 = arith.addf %add3A_974, %get3A_986 : vector<16xf32>
        %add3A_1001 = arith.addf %add3A_975, %get3A_990 : vector<16xf32>
        %add3A_1002 = arith.addf %add3A_976, %get3A_994 : vector<16xf32>
        %add3A_1003 = arith.constant 2 : i32
        %add3A_1004 = arith.addi %add3A_950, %add3A_1003 : i32
        %get3A_1005 = arith.index_cast %add3A_1004 : i32 to index
        %get3A_1006 = arith.constant 0 : index
        %get3A_1007 = tpu.vector_load %arg14[%get3A_1005, %get3A_1006] {strides = array<i32>} : memref<48x64xf32, #tpu.memory_space<vmem>>, vector<1x16xf32>,
        %get3A_1008 = vector.shape_cast %get3A_1007 : vector<1x16xf32> to vector<16xf32>
        %get3A_1009 = arith.index_cast %add3A_1004 : i32 to index
        %get3A_1010 = arith.constant 16 : index
        %get3A_1011 = tpu.vector_load %arg14[%get3A_1009, %get3A_1010] {strides = array<i32>} : memref<48x64xf32, #tpu.memory_space<vmem>>, vector<1x16xf32>,
        %get3A_1012 = vector.shape_cast %get3A_1011 : vector<1x16xf32> to vector<16xf32>
        %get3A_1013 = arith.index_cast %add3A_1004 : i32 to index
        %get3A_1014 = arith.constant 32 : index
        %get3A_1015 = tpu.vector_load %arg14[%get3A_1013, %get3A_1014] {strides = array<i32>} : memref<48x64xf32, #tpu.memory_space<vmem>>, vector<1x16xf32>,
        %get3A_1016 = vector.shape_cast %get3A_1015 : vector<1x16xf32> to vector<16xf32>
        %get3A_1017 = arith.index_cast %add3A_1004 : i32 to index
        %get3A_1018 = arith.constant 48 : index
        %get3A_1019 = tpu.vector_load %arg14[%get3A_1017, %get3A_1018] {strides = array<i32>} : memref<48x64xf32, #tpu.memory_space<vmem>>, vector<1x16xf32>,
        %get3A_1020 = vector.shape_cast %get3A_1019 : vector<1x16xf32> to vector<16xf32>
        %max3A_1021 = arith.maximumf %max3A_995, %get3A_1008 : vector<16xf32>
        %max3A_1022 = arith.maximumf %max3A_996, %get3A_1012 : vector<16xf32>
        %max3A_1023 = arith.maximumf %max3A_997, %get3A_1016 : vector<16xf32>
        %max3A_1024 = arith.maximumf %max3A_998, %get3A_1020 : vector<16xf32>
        %add3A_1025 = arith.addf %add3A_999, %get3A_1008 : vector<16xf32>
        %add3A_1026 = arith.addf %add3A_1000, %get3A_1012 : vector<16xf32>
        %add3A_1027 = arith.addf %add3A_1001, %get3A_1016 : vector<16xf32>
        %add3A_1028 = arith.addf %add3A_1002, %get3A_1020 : vector<16xf32>
        %add3A_1029 = arith.constant 3 : i32
        %add3A_1030 = arith.addi %add3A_950, %add3A_1029 : i32
        %get3A_1031 = arith.index_cast %add3A_1030 : i32 to index
        %get3A_1032 = arith.constant 0 : index
        %get3A_1033 = tpu.vector_load %arg14[%get3A_1031, %get3A_1032] {strides = array<i32>} : memref<48x64xf32, #tpu.memory_space<vmem>>, vector<1x16xf32>,
        %get3A_1034 = vector.shape_cast %get3A_1033 : vector<1x16xf32> to vector<16xf32>
        %get3A_1035 = arith.index_cast %add3A_1030 : i32 to index
        %get3A_1036 = arith.constant 16 : index
        %get3A_1037 = tpu.vector_load %arg14[%get3A_1035, %get3A_1036] {strides = array<i32>} : memref<48x64xf32, #tpu.memory_space<vmem>>, vector<1x16xf32>,
        %get3A_1038 = vector.shape_cast %get3A_1037 : vector<1x16xf32> to vector<16xf32>
        %get3A_1039 = arith.index_cast %add3A_1030 : i32 to index
        %get3A_1040 = arith.constant 32 : index
        %get3A_1041 = tpu.vector_load %arg14[%get3A_1039, %get3A_1040] {strides = array<i32>} : memref<48x64xf32, #tpu.memory_space<vmem>>, vector<1x16xf32>,
        %get3A_1042 = vector.shape_cast %get3A_1041 : vector<1x16xf32> to vector<16xf32>
        %get3A_1043 = arith.index_cast %add3A_1030 : i32 to index
        %get3A_1044 = arith.constant 48 : index
        %get3A_1045 = tpu.vector_load %arg14[%get3A_1043, %get3A_1044] {strides = array<i32>} : memref<48x64xf32, #tpu.memory_space<vmem>>, vector<1x16xf32>,
        %get3A_1046 = vector.shape_cast %get3A_1045 : vector<1x16xf32> to vector<16xf32>
        %max3A_1047 = arith.maximumf %max3A_1021, %get3A_1034 : vector<16xf32>
        %max3A_1048 = arith.maximumf %max3A_1022, %get3A_1038 : vector<16xf32>
        %max3A_1049 = arith.maximumf %max3A_1023, %get3A_1042 : vector<16xf32>
        %max3A_1050 = arith.maximumf %max3A_1024, %get3A_1046 : vector<16xf32>
        %add3A_1051 = arith.addf %add3A_1025, %get3A_1034 : vector<16xf32>
        %add3A_1052 = arith.addf %add3A_1026, %get3A_1038 : vector<16xf32>
        %add3A_1053 = arith.addf %add3A_1027, %get3A_1042 : vector<16xf32>
        %add3A_1054 = arith.addf %add3A_1028, %get3A_1046 : vector<16xf32>
        scf.yield %max3A_1047, %max3A_1048, %max3A_1049, %max3A_1050, %add3A_1051, %add3A_1052, %add3A_1053, %add3A_1054 : vector<16xf32>, vector<16xf32>, vector<16xf32>, vector<16xf32>, vector<16xf32>, vector<16xf32>, vector<16xf32>, vector<16xf32>
      }
      %while3A_780 = arith.constant 1 : i32
      %while3A_781:8 = scf.for %while3A_938 = %while3A_777 to %while3A_773 step %while3A_780 iter_args(%while3A_939 = %while3A_779#0, %while3A_940 = %while3A_779#1, %while3A_941 = %while3A_779#2, %while3A_942 = %while3A_779#3, %while3A_943 = %while3A_779#4, %while3A_944 = %while3A_779#5, %while3A_945 = %while3A_779#6, %while3A_946 = %while3A_779#7) -> (vector<16xf32>, vector<16xf32>, vector<16xf32>, vector<16xf32>, vector<16xf32>, vector<16xf32>, vector<16xf32>, vector<16xf32>)  : i32 {
        %mul3A_947 = arith.constant 4 : i32
        %mul3A_948 = arith.muli %mul3A_947, %while3A_938 : i32
        %add3A_949 = arith.constant 24 : i32
        %add3A_950 = arith.addi %add3A_949, %mul3A_948 : i32
        %add3A_951 = arith.constant 0 : i32
        %add3A_952 = arith.addi %add3A_950, %add3A_951 : i32
        %get3A_953 = arith.index_cast %add3A_952 : i32 to index
        %get3A_954 = arith.constant 0 : index
        %get3A_955 = tpu.vector_load %arg14[%get3A_953, %get3A_954] {strides = array<i32>} : memref<48x64xf32, #tpu.memory_space<vmem>>, vector<1x16xf32>,
        %get3A_956 = vector.shape_cast %get3A_955 : vector<1x16xf32> to vector<16xf32>
        %get3A_957 = arith.index_cast %add3A_952 : i32 to index
        %get3A_958 = arith.constant 16 : index
        %get3A_959 = tpu.vector_load %arg14[%get3A_957, %get3A_958] {strides = array<i32>} : memref<48x64xf32, #tpu.memory_space<vmem>>, vector<1x16xf32>,
        %get3A_960 = vector.shape_cast %get3A_959 : vector<1x16xf32> to vector<16xf32>
        %get3A_961 = arith.index_cast %add3A_952 : i32 to index
        %get3A_962 = arith.constant 32 : index
        %get3A_963 = tpu.vector_load %arg14[%get3A_961, %get3A_962] {strides = array<i32>} : memref<48x64xf32, #tpu.memory_space<vmem>>, vector<1x16xf32>,
        %get3A_964 = vector.shape_cast %get3A_963 : vector<1x16xf32> to vector<16xf32>
        %get3A_965 = arith.index_cast %add3A_952 : i32 to index
        %get3A_966 = arith.constant 48 : index
        %get3A_967 = tpu.vector_load %arg14[%get3A_965, %get3A_966] {strides = array<i32>} : memref<48x64xf32, #tpu.memory_space<vmem>>, vector<1x16xf32>,
        %get3A_968 = vector.shape_cast %get3A_967 : vector<1x16xf32> to vector<16xf32>
        %max3A_969 = arith.maximumf %while3A_939, %get3A_956 : vector<16xf32>
        %max3A_970 = arith.maximumf %while3A_940, %get3A_960 : vector<16xf32>
        %max3A_971 = arith.maximumf %while3A_941, %get3A_964 : vector<16xf32>
        %max3A_972 = arith.maximumf %while3A_942, %get3A_968 : vector<16xf32>
        %add3A_973 = arith.addf %while3A_943, %get3A_956 : vector<16xf32>
        %add3A_974 = arith.addf %while3A_944, %get3A_960 : vector<16xf32>
        %add3A_975 = arith.addf %while3A_945, %get3A_964 : vector<16xf32>
        %add3A_976 = arith.addf %while3A_946, %get3A_968 : vector<16xf32>
        %add3A_977 = arith.constant 1 : i32
        %add3A_978 = arith.addi %add3A_950, %add3A_977 : i32
        %get3A_979 = arith.index_cast %add3A_978 : i32 to index
        %get3A_980 = arith.constant 0 : index
        %get3A_981 = tpu.vector_load %arg14[%get3A_979, %get3A_980] {strides = array<i32>} : memref<48x64xf32, #tpu.memory_space<vmem>>, vector<1x16xf32>,
        %get3A_982 = vector.shape_cast %get3A_981 : vector<1x16xf32> to vector<16xf32>
        %get3A_983 = arith.index_cast %add3A_978 : i32 to index
        %get3A_984 = arith.constant 16 : index
        %get3A_985 = tpu.vector_load %arg14[%get3A_983, %get3A_984] {strides = array<i32>} : memref<48x64xf32, #tpu.memory_space<vmem>>, vector<1x16xf32>,
        %get3A_986 = vector.shape_cast %get3A_985 : vector<1x16xf32> to vector<16xf32>
        %get3A_987 = arith.index_cast %add3A_978 : i32 to index
        %get3A_988 = arith.constant 32 : index
        %get3A_989 = tpu.vector_load %arg14[%get3A_987, %get3A_988] {strides = array<i32>} : memref<48x64xf32, #tpu.memory_space<vmem>>, vector<1x16xf32>,
        %get3A_990 = vector.shape_cast %get3A_989 : vector<1x16xf32> to vector<16xf32>
        %get3A_991 = arith.index_cast %add3A_978 : i32 to index
        %get3A_992 = arith.constant 48 : index
        %get3A_993 = tpu.vector_load %arg14[%get3A_991, %get3A_992] {strides = array<i32>} : memref<48x64xf32, #tpu.memory_space<vmem>>, vector<1x16xf32>,
        %get3A_994 = vector.shape_cast %get3A_993 : vector<1x16xf32> to vector<16xf32>
        %max3A_995 = arith.maximumf %max3A_969, %get3A_982 : vector<16xf32>
        %max3A_996 = arith.maximumf %max3A_970, %get3A_986 : vector<16xf32>
        %max3A_997 = arith.maximumf %max3A_971, %get3A_990 : vector<16xf32>
        %max3A_998 = arith.maximumf %max3A_972, %get3A_994 : vector<16xf32>
        %add3A_999 = arith.addf %add3A_973, %get3A_982 : vector<16xf32>
        %add3A_1000 = arith.addf %add3A_974, %get3A_986 : vector<16xf32>
        %add3A_1001 = arith.addf %add3A_975, %get3A_990 : vector<16xf32>
        %add3A_1002 = arith.addf %add3A_976, %get3A_994 : vector<16xf32>
        %add3A_1003 = arith.constant 2 : i32
        %add3A_1004 = arith.addi %add3A_950, %add3A_1003 : i32
        %get3A_1005 = arith.index_cast %add3A_1004 : i32 to index
        %get3A_1006 = arith.constant 0 : index
        %get3A_1007 = tpu.vector_load %arg14[%get3A_1005, %get3A_1006] {strides = array<i32>} : memref<48x64xf32, #tpu.memory_space<vmem>>, vector<1x16xf32>,
        %get3A_1008 = vector.shape_cast %get3A_1007 : vector<1x16xf32> to vector<16xf32>
        %get3A_1009 = arith.index_cast %add3A_1004 : i32 to index
        %get3A_1010 = arith.constant 16 : index
        %get3A_1011 = tpu.vector_load %arg14[%get3A_1009, %get3A_1010] {strides = array<i32>} : memref<48x64xf32, #tpu.memory_space<vmem>>, vector<1x16xf32>,
        %get3A_1012 = vector.shape_cast %get3A_1011 : vector<1x16xf32> to vector<16xf32>
        %get3A_1013 = arith.index_cast %add3A_1004 : i32 to index
        %get3A_1014 = arith.constant 32 : index
        %get3A_1015 = tpu.vector_load %arg14[%get3A_1013, %get3A_1014] {strides = array<i32>} : memref<48x64xf32, #tpu.memory_space<vmem>>, vector<1x16xf32>,
        %get3A_1016 = vector.shape_cast %get3A_1015 : vector<1x16xf32> to vector<16xf32>
        %get3A_1017 = arith.index_cast %add3A_1004 : i32 to index
        %get3A_1018 = arith.constant 48 : index
        %get3A_1019 = tpu.vector_load %arg14[%get3A_1017, %get3A_1018] {strides = array<i32>} : memref<48x64xf32, #tpu.memory_space<vmem>>, vector<1x16xf32>,
        %get3A_1020 = vector.shape_cast %get3A_1019 : vector<1x16xf32> to vector<16xf32>
        %max3A_1021 = arith.maximumf %max3A_995, %get3A_1008 : vector<16xf32>
        %max3A_1022 = arith.maximumf %max3A_996, %get3A_1012 : vector<16xf32>
        %max3A_1023 = arith.maximumf %max3A_997, %get3A_1016 : vector<16xf32>
        %max3A_1024 = arith.maximumf %max3A_998, %get3A_1020 : vector<16xf32>
        %add3A_1025 = arith.addf %add3A_999, %get3A_1008 : vector<16xf32>
        %add3A_1026 = arith.addf %add3A_1000, %get3A_1012 : vector<16xf32>
        %add3A_1027 = arith.addf %add3A_1001, %get3A_1016 : vector<16xf32>
        %add3A_1028 = arith.addf %add3A_1002, %get3A_1020 : vector<16xf32>
        %add3A_1029 = arith.constant 3 : i32
        %add3A_1030 = arith.addi %add3A_950, %add3A_1029 : i32
        %get3A_1031 = arith.index_cast %add3A_1030 : i32 to index
        %get3A_1032 = arith.constant 0 : index
        %get3A_1033 = tpu.vector_load %arg14[%get3A_1031, %get3A_1032] {strides = array<i32>} : memref<48x64xf32, #tpu.memory_space<vmem>>, vector<1x16xf32>,
        %get3A_1034 = vector.shape_cast %get3A_1033 : vector<1x16xf32> to vector<16xf32>
        %get3A_1035 = arith.index_cast %add3A_1030 : i32 to index
        %get3A_1036 = arith.constant 16 : index
        %get3A_1037 = tpu.vector_load %arg14[%get3A_1035, %get3A_1036] {strides = array<i32>} : memref<48x64xf32, #tpu.memory_space<vmem>>, vector<1x16xf32>,
        %get3A_1038 = vector.shape_cast %get3A_1037 : vector<1x16xf32> to vector<16xf32>
        %get3A_1039 = arith.index_cast %add3A_1030 : i32 to index
        %get3A_1040 = arith.constant 32 : index
        %get3A_1041 = tpu.vector_load %arg14[%get3A_1039, %get3A_1040] {strides = array<i32>} : memref<48x64xf32, #tpu.memory_space<vmem>>, vector<1x16xf32>,
        %get3A_1042 = vector.shape_cast %get3A_1041 : vector<1x16xf32> to vector<16xf32>
        %get3A_1043 = arith.index_cast %add3A_1030 : i32 to index
        %get3A_1044 = arith.constant 48 : index
        %get3A_1045 = tpu.vector_load %arg14[%get3A_1043, %get3A_1044] {strides = array<i32>} : memref<48x64xf32, #tpu.memory_space<vmem>>, vector<1x16xf32>,
        %get3A_1046 = vector.shape_cast %get3A_1045 : vector<1x16xf32> to vector<16xf32>
        %max3A_1047 = arith.maximumf %max3A_1021, %get3A_1034 : vector<16xf32>
        %max3A_1048 = arith.maximumf %max3A_1022, %get3A_1038 : vector<16xf32>
        %max3A_1049 = arith.maximumf %max3A_1023, %get3A_1042 : vector<16xf32>
        %max3A_1050 = arith.maximumf %max3A_1024, %get3A_1046 : vector<16xf32>
        %add3A_1051 = arith.addf %add3A_1025, %get3A_1034 : vector<16xf32>
        %add3A_1052 = arith.addf %add3A_1026, %get3A_1038 : vector<16xf32>
        %add3A_1053 = arith.addf %add3A_1027, %get3A_1042 : vector<16xf32>
        %add3A_1054 = arith.addf %add3A_1028, %get3A_1046 : vector<16xf32>
        scf.yield %max3A_1047, %max3A_1048, %max3A_1049, %max3A_1050, %add3A_1051, %add3A_1052, %add3A_1053, %add3A_1054 : vector<16xf32>, vector<16xf32>, vector<16xf32>, vector<16xf32>, vector<16xf32>, vector<16xf32>, vector<16xf32>, vector<16xf32>
      }
      %mul3A_782 = arith.constant 4 : i32
      %mul3A_783 = arith.muli %mul3A_782, %div3A_766 : i32
      %while3A_784 = arith.subi %squeeze3A_759, %mul3A_783 : i32
      %while3A_785 = arith.addi %mul3A_783, %while3A_784 : i32
      %while3A_786 = arith.constant 1 : i32
      %while3A_787 = arith.divsi %while3A_784, %while3A_786 : i32
      %while3A_788 = arith.muli %while3A_787, %while3A_786 : i32
      %while3A_789 = arith.addi %mul3A_783, %while3A_788 : i32
      %while3A_790 = arith.constant 1 : i32
      %while3A_791:8 = scf.for %while3A_938 = %mul3A_783 to %while3A_789 step %while3A_790 iter_args(%while3A_939 = %while3A_781#0, %while3A_940 = %while3A_781#1, %while3A_941 = %while3A_781#2, %while3A_942 = %while3A_781#3, %while3A_943 = %while3A_781#4, %while3A_944 = %while3A_781#5, %while3A_945 = %while3A_781#6, %while3A_946 = %while3A_781#7) -> (vector<16xf32>, vector<16xf32>, vector<16xf32>, vector<16xf32>, vector<16xf32>, vector<16xf32>, vector<16xf32>, vector<16xf32>)  : i32 {
        %add3A_947 = arith.constant 24 : i32
        %add3A_948 = arith.addi %add3A_947, %while3A_938 : i32
        %get3A_949 = arith.index_cast %add3A_948 : i32 to index
        %get3A_950 = arith.constant 0 : index
        %get3A_951 = tpu.vector_load %arg14[%get3A_949, %get3A_950] {strides = array<i32>} : memref<48x64xf32, #tpu.memory_space<vmem>>, vector<1x16xf32>,
        %get3A_952 = vector.shape_cast %get3A_951 : vector<1x16xf32> to vector<16xf32>
        %get3A_953 = arith.index_cast %add3A_948 : i32 to index
        %get3A_954 = arith.constant 16 : index
        %get3A_955 = tpu.vector_load %arg14[%get3A_953, %get3A_954] {strides = array<i32>} : memref<48x64xf32, #tpu.memory_space<vmem>>, vector<1x16xf32>,
        %get3A_956 = vector.shape_cast %get3A_955 : vector<1x16xf32> to vector<16xf32>
        %get3A_957 = arith.index_cast %add3A_948 : i32 to index
        %get3A_958 = arith.constant 32 : index
        %get3A_959 = tpu.vector_load %arg14[%get3A_957, %get3A_958] {strides = array<i32>} : memref<48x64xf32, #tpu.memory_space<vmem>>, vector<1x16xf32>,
        %get3A_960 = vector.shape_cast %get3A_959 : vector<1x16xf32> to vector<16xf32>
        %get3A_961 = arith.index_cast %add3A_948 : i32 to index
        %get3A_962 = arith.constant 48 : index
        %get3A_963 = tpu.vector_load %arg14[%get3A_961, %get3A_962] {strides = array<i32>} : memref<48x64xf32, #tpu.memory_space<vmem>>, vector<1x16xf32>,
        %get3A_964 = vector.shape_cast %get3A_963 : vector<1x16xf32> to vector<16xf32>
        %max3A_965 = arith.maximumf %while3A_939, %get3A_952 : vector<16xf32>
        %max3A_966 = arith.maximumf %while3A_940, %get3A_956 : vector<16xf32>
        %max3A_967 = arith.maximumf %while3A_941, %get3A_960 : vector<16xf32>
        %max3A_968 = arith.maximumf %while3A_942, %get3A_964 : vector<16xf32>
        %add3A_969 = arith.addf %while3A_943, %get3A_952 : vector<16xf32>
        %add3A_970 = arith.addf %while3A_944, %get3A_956 : vector<16xf32>
        %add3A_971 = arith.addf %while3A_945, %get3A_960 : vector<16xf32>
        %add3A_972 = arith.addf %while3A_946, %get3A_964 : vector<16xf32>
        scf.yield %max3A_965, %max3A_966, %max3A_967, %max3A_968, %add3A_969, %add3A_970, %add3A_971, %add3A_972 : vector<16xf32>, vector<16xf32>, vector<16xf32>, vector<16xf32>, vector<16xf32>, vector<16xf32>, vector<16xf32>, vector<16xf32>
      }
      %while3A_792 = arith.constant 1 : i32
      %while3A_793:8 = scf.for %while3A_938 = %while3A_789 to %while3A_785 step %while3A_792 iter_args(%while3A_939 = %while3A_791#0, %while3A_940 = %while3A_791#1, %while3A_941 = %while3A_791#2, %while3A_942 = %while3A_791#3, %while3A_943 = %while3A_791#4, %while3A_944 = %while3A_791#5, %while3A_945 = %while3A_791#6, %while3A_946 = %while3A_791#7) -> (vector<16xf32>, vector<16xf32>, vector<16xf32>, vector<16xf32>, vector<16xf32>, vector<16xf32>, vector<16xf32>, vector<16xf32>)  : i32 {
        %add3A_947 = arith.constant 24 : i32
        %add3A_948 = arith.addi %add3A_947, %while3A_938 : i32
        %get3A_949 = arith.index_cast %add3A_948 : i32 to index
        %get3A_950 = arith.constant 0 : index
        %get3A_951 = tpu.vector_load %arg14[%get3A_949, %get3A_950] {strides = array<i32>} : memref<48x64xf32, #tpu.memory_space<vmem>>, vector<1x16xf32>,
        %get3A_952 = vector.shape_cast %get3A_951 : vector<1x16xf32> to vector<16xf32>
        %get3A_953 = arith.index_cast %add3A_948 : i32 to index
        %get3A_954 = arith.constant 16 : index
        %get3A_955 = tpu.vector_load %arg14[%get3A_953, %get3A_954] {strides = array<i32>} : memref<48x64xf32, #tpu.memory_space<vmem>>, vector<1x16xf32>,
        %get3A_956 = vector.shape_cast %get3A_955 : vector<1x16xf32> to vector<16xf32>
        %get3A_957 = arith.index_cast %add3A_948 : i32 to index
        %get3A_958 = arith.constant 32 : index
        %get3A_959 = tpu.vector_load %arg14[%get3A_957, %get3A_958] {strides = array<i32>} : memref<48x64xf32, #tpu.memory_space<vmem>>, vector<1x16xf32>,
        %get3A_960 = vector.shape_cast %get3A_959 : vector<1x16xf32> to vector<16xf32>
        %get3A_961 = arith.index_cast %add3A_948 : i32 to index
        %get3A_962 = arith.constant 48 : index
        %get3A_963 = tpu.vector_load %arg14[%get3A_961, %get3A_962] {strides = array<i32>} : memref<48x64xf32, #tpu.memory_space<vmem>>, vector<1x16xf32>,
        %get3A_964 = vector.shape_cast %get3A_963 : vector<1x16xf32> to vector<16xf32>
        %max3A_965 = arith.maximumf %while3A_939, %get3A_952 : vector<16xf32>
        %max3A_966 = arith.maximumf %while3A_940, %get3A_956 : vector<16xf32>
        %max3A_967 = arith.maximumf %while3A_941, %get3A_960 : vector<16xf32>
        %max3A_968 = arith.maximumf %while3A_942, %get3A_964 : vector<16xf32>
        %add3A_969 = arith.addf %while3A_943, %get3A_952 : vector<16xf32>
        %add3A_970 = arith.addf %while3A_944, %get3A_956 : vector<16xf32>
        %add3A_971 = arith.addf %while3A_945, %get3A_960 : vector<16xf32>
        %add3A_972 = arith.addf %while3A_946, %get3A_964 : vector<16xf32>
        scf.yield %max3A_965, %max3A_966, %max3A_967, %max3A_968, %add3A_969, %add3A_970, %add3A_971, %add3A_972 : vector<16xf32>, vector<16xf32>, vector<16xf32>, vector<16xf32>, vector<16xf32>, vector<16xf32>, vector<16xf32>, vector<16xf32>
      }
      %div3A_794 = arith.constant 8 : i32
      %div3A_795 = arith.divsi %squeeze3A_764, %div3A_794 : i32
      %broadcast_in_dim3A_796 = arith.constant -1.000000e+30 : f32
      %broadcast_in_dim3A_797 = vector.broadcast %broadcast_in_dim3A_796 : f32 to vector<16xf32>
      %broadcast_in_dim3A_798 = arith.constant 0.000000e+00 : f32
      %broadcast_in_dim3A_799 = vector.broadcast %broadcast_in_dim3A_798 : f32 to vector<16xf32>
      %while3A_800 = arith.constant 0 : i32
      %while3A_801 = arith.subi %div3A_795, %while3A_800 : i32
      %while3A_802 = arith.addi %while3A_800, %while3A_801 : i32
      %while3A_803 = arith.constant 1 : i32
      %while3A_804 = arith.divsi %while3A_801, %while3A_803 : i32
      %while3A_805 = arith.muli %while3A_804, %while3A_803 : i32
      %while3A_806 = arith.addi %while3A_800, %while3A_805 : i32
      %while3A_807 = arith.constant 1 : i32
      %while3A_808:8 = scf.for %while3A_938 = %while3A_800 to %while3A_806 step %while3A_807 iter_args(%while3A_939 = %broadcast_in_dim3A_797, %while3A_940 = %broadcast_in_dim3A_797, %while3A_941 = %broadcast_in_dim3A_797, %while3A_942 = %broadcast_in_dim3A_797, %while3A_943 = %broadcast_in_dim3A_799, %while3A_944 = %broadcast_in_dim3A_799, %while3A_945 = %broadcast_in_dim3A_799, %while3A_946 = %broadcast_in_dim3A_799) -> (vector<16xf32>, vector<16xf32>, vector<16xf32>, vector<16xf32>, vector<16xf32>, vector<16xf32>, vector<16xf32>, vector<16xf32>)  : i32 {
        %mul3A_947 = arith.constant 8 : i32
        %mul3A_948 = arith.muli %mul3A_947, %while3A_938 : i32
        %add3A_949 = arith.constant 200 : i32
        %add3A_950 = arith.addi %add3A_949, %mul3A_948 : i32
        %add3A_951 = arith.constant 0 : i32
        %add3A_952 = arith.addi %add3A_950, %add3A_951 : i32
        %get3A_953 = arith.index_cast %add3A_952 : i32 to index
        %get3A_954 = arith.constant 0 : index
        %get3A_955 = tpu.vector_load %arg15[%get3A_953, %get3A_954] {strides = array<i32>} : memref<400x64xf32, #tpu.memory_space<vmem>>, vector<1x16xf32>,
        %get3A_956 = vector.shape_cast %get3A_955 : vector<1x16xf32> to vector<16xf32>
        %get3A_957 = arith.index_cast %add3A_952 : i32 to index
        %get3A_958 = arith.constant 16 : index
        %get3A_959 = tpu.vector_load %arg15[%get3A_957, %get3A_958] {strides = array<i32>} : memref<400x64xf32, #tpu.memory_space<vmem>>, vector<1x16xf32>,
        %get3A_960 = vector.shape_cast %get3A_959 : vector<1x16xf32> to vector<16xf32>
        %get3A_961 = arith.index_cast %add3A_952 : i32 to index
        %get3A_962 = arith.constant 32 : index
        %get3A_963 = tpu.vector_load %arg15[%get3A_961, %get3A_962] {strides = array<i32>} : memref<400x64xf32, #tpu.memory_space<vmem>>, vector<1x16xf32>,
        %get3A_964 = vector.shape_cast %get3A_963 : vector<1x16xf32> to vector<16xf32>
        %get3A_965 = arith.index_cast %add3A_952 : i32 to index
        %get3A_966 = arith.constant 48 : index
        %get3A_967 = tpu.vector_load %arg15[%get3A_965, %get3A_966] {strides = array<i32>} : memref<400x64xf32, #tpu.memory_space<vmem>>, vector<1x16xf32>,
        %get3A_968 = vector.shape_cast %get3A_967 : vector<1x16xf32> to vector<16xf32>
        %max3A_969 = arith.maximumf %while3A_939, %get3A_956 : vector<16xf32>
        %max3A_970 = arith.maximumf %while3A_940, %get3A_960 : vector<16xf32>
        %max3A_971 = arith.maximumf %while3A_941, %get3A_964 : vector<16xf32>
        %max3A_972 = arith.maximumf %while3A_942, %get3A_968 : vector<16xf32>
        %add3A_973 = arith.addf %while3A_943, %get3A_956 : vector<16xf32>
        %add3A_974 = arith.addf %while3A_944, %get3A_960 : vector<16xf32>
        %add3A_975 = arith.addf %while3A_945, %get3A_964 : vector<16xf32>
        %add3A_976 = arith.addf %while3A_946, %get3A_968 : vector<16xf32>
        %add3A_977 = arith.constant 1 : i32
        %add3A_978 = arith.addi %add3A_950, %add3A_977 : i32
        %get3A_979 = arith.index_cast %add3A_978 : i32 to index
        %get3A_980 = arith.constant 0 : index
        %get3A_981 = tpu.vector_load %arg15[%get3A_979, %get3A_980] {strides = array<i32>} : memref<400x64xf32, #tpu.memory_space<vmem>>, vector<1x16xf32>,
        %get3A_982 = vector.shape_cast %get3A_981 : vector<1x16xf32> to vector<16xf32>
        %get3A_983 = arith.index_cast %add3A_978 : i32 to index
        %get3A_984 = arith.constant 16 : index
        %get3A_985 = tpu.vector_load %arg15[%get3A_983, %get3A_984] {strides = array<i32>} : memref<400x64xf32, #tpu.memory_space<vmem>>, vector<1x16xf32>,
        %get3A_986 = vector.shape_cast %get3A_985 : vector<1x16xf32> to vector<16xf32>
        %get3A_987 = arith.index_cast %add3A_978 : i32 to index
        %get3A_988 = arith.constant 32 : index
        %get3A_989 = tpu.vector_load %arg15[%get3A_987, %get3A_988] {strides = array<i32>} : memref<400x64xf32, #tpu.memory_space<vmem>>, vector<1x16xf32>,
        %get3A_990 = vector.shape_cast %get3A_989 : vector<1x16xf32> to vector<16xf32>
        %get3A_991 = arith.index_cast %add3A_978 : i32 to index
        %get3A_992 = arith.constant 48 : index
        %get3A_993 = tpu.vector_load %arg15[%get3A_991, %get3A_992] {strides = array<i32>} : memref<400x64xf32, #tpu.memory_space<vmem>>, vector<1x16xf32>,
        %get3A_994 = vector.shape_cast %get3A_993 : vector<1x16xf32> to vector<16xf32>
        %max3A_995 = arith.maximumf %max3A_969, %get3A_982 : vector<16xf32>
        %max3A_996 = arith.maximumf %max3A_970, %get3A_986 : vector<16xf32>
        %max3A_997 = arith.maximumf %max3A_971, %get3A_990 : vector<16xf32>
        %max3A_998 = arith.maximumf %max3A_972, %get3A_994 : vector<16xf32>
        %add3A_999 = arith.addf %add3A_973, %get3A_982 : vector<16xf32>
        %add3A_1000 = arith.addf %add3A_974, %get3A_986 : vector<16xf32>
        %add3A_1001 = arith.addf %add3A_975, %get3A_990 : vector<16xf32>
        %add3A_1002 = arith.addf %add3A_976, %get3A_994 : vector<16xf32>
        %add3A_1003 = arith.constant 2 : i32
        %add3A_1004 = arith.addi %add3A_950, %add3A_1003 : i32
        %get3A_1005 = arith.index_cast %add3A_1004 : i32 to index
        %get3A_1006 = arith.constant 0 : index
        %get3A_1007 = tpu.vector_load %arg15[%get3A_1005, %get3A_1006] {strides = array<i32>} : memref<400x64xf32, #tpu.memory_space<vmem>>, vector<1x16xf32>,
        %get3A_1008 = vector.shape_cast %get3A_1007 : vector<1x16xf32> to vector<16xf32>
        %get3A_1009 = arith.index_cast %add3A_1004 : i32 to index
        %get3A_1010 = arith.constant 16 : index
        %get3A_1011 = tpu.vector_load %arg15[%get3A_1009, %get3A_1010] {strides = array<i32>} : memref<400x64xf32, #tpu.memory_space<vmem>>, vector<1x16xf32>,
        %get3A_1012 = vector.shape_cast %get3A_1011 : vector<1x16xf32> to vector<16xf32>
        %get3A_1013 = arith.index_cast %add3A_1004 : i32 to index
        %get3A_1014 = arith.constant 32 : index
        %get3A_1015 = tpu.vector_load %arg15[%get3A_1013, %get3A_1014] {strides = array<i32>} : memref<400x64xf32, #tpu.memory_space<vmem>>, vector<1x16xf32>,
        %get3A_1016 = vector.shape_cast %get3A_1015 : vector<1x16xf32> to vector<16xf32>
        %get3A_1017 = arith.index_cast %add3A_1004 : i32 to index
        %get3A_1018 = arith.constant 48 : index
        %get3A_1019 = tpu.vector_load %arg15[%get3A_1017, %get3A_1018] {strides = array<i32>} : memref<400x64xf32, #tpu.memory_space<vmem>>, vector<1x16xf32>,
        %get3A_1020 = vector.shape_cast %get3A_1019 : vector<1x16xf32> to vector<16xf32>
        %max3A_1021 = arith.maximumf %max3A_995, %get3A_1008 : vector<16xf32>
        %max3A_1022 = arith.maximumf %max3A_996, %get3A_1012 : vector<16xf32>
        %max3A_1023 = arith.maximumf %max3A_997, %get3A_1016 : vector<16xf32>
        %max3A_1024 = arith.maximumf %max3A_998, %get3A_1020 : vector<16xf32>
        %add3A_1025 = arith.addf %add3A_999, %get3A_1008 : vector<16xf32>
        %add3A_1026 = arith.addf %add3A_1000, %get3A_1012 : vector<16xf32>
        %add3A_1027 = arith.addf %add3A_1001, %get3A_1016 : vector<16xf32>
        %add3A_1028 = arith.addf %add3A_1002, %get3A_1020 : vector<16xf32>
        %add3A_1029 = arith.constant 3 : i32
        %add3A_1030 = arith.addi %add3A_950, %add3A_1029 : i32
        %get3A_1031 = arith.index_cast %add3A_1030 : i32 to index
        %get3A_1032 = arith.constant 0 : index
        %get3A_1033 = tpu.vector_load %arg15[%get3A_1031, %get3A_1032] {strides = array<i32>} : memref<400x64xf32, #tpu.memory_space<vmem>>, vector<1x16xf32>,
        %get3A_1034 = vector.shape_cast %get3A_1033 : vector<1x16xf32> to vector<16xf32>
        %get3A_1035 = arith.index_cast %add3A_1030 : i32 to index
        %get3A_1036 = arith.constant 16 : index
        %get3A_1037 = tpu.vector_load %arg15[%get3A_1035, %get3A_1036] {strides = array<i32>} : memref<400x64xf32, #tpu.memory_space<vmem>>, vector<1x16xf32>,
        %get3A_1038 = vector.shape_cast %get3A_1037 : vector<1x16xf32> to vector<16xf32>
        %get3A_1039 = arith.index_cast %add3A_1030 : i32 to index
        %get3A_1040 = arith.constant 32 : index
        %get3A_1041 = tpu.vector_load %arg15[%get3A_1039, %get3A_1040] {strides = array<i32>} : memref<400x64xf32, #tpu.memory_space<vmem>>, vector<1x16xf32>,
        %get3A_1042 = vector.shape_cast %get3A_1041 : vector<1x16xf32> to vector<16xf32>
        %get3A_1043 = arith.index_cast %add3A_1030 : i32 to index
        %get3A_1044 = arith.constant 48 : index
        %get3A_1045 = tpu.vector_load %arg15[%get3A_1043, %get3A_1044] {strides = array<i32>} : memref<400x64xf32, #tpu.memory_space<vmem>>, vector<1x16xf32>,
        %get3A_1046 = vector.shape_cast %get3A_1045 : vector<1x16xf32> to vector<16xf32>
        %max3A_1047 = arith.maximumf %max3A_1021, %get3A_1034 : vector<16xf32>
        %max3A_1048 = arith.maximumf %max3A_1022, %get3A_1038 : vector<16xf32>
        %max3A_1049 = arith.maximumf %max3A_1023, %get3A_1042 : vector<16xf32>
        %max3A_1050 = arith.maximumf %max3A_1024, %get3A_1046 : vector<16xf32>
        %add3A_1051 = arith.addf %add3A_1025, %get3A_1034 : vector<16xf32>
        %add3A_1052 = arith.addf %add3A_1026, %get3A_1038 : vector<16xf32>
        %add3A_1053 = arith.addf %add3A_1027, %get3A_1042 : vector<16xf32>
        %add3A_1054 = arith.addf %add3A_1028, %get3A_1046 : vector<16xf32>
        %add3A_1055 = arith.constant 4 : i32
        %add3A_1056 = arith.addi %add3A_950, %add3A_1055 : i32
        %get3A_1057 = arith.index_cast %add3A_1056 : i32 to index
        %get3A_1058 = arith.constant 0 : index
        %get3A_1059 = tpu.vector_load %arg15[%get3A_1057, %get3A_1058] {strides = array<i32>} : memref<400x64xf32, #tpu.memory_space<vmem>>, vector<1x16xf32>,
        %get3A_1060 = vector.shape_cast %get3A_1059 : vector<1x16xf32> to vector<16xf32>
        %get3A_1061 = arith.index_cast %add3A_1056 : i32 to index
        %get3A_1062 = arith.constant 16 : index
        %get3A_1063 = tpu.vector_load %arg15[%get3A_1061, %get3A_1062] {strides = array<i32>} : memref<400x64xf32, #tpu.memory_space<vmem>>, vector<1x16xf32>,
        %get3A_1064 = vector.shape_cast %get3A_1063 : vector<1x16xf32> to vector<16xf32>
        %get3A_1065 = arith.index_cast %add3A_1056 : i32 to index
        %get3A_1066 = arith.constant 32 : index
        %get3A_1067 = tpu.vector_load %arg15[%get3A_1065, %get3A_1066] {strides = array<i32>} : memref<400x64xf32, #tpu.memory_space<vmem>>, vector<1x16xf32>,
        %get3A_1068 = vector.shape_cast %get3A_1067 : vector<1x16xf32> to vector<16xf32>
        %get3A_1069 = arith.index_cast %add3A_1056 : i32 to index
        %get3A_1070 = arith.constant 48 : index
        %get3A_1071 = tpu.vector_load %arg15[%get3A_1069, %get3A_1070] {strides = array<i32>} : memref<400x64xf32, #tpu.memory_space<vmem>>, vector<1x16xf32>,
        %get3A_1072 = vector.shape_cast %get3A_1071 : vector<1x16xf32> to vector<16xf32>
        %max3A_1073 = arith.maximumf %max3A_1047, %get3A_1060 : vector<16xf32>
        %max3A_1074 = arith.maximumf %max3A_1048, %get3A_1064 : vector<16xf32>
        %max3A_1075 = arith.maximumf %max3A_1049, %get3A_1068 : vector<16xf32>
        %max3A_1076 = arith.maximumf %max3A_1050, %get3A_1072 : vector<16xf32>
        %add3A_1077 = arith.addf %add3A_1051, %get3A_1060 : vector<16xf32>
        %add3A_1078 = arith.addf %add3A_1052, %get3A_1064 : vector<16xf32>
        %add3A_1079 = arith.addf %add3A_1053, %get3A_1068 : vector<16xf32>
        %add3A_1080 = arith.addf %add3A_1054, %get3A_1072 : vector<16xf32>
        %add3A_1081 = arith.constant 5 : i32
        %add3A_1082 = arith.addi %add3A_950, %add3A_1081 : i32
        %get3A_1083 = arith.index_cast %add3A_1082 : i32 to index
        %get3A_1084 = arith.constant 0 : index
        %get3A_1085 = tpu.vector_load %arg15[%get3A_1083, %get3A_1084] {strides = array<i32>} : memref<400x64xf32, #tpu.memory_space<vmem>>, vector<1x16xf32>,
        %get3A_1086 = vector.shape_cast %get3A_1085 : vector<1x16xf32> to vector<16xf32>
        %get3A_1087 = arith.index_cast %add3A_1082 : i32 to index
        %get3A_1088 = arith.constant 16 : index
        %get3A_1089 = tpu.vector_load %arg15[%get3A_1087, %get3A_1088] {strides = array<i32>} : memref<400x64xf32, #tpu.memory_space<vmem>>, vector<1x16xf32>,
        %get3A_1090 = vector.shape_cast %get3A_1089 : vector<1x16xf32> to vector<16xf32>
        %get3A_1091 = arith.index_cast %add3A_1082 : i32 to index
        %get3A_1092 = arith.constant 32 : index
        %get3A_1093 = tpu.vector_load %arg15[%get3A_1091, %get3A_1092] {strides = array<i32>} : memref<400x64xf32, #tpu.memory_space<vmem>>, vector<1x16xf32>,
        %get3A_1094 = vector.shape_cast %get3A_1093 : vector<1x16xf32> to vector<16xf32>
        %get3A_1095 = arith.index_cast %add3A_1082 : i32 to index
        %get3A_1096 = arith.constant 48 : index
        %get3A_1097 = tpu.vector_load %arg15[%get3A_1095, %get3A_1096] {strides = array<i32>} : memref<400x64xf32, #tpu.memory_space<vmem>>, vector<1x16xf32>,
        %get3A_1098 = vector.shape_cast %get3A_1097 : vector<1x16xf32> to vector<16xf32>
        %max3A_1099 = arith.maximumf %max3A_1073, %get3A_1086 : vector<16xf32>
        %max3A_1100 = arith.maximumf %max3A_1074, %get3A_1090 : vector<16xf32>
        %max3A_1101 = arith.maximumf %max3A_1075, %get3A_1094 : vector<16xf32>
        %max3A_1102 = arith.maximumf %max3A_1076, %get3A_1098 : vector<16xf32>
        %add3A_1103 = arith.addf %add3A_1077, %get3A_1086 : vector<16xf32>
        %add3A_1104 = arith.addf %add3A_1078, %get3A_1090 : vector<16xf32>
        %add3A_1105 = arith.addf %add3A_1079, %get3A_1094 : vector<16xf32>
        %add3A_1106 = arith.addf %add3A_1080, %get3A_1098 : vector<16xf32>
        %add3A_1107 = arith.constant 6 : i32
        %add3A_1108 = arith.addi %add3A_950, %add3A_1107 : i32
        %get3A_1109 = arith.index_cast %add3A_1108 : i32 to index
        %get3A_1110 = arith.constant 0 : index
        %get3A_1111 = tpu.vector_load %arg15[%get3A_1109, %get3A_1110] {strides = array<i32>} : memref<400x64xf32, #tpu.memory_space<vmem>>, vector<1x16xf32>,
        %get3A_1112 = vector.shape_cast %get3A_1111 : vector<1x16xf32> to vector<16xf32>
        %get3A_1113 = arith.index_cast %add3A_1108 : i32 to index
        %get3A_1114 = arith.constant 16 : index
        %get3A_1115 = tpu.vector_load %arg15[%get3A_1113, %get3A_1114] {strides = array<i32>} : memref<400x64xf32, #tpu.memory_space<vmem>>, vector<1x16xf32>,
        %get3A_1116 = vector.shape_cast %get3A_1115 : vector<1x16xf32> to vector<16xf32>
        %get3A_1117 = arith.index_cast %add3A_1108 : i32 to index
        %get3A_1118 = arith.constant 32 : index
        %get3A_1119 = tpu.vector_load %arg15[%get3A_1117, %get3A_1118] {strides = array<i32>} : memref<400x64xf32, #tpu.memory_space<vmem>>, vector<1x16xf32>,
        %get3A_1120 = vector.shape_cast %get3A_1119 : vector<1x16xf32> to vector<16xf32>
        %get3A_1121 = arith.index_cast %add3A_1108 : i32 to index
        %get3A_1122 = arith.constant 48 : index
        %get3A_1123 = tpu.vector_load %arg15[%get3A_1121, %get3A_1122] {strides = array<i32>} : memref<400x64xf32, #tpu.memory_space<vmem>>, vector<1x16xf32>,
        %get3A_1124 = vector.shape_cast %get3A_1123 : vector<1x16xf32> to vector<16xf32>
        %max3A_1125 = arith.maximumf %max3A_1099, %get3A_1112 : vector<16xf32>
        %max3A_1126 = arith.maximumf %max3A_1100, %get3A_1116 : vector<16xf32>
        %max3A_1127 = arith.maximumf %max3A_1101, %get3A_1120 : vector<16xf32>
        %max3A_1128 = arith.maximumf %max3A_1102, %get3A_1124 : vector<16xf32>
        %add3A_1129 = arith.addf %add3A_1103, %get3A_1112 : vector<16xf32>
        %add3A_1130 = arith.addf %add3A_1104, %get3A_1116 : vector<16xf32>
        %add3A_1131 = arith.addf %add3A_1105, %get3A_1120 : vector<16xf32>
        %add3A_1132 = arith.addf %add3A_1106, %get3A_1124 : vector<16xf32>
        %add3A_1133 = arith.constant 7 : i32
        %add3A_1134 = arith.addi %add3A_950, %add3A_1133 : i32
        %get3A_1135 = arith.index_cast %add3A_1134 : i32 to index
        %get3A_1136 = arith.constant 0 : index
        %get3A_1137 = tpu.vector_load %arg15[%get3A_1135, %get3A_1136] {strides = array<i32>} : memref<400x64xf32, #tpu.memory_space<vmem>>, vector<1x16xf32>,
        %get3A_1138 = vector.shape_cast %get3A_1137 : vector<1x16xf32> to vector<16xf32>
        %get3A_1139 = arith.index_cast %add3A_1134 : i32 to index
        %get3A_1140 = arith.constant 16 : index
        %get3A_1141 = tpu.vector_load %arg15[%get3A_1139, %get3A_1140] {strides = array<i32>} : memref<400x64xf32, #tpu.memory_space<vmem>>, vector<1x16xf32>,
        %get3A_1142 = vector.shape_cast %get3A_1141 : vector<1x16xf32> to vector<16xf32>
        %get3A_1143 = arith.index_cast %add3A_1134 : i32 to index
        %get3A_1144 = arith.constant 32 : index
        %get3A_1145 = tpu.vector_load %arg15[%get3A_1143, %get3A_1144] {strides = array<i32>} : memref<400x64xf32, #tpu.memory_space<vmem>>, vector<1x16xf32>,
        %get3A_1146 = vector.shape_cast %get3A_1145 : vector<1x16xf32> to vector<16xf32>
        %get3A_1147 = arith.index_cast %add3A_1134 : i32 to index
        %get3A_1148 = arith.constant 48 : index
        %get3A_1149 = tpu.vector_load %arg15[%get3A_1147, %get3A_1148] {strides = array<i32>} : memref<400x64xf32, #tpu.memory_space<vmem>>, vector<1x16xf32>,
        %get3A_1150 = vector.shape_cast %get3A_1149 : vector<1x16xf32> to vector<16xf32>
        %max3A_1151 = arith.maximumf %max3A_1125, %get3A_1138 : vector<16xf32>
        %max3A_1152 = arith.maximumf %max3A_1126, %get3A_1142 : vector<16xf32>
        %max3A_1153 = arith.maximumf %max3A_1127, %get3A_1146 : vector<16xf32>
        %max3A_1154 = arith.maximumf %max3A_1128, %get3A_1150 : vector<16xf32>
        %add3A_1155 = arith.addf %add3A_1129, %get3A_1138 : vector<16xf32>
        %add3A_1156 = arith.addf %add3A_1130, %get3A_1142 : vector<16xf32>
        %add3A_1157 = arith.addf %add3A_1131, %get3A_1146 : vector<16xf32>
        %add3A_1158 = arith.addf %add3A_1132, %get3A_1150 : vector<16xf32>
        scf.yield %max3A_1151, %max3A_1152, %max3A_1153, %max3A_1154, %add3A_1155, %add3A_1156, %add3A_1157, %add3A_1158 : vector<16xf32>, vector<16xf32>, vector<16xf32>, vector<16xf32>, vector<16xf32>, vector<16xf32>, vector<16xf32>, vector<16xf32>
      }
      %while3A_809 = arith.constant 1 : i32
      %while3A_810:8 = scf.for %while3A_938 = %while3A_806 to %while3A_802 step %while3A_809 iter_args(%while3A_939 = %while3A_808#0, %while3A_940 = %while3A_808#1, %while3A_941 = %while3A_808#2, %while3A_942 = %while3A_808#3, %while3A_943 = %while3A_808#4, %while3A_944 = %while3A_808#5, %while3A_945 = %while3A_808#6, %while3A_946 = %while3A_808#7) -> (vector<16xf32>, vector<16xf32>, vector<16xf32>, vector<16xf32>, vector<16xf32>, vector<16xf32>, vector<16xf32>, vector<16xf32>)  : i32 {
        %mul3A_947 = arith.constant 8 : i32
        %mul3A_948 = arith.muli %mul3A_947, %while3A_938 : i32
        %add3A_949 = arith.constant 200 : i32
        %add3A_950 = arith.addi %add3A_949, %mul3A_948 : i32
        %add3A_951 = arith.constant 0 : i32
        %add3A_952 = arith.addi %add3A_950, %add3A_951 : i32
        %get3A_953 = arith.index_cast %add3A_952 : i32 to index
        %get3A_954 = arith.constant 0 : index
        %get3A_955 = tpu.vector_load %arg15[%get3A_953, %get3A_954] {strides = array<i32>} : memref<400x64xf32, #tpu.memory_space<vmem>>, vector<1x16xf32>,
        %get3A_956 = vector.shape_cast %get3A_955 : vector<1x16xf32> to vector<16xf32>
        %get3A_957 = arith.index_cast %add3A_952 : i32 to index
        %get3A_958 = arith.constant 16 : index
        %get3A_959 = tpu.vector_load %arg15[%get3A_957, %get3A_958] {strides = array<i32>} : memref<400x64xf32, #tpu.memory_space<vmem>>, vector<1x16xf32>,
        %get3A_960 = vector.shape_cast %get3A_959 : vector<1x16xf32> to vector<16xf32>
        %get3A_961 = arith.index_cast %add3A_952 : i32 to index
        %get3A_962 = arith.constant 32 : index
        %get3A_963 = tpu.vector_load %arg15[%get3A_961, %get3A_962] {strides = array<i32>} : memref<400x64xf32, #tpu.memory_space<vmem>>, vector<1x16xf32>,
        %get3A_964 = vector.shape_cast %get3A_963 : vector<1x16xf32> to vector<16xf32>
        %get3A_965 = arith.index_cast %add3A_952 : i32 to index
        %get3A_966 = arith.constant 48 : index
        %get3A_967 = tpu.vector_load %arg15[%get3A_965, %get3A_966] {strides = array<i32>} : memref<400x64xf32, #tpu.memory_space<vmem>>, vector<1x16xf32>,
        %get3A_968 = vector.shape_cast %get3A_967 : vector<1x16xf32> to vector<16xf32>
        %max3A_969 = arith.maximumf %while3A_939, %get3A_956 : vector<16xf32>
        %max3A_970 = arith.maximumf %while3A_940, %get3A_960 : vector<16xf32>
        %max3A_971 = arith.maximumf %while3A_941, %get3A_964 : vector<16xf32>
        %max3A_972 = arith.maximumf %while3A_942, %get3A_968 : vector<16xf32>
        %add3A_973 = arith.addf %while3A_943, %get3A_956 : vector<16xf32>
        %add3A_974 = arith.addf %while3A_944, %get3A_960 : vector<16xf32>
        %add3A_975 = arith.addf %while3A_945, %get3A_964 : vector<16xf32>
        %add3A_976 = arith.addf %while3A_946, %get3A_968 : vector<16xf32>
        %add3A_977 = arith.constant 1 : i32
        %add3A_978 = arith.addi %add3A_950, %add3A_977 : i32
        %get3A_979 = arith.index_cast %add3A_978 : i32 to index
        %get3A_980 = arith.constant 0 : index
        %get3A_981 = tpu.vector_load %arg15[%get3A_979, %get3A_980] {strides = array<i32>} : memref<400x64xf32, #tpu.memory_space<vmem>>, vector<1x16xf32>,
        %get3A_982 = vector.shape_cast %get3A_981 : vector<1x16xf32> to vector<16xf32>
        %get3A_983 = arith.index_cast %add3A_978 : i32 to index
        %get3A_984 = arith.constant 16 : index
        %get3A_985 = tpu.vector_load %arg15[%get3A_983, %get3A_984] {strides = array<i32>} : memref<400x64xf32, #tpu.memory_space<vmem>>, vector<1x16xf32>,
        %get3A_986 = vector.shape_cast %get3A_985 : vector<1x16xf32> to vector<16xf32>
        %get3A_987 = arith.index_cast %add3A_978 : i32 to index
        %get3A_988 = arith.constant 32 : index
        %get3A_989 = tpu.vector_load %arg15[%get3A_987, %get3A_988] {strides = array<i32>} : memref<400x64xf32, #tpu.memory_space<vmem>>, vector<1x16xf32>,
        %get3A_990 = vector.shape_cast %get3A_989 : vector<1x16xf32> to vector<16xf32>
        %get3A_991 = arith.index_cast %add3A_978 : i32 to index
        %get3A_992 = arith.constant 48 : index
        %get3A_993 = tpu.vector_load %arg15[%get3A_991, %get3A_992] {strides = array<i32>} : memref<400x64xf32, #tpu.memory_space<vmem>>, vector<1x16xf32>,
        %get3A_994 = vector.shape_cast %get3A_993 : vector<1x16xf32> to vector<16xf32>
        %max3A_995 = arith.maximumf %max3A_969, %get3A_982 : vector<16xf32>
        %max3A_996 = arith.maximumf %max3A_970, %get3A_986 : vector<16xf32>
        %max3A_997 = arith.maximumf %max3A_971, %get3A_990 : vector<16xf32>
        %max3A_998 = arith.maximumf %max3A_972, %get3A_994 : vector<16xf32>
        %add3A_999 = arith.addf %add3A_973, %get3A_982 : vector<16xf32>
        %add3A_1000 = arith.addf %add3A_974, %get3A_986 : vector<16xf32>
        %add3A_1001 = arith.addf %add3A_975, %get3A_990 : vector<16xf32>
        %add3A_1002 = arith.addf %add3A_976, %get3A_994 : vector<16xf32>
        %add3A_1003 = arith.constant 2 : i32
        %add3A_1004 = arith.addi %add3A_950, %add3A_1003 : i32
        %get3A_1005 = arith.index_cast %add3A_1004 : i32 to index
        %get3A_1006 = arith.constant 0 : index
        %get3A_1007 = tpu.vector_load %arg15[%get3A_1005, %get3A_1006] {strides = array<i32>} : memref<400x64xf32, #tpu.memory_space<vmem>>, vector<1x16xf32>,
        %get3A_1008 = vector.shape_cast %get3A_1007 : vector<1x16xf32> to vector<16xf32>
        %get3A_1009 = arith.index_cast %add3A_1004 : i32 to index
        %get3A_1010 = arith.constant 16 : index
        %get3A_1011 = tpu.vector_load %arg15[%get3A_1009, %get3A_1010] {strides = array<i32>} : memref<400x64xf32, #tpu.memory_space<vmem>>, vector<1x16xf32>,
        %get3A_1012 = vector.shape_cast %get3A_1011 : vector<1x16xf32> to vector<16xf32>
        %get3A_1013 = arith.index_cast %add3A_1004 : i32 to index
        %get3A_1014 = arith.constant 32 : index
        %get3A_1015 = tpu.vector_load %arg15[%get3A_1013, %get3A_1014] {strides = array<i32>} : memref<400x64xf32, #tpu.memory_space<vmem>>, vector<1x16xf32>,
        %get3A_1016 = vector.shape_cast %get3A_1015 : vector<1x16xf32> to vector<16xf32>
        %get3A_1017 = arith.index_cast %add3A_1004 : i32 to index
        %get3A_1018 = arith.constant 48 : index
        %get3A_1019 = tpu.vector_load %arg15[%get3A_1017, %get3A_1018] {strides = array<i32>} : memref<400x64xf32, #tpu.memory_space<vmem>>, vector<1x16xf32>,
        %get3A_1020 = vector.shape_cast %get3A_1019 : vector<1x16xf32> to vector<16xf32>
        %max3A_1021 = arith.maximumf %max3A_995, %get3A_1008 : vector<16xf32>
        %max3A_1022 = arith.maximumf %max3A_996, %get3A_1012 : vector<16xf32>
        %max3A_1023 = arith.maximumf %max3A_997, %get3A_1016 : vector<16xf32>
        %max3A_1024 = arith.maximumf %max3A_998, %get3A_1020 : vector<16xf32>
        %add3A_1025 = arith.addf %add3A_999, %get3A_1008 : vector<16xf32>
        %add3A_1026 = arith.addf %add3A_1000, %get3A_1012 : vector<16xf32>
        %add3A_1027 = arith.addf %add3A_1001, %get3A_1016 : vector<16xf32>
        %add3A_1028 = arith.addf %add3A_1002, %get3A_1020 : vector<16xf32>
        %add3A_1029 = arith.constant 3 : i32
        %add3A_1030 = arith.addi %add3A_950, %add3A_1029 : i32
        %get3A_1031 = arith.index_cast %add3A_1030 : i32 to index
        %get3A_1032 = arith.constant 0 : index
        %get3A_1033 = tpu.vector_load %arg15[%get3A_1031, %get3A_1032] {strides = array<i32>} : memref<400x64xf32, #tpu.memory_space<vmem>>, vector<1x16xf32>,
        %get3A_1034 = vector.shape_cast %get3A_1033 : vector<1x16xf32> to vector<16xf32>
        %get3A_1035 = arith.index_cast %add3A_1030 : i32 to index
        %get3A_1036 = arith.constant 16 : index
        %get3A_1037 = tpu.vector_load %arg15[%get3A_1035, %get3A_1036] {strides = array<i32>} : memref<400x64xf32, #tpu.memory_space<vmem>>, vector<1x16xf32>,
        %get3A_1038 = vector.shape_cast %get3A_1037 : vector<1x16xf32> to vector<16xf32>
        %get3A_1039 = arith.index_cast %add3A_1030 : i32 to index
        %get3A_1040 = arith.constant 32 : index
        %get3A_1041 = tpu.vector_load %arg15[%get3A_1039, %get3A_1040] {strides = array<i32>} : memref<400x64xf32, #tpu.memory_space<vmem>>, vector<1x16xf32>,
        %get3A_1042 = vector.shape_cast %get3A_1041 : vector<1x16xf32> to vector<16xf32>
        %get3A_1043 = arith.index_cast %add3A_1030 : i32 to index
        %get3A_1044 = arith.constant 48 : index
        %get3A_1045 = tpu.vector_load %arg15[%get3A_1043, %get3A_1044] {strides = array<i32>} : memref<400x64xf32, #tpu.memory_space<vmem>>, vector<1x16xf32>,
        %get3A_1046 = vector.shape_cast %get3A_1045 : vector<1x16xf32> to vector<16xf32>
        %max3A_1047 = arith.maximumf %max3A_1021, %get3A_1034 : vector<16xf32>
        %max3A_1048 = arith.maximumf %max3A_1022, %get3A_1038 : vector<16xf32>
        %max3A_1049 = arith.maximumf %max3A_1023, %get3A_1042 : vector<16xf32>
        %max3A_1050 = arith.maximumf %max3A_1024, %get3A_1046 : vector<16xf32>
        %add3A_1051 = arith.addf %add3A_1025, %get3A_1034 : vector<16xf32>
        %add3A_1052 = arith.addf %add3A_1026, %get3A_1038 : vector<16xf32>
        %add3A_1053 = arith.addf %add3A_1027, %get3A_1042 : vector<16xf32>
        %add3A_1054 = arith.addf %add3A_1028, %get3A_1046 : vector<16xf32>
        %add3A_1055 = arith.constant 4 : i32
        %add3A_1056 = arith.addi %add3A_950, %add3A_1055 : i32
        %get3A_1057 = arith.index_cast %add3A_1056 : i32 to index
        %get3A_1058 = arith.constant 0 : index
        %get3A_1059 = tpu.vector_load %arg15[%get3A_1057, %get3A_1058] {strides = array<i32>} : memref<400x64xf32, #tpu.memory_space<vmem>>, vector<1x16xf32>,
        %get3A_1060 = vector.shape_cast %get3A_1059 : vector<1x16xf32> to vector<16xf32>
        %get3A_1061 = arith.index_cast %add3A_1056 : i32 to index
        %get3A_1062 = arith.constant 16 : index
        %get3A_1063 = tpu.vector_load %arg15[%get3A_1061, %get3A_1062] {strides = array<i32>} : memref<400x64xf32, #tpu.memory_space<vmem>>, vector<1x16xf32>,
        %get3A_1064 = vector.shape_cast %get3A_1063 : vector<1x16xf32> to vector<16xf32>
        %get3A_1065 = arith.index_cast %add3A_1056 : i32 to index
        %get3A_1066 = arith.constant 32 : index
        %get3A_1067 = tpu.vector_load %arg15[%get3A_1065, %get3A_1066] {strides = array<i32>} : memref<400x64xf32, #tpu.memory_space<vmem>>, vector<1x16xf32>,
        %get3A_1068 = vector.shape_cast %get3A_1067 : vector<1x16xf32> to vector<16xf32>
        %get3A_1069 = arith.index_cast %add3A_1056 : i32 to index
        %get3A_1070 = arith.constant 48 : index
        %get3A_1071 = tpu.vector_load %arg15[%get3A_1069, %get3A_1070] {strides = array<i32>} : memref<400x64xf32, #tpu.memory_space<vmem>>, vector<1x16xf32>,
        %get3A_1072 = vector.shape_cast %get3A_1071 : vector<1x16xf32> to vector<16xf32>
        %max3A_1073 = arith.maximumf %max3A_1047, %get3A_1060 : vector<16xf32>
        %max3A_1074 = arith.maximumf %max3A_1048, %get3A_1064 : vector<16xf32>
        %max3A_1075 = arith.maximumf %max3A_1049, %get3A_1068 : vector<16xf32>
        %max3A_1076 = arith.maximumf %max3A_1050, %get3A_1072 : vector<16xf32>
        %add3A_1077 = arith.addf %add3A_1051, %get3A_1060 : vector<16xf32>
        %add3A_1078 = arith.addf %add3A_1052, %get3A_1064 : vector<16xf32>
        %add3A_1079 = arith.addf %add3A_1053, %get3A_1068 : vector<16xf32>
        %add3A_1080 = arith.addf %add3A_1054, %get3A_1072 : vector<16xf32>
        %add3A_1081 = arith.constant 5 : i32
        %add3A_1082 = arith.addi %add3A_950, %add3A_1081 : i32
        %get3A_1083 = arith.index_cast %add3A_1082 : i32 to index
        %get3A_1084 = arith.constant 0 : index
        %get3A_1085 = tpu.vector_load %arg15[%get3A_1083, %get3A_1084] {strides = array<i32>} : memref<400x64xf32, #tpu.memory_space<vmem>>, vector<1x16xf32>,
        %get3A_1086 = vector.shape_cast %get3A_1085 : vector<1x16xf32> to vector<16xf32>
        %get3A_1087 = arith.index_cast %add3A_1082 : i32 to index
        %get3A_1088 = arith.constant 16 : index
        %get3A_1089 = tpu.vector_load %arg15[%get3A_1087, %get3A_1088] {strides = array<i32>} : memref<400x64xf32, #tpu.memory_space<vmem>>, vector<1x16xf32>,
        %get3A_1090 = vector.shape_cast %get3A_1089 : vector<1x16xf32> to vector<16xf32>
        %get3A_1091 = arith.index_cast %add3A_1082 : i32 to index
        %get3A_1092 = arith.constant 32 : index
        %get3A_1093 = tpu.vector_load %arg15[%get3A_1091, %get3A_1092] {strides = array<i32>} : memref<400x64xf32, #tpu.memory_space<vmem>>, vector<1x16xf32>,
        %get3A_1094 = vector.shape_cast %get3A_1093 : vector<1x16xf32> to vector<16xf32>
        %get3A_1095 = arith.index_cast %add3A_1082 : i32 to index
        %get3A_1096 = arith.constant 48 : index
        %get3A_1097 = tpu.vector_load %arg15[%get3A_1095, %get3A_1096] {strides = array<i32>} : memref<400x64xf32, #tpu.memory_space<vmem>>, vector<1x16xf32>,
        %get3A_1098 = vector.shape_cast %get3A_1097 : vector<1x16xf32> to vector<16xf32>
        %max3A_1099 = arith.maximumf %max3A_1073, %get3A_1086 : vector<16xf32>
        %max3A_1100 = arith.maximumf %max3A_1074, %get3A_1090 : vector<16xf32>
        %max3A_1101 = arith.maximumf %max3A_1075, %get3A_1094 : vector<16xf32>
        %max3A_1102 = arith.maximumf %max3A_1076, %get3A_1098 : vector<16xf32>
        %add3A_1103 = arith.addf %add3A_1077, %get3A_1086 : vector<16xf32>
        %add3A_1104 = arith.addf %add3A_1078, %get3A_1090 : vector<16xf32>
        %add3A_1105 = arith.addf %add3A_1079, %get3A_1094 : vector<16xf32>
        %add3A_1106 = arith.addf %add3A_1080, %get3A_1098 : vector<16xf32>
        %add3A_1107 = arith.constant 6 : i32
        %add3A_1108 = arith.addi %add3A_950, %add3A_1107 : i32
        %get3A_1109 = arith.index_cast %add3A_1108 : i32 to index
        %get3A_1110 = arith.constant 0 : index
        %get3A_1111 = tpu.vector_load %arg15[%get3A_1109, %get3A_1110] {strides = array<i32>} : memref<400x64xf32, #tpu.memory_space<vmem>>, vector<1x16xf32>,
        %get3A_1112 = vector.shape_cast %get3A_1111 : vector<1x16xf32> to vector<16xf32>
        %get3A_1113 = arith.index_cast %add3A_1108 : i32 to index
        %get3A_1114 = arith.constant 16 : index
        %get3A_1115 = tpu.vector_load %arg15[%get3A_1113, %get3A_1114] {strides = array<i32>} : memref<400x64xf32, #tpu.memory_space<vmem>>, vector<1x16xf32>,
        %get3A_1116 = vector.shape_cast %get3A_1115 : vector<1x16xf32> to vector<16xf32>
        %get3A_1117 = arith.index_cast %add3A_1108 : i32 to index
        %get3A_1118 = arith.constant 32 : index
        %get3A_1119 = tpu.vector_load %arg15[%get3A_1117, %get3A_1118] {strides = array<i32>} : memref<400x64xf32, #tpu.memory_space<vmem>>, vector<1x16xf32>,
        %get3A_1120 = vector.shape_cast %get3A_1119 : vector<1x16xf32> to vector<16xf32>
        %get3A_1121 = arith.index_cast %add3A_1108 : i32 to index
        %get3A_1122 = arith.constant 48 : index
        %get3A_1123 = tpu.vector_load %arg15[%get3A_1121, %get3A_1122] {strides = array<i32>} : memref<400x64xf32, #tpu.memory_space<vmem>>, vector<1x16xf32>,
        %get3A_1124 = vector.shape_cast %get3A_1123 : vector<1x16xf32> to vector<16xf32>
        %max3A_1125 = arith.maximumf %max3A_1099, %get3A_1112 : vector<16xf32>
        %max3A_1126 = arith.maximumf %max3A_1100, %get3A_1116 : vector<16xf32>
        %max3A_1127 = arith.maximumf %max3A_1101, %get3A_1120 : vector<16xf32>
        %max3A_1128 = arith.maximumf %max3A_1102, %get3A_1124 : vector<16xf32>
        %add3A_1129 = arith.addf %add3A_1103, %get3A_1112 : vector<16xf32>
        %add3A_1130 = arith.addf %add3A_1104, %get3A_1116 : vector<16xf32>
        %add3A_1131 = arith.addf %add3A_1105, %get3A_1120 : vector<16xf32>
        %add3A_1132 = arith.addf %add3A_1106, %get3A_1124 : vector<16xf32>
        %add3A_1133 = arith.constant 7 : i32
        %add3A_1134 = arith.addi %add3A_950, %add3A_1133 : i32
        %get3A_1135 = arith.index_cast %add3A_1134 : i32 to index
        %get3A_1136 = arith.constant 0 : index
        %get3A_1137 = tpu.vector_load %arg15[%get3A_1135, %get3A_1136] {strides = array<i32>} : memref<400x64xf32, #tpu.memory_space<vmem>>, vector<1x16xf32>,
        %get3A_1138 = vector.shape_cast %get3A_1137 : vector<1x16xf32> to vector<16xf32>
        %get3A_1139 = arith.index_cast %add3A_1134 : i32 to index
        %get3A_1140 = arith.constant 16 : index
        %get3A_1141 = tpu.vector_load %arg15[%get3A_1139, %get3A_1140] {strides = array<i32>} : memref<400x64xf32, #tpu.memory_space<vmem>>, vector<1x16xf32>,
        %get3A_1142 = vector.shape_cast %get3A_1141 : vector<1x16xf32> to vector<16xf32>
        %get3A_1143 = arith.index_cast %add3A_1134 : i32 to index
        %get3A_1144 = arith.constant 32 : index
        %get3A_1145 = tpu.vector_load %arg15[%get3A_1143, %get3A_1144] {strides = array<i32>} : memref<400x64xf32, #tpu.memory_space<vmem>>, vector<1x16xf32>,
        %get3A_1146 = vector.shape_cast %get3A_1145 : vector<1x16xf32> to vector<16xf32>
        %get3A_1147 = arith.index_cast %add3A_1134 : i32 to index
        %get3A_1148 = arith.constant 48 : index
        %get3A_1149 = tpu.vector_load %arg15[%get3A_1147, %get3A_1148] {strides = array<i32>} : memref<400x64xf32, #tpu.memory_space<vmem>>, vector<1x16xf32>,
        %get3A_1150 = vector.shape_cast %get3A_1149 : vector<1x16xf32> to vector<16xf32>
        %max3A_1151 = arith.maximumf %max3A_1125, %get3A_1138 : vector<16xf32>
        %max3A_1152 = arith.maximumf %max3A_1126, %get3A_1142 : vector<16xf32>
        %max3A_1153 = arith.maximumf %max3A_1127, %get3A_1146 : vector<16xf32>
        %max3A_1154 = arith.maximumf %max3A_1128, %get3A_1150 : vector<16xf32>
        %add3A_1155 = arith.addf %add3A_1129, %get3A_1138 : vector<16xf32>
        %add3A_1156 = arith.addf %add3A_1130, %get3A_1142 : vector<16xf32>
        %add3A_1157 = arith.addf %add3A_1131, %get3A_1146 : vector<16xf32>
        %add3A_1158 = arith.addf %add3A_1132, %get3A_1150 : vector<16xf32>
        scf.yield %max3A_1151, %max3A_1152, %max3A_1153, %max3A_1154, %add3A_1155, %add3A_1156, %add3A_1157, %add3A_1158 : vector<16xf32>, vector<16xf32>, vector<16xf32>, vector<16xf32>, vector<16xf32>, vector<16xf32>, vector<16xf32>, vector<16xf32>
      }
      %mul3A_811 = arith.constant 8 : i32
      %mul3A_812 = arith.muli %mul3A_811, %div3A_795 : i32
      %while3A_813 = arith.subi %squeeze3A_764, %mul3A_812 : i32
      %while3A_814 = arith.addi %mul3A_812, %while3A_813 : i32
      %while3A_815 = arith.constant 1 : i32
      %while3A_816 = arith.divsi %while3A_813, %while3A_815 : i32
      %while3A_817 = arith.muli %while3A_816, %while3A_815 : i32
      %while3A_818 = arith.addi %mul3A_812, %while3A_817 : i32
      %while3A_819 = arith.constant 1 : i32
      %while3A_820:8 = scf.for %while3A_938 = %mul3A_812 to %while3A_818 step %while3A_819 iter_args(%while3A_939 = %while3A_810#0, %while3A_940 = %while3A_810#1, %while3A_941 = %while3A_810#2, %while3A_942 = %while3A_810#3, %while3A_943 = %while3A_810#4, %while3A_944 = %while3A_810#5, %while3A_945 = %while3A_810#6, %while3A_946 = %while3A_810#7) -> (vector<16xf32>, vector<16xf32>, vector<16xf32>, vector<16xf32>, vector<16xf32>, vector<16xf32>, vector<16xf32>, vector<16xf32>)  : i32 {
        %add3A_947 = arith.constant 200 : i32
        %add3A_948 = arith.addi %add3A_947, %while3A_938 : i32
        %get3A_949 = arith.index_cast %add3A_948 : i32 to index
        %get3A_950 = arith.constant 0 : index
        %get3A_951 = tpu.vector_load %arg15[%get3A_949, %get3A_950] {strides = array<i32>} : memref<400x64xf32, #tpu.memory_space<vmem>>, vector<1x16xf32>,
        %get3A_952 = vector.shape_cast %get3A_951 : vector<1x16xf32> to vector<16xf32>
        %get3A_953 = arith.index_cast %add3A_948 : i32 to index
        %get3A_954 = arith.constant 16 : index
        %get3A_955 = tpu.vector_load %arg15[%get3A_953, %get3A_954] {strides = array<i32>} : memref<400x64xf32, #tpu.memory_space<vmem>>, vector<1x16xf32>,
        %get3A_956 = vector.shape_cast %get3A_955 : vector<1x16xf32> to vector<16xf32>
        %get3A_957 = arith.index_cast %add3A_948 : i32 to index
        %get3A_958 = arith.constant 32 : index
        %get3A_959 = tpu.vector_load %arg15[%get3A_957, %get3A_958] {strides = array<i32>} : memref<400x64xf32, #tpu.memory_space<vmem>>, vector<1x16xf32>,
        %get3A_960 = vector.shape_cast %get3A_959 : vector<1x16xf32> to vector<16xf32>
        %get3A_961 = arith.index_cast %add3A_948 : i32 to index
        %get3A_962 = arith.constant 48 : index
        %get3A_963 = tpu.vector_load %arg15[%get3A_961, %get3A_962] {strides = array<i32>} : memref<400x64xf32, #tpu.memory_space<vmem>>, vector<1x16xf32>,
        %get3A_964 = vector.shape_cast %get3A_963 : vector<1x16xf32> to vector<16xf32>
        %max3A_965 = arith.maximumf %while3A_939, %get3A_952 : vector<16xf32>
        %max3A_966 = arith.maximumf %while3A_940, %get3A_956 : vector<16xf32>
        %max3A_967 = arith.maximumf %while3A_941, %get3A_960 : vector<16xf32>
        %max3A_968 = arith.maximumf %while3A_942, %get3A_964 : vector<16xf32>
        %add3A_969 = arith.addf %while3A_943, %get3A_952 : vector<16xf32>
        %add3A_970 = arith.addf %while3A_944, %get3A_956 : vector<16xf32>
        %add3A_971 = arith.addf %while3A_945, %get3A_960 : vector<16xf32>
        %add3A_972 = arith.addf %while3A_946, %get3A_964 : vector<16xf32>
        scf.yield %max3A_965, %max3A_966, %max3A_967, %max3A_968, %add3A_969, %add3A_970, %add3A_971, %add3A_972 : vector<16xf32>, vector<16xf32>, vector<16xf32>, vector<16xf32>, vector<16xf32>, vector<16xf32>, vector<16xf32>, vector<16xf32>
      }
      %while3A_821 = arith.constant 1 : i32
      %while3A_822:8 = scf.for %while3A_938 = %while3A_818 to %while3A_814 step %while3A_821 iter_args(%while3A_939 = %while3A_820#0, %while3A_940 = %while3A_820#1, %while3A_941 = %while3A_820#2, %while3A_942 = %while3A_820#3, %while3A_943 = %while3A_820#4, %while3A_944 = %while3A_820#5, %while3A_945 = %while3A_820#6, %while3A_946 = %while3A_820#7) -> (vector<16xf32>, vector<16xf32>, vector<16xf32>, vector<16xf32>, vector<16xf32>, vector<16xf32>, vector<16xf32>, vector<16xf32>)  : i32 {
        %add3A_947 = arith.constant 200 : i32
        %add3A_948 = arith.addi %add3A_947, %while3A_938 : i32
        %get3A_949 = arith.index_cast %add3A_948 : i32 to index
        %get3A_950 = arith.constant 0 : index
        %get3A_951 = tpu.vector_load %arg15[%get3A_949, %get3A_950] {strides = array<i32>} : memref<400x64xf32, #tpu.memory_space<vmem>>, vector<1x16xf32>,
        %get3A_952 = vector.shape_cast %get3A_951 : vector<1x16xf32> to vector<16xf32>
        %get3A_953 = arith.index_cast %add3A_948 : i32 to index
        %get3A_954 = arith.constant 16 : index
        %get3A_955 = tpu.vector_load %arg15[%get3A_953, %get3A_954] {strides = array<i32>} : memref<400x64xf32, #tpu.memory_space<vmem>>, vector<1x16xf32>,
        %get3A_956 = vector.shape_cast %get3A_955 : vector<1x16xf32> to vector<16xf32>
        %get3A_957 = arith.index_cast %add3A_948 : i32 to index
        %get3A_958 = arith.constant 32 : index
        %get3A_959 = tpu.vector_load %arg15[%get3A_957, %get3A_958] {strides = array<i32>} : memref<400x64xf32, #tpu.memory_space<vmem>>, vector<1x16xf32>,
        %get3A_960 = vector.shape_cast %get3A_959 : vector<1x16xf32> to vector<16xf32>
        %get3A_961 = arith.index_cast %add3A_948 : i32 to index
        %get3A_962 = arith.constant 48 : index
        %get3A_963 = tpu.vector_load %arg15[%get3A_961, %get3A_962] {strides = array<i32>} : memref<400x64xf32, #tpu.memory_space<vmem>>, vector<1x16xf32>,
        %get3A_964 = vector.shape_cast %get3A_963 : vector<1x16xf32> to vector<16xf32>
        %max3A_965 = arith.maximumf %while3A_939, %get3A_952 : vector<16xf32>
        %max3A_966 = arith.maximumf %while3A_940, %get3A_956 : vector<16xf32>
        %max3A_967 = arith.maximumf %while3A_941, %get3A_960 : vector<16xf32>
        %max3A_968 = arith.maximumf %while3A_942, %get3A_964 : vector<16xf32>
        %add3A_969 = arith.addf %while3A_943, %get3A_952 : vector<16xf32>
        %add3A_970 = arith.addf %while3A_944, %get3A_956 : vector<16xf32>
        %add3A_971 = arith.addf %while3A_945, %get3A_960 : vector<16xf32>
        %add3A_972 = arith.addf %while3A_946, %get3A_964 : vector<16xf32>
        scf.yield %max3A_965, %max3A_966, %max3A_967, %max3A_968, %add3A_969, %add3A_970, %add3A_971, %add3A_972 : vector<16xf32>, vector<16xf32>, vector<16xf32>, vector<16xf32>, vector<16xf32>, vector<16xf32>, vector<16xf32>, vector<16xf32>
      }
      %broadcast_in_dim3A_823 = arith.constant 1.000000e+00 : f32
      %broadcast_in_dim3A_824 = vector.broadcast %broadcast_in_dim3A_823 : f32 to vector<16xf32>
      %max3A_825 = arith.constant 1 : i32
      %max3A_826 = arith.maxsi %squeeze3A_759, %max3A_825 : i32
      %convert_element_type3A_827 = arith.sitofp %max3A_826 : i32 to f32
      %broadcast_in_dim3A_828 = vector.broadcast %convert_element_type3A_827 : f32 to vector<16xf32>
      %div3A_829 = arith.divf %broadcast_in_dim3A_824, %broadcast_in_dim3A_828 : vector<16xf32>
      %max3A_830 = arith.constant 1 : i32
      %max3A_831 = arith.maxsi %squeeze3A_764, %max3A_830 : i32
      %convert_element_type3A_832 = arith.sitofp %max3A_831 : i32 to f32
      %broadcast_in_dim3A_833 = vector.broadcast %convert_element_type3A_832 : f32 to vector<16xf32>
      %div3A_834 = arith.divf %broadcast_in_dim3A_824, %broadcast_in_dim3A_833 : vector<16xf32>
      %gt3A_835 = arith.constant 0 : i32
      %gt3A_836 = arith.cmpi sgt, %squeeze3A_759, %gt3A_835 : i32
      %gt3A_837 = arith.constant 0 : i32
      %gt3A_838 = arith.cmpi sgt, %squeeze3A_764, %gt3A_837 : i32
      %broadcast_in_dim3A_839 = arith.constant 0.000000e+00 : f32
      %broadcast_in_dim3A_840 = vector.broadcast %broadcast_in_dim3A_839 : f32 to vector<16xf32>
      %select_n3A_841 = arith.select %gt3A_836, %while3A_793#0, %broadcast_in_dim3A_840 : vector<16xf32>
      %swap3A_842 = arith.index_cast %add3A_754 : i32 to index
      %swap3A_843 = arith.constant 0 : index
      %swap3A_844 = tpu.vector_load %arg16[%swap3A_842, %swap3A_843] {strides = array<i32>} : memref<128x256xf32, #tpu.memory_space<vmem>>, vector<1x16xf32>,
      %swap3A_845 = vector.shape_cast %swap3A_844 : vector<1x16xf32> to vector<16xf32>
      %swap3A_846 = vector.shape_cast %select_n3A_841 : vector<16xf32> to vector<1x16xf32>
      tpu.vector_store %arg16[%swap3A_842, %swap3A_843], %swap3A_846 {strides = array<i32>} : memref<128x256xf32, #tpu.memory_space<vmem>>, vector<1x16xf32>,
      %select_n3A_847 = arith.select %gt3A_838, %while3A_822#0, %broadcast_in_dim3A_840 : vector<16xf32>
      %swap3A_848 = arith.index_cast %add3A_754 : i32 to index
      %swap3A_849 = arith.constant 64 : index
      %swap3A_850 = tpu.vector_load %arg16[%swap3A_848, %swap3A_849] {strides = array<i32>} : memref<128x256xf32, #tpu.memory_space<vmem>>, vector<1x16xf32>,
      %swap3A_851 = vector.shape_cast %swap3A_850 : vector<1x16xf32> to vector<16xf32>
      %swap3A_852 = vector.shape_cast %select_n3A_847 : vector<16xf32> to vector<1x16xf32>
      tpu.vector_store %arg16[%swap3A_848, %swap3A_849], %swap3A_852 {strides = array<i32>} : memref<128x256xf32, #tpu.memory_space<vmem>>, vector<1x16xf32>,
      %mul3A_853 = arith.mulf %while3A_793#4, %div3A_829 : vector<16xf32>
      %swap3A_854 = arith.index_cast %add3A_754 : i32 to index
      %swap3A_855 = arith.constant 128 : index
      %swap3A_856 = tpu.vector_load %arg16[%swap3A_854, %swap3A_855] {strides = array<i32>} : memref<128x256xf32, #tpu.memory_space<vmem>>, vector<1x16xf32>,
      %swap3A_857 = vector.shape_cast %swap3A_856 : vector<1x16xf32> to vector<16xf32>
      %swap3A_858 = vector.shape_cast %mul3A_853 : vector<16xf32> to vector<1x16xf32>
      tpu.vector_store %arg16[%swap3A_854, %swap3A_855], %swap3A_858 {strides = array<i32>} : memref<128x256xf32, #tpu.memory_space<vmem>>, vector<1x16xf32>,
      %mul3A_859 = arith.mulf %while3A_822#4, %div3A_834 : vector<16xf32>
      %swap3A_860 = arith.index_cast %add3A_754 : i32 to index
      %swap3A_861 = arith.constant 192 : index
      %swap3A_862 = tpu.vector_load %arg16[%swap3A_860, %swap3A_861] {strides = array<i32>} : memref<128x256xf32, #tpu.memory_space<vmem>>, vector<1x16xf32>,
      %swap3A_863 = vector.shape_cast %swap3A_862 : vector<1x16xf32> to vector<16xf32>
      %swap3A_864 = vector.shape_cast %mul3A_859 : vector<16xf32> to vector<1x16xf32>
      tpu.vector_store %arg16[%swap3A_860, %swap3A_861], %swap3A_864 {strides = array<i32>} : memref<128x256xf32, #tpu.memory_space<vmem>>, vector<1x16xf32>,
      %select_n3A_865 = arith.select %gt3A_836, %while3A_793#1, %broadcast_in_dim3A_840 : vector<16xf32>
      %swap3A_866 = arith.index_cast %add3A_754 : i32 to index
      %swap3A_867 = arith.constant 16 : index
      %swap3A_868 = tpu.vector_load %arg16[%swap3A_866, %swap3A_867] {strides = array<i32>} : memref<128x256xf32, #tpu.memory_space<vmem>>, vector<1x16xf32>,
      %swap3A_869 = vector.shape_cast %swap3A_868 : vector<1x16xf32> to vector<16xf32>
      %swap3A_870 = vector.shape_cast %select_n3A_865 : vector<16xf32> to vector<1x16xf32>
      tpu.vector_store %arg16[%swap3A_866, %swap3A_867], %swap3A_870 {strides = array<i32>} : memref<128x256xf32, #tpu.memory_space<vmem>>, vector<1x16xf32>,
      %select_n3A_871 = arith.select %gt3A_838, %while3A_822#1, %broadcast_in_dim3A_840 : vector<16xf32>
      %swap3A_872 = arith.index_cast %add3A_754 : i32 to index
      %swap3A_873 = arith.constant 80 : index
      %swap3A_874 = tpu.vector_load %arg16[%swap3A_872, %swap3A_873] {strides = array<i32>} : memref<128x256xf32, #tpu.memory_space<vmem>>, vector<1x16xf32>,
      %swap3A_875 = vector.shape_cast %swap3A_874 : vector<1x16xf32> to vector<16xf32>
      %swap3A_876 = vector.shape_cast %select_n3A_871 : vector<16xf32> to vector<1x16xf32>
      tpu.vector_store %arg16[%swap3A_872, %swap3A_873], %swap3A_876 {strides = array<i32>} : memref<128x256xf32, #tpu.memory_space<vmem>>, vector<1x16xf32>,
      %mul3A_877 = arith.mulf %while3A_793#5, %div3A_829 : vector<16xf32>
      %swap3A_878 = arith.index_cast %add3A_754 : i32 to index
      %swap3A_879 = arith.constant 144 : index
      %swap3A_880 = tpu.vector_load %arg16[%swap3A_878, %swap3A_879] {strides = array<i32>} : memref<128x256xf32, #tpu.memory_space<vmem>>, vector<1x16xf32>,
      %swap3A_881 = vector.shape_cast %swap3A_880 : vector<1x16xf32> to vector<16xf32>
      %swap3A_882 = vector.shape_cast %mul3A_877 : vector<16xf32> to vector<1x16xf32>
      tpu.vector_store %arg16[%swap3A_878, %swap3A_879], %swap3A_882 {strides = array<i32>} : memref<128x256xf32, #tpu.memory_space<vmem>>, vector<1x16xf32>,
      %mul3A_883 = arith.mulf %while3A_822#5, %div3A_834 : vector<16xf32>
      %swap3A_884 = arith.index_cast %add3A_754 : i32 to index
      %swap3A_885 = arith.constant 208 : index
      %swap3A_886 = tpu.vector_load %arg16[%swap3A_884, %swap3A_885] {strides = array<i32>} : memref<128x256xf32, #tpu.memory_space<vmem>>, vector<1x16xf32>,
      %swap3A_887 = vector.shape_cast %swap3A_886 : vector<1x16xf32> to vector<16xf32>
      %swap3A_888 = vector.shape_cast %mul3A_883 : vector<16xf32> to vector<1x16xf32>
      tpu.vector_store %arg16[%swap3A_884, %swap3A_885], %swap3A_888 {strides = array<i32>} : memref<128x256xf32, #tpu.memory_space<vmem>>, vector<1x16xf32>,
      %select_n3A_889 = arith.select %gt3A_836, %while3A_793#2, %broadcast_in_dim3A_840 : vector<16xf32>
      %swap3A_890 = arith.index_cast %add3A_754 : i32 to index
      %swap3A_891 = arith.constant 32 : index
      %swap3A_892 = tpu.vector_load %arg16[%swap3A_890, %swap3A_891] {strides = array<i32>} : memref<128x256xf32, #tpu.memory_space<vmem>>, vector<1x16xf32>,
      %swap3A_893 = vector.shape_cast %swap3A_892 : vector<1x16xf32> to vector<16xf32>
      %swap3A_894 = vector.shape_cast %select_n3A_889 : vector<16xf32> to vector<1x16xf32>
      tpu.vector_store %arg16[%swap3A_890, %swap3A_891], %swap3A_894 {strides = array<i32>} : memref<128x256xf32, #tpu.memory_space<vmem>>, vector<1x16xf32>,
      %select_n3A_895 = arith.select %gt3A_838, %while3A_822#2, %broadcast_in_dim3A_840 : vector<16xf32>
      %swap3A_896 = arith.index_cast %add3A_754 : i32 to index
      %swap3A_897 = arith.constant 96 : index
      %swap3A_898 = tpu.vector_load %arg16[%swap3A_896, %swap3A_897] {strides = array<i32>} : memref<128x256xf32, #tpu.memory_space<vmem>>, vector<1x16xf32>,
      %swap3A_899 = vector.shape_cast %swap3A_898 : vector<1x16xf32> to vector<16xf32>
      %swap3A_900 = vector.shape_cast %select_n3A_895 : vector<16xf32> to vector<1x16xf32>
      tpu.vector_store %arg16[%swap3A_896, %swap3A_897], %swap3A_900 {strides = array<i32>} : memref<128x256xf32, #tpu.memory_space<vmem>>, vector<1x16xf32>,
      %mul3A_901 = arith.mulf %while3A_793#6, %div3A_829 : vector<16xf32>
      %swap3A_902 = arith.index_cast %add3A_754 : i32 to index
      %swap3A_903 = arith.constant 160 : index
      %swap3A_904 = tpu.vector_load %arg16[%swap3A_902, %swap3A_903] {strides = array<i32>} : memref<128x256xf32, #tpu.memory_space<vmem>>, vector<1x16xf32>,
      %swap3A_905 = vector.shape_cast %swap3A_904 : vector<1x16xf32> to vector<16xf32>
      %swap3A_906 = vector.shape_cast %mul3A_901 : vector<16xf32> to vector<1x16xf32>
      tpu.vector_store %arg16[%swap3A_902, %swap3A_903], %swap3A_906 {strides = array<i32>} : memref<128x256xf32, #tpu.memory_space<vmem>>, vector<1x16xf32>,
      %mul3A_907 = arith.mulf %while3A_822#6, %div3A_834 : vector<16xf32>
      %swap3A_908 = arith.index_cast %add3A_754 : i32 to index
      %swap3A_909 = arith.constant 224 : index
      %swap3A_910 = tpu.vector_load %arg16[%swap3A_908, %swap3A_909] {strides = array<i32>} : memref<128x256xf32, #tpu.memory_space<vmem>>, vector<1x16xf32>,
      %swap3A_911 = vector.shape_cast %swap3A_910 : vector<1x16xf32> to vector<16xf32>
      %swap3A_912 = vector.shape_cast %mul3A_907 : vector<16xf32> to vector<1x16xf32>
      tpu.vector_store %arg16[%swap3A_908, %swap3A_909], %swap3A_912 {strides = array<i32>} : memref<128x256xf32, #tpu.memory_space<vmem>>, vector<1x16xf32>,
      %select_n3A_913 = arith.select %gt3A_836, %while3A_793#3, %broadcast_in_dim3A_840 : vector<16xf32>
      %swap3A_914 = arith.index_cast %add3A_754 : i32 to index
      %swap3A_915 = arith.constant 48 : index
      %swap3A_916 = tpu.vector_load %arg16[%swap3A_914, %swap3A_915] {strides = array<i32>} : memref<128x256xf32, #tpu.memory_space<vmem>>, vector<1x16xf32>,
      %swap3A_917 = vector.shape_cast %swap3A_916 : vector<1x16xf32> to vector<16xf32>
      %swap3A_918 = vector.shape_cast %select_n3A_913 : vector<16xf32> to vector<1x16xf32>
      tpu.vector_store %arg16[%swap3A_914, %swap3A_915], %swap3A_918 {strides = array<i32>} : memref<128x256xf32, #tpu.memory_space<vmem>>, vector<1x16xf32>,
      %select_n3A_919 = arith.select %gt3A_838, %while3A_822#3, %broadcast_in_dim3A_840 : vector<16xf32>
      %swap3A_920 = arith.index_cast %add3A_754 : i32 to index
      %swap3A_921 = arith.constant 112 : index
      %swap3A_922 = tpu.vector_load %arg16[%swap3A_920, %swap3A_921] {strides = array<i32>} : memref<128x256xf32, #tpu.memory_space<vmem>>, vector<1x16xf32>,
      %swap3A_923 = vector.shape_cast %swap3A_922 : vector<1x16xf32> to vector<16xf32>
      %swap3A_924 = vector.shape_cast %select_n3A_919 : vector<16xf32> to vector<1x16xf32>
      tpu.vector_store %arg16[%swap3A_920, %swap3A_921], %swap3A_924 {strides = array<i32>} : memref<128x256xf32, #tpu.memory_space<vmem>>, vector<1x16xf32>,
      %mul3A_925 = arith.mulf %while3A_793#7, %div3A_829 : vector<16xf32>
      %swap3A_926 = arith.index_cast %add3A_754 : i32 to index
      %swap3A_927 = arith.constant 176 : index
      %swap3A_928 = tpu.vector_load %arg16[%swap3A_926, %swap3A_927] {strides = array<i32>} : memref<128x256xf32, #tpu.memory_space<vmem>>, vector<1x16xf32>,
      %swap3A_929 = vector.shape_cast %swap3A_928 : vector<1x16xf32> to vector<16xf32>
      %swap3A_930 = vector.shape_cast %mul3A_925 : vector<16xf32> to vector<1x16xf32>
      tpu.vector_store %arg16[%swap3A_926, %swap3A_927], %swap3A_930 {strides = array<i32>} : memref<128x256xf32, #tpu.memory_space<vmem>>, vector<1x16xf32>,
      %mul3A_931 = arith.mulf %while3A_822#7, %div3A_834 : vector<16xf32>
      %swap3A_932 = arith.index_cast %add3A_754 : i32 to index
      %swap3A_933 = arith.constant 240 : index
      %swap3A_934 = tpu.vector_load %arg16[%swap3A_932, %swap3A_933] {strides = array<i32>} : memref<128x256xf32, #tpu.memory_space<vmem>>, vector<1x16xf32>,
      %swap3A_935 = vector.shape_cast %swap3A_934 : vector<1x16xf32> to vector<16xf32>
      %swap3A_936 = vector.shape_cast %mul3A_931 : vector<16xf32> to vector<1x16xf32>
      tpu.vector_store %arg16[%swap3A_932, %swap3A_933], %swap3A_936 {strides = array<i32>} : memref<128x256xf32, #tpu.memory_space<vmem>>, vector<1x16xf32>,
      %scan3A_937 = arith.constant 0 : i32
      scf.yield %scan3A_937 : i32
    }
    %scan3A_54 = arith.constant 32 : i32
    "tpu.region"() ({
      %run_scoped3A = tpu.sem_alloc : memref<!tpu.dma_semaphore, #tpu.memory_space<semaphore_mem>>
      %dma_start3A_55 = arith.constant 0 : i32
      %dma_start3A_56 = tpu.memref_slice %arg7[%mul3A_2, %dma_start3A_55] : memref<4096x256xf32, #tpu.memory_space<hbm>> -> memref<128x256xf32, #tpu.memory_space<hbm>>
      %dma_start3A_57 = arith.constant 0 : i32
      %dma_start3A_58 = tpu.memref_slice %arg7[%mul3A_2, %dma_start3A_57] : memref<4096x256xf32, #tpu.memory_space<hbm>> -> memref<128x256xf32, #tpu.memory_space<hbm>>
      tpu.enqueue_dma source(%arg16 : memref<128x256xf32, #tpu.memory_space<vmem>>) target(%dma_start3A_58 : memref<128x256xf32, #tpu.memory_space<hbm>>) target_semaphore(%run_scoped3A : memref<!tpu.dma_semaphore, #tpu.memory_space<semaphore_mem>>)
      %dma_wait3A = arith.constant 0 : i32
      %dma_wait3A_59 = tpu.memref_slice %arg7[%mul3A_2, %dma_wait3A] : memref<4096x256xf32, #tpu.memory_space<hbm>> -> memref<128x256xf32, #tpu.memory_space<hbm>>
      %dma_wait3A_60 = arith.constant 0 : i32
      %dma_wait3A_61 = tpu.memref_slice %arg7[%mul3A_2, %dma_wait3A_60] : memref<4096x256xf32, #tpu.memory_space<hbm>> -> memref<128x256xf32, #tpu.memory_space<hbm>>
      tpu.wait_dma2 semaphore(%run_scoped3A : memref<!tpu.dma_semaphore, #tpu.memory_space<semaphore_mem>>) src(%arg16 : memref<128x256xf32, #tpu.memory_space<vmem>>) dst(%dma_wait3A_61 : memref<128x256xf32, #tpu.memory_space<hbm>>)
      tpu.yield
    }) : () -> ()
    return
  }
}

</mosaic_0001>

<sc_bundles>
// kernel: _swem_cat_sc.3.cloned.1.call-start
scs
__scs_entry_jumppad:
0x0: {  	(pc) =	sbr.rel $0x88, $3  }
0x1: {  	(tag) =	ssettag $0x0;
	lr =	simm.s32 $0x1  }
0x2: {  	[smem:$0x3F9C] =	sst lr;
	_ =	strace $0xD0000000  }
0x3: {  	_ = 	snop  }
0x4: {  	_ = 	snop  }
0x5: {  	_ = 	snop  }
0x6: {  	_ = 	snop  }
0x7: {  	_ = 	snop  }
__scs_overlays_trampoline_lowered:
0x8: {  	[smem:$0x3FAB] =	sst s0  }
0x9: {  	[smem:$0x3FAC] =	sst s1  }
0xa: {  	[smem:$0x3FAD] =	sst s2  }
0xb: {  	[smem:$0x3FAE] =	sst s3  }
0xc: {  	[smem:$0x3FAF] =	sst s4  }
0xd: {  	[smem:$0x3FB0] =	sst s5  }
0xe: {  	[smem:$0x3FB1] =	sst s6  }
0xf: {  	[smem:$0x3FB2] =	sst s7  }
0x10: {  	[smem:$0x3FB3] =	sst s8  }
0x11: {  	[smem:$0x3FB4] =	sst s9;
	s0 =	simm.s32 @!p0 $0x0  }
0x12: {  	s1 =	sld [smem:$0x3F9A];
	s0 =	simm.s32 @p0 $0x1  }
0x13: {  	[smem:$0x3FB5] =	sst s0;
	s0 =	simm.s32 @!p1 $0x0  }
0x14: {  	s2 =	sld [smem:$0x3F99];
	s0 =	simm.s32 @p1 $0x1  }
0x15: {  	[smem:$0x3FB6] =	sst s0;
	s0 =	simm.s32 @!p2 $0x0  }
0x16: {  	s3 =	sld [smem:$0x3FDB];
	s0 =	simm.s32 @p2 $0x1  }
0x17: {  	s4 =	simm.s32 $0x1BF5;
	[smem:$0x3FB8] =	sst s0  }
0x18: {  	s0 =	sld [smem:$0x3F9B];
	_ =	swait.ge [sflag:s4], $0x0  }
0x19: {  	s7 =	sld [smem:$0x3F9C]  }
0x1a: {  	s8 =	sadd.s32 $0xFFFFE003, lr  }
0x1b: {  	s9 =	sadd.s32 $0xFFFFFEF7, lr;
	s5 =	simm.s32 $0xFFFFFFFF;
	p2 =	slt.u32 s8, $0xFFFFF086  }
0x1c: {  	p1 =	slt.u32 s9, $0xF7A;
	s5 =	simm.s32 @!p2 $0x0  }
0x1d: {  	s5 =	simm.s32 @p1 $0x1;
	p0 =	seq.s32 s7, s2  }
0x1e: {  	s7 =	smul.u32 @!p0 $0xF7A, s2;
	p2 =	seq.s32 @!p0 s5, $0x0  }
0x1f: {  	s9 =	smul.u32 $0xF7A, s1;
	s8 =	simm.s32 @!p0 $0x1BF5;
	p2 =	por !p2, p0  }
0x20: {  	[sflag:s8] =	ssyncset.s32 @!p0 $0xFFFFF086;
	s6 =	sadd.s32 @!p0 s3, s7;
	s7 =	simm.s32 @!p0 $0x108  }
0x21: {  	s3 =	sadd.s32 s3, s9;
	s6 =	sadd.s32 @!p0 $0x88, s6;
	s7 =	simm.s32 @p2 $0x1082  }
0x22: {  	[simem:s7], [sflag:s8] =	dma.local @!p0 [hbm:s6], $0xF7A  }
0x23: {  	s9 =	sor.u32 $0xD0000000, s2;
	s6 =	simm.s32 $0x108;
	_ =	swait.ge @!p0 [sflag:s8], $0x0  }
0x24: {  	s3 =	sadd.s32 $0x88, s3;
	s6 =	simm.s32 @!p1 $0x1082;
	[sflag:s4] =	ssyncset.s32 $0xFFFFF086  }
0x25: {  	[simem:s6], [sflag:s4] =	dma.local [hbm:s3], $0xF7A  }
0x26: {  	[smem:$0x3F9C] =	sst s1;
	(tag) =	ssettag s2;
	_ =	strace s9  }
0x27: {  	s1 =	sld [smem:$0x3FAC]  }
0x28: {  	s2 =	sld [smem:$0x3FAD]  }
0x29: {  	s4 =	sld [smem:$0x3FAF]  }
0x2a: {  	p0 =	seq.s32 s5, $0x0;
	s5 =	sld [smem:$0x3FB0]  }
0x2b: {  	s6 =	sld [smem:$0x3FB1]  }
0x2c: {  	s7 =	sld [smem:$0x3FB2]  }
0x2d: {  	s3 =	simm.s32 $0x108;
	s8 =	sld [smem:$0x3FB3]  }
0x2e: {  	s3 =	simm.s32 @!p0 $0x1082;
	s9 =	sld [smem:$0x3FB4]  }
0x2f: {  	lr =	sadd.s32 s0, s3;
	s0 =	sld [smem:$0x3FAB]  }
0x30: {  	s3 =	sld [smem:$0x3FAE]  }
0x31: {  	[smem:$0x3FB7] =	sst s10  }
0x32: {  	s10 =	sld [smem:$0x3FB5];
	_ =	sdelay $0x3  }
0x33: {  	p0 =	seq.s32 s10, $0x1;
	s10 =	sld [smem:$0x3FB7];
	_ =	sdelay $0x3  }
0x34: {  	[smem:$0x3FB7] =	sst s10  }
0x35: {  	s10 =	sld [smem:$0x3FB6];
	_ =	sdelay $0x3  }
0x36: {  	p1 =	seq.s32 s10, $0x1;
	s10 =	sld [smem:$0x3FB7];
	_ =	sdelay $0x3  }
0x37: {  	[smem:$0x3FB7] =	sst s10  }
0x38: {  	s10 =	sld [smem:$0x3FB8]  }
0x39: {  	_ = 	snop;
	(pc) =	sbr.ind lr, $3  }
0x3a: {  	_ = 	snop  }
0x3b: {  	_ = 	snop  }
0x3c: {  	p2 =	seq.s32 s10, $0x1;
	s10 =	sld [smem:$0x3FB7]  }
0x3d: {  	_ =	shalt  }
0x3e: {  	_ =	shalt  }
0x3f: {  	_ =	shalt  }
0x40: {  	_ =	shalt  }
0x41: {  	_ =	shalt  }
0x42: {  	_ =	shalt  }
0x43: {  	_ =	shalt  }
0x44: {  	_ =	shalt  }
0x45: {  	_ =	shalt  }
0x46: {  	_ =	shalt  }
0x47: {  	_ =	shalt  }
0x48: {  	_ =	shalt  }
0x49: {  	_ =	shalt  }
0x4a: {  	_ =	shalt  }
0x4b: {  	_ =	shalt  }
0x4c: {  	_ =	shalt  }
0x4d: {  	_ =	shalt  }
0x4e: {  	_ =	shalt  }
0x4f: {  	_ =	shalt  }
0x50: {  	_ =	shalt  }
0x51: {  	_ =	shalt  }
0x52: {  	_ =	shalt  }
0x53: {  	_ =	shalt  }
0x54: {  	_ =	shalt  }
0x55: {  	_ =	shalt  }
0x56: {  	_ =	shalt  }
0x57: {  	_ =	shalt  }
0x58: {  	_ =	shalt  }
0x59: {  	_ =	shalt  }
0x5a: {  	_ =	shalt  }
0x5b: {  	_ =	shalt  }
0x5c: {  	_ =	shalt  }
0x5d: {  	_ =	shalt  }
0x5e: {  	_ =	shalt  }
0x5f: {  	_ =	shalt  }
0x60: {  	_ =	shalt  }
0x61: {  	_ =	shalt  }
0x62: {  	_ =	shalt  }
0x63: {  	_ =	shalt  }
0x64: {  	_ =	shalt  }
0x65: {  	_ =	shalt  }
0x66: {  	_ =	shalt  }
0x67: {  	_ =	shalt  }
0x68: {  	_ =	shalt  }
0x69: {  	_ =	shalt  }
0x6a: {  	_ =	shalt  }
0x6b: {  	_ =	shalt  }
0x6c: {  	_ =	shalt  }
0x6d: {  	_ =	shalt  }
0x6e: {  	_ =	shalt  }
0x6f: {  	_ =	shalt  }
0x70: {  	_ =	shalt  }
0x71: {  	_ =	shalt  }
0x72: {  	_ =	shalt  }
0x73: {  	_ =	shalt  }
0x74: {  	_ =	shalt  }
0x75: {  	_ =	shalt  }
0x76: {  	_ =	shalt  }
0x77: {  	_ =	shalt  }
0x78: {  	_ =	shalt  }
0x79: {  	_ =	shalt  }
0x7a: {  	_ =	shalt  }
0x7b: {  	_ =	shalt  }
0x7c: {  	_ =	shalt  }
0x7d: {  	_ =	shalt  }
0x7e: {  	_ =	shalt  }
0x7f: {  	_ =	shalt  }
0x80: {  	_ =	shalt  }
0x81: {  	_ =	shalt  }
0x82: {  	_ =	shalt  }
0x83: {  	_ =	shalt  }
0x84: {  	_ =	shalt  }
0x85: {  	_ =	shalt  }
0x86: {  	_ =	shalt  }
0x87: {  	_ =	shalt  }
.Lfunc_end0:
.L_simem_size_0:
called_computation_lowered:
.L_overlay_start_0:
0x88: {  	s2 =	sld [smem:$0x3FD9]  }
0x89: {  	s3 =	sld [smem:$0x3FFE];
	_ =	sdelay $0x1  }
0x8a: {  	s1 =	srdreg.scid  }
0x8b: {  	s0 =	sand.u32 $0x1, s1  }
0x8c: {  	s17 =	sshll.u32 s0, $0xA;
	s2 =	sadd.s32 s3, s2  }
0x8d: {  	s2 =	sadd.s32 s2, s17  }
0x8e: {  	[smem:$0x3FC3] =	sst s2  }
0x8f: {  	_ = 	snop  }
0x90: {  	s2 =	sld [smem:$0x3FC9]  }
0x91: {  	s18 =	sld [smem:$0x3FC7]  }
0x92: {  	s4 =	sld [smem:$0x3FC6]  }
0x93: {  	s5 =	sld [smem:$0x3FD0];
	(tm) =	ssettm $0x1  }
0x94: {  	s6 =	sld [smem:$0x3FFB];
	_ =	sdelay $0x3  }
0x95: {  	_ =	strace s6  }
0x96: {  	s6 =	sld [smem:$0x3FFC];
	_ =	sdelay $0x3  }
0x97: {  	_ =	strace s6  }
0x98: {  	s6 =	sld [smem:$0x3FFD];
	_ =	sdelay $0x3  }
0x99: {  	_ =	strace s6  }
0x9a: {  	_ =	strace $0x8FFFFFFF  }
0x9b: {  	s19 =	sld [smem:$0x3FDB];
	_ =	sdelay $0x1  }
0x9c: {  	s7 =	simm.s32 $_scs_section_size  }
0x9d: {  	s8 =	simm.s32 $_size__tile_overlayer_lowered;
	s9 =	simm.s32 $_tile_overlayer_lowered  }
0x9e: {  	s22 =	simm.s32 $0x1BFF;
	s21 =	sshll.u32 s9, $0x1;
	s6 =	sadd.s32 s7, s19  }
0x9f: {  	s10 =	simm.s32 $0x0;
	s20 =	sshll.u32 s8, $0x1;
	s8 =	sadd.s32 s21, s6  }
0xa0: {  	[timem:s10], [sflag:s22] =	dma.local [hbm:s8], s20  }
0xa1: {  	_ =	swait.ge [sflag:s22], s20  }
0xa2: {  	s7 =	ssub.s32 $0x0, s20;
	[sflag:s22] =	ssyncset.done $0x0  }
0xa3: {  	[sflag:s22] =	ssyncadd.s32 s7;
	_ =	sdelay $0x1  }
0xa4: {  	s23 =	simm.s32 $0x1B8B  }
0xa5: {  	_ =	swait.ge [sflag:s23], $0x1  }
0xa6: {  	[sflag:s23] =	ssyncset.done $0x0  }
0xa7: {  	s25 =	simm.s32 $0x1B8E;
	s24 =	sld [smem:$0x3FFE];
	[sflag:s23] =	ssyncadd.s32 $0xFFFFFFFF  }
0xa8: {  	s26 =	simm.s32 $execute0_lowered;
	[smem:$0x3FD2] =	sst s25  }
0xa9: {  	s8 =	sshll.u32 s26, $0x1;
	_ =	strace $0x80000046;
	[dreg:$0x1] =	wrdreg $0xFFFFFFFF  }
0xaa: {  	s28 =	simm.s32 $_size_execute0_lowered;
	s6 =	sadd.s32 s6, s8;
	[dreg:$0x0] =	wrdreg $0x0  }
0xab: {  	s8 =	sshll.u32 s28, $0x1;
	[dreg:$0x2] =	wrdreg s6  }
0xac: {  	[dreg:$0x3] =	wrdreg s8  }
0xad: {  	[dreg:$0x4] =	wrdreg $0xC0  }
0xae: {  	_ =	task [dreg:s10], $0x5FFFF  }
0xaf: {  	[dreg:$0x1] =	wrdreg $0xFFFFFFFF  }
0xb0: {  	[dreg:$0x0] =	wrdreg $0x60  }
0xb1: {  	[dreg:$0x2] =	wrdreg s2  }
0xb2: {  	[dreg:$0x3] =	wrdreg s5  }
0xb3: {  	[dreg:$0x4] =	wrdreg s18  }
0xb4: {  	[dreg:$0x5] =	wrdreg s4  }
0xb5: {  	[dreg:$0x6] =	wrdreg s24  }
0xb6: {  	[dreg:$0x7] =	wrdreg $0x9  }
0xb7: {  	_ =	task.clear_ibuf [dreg:s10], $0x8FFFF;
	_ =	strace $0x90000046  }
0xb8: {  	s29 =	simm.s32 $0x9;
	_ =	strace $0x80000048  }
0xb9: {  	_ =	swait.ge [sflag:s29], $0x1  }
0xba: {  	[sflag:s29] =	ssyncadd.s32 $0xFFFFFFFF  }
0xbb: {  	_ =	strace $0x90000048  }
0xbc: {  	_ =	sfence  }
0xbd: {  	s30 =	sld [smem:$0x0];
	_ =	sdelay $0x2  }
0xbe: {  	s31 =	sshll.u32 s1, $0xD;
	s1 =	sshrl.u32 s1, $0x2  }
0xbf: {  	s3 =	sand.u32 $0x4000, s31;
	s1 =	sadd.s32 s1, s30  }
0xc0: {  	s0 =	sor.u32 s3, s0;
	s1 =	sshll.u32 s1, $0x11  }
0xc1: {  	s0 =	sor.u32 s1, s0  }
0xc2: {  	s0 =	sadd.s32 $0x8F2B, s0  }
0xc3: {  	[sflag:s0] =	ssyncadd.remote.s32 $0x1  }
0xc4: {  	_ =	sfence.sel $0xFFFF  }
0xc5: {  	[dreg:$0x0] =	wrdreg $0xFFFFFFFF;
	(pc) =	sbr.abs _section_cstart, $3  }
0xc6: {  	[dreg:$0x1] =	wrdreg $0xFFFFFFFF  }
0xc7: {  	_ =	task.clear_ibuf [dreg:s10], $0x2FFFF;
	_ =	strace $0x9FFFFFFF  }
0xc8: {  	(tm) =	ssettm $0x7FFFFFFF  }
0xc9: {  	_ =	shalt  }
tec
execute0_lowered:
.L_overlay_start_1:
0x0: {  	(tag) =	ssettag $0x1  }
0x1: {  	s0 =	rddreg [dreg:$0x0]  }
0x2: {  	s1 =	rddreg [dreg:$0x1]  }
0x3: {  	s6 =	rddreg [dreg:$0x2]  }
0x4: {  	s7 =	rddreg [dreg:$0x3]  }
0x5: {  	s4 =	rddreg [dreg:$0x4];
	s2 =	simm.s32 $0x0  }
0x6: {  	s3 =	srdreg.scid;
	s8 =	stileid.u32;
	s14 =	simm.s32 $0x30  }
0x7: {  	s16 =	simm.s32 $0x68;
	s18 =	simm.s32 $0x60;
	s25 =	simm.s32 $0xE120  }
0x8: {  	s28 =	simm.s32 $0x10720;
	s29 =	simm.s32 $0x11F20;
	s30 =	simm.s32 $0x13920  }
0x9: {  	s31 =	simm.s32 $0x1;
	s5 =	sand.u32 $0x1, s3;
	s26 =	sshll.u32 s8, $0x1  }
0xa: {  	[smem:$0x7FF] =	sst s2;
	s3 =	sadd.s32 $0xF42A00, s4;
	s8 =	sor.u32 s5, s26  }
0xb: {  	_ =	strace $0x80000047;
	s5 =	ssub.s32 $0x2, s5;
	s9 =	smul.u32 $0x180, s8  }
0xc: {  	s26 =	simm.s32 $0xED20;
	s10 =	sshll.u32 s8, $0xC;
	s12 =	smul.u32 $0xC80, s8  }
.Ltmp0:
0xd: {  	s11 =	sshrl.u32 s5, $0x1;
	s8 =	sshll.u32 s8, $0x4;
	(pc) =	sbr.rel .LBB2_1-.Ltmp0, $4  }
0xe: {  	s10 =	sadd.s32 s10, s4;
	s11 =	ssub.s32 s5, s11;
	s6 =	sadd.s32 s6, s8  }
0xf: {  	s7 =	sadd.s32 s7, s8;
	s4 =	sadd.s32 s0, s9;
	s5 =	sadd.s32 s1, s12  }
0x10: {  	s8 =	sadd.s32 $0x600, s10;
	s9 =	smax.u32 s11, $0x1;
	s10 =	simm.s32 $0x3  }
0x11: {  	s11 =	simm.s32 $0xC00;
	s0 =	simm.s32 $0x2;
	s12 =	simm.s32 $0x0  }
.LBB2_75:
0x12: {  	s12 =	sadd.s32 $0x1, s12  }
0x13: {  	p0 =	sne.s32 s12, s9  }
.Ltmp1:
0x14: {  	s1 =	simm.s32 $0x15120;
	(pc) =	sbr.rel @!p0 .LBB2_76-.Ltmp1, $4  }
0x15: {  	[hbm4b:s8+s2] =	stream.linear.scatter [tilespmem:s1], [sflag:$0x3], $0x8000, $0x38;
	[tilespmem:$0x1D120] =	vst v63  }
0x16: {  	_ =	swait.ge [sflag:s10], $0x8000  }
0x17: {  	[sflag:s10] =	ssyncset.done $0x0  }
0x18: {  	[sflag:s10] =	ssyncadd.s32 $0xFFFF8000  }
.LBB2_1:
0x19: {  	[tilespmem:s2], [sflag:$0x3] =	stream.linear.gather [hbm4b:s4+s2], $0xC00, $0x38;
	[tilespmem:$0x1D120] =	vst v63  }
0x1a: {  	_ =	swait.ge [sflag:s10], $0xC00  }
0x1b: {  	[sflag:s10] =	ssyncset.done $0x0  }
0x1c: {  	[sflag:s10] =	ssyncadd.s32 $0xFFFFF400  }
0x1d: {  	[tilespmem:s11], [sflag:$0x3] =	stream.linear.gather [hbm4b:s5+s2], $0x6400, $0x38;
	[tilespmem:$0x1D120] =	vst v63  }
0x1e: {  	_ =	swait.ge [sflag:s10], $0x6400  }
0x1f: {  	[sflag:s10] =	ssyncset.done $0x0  }
0x20: {  	s1 =	simm.s32 $0x7000;
	[sflag:s10] =	ssyncadd.s32 $0xFFFF9C00  }
0x21: {  	[tilespmem:s1], [sflag:$0x3] =	stream.linear.gather [hbm4b:s6+s2], $0x80, $0x38;
	[tilespmem:$0x1D120] =	vst v63  }
0x22: {  	_ =	swait.ge [sflag:s10], $0x80  }
0x23: {  	[sflag:s10] =	ssyncset.done $0x0  }
0x24: {  	s15 =	simm.s32 $0x7090;
	[sflag:s10] =	ssyncadd.s32 $0xFFFFFF80  }
0x25: {  	[tilespmem:s15], [sflag:$0x3] =	stream.linear.gather [hbm4b:s7+s2], $0x80, $0x38;
	[tilespmem:$0x1D120] =	vst v63  }
0x26: {  	_ =	swait.ge [sflag:s10], $0x80  }
0x27: {  	[sflag:s10] =	ssyncset.done $0x0  }
0x28: {  	s17 =	simm.s32 $0x7120;
	[sflag:s10] =	ssyncadd.s32 $0xFFFFFF80  }
0x29: {  	[tilespmem:s17], [sflag:$0x1] =	stream.indirect.gather [hbm4b:s3+s14], $0x40, s2, s14, $0xb8;
	[tilespmem:$0x1D120] =	vst v63  }
0x2a: {  	s19 =	simm.s32 $0x7D20  }
0x2b: {  	[tilespmem:s19], [sflag:$0x1] =	stream.indirect.gather [hbm4b:s3+s16], $0x40, s11, s16, $0xb8;
	[tilespmem:$0x1D120] =	vst v63  }
0x2c: {  	s20 =	simm.s32 $0xC68;
	s13 =	simm.s32 $0x9720  }
0x2d: {  	[tilespmem:s13], [sflag:$0x1] =	stream.indirect.gather [hbm4b:s3+s18], $0x40, s20, s18, $0xb8;
	[tilespmem:$0x1D120] =	vst v63  }
.Ltmp2:
0x2e: {  	_ = 	snop;
	(pc) =	sbr.rel .LBB2_2-.Ltmp2, $4  }
0x2f: {  	s21 =	simm.s32 $0xCC8;
	s22 =	simm.s32 $0xAF20  }
0x30: {  	[tilespmem:s22], [sflag:$0x1] =	stream.indirect.gather [hbm4b:s3+s16], $0x40, s21, s16, $0xb8;
	[tilespmem:$0x1D120] =	vst v63  }
0x31: {  	s23 =	simm.s32 $0xD30;
	s24 =	simm.s32 $0xC920;
	s13 =	simm.s32 $0x0  }
0x32: {  	[tilespmem:s24], [sflag:$0x1] =	stream.indirect.gather [hbm4b:s3+s18], $0x40, s23, s18, $0xb8;
	[tilespmem:$0x1D120] =	vst v63  }
.LBB2_73:
0x33: {  	v21 =	vmax.f32 v21, v14;
	v12 =	vadd.f32 v14, v12;
	v19 =	vmax.f32 v19, v15  }
0x34: {  	v11 =	vadd.f32 v15, v11;
	v8 =	vmax.f32 v8, v16;
	v13 =	vadd.f32 v16, v13  }
.LBB2_74:
0x35: {  	p1 =	sgt.s32 s17, $0x1  }
0x36: {  	p0 =	sgt.s32 s17, $0x0;
	s17 =	simm.s32 @!p1 $0x1  }
0x37: {  	s1 =	scvt.s32.f32 s17;
	_ =	sdelay $0x1  }
0x38: {  	p2 =	sgt.s32 s19, $0x1;
	v14 =	vmov s1  }
0x39: {  	p6 =	sgt.s32 s19, $0x0;
	s19 =	simm.s32 @!p2 $0x1;
	(erf) = vrcp.f32 v14  }
0x3a: {  	s23 =	scvt.s32.f32 s19  }
0x3b: {  	s24 =	sshll.u32 s15, $0x8  }
0x3c: {  	v1 =	vpsel !p0, $0x0, v1;
	v48 =	vmov s23;
	s1 =	sand.u32 $0x3FFFFF00, s24  }
0x3d: {  	v50 =	vpsel !p6, $0x0, v8;
	[tilespmem:s1+$0x15120] =	vst v1;
	(erf) = vrcp.f32 v48  }
0x3e: {  	v52 =	vpsel !p0, $0x0, v2;
	[tilespmem:s1+$0x15160] =	vst v50  }
0x3f: {  	v53 =	vpsel !p6, $0x0, v21;
	[tilespmem:s1+$0x15130] =	vst v52  }
0x40: {  	v56 =	vpsel !p0, $0x0, v3;
	[tilespmem:s1+$0x15170] =	vst v53  }
0x41: {  	v57 =	vpsel !p6, $0x0, v19;
	[tilespmem:s1+$0x15140] =	vst v56  }
0x42: {  	v60 =	vpsel !p0, $0x0, v4;
	[tilespmem:s1+$0x15180] =	vst v57;
	v49 =	vpop (erf)  }
0x43: {  	v61 =	vpsel !p6, $0x0, v9;
	[tilespmem:s1+$0x15150] =	vst v60;
	v0 =	vmul.f32 v0, v49  }
0x44: {  	[tilespmem:s1+$0x15190] =	vst v61;
	v54 =	vmul.f32 v7, v49  }
0x45: {  	v58 =	vmul.f32 v6, v49;
	[tilespmem:s1+$0x151A0] =	vst v0  }
0x46: {  	s13 =	sadd.s32 $0x1, s13;
	v15 =	vpop (erf);
	v62 =	vmul.f32 v5, v49;
	[tilespmem:s1+$0x151B0] =	vst v54  }
0x47: {  	p0 =	sne.s32 s13, $0x20;
	v51 =	vmul.f32 v13, v15;
	[tilespmem:s1+$0x151C0] =	vst v58  }
.Ltmp3:
0x48: {  	v55 =	vmul.f32 v12, v15;
	[tilespmem:s1+$0x151D0] =	vst v62;
	(pc) =	sbr.rel @!p0 .LBB2_75-.Ltmp3, $4  }
0x49: {  	v59 =	vmul.f32 v11, v15;
	[tilespmem:s1+$0x151E0] =	vst v51  }
0x4a: {  	v63 =	vmul.f32 v10, v15;
	[tilespmem:s1+$0x151F0] =	vst v55  }
0x4b: {  	[tilespmem:s1+$0x15200] =	vst v59  }
0x4c: {  	[tilespmem:s1+$0x15210] =	vst v63  }
.LBB2_2:
0x4d: {  	s17 =	sshllo.u32 s13, $0x1  }
0x4e: {  	s1 =	smul.u32 $0xC0, s17  }
0x4f: {  	s15 =	smul.u32 $0x640, s17;
	_ =	sdelay $0x1  }
0x50: {  	s1 =	sshra.s32 s1, $0x2;
	s21 =	sshra.s32 s15, $0x2;
	s15 =	sshllo.u32 s17, $0x1  }
0x51: {  	[tilespmem:s25], [sflag:$0x2] =	stream.indirect.gather [hbm4b:s3+s14], $0x40, s1, s14, $0xb8;
	[tilespmem:$0x1D120] =	vst v63  }
0x52: {  	s19 =	sadd.s32 $0xC00, s21;
	s22 =	smul.u32 $0x320, s15  }
0x53: {  	[tilespmem:s26], [sflag:$0x2] =	stream.indirect.gather [hbm4b:s3+s16], $0x40, s19, s16, $0xb8;
	[tilespmem:$0x1D120] =	vst v63  }
0x54: {  	s1 =	sadd.s32 $0xC68, s21;
	s23 =	sshra.s32 s22, $0x2  }
0x55: {  	[tilespmem:s28], [sflag:$0x2] =	stream.indirect.gather [hbm4b:s3+s18], $0x40, s1, s18, $0xb8;
	[tilespmem:$0x1D120] =	vst v63  }
0x56: {  	s19 =	sadd.s32 $0xC00, s23  }
0x57: {  	[tilespmem:s29], [sflag:$0x2] =	stream.indirect.gather [hbm4b:s3+s16], $0x40, s19, s16, $0xb8;
	[tilespmem:$0x1D120] =	vst v63  }
0x58: {  	s1 =	sadd.s32 $0xC68, s23  }
0x59: {  	[tilespmem:s30], [sflag:$0x2] =	stream.indirect.gather [hbm4b:s3+s18], $0x40, s1, s18, $0xb8;
	[tilespmem:$0x1D120] =	vst v63  }
0x5a: {  	_ =	swait.ge [sflag:s31], $0xC00  }
0x5b: {  	[sflag:s31] =	ssyncset.done $0x0  }
0x5c: {  	[sflag:s31] =	ssyncadd.s32 $0xFFFFF400  }
0x5d: {  	_ =	swait.ge [sflag:s31], $0x1A00  }
0x5e: {  	[sflag:s31] =	ssyncset.done $0x0  }
0x5f: {  	[sflag:s31] =	ssyncadd.s32 $0xFFFFE600  }
0x60: {  	_ =	swait.ge [sflag:s31], $0x1800  }
0x61: {  	[sflag:s31] =	ssyncset.done $0x0  }
0x62: {  	[sflag:s31] =	ssyncadd.s32 $0xFFFFE800  }
0x63: {  	_ =	swait.ge [sflag:s31], $0x1A00  }
0x64: {  	[sflag:s31] =	ssyncset.done $0x0  }
0x65: {  	[sflag:s31] =	ssyncadd.s32 $0xFFFFE600  }
0x66: {  	_ =	swait.ge [sflag:s31], $0x1800  }
0x67: {  	[sflag:s31] =	ssyncset.done $0x0  }
0x68: {  	s19 =	sshll.u32 s13, $0x2;
	[sflag:s31] =	ssyncadd.s32 $0xFFFFE800  }
0x69: {  	v0 =	vld [tilespmem:s19+$0x7000];
	_ =	sdelay $0x4  }
0x6a: {  	(v2sf) =	vpush v0, $0x0  }
0x6b: {  	v1 =	vld [tilespmem:s19+$0x7090];
	_ =	sdelay $0x4  }
0x6c: {  	(v2sf) =	vpush v1, $0x0;
	_ =	sdelay $0x8  }
0x6d: {  	s20 =	spop (v2sf)  }
0x6e: {  	p0 =	slt.s32 s20, $0x4  }
.Ltmp4:
0x6f: {  	_ = 	snop;
	(pc) =	sbr.rel @p0 .LBB2_3-.Ltmp4, $4  }
0x70: {  	s24 =	sshra.s32 s20, $0x1F  }
0x71: {  	s1 =	sshrl.u32 s24, $0x1E  }
0x72: {  	s1 =	sadd.s32 s1, s20  }
0x73: {  	v0 =	vimm.f32 $-1.000000020e+30;
	v1 =	vimm.f32 $0.0e+00;
	s21 =	spop (v2sf);
	s22 =	sshra.s32 s1, $0x2;
	s1 =	simm.s32 $0x71A0  }
0x74: {  	v4 =	vld [tilespmem:s1+$0x40]  }
0x75: {  	v6 =	vld [tilespmem:s1+$0x50]  }
0x76: {  	v5 =	vld [tilespmem:s1+$0x60]  }
0x77: {  	v7 =	vld [tilespmem:s1+$0x0]  }
0x78: {  	v13 =	vld [tilespmem:s1+$0xFFFFFF80]  }
0x79: {  	v14 =	vld [tilespmem:s1+$0xFFFFFF90]  }
0x7a: {  	v3 =	vld [tilespmem:s1+$0xFFFFFFC0];
	p0 =	sne.s32 s22, $0x1  }
.Ltmp5:
0x7b: {  	v11 =	vld [tilespmem:s1+$0xFFFFFFD0];
	(pc) =	sbr.rel @!p0 .LBB2_6-.Ltmp5, $4  }
0x7c: {  	v8 =	vld [tilespmem:s1+$0x10]  }
0x7d: {  	v10 =	vld [tilespmem:s1+$0xFFFFFFE0]  }
0x7e: {  	v18 =	vld [tilespmem:s1+$0xFFFFFFA0];
	v15 =	vimm.f32 $0.0e+00;
	v16 =	vimm.f32 $0.0e+00;
	v17 =	vimm.f32 $0.0e+00  }
0x7f: {  	v12 =	vld [tilespmem:s1+$0xFFFFFFB0];
	s24 =	sadd.s32 $0xFFFFFFFF, s22;
	s23 =	simm.s32 $0x71A0;
	v9 =	vimm.f32 $-1.000000020e+30;
	v2 =	vmax.f32 v0, v13;
	v19 =	vmax.f32 v0, v14  }
.LBB2_5:
0x80: {  	p0 =	sne.s32 s24, $0x1;
	v2 =	vmax.f32 v2, v3;
	v19 =	vmax.f32 v19, v11;
	v20 =	vld [tilespmem:s1+$0x20]  }
0x81: {  	s1 =	sadd.s32 $0x100, s1;
	v21 =	vld [tilespmem:s23+$0xFFFFFFF0];
	v2 =	vmax.f32 v2, v7;
	v19 =	vmax.f32 v19, v8  }
0x82: {  	v22 =	vld [tilespmem:s1+$0x40];
	v2 =	vmax.f32 v2, v4;
	v19 =	vmax.f32 v19, v6  }
0x83: {  	v1 =	vadd.f32 v13, v1;
	v13 =	vadd.f32 v14, v15;
	v0 =	vmax.f32 v0, v18;
	v14 =	vld [tilespmem:s23+$0x30]  }
0x84: {  	v15 =	vadd.f32 v18, v16;
	v23 =	vld [tilespmem:s1+$0x50];
	v16 =	vadd.f32 v12, v17;
	v0 =	vmax.f32 v0, v10  }
0x85: {  	v1 =	vadd.f32 v3, v1;
	v3 =	vadd.f32 v11, v13;
	v0 =	vmax.f32 v0, v20;
	v11 =	vld [tilespmem:s23+$0x70];
	s23 =	smov.u32 s1  }
0x86: {  	v10 =	vadd.f32 v10, v15;
	v18 =	vld [tilespmem:s1+$0x60];
	v13 =	vadd.f32 v21, v16;
	v0 =	vmax.f32 v0, v5  }
0x87: {  	v9 =	vmax.f32 v9, v12;
	v1 =	vadd.f32 v7, v1;
	v8 =	vadd.f32 v8, v3;
	v7 =	vld [tilespmem:s1+$0x0]  }
0x88: {  	v9 =	vmax.f32 v9, v21;
	v10 =	vadd.f32 v20, v10;
	v3 =	vld [tilespmem:s1+$0xFFFFFFC0];
	v12 =	vadd.f32 v14, v13  }
0x89: {  	v1 =	vadd.f32 v4, v1;
	v15 =	vadd.f32 v6, v8;
	v4 =	vmovc v22;
	v9 =	vmax.f32 v9, v14;
	v13 =	vld [tilespmem:s1+$0xFFFFFF80]  }
0x8a: {  	v16 =	vadd.f32 v5, v10;
	v6 =	vmovc v23;
	v14 =	vld [tilespmem:s1+$0xFFFFFF90];
	v9 =	vmax.f32 v9, v11;
	v17 =	vadd.f32 v11, v12  }
.Ltmp6:
0x8b: {  	v11 =	vld [tilespmem:s1+$0xFFFFFFD0];
	v5 =	vmov v18;
	(pc) =	sbr.rel @p0 .LBB2_5-.Ltmp6, $4  }
0x8c: {  	v8 =	vld [tilespmem:s1+$0x10]  }
0x8d: {  	v10 =	vld [tilespmem:s1+$0xFFFFFFE0]  }
0x8e: {  	v18 =	vld [tilespmem:s1+$0xFFFFFFA0]  }
0x8f: {  	s24 =	sadd.s32 $0xFFFFFFFF, s24;
	v2 =	vmax.f32 v2, v13;
	v12 =	vld [tilespmem:s1+$0xFFFFFFB0];
	v19 =	vmax.f32 v19, v14  }
.LBB2_6:
0x90: {  	v20 =	vld [tilespmem:s1+$0x20];
	_ =	sdelay $0x1  }
0x91: {  	v2 =	vmax.f32 v2, v3;
	v19 =	vmax.f32 v19, v11;
	v21 =	vld [tilespmem:s23+$0xFFFFFFF0];
	v1 =	vadd.f32 v13, v1  }
0x92: {  	v55 =	vadd.f32 v14, v15;
	v56 =	vld [tilespmem:s23+$0x30];
	v2 =	vmax.f32 v2, v7;
	v0 =	vmax.f32 v0, v18  }
0x93: {  	v19 =	vmax.f32 v19, v8;
	v1 =	vadd.f32 v3, v1;
	v0 =	vmax.f32 v0, v10  }
0x94: {  	v57 =	vadd.f32 v18, v16;
	v58 =	vadd.f32 v12, v17;
	v0 =	vmax.f32 v0, v20  }
0x95: {  	v60 =	vld [tilespmem:s23+$0x70];
	v59 =	vadd.f32 v11, v55;
	v3 =	vmax.f32 v0, v5;
	v0 =	vmax.f32 v9, v12  }
.Ltmp7:
0x96: {  	v61 =	vadd.f32 v10, v57;
	v62 =	vadd.f32 v21, v58;
	v0 =	vmax.f32 v0, v21;
	(pc) =	sbr.rel .LBB2_7-.Ltmp7, $4  }
0x97: {  	v1 =	vadd.f32 v7, v1;
	v7 =	vadd.f32 v8, v59;
	v0 =	vmax.f32 v0, v56  }
0x98: {  	v22 =	vmax.f32 v2, v4;
	v8 =	vadd.f32 v20, v61;
	v63 =	vadd.f32 v56, v62  }
0x99: {  	v2 =	vmax.f32 v19, v6;
	v1 =	vadd.f32 v4, v1;
	v7 =	vadd.f32 v6, v7  }
0x9a: {  	v4 =	vmax.f32 v0, v60;
	v6 =	vadd.f32 v5, v8;
	v5 =	vadd.f32 v60, v63;
	v0 =	vmovc v22  }
.LBB2_3:
0x9b: {  	v2 =	vimm.f32 $-1.000000020e+30;
	v3 =	vimm.f32 $-1.000000020e+30;
	v4 =	vimm.f32 $-1.000000020e+30  }
0x9c: {  	v7 =	vimm.f32 $0.0e+00;
	v6 =	vimm.f32 $0.0e+00;
	v5 =	vimm.f32 $0.0e+00  }
.LBB2_7:
0x9d: {  	s1 =	sshll.u32 s22, $0x2  }
0x9e: {  	p0 =	sle.s32 s20, s1  }
.Ltmp8:
0x9f: {  	_ = 	snop;
	(pc) =	sbr.rel @p0 .LBB2_11-.Ltmp8, $1  }
0xa0: {  	_ =	sdelay $0x3  }
0xa1: {  	s22 =	sshll.u32 s22, $0xA  }
0xa2: {  	s22 =	sshra.s32 s22, $0x2  }
0xa3: {  	s1 =	ssub.s32 s20, s1;
	s22 =	sadd.s32 $0x7140, s22  }
0xa4: {  	p0 =	sne.s32 s1, $0x1;
	v11 =	vld [tilespmem:s22+$0x10]  }
.Ltmp9:
0xa5: {  	v8 =	vld [tilespmem:s22+$0xFFFFFFF0];
	(pc) =	sbr.rel @!p0 .LBB2_10-.Ltmp9, $3  }
0xa6: {  	v9 =	vld [tilespmem:s22+$0x0]  }
0xa7: {  	v10 =	vld [tilespmem:s22+$0xFFFFFFE0];
	_ =	sdelay $0x1  }
0xa8: {  	s1 =	sadd.s32 $0xFFFFFFFF, s1;
	s22 =	sadd.s32 $0x40, s22;
	v4 =	vmax.f32 v4, v11;
	v5 =	vadd.f32 v11, v5  }
.LBB2_9:
0xa9: {  	v11 =	vld [tilespmem:s22+$0x10];
	p0 =	sne.s32 s1, $0x1;
	s1 =	sadd.s32 $0xFFFFFFFF, s1;
	v2 =	vmax.f32 v2, v8;
	v7 =	vadd.f32 v8, v7  }
.Ltmp10:
0xaa: {  	v8 =	vld [tilespmem:s22+$0xFFFFFFF0];
	v3 =	vmax.f32 v3, v9;
	v6 =	vadd.f32 v9, v6;
	(pc) =	sbr.rel @p0 .LBB2_9-.Ltmp10, $3  }
0xab: {  	v9 =	vld [tilespmem:s22+$0x0];
	v0 =	vmax.f32 v0, v10;
	v1 =	vadd.f32 v10, v1  }
0xac: {  	v10 =	vld [tilespmem:s22+$0xFFFFFFE0];
	_ =	sdelay $0x1  }
0xad: {  	s22 =	sadd.s32 $0x40, s22;
	v4 =	vmax.f32 v4, v11;
	v5 =	vadd.f32 v11, v5  }
.LBB2_10:
0xae: {  	_ = 	snop  }
0xaf: {  	v2 =	vmax.f32 v2, v8;
	v7 =	vadd.f32 v8, v7;
	v3 =	vmax.f32 v3, v9  }
0xb0: {  	v6 =	vadd.f32 v9, v6;
	v0 =	vmax.f32 v0, v10;
	v1 =	vadd.f32 v10, v1  }
.LBB2_11:
0xb1: {  	p0 =	slt.s32 s21, $0x8  }
.Ltmp11:
0xb2: {  	_ = 	snop;
	(pc) =	sbr.rel @p0 .LBB2_12-.Ltmp11, $4  }
0xb3: {  	s1 =	sshra.s32 s21, $0x1F  }
0xb4: {  	s1 =	sshrl.u32 s1, $0x1D  }
0xb5: {  	s1 =	sadd.s32 s1, s21  }
0xb6: {  	v8 =	vimm.f32 $-1.000000020e+30;
	v13 =	vimm.f32 $0.0e+00;
	s23 =	simm.s32 $0x7E20;
	s22 =	sshra.s32 s1, $0x3  }
0xb7: {  	v9 =	vld [tilespmem:s23+$0xC0]  }
0xb8: {  	v11 =	vld [tilespmem:s23+$0xD0]  }
0xb9: {  	v10 =	vld [tilespmem:s23+$0xE0]  }
0xba: {  	v14 =	vld [tilespmem:s23+$0x80]  }
0xbb: {  	v15 =	vld [tilespmem:s23+$0x90]  }
0xbc: {  	v12 =	vld [tilespmem:s23+$0x40]  }
0xbd: {  	v17 =	vld [tilespmem:s23+$0x0]  }
0xbe: {  	v19 =	vld [tilespmem:s23+$0xFFFFFFC0]  }
0xbf: {  	v23 =	vld [tilespmem:s23+$0xFFFFFF80]  }
0xc0: {  	v27 =	vld [tilespmem:s23+$0xFFFFFF40]  }
0xc1: {  	v30 =	vld [tilespmem:s23+$0xFFFFFF00]  }
0xc2: {  	v31 =	vld [tilespmem:s23+$0xFFFFFF10]  }
0xc3: {  	v29 =	vld [tilespmem:s23+$0xFFFFFF50]  }
0xc4: {  	v26 =	vld [tilespmem:s23+$0xFFFFFF90]  }
0xc5: {  	v24 =	vld [tilespmem:s23+$0xFFFFFFD0]  }
0xc6: {  	v20 =	vld [tilespmem:s23+$0x10]  }
0xc7: {  	v16 =	vld [tilespmem:s23+$0x50];
	p0 =	sne.s32 s22, $0x1  }
.Ltmp12:
0xc8: {  	v18 =	vld [tilespmem:s23+$0x60];
	v21 =	vmax.f32 v8, v30;
	v22 =	vmax.f32 v8, v31;
	(pc) =	sbr.rel @!p0 .LBB2_15-.Ltmp12, $4  }
0xc9: {  	v25 =	vld [tilespmem:s23+$0xFFFFFFE0];
	v32 =	vimm.f32 $0.0e+00;
	v21 =	vmax.f32 v21, v27;
	v22 =	vmax.f32 v22, v29  }
0xca: {  	v35 =	vld [tilespmem:s23+$0xFFFFFF60];
	v33 =	vimm.f32 $0.0e+00;
	v21 =	vmax.f32 v21, v23;
	v22 =	vmax.f32 v22, v26  }
0xcb: {  	v36 =	vld [tilespmem:s23+$0xFFFFFF20];
	v34 =	vimm.f32 $0.0e+00;
	v21 =	vmax.f32 v21, v19;
	v22 =	vmax.f32 v22, v24  }
0xcc: {  	v28 =	vld [tilespmem:s23+$0xFFFFFF30];
	s1 =	sadd.s32 $0xFFFFFFFF, s22;
	s24 =	simm.s32 $0x7E20;
	v21 =	vmax.f32 v21, v17;
	v37 =	vmax.f32 v22, v20;
	v22 =	vimm.f32 $-1.000000020e+30  }
.LBB2_14:
0xcd: {  	p0 =	sne.s32 s1, $0x1;
	v38 =	vld [tilespmem:s23+$0xFFFFFFA0];
	v21 =	vmax.f32 v21, v12;
	v37 =	vmax.f32 v37, v16  }
0xce: {  	v39 =	vld [tilespmem:s23+$0xFFFFFF70];
	v21 =	vmax.f32 v21, v14;
	v37 =	vmax.f32 v37, v15  }
0xcf: {  	v40 =	vld [tilespmem:s23+$0x20];
	v21 =	vmax.f32 v21, v9;
	v37 =	vmax.f32 v37, v11  }
0xd0: {  	v13 =	vadd.f32 v30, v13;
	v30 =	vadd.f32 v31, v32;
	v8 =	vmax.f32 v8, v36;
	v31 =	vld [tilespmem:s23+$0xFFFFFFB0]  }
0xd1: {  	v32 =	vadd.f32 v36, v33;
	v33 =	vadd.f32 v28, v34;
	v8 =	vmax.f32 v8, v35;
	v34 =	vld [tilespmem:s23+$0xA0]  }
0xd2: {  	v13 =	vadd.f32 v27, v13;
	v27 =	vadd.f32 v29, v30;
	s23 =	sadd.s32 $0x200, s23;
	v8 =	vmax.f32 v8, v38;
	v29 =	vld [tilespmem:s24+$0xFFFFFFF0]  }
0xd3: {  	v32 =	vadd.f32 v35, v32;
	v30 =	vld [tilespmem:s23+$0xC0];
	v33 =	vadd.f32 v39, v33;
	v8 =	vmax.f32 v8, v25  }
0xd4: {  	v13 =	vadd.f32 v23, v13;
	v23 =	vadd.f32 v26, v27;
	v26 =	vld [tilespmem:s24+$0x30];
	v8 =	vmax.f32 v8, v40  }
0xd5: {  	v32 =	vadd.f32 v38, v32;
	v27 =	vld [tilespmem:s23+$0xD0];
	v33 =	vadd.f32 v31, v33;
	v8 =	vmax.f32 v8, v18  }
0xd6: {  	v13 =	vadd.f32 v19, v13;
	v19 =	vadd.f32 v24, v23;
	v23 =	vld [tilespmem:s24+$0x70];
	v8 =	vmax.f32 v8, v34  }
0xd7: {  	v25 =	vadd.f32 v25, v32;
	v24 =	vld [tilespmem:s23+$0xE0];
	v32 =	vadd.f32 v29, v33;
	v8 =	vmax.f32 v8, v10  }
0xd8: {  	v22 =	vmax.f32 v22, v28;
	v13 =	vadd.f32 v17, v13;
	v17 =	vadd.f32 v20, v19;
	v19 =	vld [tilespmem:s24+$0xB0]  }
0xd9: {  	v20 =	vmax.f32 v22, v39;
	v22 =	vadd.f32 v40, v25;
	v25 =	vadd.f32 v26, v32;
	v28 =	vld [tilespmem:s24+$0xF0];
	s24 =	smov.u32 s23  }
0xda: {  	v20 =	vmax.f32 v20, v31;
	v13 =	vadd.f32 v12, v13;
	v16 =	vadd.f32 v16, v17;
	v35 =	vld [tilespmem:s23+$0x80]  }
0xdb: {  	v17 =	vmax.f32 v20, v29;
	v18 =	vadd.f32 v18, v22;
	v31 =	vld [tilespmem:s23+$0x90];
	v20 =	vadd.f32 v23, v25  }
0xdc: {  	v17 =	vmax.f32 v17, v26;
	v13 =	vadd.f32 v14, v13;
	v14 =	vadd.f32 v15, v16;
	v12 =	vld [tilespmem:s23+$0x40]  }
0xdd: {  	v15 =	vmax.f32 v17, v23;
	v18 =	vadd.f32 v34, v18;
	v16 =	vld [tilespmem:s23+$0x50];
	v20 =	vadd.f32 v19, v20  }
0xde: {  	v13 =	vadd.f32 v9, v13;
	v32 =	vadd.f32 v11, v14;
	v9 =	vmovc v30;
	v25 =	vmax.f32 v15, v19;
	v17 =	vld [tilespmem:s23+$0x0]  }
0xdf: {  	v11 =	vmovc v27;
	v22 =	vmax.f32 v25, v28;
	v33 =	vadd.f32 v10, v18;
	v19 =	vld [tilespmem:s23+$0xFFFFFFC0];
	v34 =	vadd.f32 v28, v20  }
0xe0: {  	v10 =	vmov v24;
	v14 =	vmov v35;
	v23 =	vld [tilespmem:s23+$0xFFFFFF80];
	v15 =	vmov v31  }
0xe1: {  	v27 =	vld [tilespmem:s23+$0xFFFFFF40]  }
0xe2: {  	v30 =	vld [tilespmem:s23+$0xFFFFFF00]  }
0xe3: {  	v31 =	vld [tilespmem:s23+$0xFFFFFF10]  }
0xe4: {  	v29 =	vld [tilespmem:s23+$0xFFFFFF50]  }
0xe5: {  	v26 =	vld [tilespmem:s23+$0xFFFFFF90]  }
0xe6: {  	v24 =	vld [tilespmem:s23+$0xFFFFFFD0]  }
0xe7: {  	v20 =	vld [tilespmem:s23+$0x10]  }
.Ltmp13:
0xe8: {  	v21 =	vmax.f32 v21, v30;
	v25 =	vmax.f32 v37, v31;
	v18 =	vld [tilespmem:s23+$0x60];
	(pc) =	sbr.rel @p0 .LBB2_14-.Ltmp13, $4  }
0xe9: {  	v21 =	vmax.f32 v21, v27;
	v28 =	vmax.f32 v25, v29;
	v25 =	vld [tilespmem:s23+$0xFFFFFFE0]  }
0xea: {  	v21 =	vmax.f32 v21, v23;
	v35 =	vld [tilespmem:s23+$0xFFFFFF60];
	v28 =	vmax.f32 v28, v26  }
0xeb: {  	v21 =	vmax.f32 v21, v19;
	v36 =	vld [tilespmem:s23+$0xFFFFFF20];
	v37 =	vmax.f32 v28, v24  }
0xec: {  	s1 =	sadd.s32 $0xFFFFFFFF, s1;
	v21 =	vmax.f32 v21, v17;
	v28 =	vld [tilespmem:s23+$0xFFFFFF30];
	v37 =	vmax.f32 v37, v20  }
.LBB2_15:
0xed: {  	v38 =	vld [tilespmem:s23+$0xFFFFFFA0]  }
0xee: {  	v39 =	vld [tilespmem:s23+$0xFFFFFF70];
	v13 =	vadd.f32 v30, v13  }
0xef: {  	v21 =	vmax.f32 v21, v12;
	v40 =	vld [tilespmem:s23+$0x20];
	v48 =	vadd.f32 v31, v32  }
0xf0: {  	v37 =	vmax.f32 v37, v16;
	v49 =	vld [tilespmem:s23+$0xFFFFFFB0];
	v13 =	vadd.f32 v27, v13;
	v8 =	vmax.f32 v8, v36  }
0xf1: {  	v52 =	vld [tilespmem:s23+$0xA0];
	v53 =	vadd.f32 v29, v48;
	v50 =	vadd.f32 v36, v33;
	v8 =	vmax.f32 v8, v35  }
0xf2: {  	v51 =	vadd.f32 v28, v34;
	v13 =	vadd.f32 v23, v13;
	v8 =	vmax.f32 v8, v38  }
0xf3: {  	v54 =	vld [tilespmem:s24+$0xFFFFFFF0];
	v23 =	vadd.f32 v26, v53;
	v55 =	vadd.f32 v35, v50;
	v8 =	vmax.f32 v8, v25  }
0xf4: {  	v56 =	vadd.f32 v39, v51;
	v13 =	vadd.f32 v19, v13;
	v8 =	vmax.f32 v8, v40  }
0xf5: {  	v57 =	vld [tilespmem:s24+$0x30];
	v23 =	vadd.f32 v24, v23;
	v58 =	vadd.f32 v38, v55;
	v8 =	vmax.f32 v8, v18  }
0xf6: {  	v59 =	vadd.f32 v49, v56;
	v13 =	vadd.f32 v17, v13;
	v8 =	vmax.f32 v8, v52  }
0xf7: {  	v60 =	vld [tilespmem:s24+$0x70];
	v17 =	vadd.f32 v20, v23;
	v19 =	vmax.f32 v8, v10;
	v8 =	vmax.f32 v22, v28  }
0xf8: {  	v20 =	vld [tilespmem:s24+$0xB0];
	v61 =	vadd.f32 v25, v58;
	v62 =	vadd.f32 v54, v59;
	v8 =	vmax.f32 v8, v39  }
0xf9: {  	v21 =	vmax.f32 v21, v14;
	v37 =	vmax.f32 v37, v15;
	v8 =	vmax.f32 v8, v49  }
0xfa: {  	v22 =	vadd.f32 v40, v61;
	v23 =	vadd.f32 v57, v62;
	v8 =	vmax.f32 v8, v54  }
0xfb: {  	v63 =	vld [tilespmem:s24+$0xF0];
	v12 =	vadd.f32 v12, v13;
	v13 =	vadd.f32 v16, v17;
	v8 =	vmax.f32 v8, v57  }
.Ltmp14:
0xfc: {  	v16 =	vadd.f32 v18, v22;
	v17 =	vadd.f32 v60, v23;
	v8 =	vmax.f32 v8, v60;
	(pc) =	sbr.rel .LBB2_16-.Ltmp14, $4  }
0xfd: {  	v12 =	vadd.f32 v14, v12;
	v14 =	vadd.f32 v15, v13;
	v8 =	vmax.f32 v8, v20  }
0xfe: {  	v41 =	vmax.f32 v21, v9;
	v15 =	vadd.f32 v52, v16;
	v16 =	vadd.f32 v20, v17  }
0xff: {  	v21 =	vmax.f32 v37, v11;
	v13 =	vadd.f32 v9, v12;
	v12 =	vadd.f32 v11, v14  }
0x100: {  	v9 =	vmax.f32 v8, v63;
	v11 =	vadd.f32 v10, v15;
	v10 =	vadd.f32 v63, v16;
	v8 =	vmovc v41  }
.LBB2_12:
0x101: {  	v21 =	vimm.f32 $-1.000000020e+30;
	v19 =	vimm.f32 $-1.000000020e+30;
	v9 =	vimm.f32 $-1.000000020e+30  }
0x102: {  	v12 =	vimm.f32 $0.0e+00;
	v11 =	vimm.f32 $0.0e+00;
	v10 =	vimm.f32 $0.0e+00  }
.LBB2_16:
0x103: {  	s1 =	sshll.u32 s22, $0x3  }
0x104: {  	p0 =	sle.s32 s21, s1  }
.Ltmp15:
0x105: {  	_ = 	snop;
	(pc) =	sbr.rel @p0 .LBB2_20-.Ltmp15, $1  }
0x106: {  	_ =	sdelay $0x3  }
0x107: {  	s22 =	sshll.u32 s22, $0xB  }
0x108: {  	s22 =	sshra.s32 s22, $0x2  }
0x109: {  	s1 =	ssub.s32 s21, s1;
	s22 =	sadd.s32 $0x7D40, s22  }
0x10a: {  	p0 =	sne.s32 s1, $0x1;
	v17 =	vld [tilespmem:s22+$0x10]  }
.Ltmp16:
0x10b: {  	v14 =	vld [tilespmem:s22+$0xFFFFFFF0];
	(pc) =	sbr.rel @!p0 .LBB2_19-.Ltmp16, $3  }
0x10c: {  	v15 =	vld [tilespmem:s22+$0x0]  }
0x10d: {  	v16 =	vld [tilespmem:s22+$0xFFFFFFE0];
	_ =	sdelay $0x1  }
0x10e: {  	s1 =	sadd.s32 $0xFFFFFFFF, s1;
	s22 =	sadd.s32 $0x40, s22;
	v9 =	vmax.f32 v9, v17;
	v10 =	vadd.f32 v17, v10  }
.LBB2_18:
0x10f: {  	v17 =	vld [tilespmem:s22+$0x10];
	p0 =	sne.s32 s1, $0x1;
	s1 =	sadd.s32 $0xFFFFFFFF, s1;
	v21 =	vmax.f32 v21, v14;
	v12 =	vadd.f32 v14, v12  }
.Ltmp17:
0x110: {  	v14 =	vld [tilespmem:s22+$0xFFFFFFF0];
	v19 =	vmax.f32 v19, v15;
	v11 =	vadd.f32 v15, v11;
	(pc) =	sbr.rel @p0 .LBB2_18-.Ltmp17, $3  }
0x111: {  	v15 =	vld [tilespmem:s22+$0x0];
	v8 =	vmax.f32 v8, v16;
	v13 =	vadd.f32 v16, v13  }
0x112: {  	v16 =	vld [tilespmem:s22+$0xFFFFFFE0];
	_ =	sdelay $0x1  }
0x113: {  	s22 =	sadd.s32 $0x40, s22;
	v9 =	vmax.f32 v9, v17;
	v10 =	vadd.f32 v17, v10  }
.LBB2_19:
0x114: {  	_ = 	snop  }
0x115: {  	v21 =	vmax.f32 v21, v14;
	v12 =	vadd.f32 v14, v12;
	v19 =	vmax.f32 v19, v15  }
0x116: {  	v11 =	vadd.f32 v15, v11;
	v8 =	vmax.f32 v8, v16;
	v13 =	vadd.f32 v16, v13  }
.LBB2_20:
0x117: {  	p1 =	sgt.s32 s20, $0x1  }
0x118: {  	p0 =	sgt.s32 s20, $0x0;
	p2 =	sgt.s32 s21, $0x1;
	s20 =	simm.s32 @!p1 $0x1  }
0x119: {  	p6 =	sgt.s32 s21, $0x0;
	s21 =	simm.s32 @!p2 $0x1;
	s1 =	scvt.s32.f32 s20  }
0x11a: {  	s22 =	scvt.s32.f32 s21  }
0x11b: {  	v14 =	vmov s1  }
0x11c: {  	v62 =	vmov s22;
	(erf) = vrcp.f32 v14  }
0x11d: {  	(erf) = vrcp.f32 v62;
	_ =	sdelay $0x6  }
0x11e: {  	s23 =	sshll.u32 s13, $0xA  }
0x11f: {  	v0 =	vpsel !p0, $0x0, v0;
	s1 =	sand.u32 $0x3FFFFC00, s23;
	v63 =	vpop (erf)  }
0x120: {  	[tilespmem:s1+$0x15120] =	vst v0;
	v0 =	vpsel !p6, $0x0, v8;
	v15 =	vpop (erf);
	v1 =	vmul.f32 v1, v63  }
0x121: {  	[tilespmem:s1+$0x15160] =	vst v0;
	v0 =	vmul.f32 v13, v15  }
0x122: {  	[tilespmem:s1+$0x151A0] =	vst v1  }
0x123: {  	[tilespmem:s1+$0x151E0] =	vst v0;
	v0 =	vpsel !p0, $0x0, v2  }
0x124: {  	v1 =	vmul.f32 v7, v63;
	[tilespmem:s1+$0x15130] =	vst v0;
	v0 =	vpsel !p6, $0x0, v21  }
0x125: {  	[tilespmem:s1+$0x15170] =	vst v0;
	v0 =	vmul.f32 v12, v15  }
0x126: {  	[tilespmem:s1+$0x151B0] =	vst v1  }
0x127: {  	[tilespmem:s1+$0x151F0] =	vst v0;
	v0 =	vpsel !p0, $0x0, v3  }
0x128: {  	v1 =	vmul.f32 v6, v63;
	[tilespmem:s1+$0x15140] =	vst v0;
	v0 =	vpsel !p6, $0x0, v19  }
0x129: {  	[tilespmem:s1+$0x15180] =	vst v0;
	v0 =	vmul.f32 v11, v15  }
0x12a: {  	[tilespmem:s1+$0x151C0] =	vst v1  }
0x12b: {  	[tilespmem:s1+$0x15200] =	vst v0;
	v0 =	vpsel !p0, $0x0, v4  }
0x12c: {  	v1 =	vmul.f32 v5, v63;
	[tilespmem:s1+$0x15150] =	vst v0;
	v0 =	vpsel !p6, $0x0, v9  }
0x12d: {  	[tilespmem:s1+$0x15190] =	vst v0;
	v0 =	vmul.f32 v10, v15  }
0x12e: {  	[tilespmem:s1+$0x151D0] =	vst v1  }
0x12f: {  	[tilespmem:s1+$0x15210] =	vst v0  }
0x130: {  	v0 =	vld [tilespmem:s19+$0x7001];
	_ =	sdelay $0x4  }
0x131: {  	(v2sf) =	vpush v0, $0x0  }
0x132: {  	v1 =	vld [tilespmem:s19+$0x7091];
	_ =	sdelay $0x4  }
0x133: {  	(v2sf) =	vpush v1, $0x0;
	_ =	sdelay $0x8  }
0x134: {  	s20 =	spop (v2sf)  }
0x135: {  	p0 =	slt.s32 s20, $0x4  }
.Ltmp18:
0x136: {  	_ = 	snop;
	(pc) =	sbr.rel @p0 .LBB2_21-.Ltmp18, $4  }
0x137: {  	s24 =	sshra.s32 s20, $0x1F  }
0x138: {  	s1 =	sshrl.u32 s24, $0x1E  }
0x139: {  	s1 =	sadd.s32 s1, s20  }
0x13a: {  	v0 =	vimm.f32 $0.0e+00;
	v1 =	vimm.f32 $-1.000000020e+30;
	s21 =	spop (v2sf);
	s22 =	sshra.s32 s1, $0x2;
	s1 =	simm.s32 $0x7810  }
0x13b: {  	v4 =	vld [tilespmem:s1+$0xFFFFFFD0]  }
0x13c: {  	v6 =	vld [tilespmem:s1+$0xFFFFFFE0]  }
0x13d: {  	v5 =	vld [tilespmem:s1+$0xFFFFFFF0]  }
0x13e: {  	v7 =	vld [tilespmem:s1+$0xFFFFFF90]  }
0x13f: {  	v13 =	vld [tilespmem:s1+$0xFFFFFF10]  }
0x140: {  	v14 =	vld [tilespmem:s1+$0xFFFFFF20]  }
0x141: {  	v3 =	vld [tilespmem:s1+$0xFFFFFF50];
	p0 =	sne.s32 s22, $0x1  }
.Ltmp19:
0x142: {  	v11 =	vld [tilespmem:s1+$0xFFFFFF60];
	(pc) =	sbr.rel @!p0 .LBB2_24-.Ltmp19, $4  }
0x143: {  	v8 =	vld [tilespmem:s1+$0xFFFFFFA0]  }
0x144: {  	v10 =	vld [tilespmem:s1+$0xFFFFFF70]  }
0x145: {  	v18 =	vld [tilespmem:s1+$0xFFFFFF30];
	v15 =	vimm.f32 $0.0e+00;
	v16 =	vimm.f32 $0.0e+00;
	v17 =	vimm.f32 $0.0e+00  }
0x146: {  	v12 =	vld [tilespmem:s1+$0xFFFFFF40];
	s24 =	sadd.s32 $0xFFFFFFFF, s22;
	s23 =	simm.s32 $0x7810;
	v9 =	vimm.f32 $-1.000000020e+30;
	v2 =	vmax.f32 v1, v13;
	v19 =	vmax.f32 v1, v14  }
.LBB2_23:
0x147: {  	p0 =	sne.s32 s24, $0x1;
	v2 =	vmax.f32 v2, v3;
	v19 =	vmax.f32 v19, v11;
	v20 =	vld [tilespmem:s1+$0xFFFFFFB0]  }
0x148: {  	s1 =	sadd.s32 $0x100, s1;
	v21 =	vld [tilespmem:s23+$0xFFFFFF80];
	v2 =	vmax.f32 v2, v7;
	v19 =	vmax.f32 v19, v8  }
0x149: {  	v22 =	vld [tilespmem:s1+$0xFFFFFFD0];
	v2 =	vmax.f32 v2, v4;
	v19 =	vmax.f32 v19, v6  }
0x14a: {  	v0 =	vadd.f32 v13, v0;
	v13 =	vadd.f32 v14, v15;
	v1 =	vmax.f32 v1, v18;
	v14 =	vld [tilespmem:s23+$0xFFFFFFC0]  }
0x14b: {  	v15 =	vadd.f32 v18, v16;
	v23 =	vld [tilespmem:s1+$0xFFFFFFE0];
	v16 =	vadd.f32 v12, v17;
	v1 =	vmax.f32 v1, v10  }
0x14c: {  	v0 =	vadd.f32 v3, v0;
	v3 =	vadd.f32 v11, v13;
	v1 =	vmax.f32 v1, v20;
	v11 =	vld [tilespmem:s23+$0x0];
	s23 =	smov.u32 s1  }
0x14d: {  	v10 =	vadd.f32 v10, v15;
	v18 =	vld [tilespmem:s1+$0xFFFFFFF0];
	v13 =	vadd.f32 v21, v16;
	v1 =	vmax.f32 v1, v5  }
0x14e: {  	v9 =	vmax.f32 v9, v12;
	v0 =	vadd.f32 v7, v0;
	v8 =	vadd.f32 v8, v3;
	v7 =	vld [tilespmem:s1+$0xFFFFFF90]  }
0x14f: {  	v9 =	vmax.f32 v9, v21;
	v10 =	vadd.f32 v20, v10;
	v3 =	vld [tilespmem:s1+$0xFFFFFF50];
	v12 =	vadd.f32 v14, v13  }
0x150: {  	v0 =	vadd.f32 v4, v0;
	v15 =	vadd.f32 v6, v8;
	v4 =	vmovc v22;
	v9 =	vmax.f32 v9, v14;
	v13 =	vld [tilespmem:s1+$0xFFFFFF10]  }
0x151: {  	v16 =	vadd.f32 v5, v10;
	v6 =	vmovc v23;
	v14 =	vld [tilespmem:s1+$0xFFFFFF20];
	v9 =	vmax.f32 v9, v11;
	v17 =	vadd.f32 v11, v12  }
.Ltmp20:
0x152: {  	v11 =	vld [tilespmem:s1+$0xFFFFFF60];
	v5 =	vmov v18;
	(pc) =	sbr.rel @p0 .LBB2_23-.Ltmp20, $4  }
0x153: {  	v8 =	vld [tilespmem:s1+$0xFFFFFFA0]  }
0x154: {  	v10 =	vld [tilespmem:s1+$0xFFFFFF70]  }
0x155: {  	v18 =	vld [tilespmem:s1+$0xFFFFFF30]  }
0x156: {  	s24 =	sadd.s32 $0xFFFFFFFF, s24;
	v2 =	vmax.f32 v2, v13;
	v12 =	vld [tilespmem:s1+$0xFFFFFF40];
	v19 =	vmax.f32 v19, v14  }
.LBB2_24:
0x157: {  	v20 =	vld [tilespmem:s1+$0xFFFFFFB0];
	_ =	sdelay $0x1  }
0x158: {  	v2 =	vmax.f32 v2, v3;
	v19 =	vmax.f32 v19, v11;
	v21 =	vld [tilespmem:s23+$0xFFFFFF80];
	v0 =	vadd.f32 v13, v0  }
0x159: {  	v55 =	vadd.f32 v14, v15;
	v56 =	vld [tilespmem:s23+$0xFFFFFFC0];
	v2 =	vmax.f32 v2, v7;
	v1 =	vmax.f32 v1, v18  }
0x15a: {  	v19 =	vmax.f32 v19, v8;
	v0 =	vadd.f32 v3, v0;
	v1 =	vmax.f32 v1, v10  }
0x15b: {  	v57 =	vadd.f32 v18, v16;
	v58 =	vadd.f32 v12, v17;
	v1 =	vmax.f32 v1, v20  }
0x15c: {  	v60 =	vld [tilespmem:s23+$0x0];
	v59 =	vadd.f32 v11, v55;
	v3 =	vmax.f32 v1, v5;
	v1 =	vmax.f32 v9, v12  }
.Ltmp21:
0x15d: {  	v61 =	vadd.f32 v10, v57;
	v62 =	vadd.f32 v21, v58;
	v1 =	vmax.f32 v1, v21;
	(pc) =	sbr.rel .LBB2_25-.Ltmp21, $4  }
0x15e: {  	v0 =	vadd.f32 v7, v0;
	v7 =	vadd.f32 v8, v59;
	v1 =	vmax.f32 v1, v56  }
0x15f: {  	v22 =	vmax.f32 v2, v4;
	v8 =	vadd.f32 v20, v61;
	v63 =	vadd.f32 v56, v62  }
0x160: {  	v2 =	vmax.f32 v19, v6;
	v0 =	vadd.f32 v4, v0;
	v7 =	vadd.f32 v6, v7  }
0x161: {  	v4 =	vmax.f32 v1, v60;
	v6 =	vadd.f32 v5, v8;
	v5 =	vadd.f32 v60, v63;
	v1 =	vmovc v22  }
.LBB2_21:
0x162: {  	v2 =	vimm.f32 $-1.000000020e+30;
	v3 =	vimm.f32 $-1.000000020e+30;
	v4 =	vimm.f32 $-1.000000020e+30  }
0x163: {  	v7 =	vimm.f32 $0.0e+00;
	v6 =	vimm.f32 $0.0e+00;
	v5 =	vimm.f32 $0.0e+00  }
.LBB2_25:
0x164: {  	s1 =	sshll.u32 s22, $0x2  }
0x165: {  	p0 =	sle.s32 s20, s1  }
.Ltmp22:
0x166: {  	_ = 	snop;
	(pc) =	sbr.rel @p0 .LBB2_29-.Ltmp22, $1  }
0x167: {  	_ =	sdelay $0x3  }
0x168: {  	s22 =	sshll.u32 s22, $0xA  }
0x169: {  	s22 =	sshra.s32 s22, $0x2  }
0x16a: {  	s1 =	ssub.s32 s20, s1;
	s22 =	sadd.s32 $0x7750, s22  }
0x16b: {  	p0 =	sne.s32 s1, $0x1;
	v11 =	vld [tilespmem:s22+$0x0]  }
.Ltmp23:
0x16c: {  	v8 =	vld [tilespmem:s22+$0xFFFFFFE0];
	(pc) =	sbr.rel @!p0 .LBB2_28-.Ltmp23, $3  }
0x16d: {  	v9 =	vld [tilespmem:s22+$0xFFFFFFF0]  }
0x16e: {  	v10 =	vld [tilespmem:s22+$0xFFFFFFD0];
	_ =	sdelay $0x1  }
0x16f: {  	s1 =	sadd.s32 $0xFFFFFFFF, s1;
	s22 =	sadd.s32 $0x40, s22;
	v4 =	vmax.f32 v4, v11;
	v5 =	vadd.f32 v11, v5  }
.LBB2_27:
0x170: {  	v11 =	vld [tilespmem:s22+$0x0];
	p0 =	sne.s32 s1, $0x1;
	s1 =	sadd.s32 $0xFFFFFFFF, s1;
	v2 =	vmax.f32 v2, v8;
	v7 =	vadd.f32 v8, v7  }
.Ltmp24:
0x171: {  	v8 =	vld [tilespmem:s22+$0xFFFFFFE0];
	v3 =	vmax.f32 v3, v9;
	v6 =	vadd.f32 v9, v6;
	(pc) =	sbr.rel @p0 .LBB2_27-.Ltmp24, $3  }
0x172: {  	v9 =	vld [tilespmem:s22+$0xFFFFFFF0];
	v1 =	vmax.f32 v1, v10;
	v0 =	vadd.f32 v10, v0  }
0x173: {  	v10 =	vld [tilespmem:s22+$0xFFFFFFD0];
	_ =	sdelay $0x1  }
0x174: {  	s22 =	sadd.s32 $0x40, s22;
	v4 =	vmax.f32 v4, v11;
	v5 =	vadd.f32 v11, v5  }
.LBB2_28:
0x175: {  	_ = 	snop  }
0x176: {  	v2 =	vmax.f32 v2, v8;
	v7 =	vadd.f32 v8, v7;
	v3 =	vmax.f32 v3, v9  }
0x177: {  	v6 =	vadd.f32 v9, v6;
	v1 =	vmax.f32 v1, v10;
	v0 =	vadd.f32 v10, v0  }
.LBB2_29:
0x178: {  	p0 =	slt.s32 s21, $0x8  }
.Ltmp25:
0x179: {  	_ = 	snop;
	(pc) =	sbr.rel @p0 .LBB2_30-.Ltmp25, $4  }
0x17a: {  	s1 =	sshra.s32 s21, $0x1F  }
0x17b: {  	s1 =	sshrl.u32 s1, $0x1D  }
0x17c: {  	s1 =	sadd.s32 s1, s21  }
0x17d: {  	v8 =	vimm.f32 $-1.000000020e+30;
	v13 =	vimm.f32 $0.0e+00;
	s23 =	simm.s32 $0xB110;
	s22 =	sshra.s32 s1, $0x3  }
0x17e: {  	v9 =	vld [tilespmem:s23+$0xFFFFFFD0]  }
0x17f: {  	v11 =	vld [tilespmem:s23+$0xFFFFFFE0]  }
0x180: {  	v10 =	vld [tilespmem:s23+$0xFFFFFFF0]  }
0x181: {  	v14 =	vld [tilespmem:s23+$0xFFFFFF90]  }
0x182: {  	v15 =	vld [tilespmem:s23+$0xFFFFFFA0]  }
0x183: {  	v12 =	vld [tilespmem:s23+$0xFFFFFF50]  }
0x184: {  	v17 =	vld [tilespmem:s23+$0xFFFFFF10]  }
0x185: {  	v19 =	vld [tilespmem:s23+$0xFFFFFED0]  }
0x186: {  	v23 =	vld [tilespmem:s23+$0xFFFFFE90]  }
0x187: {  	v27 =	vld [tilespmem:s23+$0xFFFFFE50]  }
0x188: {  	v30 =	vld [tilespmem:s23+$0xFFFFFE10]  }
0x189: {  	v31 =	vld [tilespmem:s23+$0xFFFFFE20]  }
0x18a: {  	v29 =	vld [tilespmem:s23+$0xFFFFFE60]  }
0x18b: {  	v26 =	vld [tilespmem:s23+$0xFFFFFEA0]  }
0x18c: {  	v24 =	vld [tilespmem:s23+$0xFFFFFEE0]  }
0x18d: {  	v20 =	vld [tilespmem:s23+$0xFFFFFF20]  }
0x18e: {  	v16 =	vld [tilespmem:s23+$0xFFFFFF60];
	p0 =	sne.s32 s22, $0x1  }
.Ltmp26:
0x18f: {  	v18 =	vld [tilespmem:s23+$0xFFFFFF70];
	v21 =	vmax.f32 v8, v30;
	v22 =	vmax.f32 v8, v31;
	(pc) =	sbr.rel @!p0 .LBB2_33-.Ltmp26, $4  }
0x190: {  	v25 =	vld [tilespmem:s23+$0xFFFFFEF0];
	v32 =	vimm.f32 $0.0e+00;
	v21 =	vmax.f32 v21, v27;
	v22 =	vmax.f32 v22, v29  }
0x191: {  	v35 =	vld [tilespmem:s23+$0xFFFFFE70];
	v33 =	vimm.f32 $0.0e+00;
	v21 =	vmax.f32 v21, v23;
	v22 =	vmax.f32 v22, v26  }
0x192: {  	v36 =	vld [tilespmem:s23+$0xFFFFFE30];
	v34 =	vimm.f32 $0.0e+00;
	v21 =	vmax.f32 v21, v19;
	v22 =	vmax.f32 v22, v24  }
0x193: {  	v28 =	vld [tilespmem:s23+$0xFFFFFE40];
	s1 =	sadd.s32 $0xFFFFFFFF, s22;
	s24 =	simm.s32 $0xB110;
	v21 =	vmax.f32 v21, v17;
	v37 =	vmax.f32 v22, v20;
	v22 =	vimm.f32 $-1.000000020e+30  }
.LBB2_32:
0x194: {  	p0 =	sne.s32 s1, $0x1;
	v38 =	vld [tilespmem:s23+$0xFFFFFEB0];
	v21 =	vmax.f32 v21, v12;
	v37 =	vmax.f32 v37, v16  }
0x195: {  	v39 =	vld [tilespmem:s23+$0xFFFFFE80];
	v21 =	vmax.f32 v21, v14;
	v37 =	vmax.f32 v37, v15  }
0x196: {  	v40 =	vld [tilespmem:s23+$0xFFFFFF30];
	v21 =	vmax.f32 v21, v9;
	v37 =	vmax.f32 v37, v11  }
0x197: {  	v13 =	vadd.f32 v30, v13;
	v30 =	vadd.f32 v31, v32;
	v8 =	vmax.f32 v8, v36;
	v31 =	vld [tilespmem:s23+$0xFFFFFEC0]  }
0x198: {  	v32 =	vadd.f32 v36, v33;
	v33 =	vadd.f32 v28, v34;
	v8 =	vmax.f32 v8, v35;
	v34 =	vld [tilespmem:s23+$0xFFFFFFB0]  }
0x199: {  	v13 =	vadd.f32 v27, v13;
	v27 =	vadd.f32 v29, v30;
	s23 =	sadd.s32 $0x200, s23;
	v8 =	vmax.f32 v8, v38;
	v29 =	vld [tilespmem:s24+$0xFFFFFF00]  }
0x19a: {  	v32 =	vadd.f32 v35, v32;
	v30 =	vld [tilespmem:s23+$0xFFFFFFD0];
	v33 =	vadd.f32 v39, v33;
	v8 =	vmax.f32 v8, v25  }
0x19b: {  	v13 =	vadd.f32 v23, v13;
	v23 =	vadd.f32 v26, v27;
	v26 =	vld [tilespmem:s24+$0xFFFFFF40];
	v8 =	vmax.f32 v8, v40  }
0x19c: {  	v32 =	vadd.f32 v38, v32;
	v27 =	vld [tilespmem:s23+$0xFFFFFFE0];
	v33 =	vadd.f32 v31, v33;
	v8 =	vmax.f32 v8, v18  }
0x19d: {  	v13 =	vadd.f32 v19, v13;
	v19 =	vadd.f32 v24, v23;
	v23 =	vld [tilespmem:s24+$0xFFFFFF80];
	v8 =	vmax.f32 v8, v34  }
0x19e: {  	v25 =	vadd.f32 v25, v32;
	v24 =	vld [tilespmem:s23+$0xFFFFFFF0];
	v32 =	vadd.f32 v29, v33;
	v8 =	vmax.f32 v8, v10  }
0x19f: {  	v22 =	vmax.f32 v22, v28;
	v13 =	vadd.f32 v17, v13;
	v17 =	vadd.f32 v20, v19;
	v19 =	vld [tilespmem:s24+$0xFFFFFFC0]  }
0x1a0: {  	v20 =	vmax.f32 v22, v39;
	v22 =	vadd.f32 v40, v25;
	v25 =	vadd.f32 v26, v32;
	v28 =	vld [tilespmem:s24+$0x0];
	s24 =	smov.u32 s23  }
0x1a1: {  	v20 =	vmax.f32 v20, v31;
	v13 =	vadd.f32 v12, v13;
	v16 =	vadd.f32 v16, v17;
	v35 =	vld [tilespmem:s23+$0xFFFFFF90]  }
0x1a2: {  	v17 =	vmax.f32 v20, v29;
	v18 =	vadd.f32 v18, v22;
	v31 =	vld [tilespmem:s23+$0xFFFFFFA0];
	v20 =	vadd.f32 v23, v25  }
0x1a3: {  	v17 =	vmax.f32 v17, v26;
	v13 =	vadd.f32 v14, v13;
	v14 =	vadd.f32 v15, v16;
	v12 =	vld [tilespmem:s23+$0xFFFFFF50]  }
0x1a4: {  	v15 =	vmax.f32 v17, v23;
	v18 =	vadd.f32 v34, v18;
	v16 =	vld [tilespmem:s23+$0xFFFFFF60];
	v20 =	vadd.f32 v19, v20  }
0x1a5: {  	v13 =	vadd.f32 v9, v13;
	v32 =	vadd.f32 v11, v14;
	v9 =	vmovc v30;
	v25 =	vmax.f32 v15, v19;
	v17 =	vld [tilespmem:s23+$0xFFFFFF10]  }
0x1a6: {  	v11 =	vmovc v27;
	v22 =	vmax.f32 v25, v28;
	v33 =	vadd.f32 v10, v18;
	v19 =	vld [tilespmem:s23+$0xFFFFFED0];
	v34 =	vadd.f32 v28, v20  }
0x1a7: {  	v10 =	vmov v24;
	v14 =	vmov v35;
	v23 =	vld [tilespmem:s23+$0xFFFFFE90];
	v15 =	vmov v31  }
0x1a8: {  	v27 =	vld [tilespmem:s23+$0xFFFFFE50]  }
0x1a9: {  	v30 =	vld [tilespmem:s23+$0xFFFFFE10]  }
0x1aa: {  	v31 =	vld [tilespmem:s23+$0xFFFFFE20]  }
0x1ab: {  	v29 =	vld [tilespmem:s23+$0xFFFFFE60]  }
0x1ac: {  	v26 =	vld [tilespmem:s23+$0xFFFFFEA0]  }
0x1ad: {  	v24 =	vld [tilespmem:s23+$0xFFFFFEE0]  }
0x1ae: {  	v20 =	vld [tilespmem:s23+$0xFFFFFF20]  }
.Ltmp27:
0x1af: {  	v21 =	vmax.f32 v21, v30;
	v25 =	vmax.f32 v37, v31;
	v18 =	vld [tilespmem:s23+$0xFFFFFF70];
	(pc) =	sbr.rel @p0 .LBB2_32-.Ltmp27, $4  }
0x1b0: {  	v21 =	vmax.f32 v21, v27;
	v28 =	vmax.f32 v25, v29;
	v25 =	vld [tilespmem:s23+$0xFFFFFEF0]  }
0x1b1: {  	v21 =	vmax.f32 v21, v23;
	v35 =	vld [tilespmem:s23+$0xFFFFFE70];
	v28 =	vmax.f32 v28, v26  }
0x1b2: {  	v21 =	vmax.f32 v21, v19;
	v36 =	vld [tilespmem:s23+$0xFFFFFE30];
	v37 =	vmax.f32 v28, v24  }
0x1b3: {  	s1 =	sadd.s32 $0xFFFFFFFF, s1;
	v21 =	vmax.f32 v21, v17;
	v28 =	vld [tilespmem:s23+$0xFFFFFE40];
	v37 =	vmax.f32 v37, v20  }
.LBB2_33:
0x1b4: {  	v38 =	vld [tilespmem:s23+$0xFFFFFEB0]  }
0x1b5: {  	v39 =	vld [tilespmem:s23+$0xFFFFFE80];
	v13 =	vadd.f32 v30, v13  }
0x1b6: {  	v21 =	vmax.f32 v21, v12;
	v40 =	vld [tilespmem:s23+$0xFFFFFF30];
	v48 =	vadd.f32 v31, v32  }
0x1b7: {  	v37 =	vmax.f32 v37, v16;
	v49 =	vld [tilespmem:s23+$0xFFFFFEC0];
	v13 =	vadd.f32 v27, v13;
	v8 =	vmax.f32 v8, v36  }
0x1b8: {  	v52 =	vld [tilespmem:s23+$0xFFFFFFB0];
	v53 =	vadd.f32 v29, v48;
	v50 =	vadd.f32 v36, v33;
	v8 =	vmax.f32 v8, v35  }
0x1b9: {  	v51 =	vadd.f32 v28, v34;
	v13 =	vadd.f32 v23, v13;
	v8 =	vmax.f32 v8, v38  }
0x1ba: {  	v54 =	vld [tilespmem:s24+$0xFFFFFF00];
	v23 =	vadd.f32 v26, v53;
	v55 =	vadd.f32 v35, v50;
	v8 =	vmax.f32 v8, v25  }
0x1bb: {  	v56 =	vadd.f32 v39, v51;
	v13 =	vadd.f32 v19, v13;
	v8 =	vmax.f32 v8, v40  }
0x1bc: {  	v57 =	vld [tilespmem:s24+$0xFFFFFF40];
	v23 =	vadd.f32 v24, v23;
	v58 =	vadd.f32 v38, v55;
	v8 =	vmax.f32 v8, v18  }
0x1bd: {  	v59 =	vadd.f32 v49, v56;
	v13 =	vadd.f32 v17, v13;
	v8 =	vmax.f32 v8, v52  }
0x1be: {  	v60 =	vld [tilespmem:s24+$0xFFFFFF80];
	v17 =	vadd.f32 v20, v23;
	v19 =	vmax.f32 v8, v10;
	v8 =	vmax.f32 v22, v28  }
0x1bf: {  	v20 =	vld [tilespmem:s24+$0xFFFFFFC0];
	v61 =	vadd.f32 v25, v58;
	v62 =	vadd.f32 v54, v59;
	v8 =	vmax.f32 v8, v39  }
0x1c0: {  	v21 =	vmax.f32 v21, v14;
	v37 =	vmax.f32 v37, v15;
	v8 =	vmax.f32 v8, v49  }
0x1c1: {  	v22 =	vadd.f32 v40, v61;
	v23 =	vadd.f32 v57, v62;
	v8 =	vmax.f32 v8, v54  }
0x1c2: {  	v63 =	vld [tilespmem:s24+$0x0];
	v12 =	vadd.f32 v12, v13;
	v13 =	vadd.f32 v16, v17;
	v8 =	vmax.f32 v8, v57  }
.Ltmp28:
0x1c3: {  	v16 =	vadd.f32 v18, v22;
	v17 =	vadd.f32 v60, v23;
	v8 =	vmax.f32 v8, v60;
	(pc) =	sbr.rel .LBB2_34-.Ltmp28, $4  }
0x1c4: {  	v12 =	vadd.f32 v14, v12;
	v14 =	vadd.f32 v15, v13;
	v8 =	vmax.f32 v8, v20  }
0x1c5: {  	v41 =	vmax.f32 v21, v9;
	v15 =	vadd.f32 v52, v16;
	v16 =	vadd.f32 v20, v17  }
0x1c6: {  	v21 =	vmax.f32 v37, v11;
	v13 =	vadd.f32 v9, v12;
	v12 =	vadd.f32 v11, v14  }
0x1c7: {  	v9 =	vmax.f32 v8, v63;
	v11 =	vadd.f32 v10, v15;
	v10 =	vadd.f32 v63, v16;
	v8 =	vmovc v41  }
.LBB2_30:
0x1c8: {  	v21 =	vimm.f32 $-1.000000020e+30;
	v19 =	vimm.f32 $-1.000000020e+30;
	v9 =	vimm.f32 $-1.000000020e+30  }
0x1c9: {  	v12 =	vimm.f32 $0.0e+00;
	v11 =	vimm.f32 $0.0e+00;
	v10 =	vimm.f32 $0.0e+00  }
.LBB2_34:
0x1ca: {  	s1 =	sshll.u32 s22, $0x3  }
0x1cb: {  	p0 =	sle.s32 s21, s1  }
.Ltmp29:
0x1cc: {  	_ = 	snop;
	(pc) =	sbr.rel @p0 .LBB2_38-.Ltmp29, $1  }
0x1cd: {  	_ =	sdelay $0x3  }
0x1ce: {  	s22 =	sshll.u32 s22, $0xB  }
0x1cf: {  	s22 =	sshra.s32 s22, $0x2  }
0x1d0: {  	s1 =	ssub.s32 s21, s1;
	s22 =	sadd.s32 $0xAF50, s22  }
0x1d1: {  	p0 =	sne.s32 s1, $0x1;
	v17 =	vld [tilespmem:s22+$0x0]  }
.Ltmp30:
0x1d2: {  	v14 =	vld [tilespmem:s22+$0xFFFFFFE0];
	(pc) =	sbr.rel @!p0 .LBB2_37-.Ltmp30, $3  }
0x1d3: {  	v15 =	vld [tilespmem:s22+$0xFFFFFFF0]  }
0x1d4: {  	v16 =	vld [tilespmem:s22+$0xFFFFFFD0];
	_ =	sdelay $0x1  }
0x1d5: {  	s1 =	sadd.s32 $0xFFFFFFFF, s1;
	s22 =	sadd.s32 $0x40, s22;
	v9 =	vmax.f32 v9, v17;
	v10 =	vadd.f32 v17, v10  }
.LBB2_36:
0x1d6: {  	v17 =	vld [tilespmem:s22+$0x0];
	p0 =	sne.s32 s1, $0x1;
	s1 =	sadd.s32 $0xFFFFFFFF, s1;
	v21 =	vmax.f32 v21, v14;
	v12 =	vadd.f32 v14, v12  }
.Ltmp31:
0x1d7: {  	v14 =	vld [tilespmem:s22+$0xFFFFFFE0];
	v19 =	vmax.f32 v19, v15;
	v11 =	vadd.f32 v15, v11;
	(pc) =	sbr.rel @p0 .LBB2_36-.Ltmp31, $3  }
0x1d8: {  	v15 =	vld [tilespmem:s22+$0xFFFFFFF0];
	v8 =	vmax.f32 v8, v16;
	v13 =	vadd.f32 v16, v13  }
0x1d9: {  	v16 =	vld [tilespmem:s22+$0xFFFFFFD0];
	_ =	sdelay $0x1  }
0x1da: {  	s22 =	sadd.s32 $0x40, s22;
	v9 =	vmax.f32 v9, v17;
	v10 =	vadd.f32 v17, v10  }
.LBB2_37:
0x1db: {  	_ = 	snop  }
0x1dc: {  	v21 =	vmax.f32 v21, v14;
	v12 =	vadd.f32 v14, v12;
	v19 =	vmax.f32 v19, v15  }
0x1dd: {  	v11 =	vadd.f32 v15, v11;
	v8 =	vmax.f32 v8, v16;
	v13 =	vadd.f32 v16, v13  }
.LBB2_38:
0x1de: {  	p1 =	sgt.s32 s20, $0x1  }
0x1df: {  	p0 =	sgt.s32 s20, $0x0;
	p2 =	sgt.s32 s21, $0x1;
	s20 =	simm.s32 @!p1 $0x1  }
0x1e0: {  	p6 =	sgt.s32 s21, $0x0;
	s21 =	simm.s32 @!p2 $0x1;
	s1 =	scvt.s32.f32 s20  }
0x1e1: {  	s21 =	scvt.s32.f32 s21  }
0x1e2: {  	v14 =	vmov s1  }
0x1e3: {  	v62 =	vmov s21;
	(erf) = vrcp.f32 v14  }
0x1e4: {  	(erf) = vrcp.f32 v62;
	_ =	sdelay $0x5  }
0x1e5: {  	s22 =	sor.u32 $0x1, s19  }
0x1e6: {  	s1 =	sshll.u32 s22, $0x8  }
0x1e7: {  	v1 =	vpsel !p0, $0x0, v1;
	s1 =	sand.u32 $0x3FFFFF00, s1;
	v63 =	vpop (erf)  }
0x1e8: {  	[tilespmem:s1+$0x15120] =	vst v1;
	v1 =	vpsel !p6, $0x0, v8;
	v15 =	vpop (erf);
	v0 =	vmul.f32 v0, v63  }
0x1e9: {  	[tilespmem:s1+$0x15160] =	vst v1;
	v1 =	vmul.f32 v13, v15  }
0x1ea: {  	[tilespmem:s1+$0x151A0] =	vst v0  }
0x1eb: {  	v0 =	vpsel !p0, $0x0, v2;
	[tilespmem:s1+$0x151E0] =	vst v1  }
0x1ec: {  	[tilespmem:s1+$0x15130] =	vst v0;
	v0 =	vpsel !p6, $0x0, v21;
	v1 =	vmul.f32 v7, v63  }
0x1ed: {  	[tilespmem:s1+$0x15170] =	vst v0;
	v0 =	vmul.f32 v12, v15  }
0x1ee: {  	[tilespmem:s1+$0x151B0] =	vst v1  }
0x1ef: {  	[tilespmem:s1+$0x151F0] =	vst v0;
	v0 =	vpsel !p0, $0x0, v3  }
0x1f0: {  	v1 =	vmul.f32 v6, v63;
	[tilespmem:s1+$0x15140] =	vst v0;
	v0 =	vpsel !p6, $0x0, v19  }
0x1f1: {  	[tilespmem:s1+$0x15180] =	vst v0;
	v0 =	vmul.f32 v11, v15  }
0x1f2: {  	[tilespmem:s1+$0x151C0] =	vst v1  }
0x1f3: {  	s19 =	sshll.u32 s13, $0x1;
	p2 =	seq.s32 s13, $0x1F;
	[tilespmem:s1+$0x15200] =	vst v0;
	v0 =	vpsel !p0, $0x0, v4  }
0x1f4: {  	s19 =	sadd.s32 @!p2 $0x2, s19;
	v1 =	vmul.f32 v5, v63;
	[tilespmem:s1+$0x15150] =	vst v0;
	v0 =	vpsel !p6, $0x0, v9  }
0x1f5: {  	s20 =	smul.u32 @!p2 $0xC0, s19;
	[tilespmem:s1+$0x15190] =	vst v0;
	v0 =	vmul.f32 v10, v15  }
0x1f6: {  	s19 =	smul.u32 @!p2 $0x640, s19;
	[tilespmem:s1+$0x151D0] =	vst v1  }
0x1f7: {  	s21 =	simm.s32 @!p2 $0x7120;
	s20 =	sshra.s32 @!p2 s20, $0x2;
	[tilespmem:s1+$0x15210] =	vst v0;
	s1 =	simm.s32 @!p2 $0x30  }
0x1f8: {  	[tilespmem:s21], [sflag:$0x1] =	stream.indirect.gather @!p2 [hbm4b:s3+s1], $0x40, s20, s1, $0xb8;
	[tilespmem:$0x1D120] =	vst v63  }
0x1f9: {  	s1 =	sshra.s32 @!p2 s19, $0x2  }
0x1fa: {  	s20 =	simm.s32 @!p2 $0x68;
	s21 =	simm.s32 @!p2 $0x7D20;
	s19 =	sadd.s32 @!p2 $0xC00, s1  }
0x1fb: {  	[tilespmem:s21], [sflag:$0x1] =	stream.indirect.gather @!p2 [hbm4b:s3+s20], $0x40, s19, s20, $0xb8;
	[tilespmem:$0x1D120] =	vst v63  }
0x1fc: {  	s22 =	simm.s32 @!p2 $0x9720;
	s19 =	sadd.s32 @!p2 $0xC68, s1;
	s21 =	simm.s32 @!p2 $0x60  }
0x1fd: {  	[tilespmem:s22], [sflag:$0x1] =	stream.indirect.gather @!p2 [hbm4b:s3+s21], $0x40, s19, s21, $0xb8;
	[tilespmem:$0x1D120] =	vst v63  }
0x1fe: {  	s19 =	sadd.s32 @!p2 $0xCC8, s1;
	s22 =	simm.s32 @!p2 $0xAF20  }
0x1ff: {  	[tilespmem:s22], [sflag:$0x1] =	stream.indirect.gather @!p2 [hbm4b:s3+s20], $0x40, s19, s20, $0xb8;
	[tilespmem:$0x1D120] =	vst v63  }
0x200: {  	s1 =	sadd.s32 @!p2 $0xD30, s1;
	s19 =	simm.s32 @!p2 $0xC920  }
0x201: {  	[tilespmem:s19], [sflag:$0x1] =	stream.indirect.gather @!p2 [hbm4b:s3+s21], $0x40, s1, s21, $0xb8;
	[tilespmem:$0x1D120] =	vst v63  }
0x202: {  	_ =	swait.ge [sflag:s0], $0xC00  }
0x203: {  	[sflag:s0] =	ssyncset.done $0x0  }
0x204: {  	[sflag:s0] =	ssyncadd.s32 $0xFFFFF400  }
0x205: {  	_ =	swait.ge [sflag:s0], $0x1A00  }
0x206: {  	[sflag:s0] =	ssyncset.done $0x0  }
0x207: {  	[sflag:s0] =	ssyncadd.s32 $0xFFFFE600  }
0x208: {  	_ =	swait.ge [sflag:s0], $0x1800  }
0x209: {  	[sflag:s0] =	ssyncset.done $0x0  }
0x20a: {  	[sflag:s0] =	ssyncadd.s32 $0xFFFFE800  }
0x20b: {  	_ =	swait.ge [sflag:s0], $0x1A00  }
0x20c: {  	[sflag:s0] =	ssyncset.done $0x0  }
0x20d: {  	[sflag:s0] =	ssyncadd.s32 $0xFFFFE600  }
0x20e: {  	_ =	swait.ge [sflag:s0], $0x1800  }
0x20f: {  	[sflag:s0] =	ssyncset.done $0x0  }
0x210: {  	s23 =	sshll.u32 s17, $0x1;
	[sflag:s0] =	ssyncadd.s32 $0xFFFFE800  }
0x211: {  	v0 =	vld [tilespmem:s23+$0x7000];
	_ =	sdelay $0x4  }
0x212: {  	(v2sf) =	vpush v0, $0x0  }
0x213: {  	v1 =	vld [tilespmem:s23+$0x7090];
	_ =	sdelay $0x4  }
0x214: {  	(v2sf) =	vpush v1, $0x0;
	_ =	sdelay $0x8  }
0x215: {  	s19 =	spop (v2sf)  }
0x216: {  	p0 =	slt.s32 s19, $0x4  }
.Ltmp32:
0x217: {  	_ = 	snop;
	(pc) =	sbr.rel @p0 .LBB2_39-.Ltmp32, $4  }
0x218: {  	s24 =	sshra.s32 s19, $0x1F  }
0x219: {  	s1 =	sshrl.u32 s24, $0x1E  }
0x21a: {  	s1 =	sadd.s32 s1, s19  }
0x21b: {  	v0 =	vimm.f32 $-1.000000020e+30;
	v1 =	vimm.f32 $0.0e+00;
	s20 =	spop (v2sf);
	s21 =	sshra.s32 s1, $0x2;
	s1 =	simm.s32 $0xE1A0  }
0x21c: {  	v4 =	vld [tilespmem:s1+$0x40]  }
0x21d: {  	v6 =	vld [tilespmem:s1+$0x50]  }
0x21e: {  	v5 =	vld [tilespmem:s1+$0x60]  }
0x21f: {  	v7 =	vld [tilespmem:s1+$0x0]  }
0x220: {  	v13 =	vld [tilespmem:s1+$0xFFFFFF80]  }
0x221: {  	v14 =	vld [tilespmem:s1+$0xFFFFFF90]  }
0x222: {  	v3 =	vld [tilespmem:s1+$0xFFFFFFC0];
	p0 =	sne.s32 s21, $0x1  }
.Ltmp33:
0x223: {  	v11 =	vld [tilespmem:s1+$0xFFFFFFD0];
	(pc) =	sbr.rel @!p0 .LBB2_42-.Ltmp33, $4  }
0x224: {  	v8 =	vld [tilespmem:s1+$0x10]  }
0x225: {  	v10 =	vld [tilespmem:s1+$0xFFFFFFE0]  }
0x226: {  	v18 =	vld [tilespmem:s1+$0xFFFFFFA0];
	v15 =	vimm.f32 $0.0e+00;
	v16 =	vimm.f32 $0.0e+00;
	v17 =	vimm.f32 $0.0e+00  }
0x227: {  	v12 =	vld [tilespmem:s1+$0xFFFFFFB0];
	s23 =	sadd.s32 $0xFFFFFFFF, s21;
	s22 =	simm.s32 $0xE1A0;
	v9 =	vimm.f32 $-1.000000020e+30;
	v2 =	vmax.f32 v0, v13;
	v19 =	vmax.f32 v0, v14  }
.LBB2_41:
0x228: {  	p0 =	sne.s32 s23, $0x1;
	v2 =	vmax.f32 v2, v3;
	v19 =	vmax.f32 v19, v11;
	v20 =	vld [tilespmem:s1+$0x20]  }
0x229: {  	s1 =	sadd.s32 $0x100, s1;
	v21 =	vld [tilespmem:s22+$0xFFFFFFF0];
	v2 =	vmax.f32 v2, v7;
	v19 =	vmax.f32 v19, v8  }
0x22a: {  	v22 =	vld [tilespmem:s1+$0x40];
	v2 =	vmax.f32 v2, v4;
	v19 =	vmax.f32 v19, v6  }
0x22b: {  	v1 =	vadd.f32 v13, v1;
	v13 =	vadd.f32 v14, v15;
	v0 =	vmax.f32 v0, v18;
	v14 =	vld [tilespmem:s22+$0x30]  }
0x22c: {  	v15 =	vadd.f32 v18, v16;
	v23 =	vld [tilespmem:s1+$0x50];
	v16 =	vadd.f32 v12, v17;
	v0 =	vmax.f32 v0, v10  }
0x22d: {  	v1 =	vadd.f32 v3, v1;
	v3 =	vadd.f32 v11, v13;
	v0 =	vmax.f32 v0, v20;
	v11 =	vld [tilespmem:s22+$0x70];
	s22 =	smov.u32 s1  }
0x22e: {  	v10 =	vadd.f32 v10, v15;
	v18 =	vld [tilespmem:s1+$0x60];
	v13 =	vadd.f32 v21, v16;
	v0 =	vmax.f32 v0, v5  }
0x22f: {  	v9 =	vmax.f32 v9, v12;
	v1 =	vadd.f32 v7, v1;
	v8 =	vadd.f32 v8, v3;
	v7 =	vld [tilespmem:s1+$0x0]  }
0x230: {  	v9 =	vmax.f32 v9, v21;
	v10 =	vadd.f32 v20, v10;
	v3 =	vld [tilespmem:s1+$0xFFFFFFC0];
	v12 =	vadd.f32 v14, v13  }
0x231: {  	v1 =	vadd.f32 v4, v1;
	v15 =	vadd.f32 v6, v8;
	v4 =	vmovc v22;
	v9 =	vmax.f32 v9, v14;
	v13 =	vld [tilespmem:s1+$0xFFFFFF80]  }
0x232: {  	v16 =	vadd.f32 v5, v10;
	v6 =	vmovc v23;
	v14 =	vld [tilespmem:s1+$0xFFFFFF90];
	v9 =	vmax.f32 v9, v11;
	v17 =	vadd.f32 v11, v12  }
.Ltmp34:
0x233: {  	v11 =	vld [tilespmem:s1+$0xFFFFFFD0];
	v5 =	vmov v18;
	(pc) =	sbr.rel @p0 .LBB2_41-.Ltmp34, $4  }
0x234: {  	v8 =	vld [tilespmem:s1+$0x10]  }
0x235: {  	v10 =	vld [tilespmem:s1+$0xFFFFFFE0]  }
0x236: {  	v18 =	vld [tilespmem:s1+$0xFFFFFFA0]  }
0x237: {  	s23 =	sadd.s32 $0xFFFFFFFF, s23;
	v2 =	vmax.f32 v2, v13;
	v12 =	vld [tilespmem:s1+$0xFFFFFFB0];
	v19 =	vmax.f32 v19, v14  }
.LBB2_42:
0x238: {  	v20 =	vld [tilespmem:s1+$0x20];
	_ =	sdelay $0x1  }
0x239: {  	v2 =	vmax.f32 v2, v3;
	v19 =	vmax.f32 v19, v11;
	v21 =	vld [tilespmem:s22+$0xFFFFFFF0];
	v1 =	vadd.f32 v13, v1  }
0x23a: {  	v55 =	vadd.f32 v14, v15;
	v56 =	vld [tilespmem:s22+$0x30];
	v2 =	vmax.f32 v2, v7;
	v0 =	vmax.f32 v0, v18  }
0x23b: {  	v19 =	vmax.f32 v19, v8;
	v1 =	vadd.f32 v3, v1;
	v0 =	vmax.f32 v0, v10  }
0x23c: {  	v57 =	vadd.f32 v18, v16;
	v58 =	vadd.f32 v12, v17;
	v0 =	vmax.f32 v0, v20  }
0x23d: {  	v60 =	vld [tilespmem:s22+$0x70];
	v59 =	vadd.f32 v11, v55;
	v3 =	vmax.f32 v0, v5;
	v0 =	vmax.f32 v9, v12  }
.Ltmp35:
0x23e: {  	v61 =	vadd.f32 v10, v57;
	v62 =	vadd.f32 v21, v58;
	v0 =	vmax.f32 v0, v21;
	(pc) =	sbr.rel .LBB2_43-.Ltmp35, $4  }
0x23f: {  	v1 =	vadd.f32 v7, v1;
	v7 =	vadd.f32 v8, v59;
	v0 =	vmax.f32 v0, v56  }
0x240: {  	v22 =	vmax.f32 v2, v4;
	v8 =	vadd.f32 v20, v61;
	v63 =	vadd.f32 v56, v62  }
0x241: {  	v2 =	vmax.f32 v19, v6;
	v1 =	vadd.f32 v4, v1;
	v7 =	vadd.f32 v6, v7  }
0x242: {  	v4 =	vmax.f32 v0, v60;
	v6 =	vadd.f32 v5, v8;
	v5 =	vadd.f32 v60, v63;
	v0 =	vmovc v22  }
.LBB2_39:
0x243: {  	v2 =	vimm.f32 $-1.000000020e+30;
	v3 =	vimm.f32 $-1.000000020e+30;
	v4 =	vimm.f32 $-1.000000020e+30  }
0x244: {  	v7 =	vimm.f32 $0.0e+00;
	v6 =	vimm.f32 $0.0e+00;
	v5 =	vimm.f32 $0.0e+00  }
.LBB2_43:
0x245: {  	s1 =	sshll.u32 s21, $0x2  }
0x246: {  	p0 =	sle.s32 s19, s1  }
.Ltmp36:
0x247: {  	_ = 	snop;
	(pc) =	sbr.rel @p0 .LBB2_47-.Ltmp36, $1  }
0x248: {  	_ =	sdelay $0x3  }
0x249: {  	s21 =	sshll.u32 s21, $0xA  }
0x24a: {  	s21 =	sshra.s32 s21, $0x2  }
0x24b: {  	s1 =	ssub.s32 s19, s1;
	s21 =	sadd.s32 $0xE140, s21  }
0x24c: {  	p0 =	sne.s32 s1, $0x1;
	v11 =	vld [tilespmem:s21+$0x10]  }
.Ltmp37:
0x24d: {  	v8 =	vld [tilespmem:s21+$0xFFFFFFF0];
	(pc) =	sbr.rel @!p0 .LBB2_46-.Ltmp37, $3  }
0x24e: {  	v9 =	vld [tilespmem:s21+$0x0]  }
0x24f: {  	v10 =	vld [tilespmem:s21+$0xFFFFFFE0];
	_ =	sdelay $0x1  }
0x250: {  	s1 =	sadd.s32 $0xFFFFFFFF, s1;
	s21 =	sadd.s32 $0x40, s21;
	v4 =	vmax.f32 v4, v11;
	v5 =	vadd.f32 v11, v5  }
.LBB2_45:
0x251: {  	v11 =	vld [tilespmem:s21+$0x10];
	p0 =	sne.s32 s1, $0x1;
	s1 =	sadd.s32 $0xFFFFFFFF, s1;
	v2 =	vmax.f32 v2, v8;
	v7 =	vadd.f32 v8, v7  }
.Ltmp38:
0x252: {  	v8 =	vld [tilespmem:s21+$0xFFFFFFF0];
	v3 =	vmax.f32 v3, v9;
	v6 =	vadd.f32 v9, v6;
	(pc) =	sbr.rel @p0 .LBB2_45-.Ltmp38, $3  }
0x253: {  	v9 =	vld [tilespmem:s21+$0x0];
	v0 =	vmax.f32 v0, v10;
	v1 =	vadd.f32 v10, v1  }
0x254: {  	v10 =	vld [tilespmem:s21+$0xFFFFFFE0];
	_ =	sdelay $0x1  }
0x255: {  	s21 =	sadd.s32 $0x40, s21;
	v4 =	vmax.f32 v4, v11;
	v5 =	vadd.f32 v11, v5  }
.LBB2_46:
0x256: {  	_ = 	snop  }
0x257: {  	v2 =	vmax.f32 v2, v8;
	v7 =	vadd.f32 v8, v7;
	v3 =	vmax.f32 v3, v9  }
0x258: {  	v6 =	vadd.f32 v9, v6;
	v0 =	vmax.f32 v0, v10;
	v1 =	vadd.f32 v10, v1  }
.LBB2_47:
0x259: {  	p0 =	slt.s32 s20, $0x8  }
.Ltmp39:
0x25a: {  	_ = 	snop;
	(pc) =	sbr.rel @p0 .LBB2_48-.Ltmp39, $4  }
0x25b: {  	s1 =	sshra.s32 s20, $0x1F  }
0x25c: {  	s1 =	sshrl.u32 s1, $0x1D  }
0x25d: {  	s1 =	sadd.s32 s1, s20  }
0x25e: {  	v8 =	vimm.f32 $-1.000000020e+30;
	v13 =	vimm.f32 $0.0e+00;
	s22 =	simm.s32 $0xEE20;
	s21 =	sshra.s32 s1, $0x3  }
0x25f: {  	v9 =	vld [tilespmem:s22+$0xC0]  }
0x260: {  	v11 =	vld [tilespmem:s22+$0xD0]  }
0x261: {  	v10 =	vld [tilespmem:s22+$0xE0]  }
0x262: {  	v14 =	vld [tilespmem:s22+$0x80]  }
0x263: {  	v15 =	vld [tilespmem:s22+$0x90]  }
0x264: {  	v12 =	vld [tilespmem:s22+$0x40]  }
0x265: {  	v17 =	vld [tilespmem:s22+$0x0]  }
0x266: {  	v19 =	vld [tilespmem:s22+$0xFFFFFFC0]  }
0x267: {  	v23 =	vld [tilespmem:s22+$0xFFFFFF80]  }
0x268: {  	v27 =	vld [tilespmem:s22+$0xFFFFFF40]  }
0x269: {  	v30 =	vld [tilespmem:s22+$0xFFFFFF00]  }
0x26a: {  	v31 =	vld [tilespmem:s22+$0xFFFFFF10]  }
0x26b: {  	v29 =	vld [tilespmem:s22+$0xFFFFFF50]  }
0x26c: {  	v26 =	vld [tilespmem:s22+$0xFFFFFF90]  }
0x26d: {  	v24 =	vld [tilespmem:s22+$0xFFFFFFD0]  }
0x26e: {  	v20 =	vld [tilespmem:s22+$0x10]  }
0x26f: {  	v16 =	vld [tilespmem:s22+$0x50];
	p0 =	sne.s32 s21, $0x1  }
.Ltmp40:
0x270: {  	v18 =	vld [tilespmem:s22+$0x60];
	v21 =	vmax.f32 v8, v30;
	v22 =	vmax.f32 v8, v31;
	(pc) =	sbr.rel @!p0 .LBB2_51-.Ltmp40, $4  }
0x271: {  	v25 =	vld [tilespmem:s22+$0xFFFFFFE0];
	v32 =	vimm.f32 $0.0e+00;
	v21 =	vmax.f32 v21, v27;
	v22 =	vmax.f32 v22, v29  }
0x272: {  	v35 =	vld [tilespmem:s22+$0xFFFFFF60];
	v33 =	vimm.f32 $0.0e+00;
	v21 =	vmax.f32 v21, v23;
	v22 =	vmax.f32 v22, v26  }
0x273: {  	v36 =	vld [tilespmem:s22+$0xFFFFFF20];
	v34 =	vimm.f32 $0.0e+00;
	v21 =	vmax.f32 v21, v19;
	v22 =	vmax.f32 v22, v24  }
0x274: {  	v28 =	vld [tilespmem:s22+$0xFFFFFF30];
	s1 =	sadd.s32 $0xFFFFFFFF, s21;
	s23 =	simm.s32 $0xEE20;
	v21 =	vmax.f32 v21, v17;
	v37 =	vmax.f32 v22, v20;
	v22 =	vimm.f32 $-1.000000020e+30  }
.LBB2_50:
0x275: {  	p0 =	sne.s32 s1, $0x1;
	v38 =	vld [tilespmem:s22+$0xFFFFFFA0];
	v21 =	vmax.f32 v21, v12;
	v37 =	vmax.f32 v37, v16  }
0x276: {  	v39 =	vld [tilespmem:s22+$0xFFFFFF70];
	v21 =	vmax.f32 v21, v14;
	v37 =	vmax.f32 v37, v15  }
0x277: {  	v40 =	vld [tilespmem:s22+$0x20];
	v21 =	vmax.f32 v21, v9;
	v37 =	vmax.f32 v37, v11  }
0x278: {  	v13 =	vadd.f32 v30, v13;
	v30 =	vadd.f32 v31, v32;
	v8 =	vmax.f32 v8, v36;
	v31 =	vld [tilespmem:s22+$0xFFFFFFB0]  }
0x279: {  	v32 =	vadd.f32 v36, v33;
	v33 =	vadd.f32 v28, v34;
	v8 =	vmax.f32 v8, v35;
	v34 =	vld [tilespmem:s22+$0xA0]  }
0x27a: {  	v13 =	vadd.f32 v27, v13;
	v27 =	vadd.f32 v29, v30;
	s22 =	sadd.s32 $0x200, s22;
	v8 =	vmax.f32 v8, v38;
	v29 =	vld [tilespmem:s23+$0xFFFFFFF0]  }
0x27b: {  	v32 =	vadd.f32 v35, v32;
	v30 =	vld [tilespmem:s22+$0xC0];
	v33 =	vadd.f32 v39, v33;
	v8 =	vmax.f32 v8, v25  }
0x27c: {  	v13 =	vadd.f32 v23, v13;
	v23 =	vadd.f32 v26, v27;
	v26 =	vld [tilespmem:s23+$0x30];
	v8 =	vmax.f32 v8, v40  }
0x27d: {  	v32 =	vadd.f32 v38, v32;
	v27 =	vld [tilespmem:s22+$0xD0];
	v33 =	vadd.f32 v31, v33;
	v8 =	vmax.f32 v8, v18  }
0x27e: {  	v13 =	vadd.f32 v19, v13;
	v19 =	vadd.f32 v24, v23;
	v23 =	vld [tilespmem:s23+$0x70];
	v8 =	vmax.f32 v8, v34  }
0x27f: {  	v25 =	vadd.f32 v25, v32;
	v24 =	vld [tilespmem:s22+$0xE0];
	v32 =	vadd.f32 v29, v33;
	v8 =	vmax.f32 v8, v10  }
0x280: {  	v22 =	vmax.f32 v22, v28;
	v13 =	vadd.f32 v17, v13;
	v17 =	vadd.f32 v20, v19;
	v19 =	vld [tilespmem:s23+$0xB0]  }
0x281: {  	v20 =	vmax.f32 v22, v39;
	v22 =	vadd.f32 v40, v25;
	v25 =	vadd.f32 v26, v32;
	v28 =	vld [tilespmem:s23+$0xF0];
	s23 =	smov.u32 s22  }
0x282: {  	v20 =	vmax.f32 v20, v31;
	v13 =	vadd.f32 v12, v13;
	v16 =	vadd.f32 v16, v17;
	v35 =	vld [tilespmem:s22+$0x80]  }
0x283: {  	v17 =	vmax.f32 v20, v29;
	v18 =	vadd.f32 v18, v22;
	v31 =	vld [tilespmem:s22+$0x90];
	v20 =	vadd.f32 v23, v25  }
0x284: {  	v17 =	vmax.f32 v17, v26;
	v13 =	vadd.f32 v14, v13;
	v14 =	vadd.f32 v15, v16;
	v12 =	vld [tilespmem:s22+$0x40]  }
0x285: {  	v15 =	vmax.f32 v17, v23;
	v18 =	vadd.f32 v34, v18;
	v16 =	vld [tilespmem:s22+$0x50];
	v20 =	vadd.f32 v19, v20  }
0x286: {  	v13 =	vadd.f32 v9, v13;
	v32 =	vadd.f32 v11, v14;
	v9 =	vmovc v30;
	v25 =	vmax.f32 v15, v19;
	v17 =	vld [tilespmem:s22+$0x0]  }
0x287: {  	v11 =	vmovc v27;
	v22 =	vmax.f32 v25, v28;
	v33 =	vadd.f32 v10, v18;
	v19 =	vld [tilespmem:s22+$0xFFFFFFC0];
	v34 =	vadd.f32 v28, v20  }
0x288: {  	v10 =	vmov v24;
	v14 =	vmov v35;
	v23 =	vld [tilespmem:s22+$0xFFFFFF80];
	v15 =	vmov v31  }
0x289: {  	v27 =	vld [tilespmem:s22+$0xFFFFFF40]  }
0x28a: {  	v30 =	vld [tilespmem:s22+$0xFFFFFF00]  }
0x28b: {  	v31 =	vld [tilespmem:s22+$0xFFFFFF10]  }
0x28c: {  	v29 =	vld [tilespmem:s22+$0xFFFFFF50]  }
0x28d: {  	v26 =	vld [tilespmem:s22+$0xFFFFFF90]  }
0x28e: {  	v24 =	vld [tilespmem:s22+$0xFFFFFFD0]  }
0x28f: {  	v20 =	vld [tilespmem:s22+$0x10]  }
.Ltmp41:
0x290: {  	v21 =	vmax.f32 v21, v30;
	v25 =	vmax.f32 v37, v31;
	v18 =	vld [tilespmem:s22+$0x60];
	(pc) =	sbr.rel @p0 .LBB2_50-.Ltmp41, $4  }
0x291: {  	v21 =	vmax.f32 v21, v27;
	v28 =	vmax.f32 v25, v29;
	v25 =	vld [tilespmem:s22+$0xFFFFFFE0]  }
0x292: {  	v21 =	vmax.f32 v21, v23;
	v35 =	vld [tilespmem:s22+$0xFFFFFF60];
	v28 =	vmax.f32 v28, v26  }
0x293: {  	v21 =	vmax.f32 v21, v19;
	v36 =	vld [tilespmem:s22+$0xFFFFFF20];
	v37 =	vmax.f32 v28, v24  }
0x294: {  	s1 =	sadd.s32 $0xFFFFFFFF, s1;
	v21 =	vmax.f32 v21, v17;
	v28 =	vld [tilespmem:s22+$0xFFFFFF30];
	v37 =	vmax.f32 v37, v20  }
.LBB2_51:
0x295: {  	v38 =	vld [tilespmem:s22+$0xFFFFFFA0]  }
0x296: {  	v39 =	vld [tilespmem:s22+$0xFFFFFF70];
	v13 =	vadd.f32 v30, v13  }
0x297: {  	v21 =	vmax.f32 v21, v12;
	v40 =	vld [tilespmem:s22+$0x20];
	v48 =	vadd.f32 v31, v32  }
0x298: {  	v37 =	vmax.f32 v37, v16;
	v49 =	vld [tilespmem:s22+$0xFFFFFFB0];
	v13 =	vadd.f32 v27, v13;
	v8 =	vmax.f32 v8, v36  }
0x299: {  	v52 =	vld [tilespmem:s22+$0xA0];
	v53 =	vadd.f32 v29, v48;
	v50 =	vadd.f32 v36, v33;
	v8 =	vmax.f32 v8, v35  }
0x29a: {  	v51 =	vadd.f32 v28, v34;
	v13 =	vadd.f32 v23, v13;
	v8 =	vmax.f32 v8, v38  }
0x29b: {  	v54 =	vld [tilespmem:s23+$0xFFFFFFF0];
	v23 =	vadd.f32 v26, v53;
	v55 =	vadd.f32 v35, v50;
	v8 =	vmax.f32 v8, v25  }
0x29c: {  	v56 =	vadd.f32 v39, v51;
	v13 =	vadd.f32 v19, v13;
	v8 =	vmax.f32 v8, v40  }
0x29d: {  	v57 =	vld [tilespmem:s23+$0x30];
	v23 =	vadd.f32 v24, v23;
	v58 =	vadd.f32 v38, v55;
	v8 =	vmax.f32 v8, v18  }
0x29e: {  	v59 =	vadd.f32 v49, v56;
	v13 =	vadd.f32 v17, v13;
	v8 =	vmax.f32 v8, v52  }
0x29f: {  	v60 =	vld [tilespmem:s23+$0x70];
	v17 =	vadd.f32 v20, v23;
	v19 =	vmax.f32 v8, v10;
	v8 =	vmax.f32 v22, v28  }
0x2a0: {  	v20 =	vld [tilespmem:s23+$0xB0];
	v61 =	vadd.f32 v25, v58;
	v62 =	vadd.f32 v54, v59;
	v8 =	vmax.f32 v8, v39  }
0x2a1: {  	v21 =	vmax.f32 v21, v14;
	v37 =	vmax.f32 v37, v15;
	v8 =	vmax.f32 v8, v49  }
0x2a2: {  	v22 =	vadd.f32 v40, v61;
	v23 =	vadd.f32 v57, v62;
	v8 =	vmax.f32 v8, v54  }
0x2a3: {  	v63 =	vld [tilespmem:s23+$0xF0];
	v12 =	vadd.f32 v12, v13;
	v13 =	vadd.f32 v16, v17;
	v8 =	vmax.f32 v8, v57  }
.Ltmp42:
0x2a4: {  	v16 =	vadd.f32 v18, v22;
	v17 =	vadd.f32 v60, v23;
	v8 =	vmax.f32 v8, v60;
	(pc) =	sbr.rel .LBB2_52-.Ltmp42, $4  }
0x2a5: {  	v12 =	vadd.f32 v14, v12;
	v14 =	vadd.f32 v15, v13;
	v8 =	vmax.f32 v8, v20  }
0x2a6: {  	v41 =	vmax.f32 v21, v9;
	v15 =	vadd.f32 v52, v16;
	v16 =	vadd.f32 v20, v17  }
0x2a7: {  	v21 =	vmax.f32 v37, v11;
	v13 =	vadd.f32 v9, v12;
	v12 =	vadd.f32 v11, v14  }
0x2a8: {  	v9 =	vmax.f32 v8, v63;
	v11 =	vadd.f32 v10, v15;
	v10 =	vadd.f32 v63, v16;
	v8 =	vmovc v41  }
.LBB2_48:
0x2a9: {  	v21 =	vimm.f32 $-1.000000020e+30;
	v19 =	vimm.f32 $-1.000000020e+30;
	v9 =	vimm.f32 $-1.000000020e+30  }
0x2aa: {  	v12 =	vimm.f32 $0.0e+00;
	v11 =	vimm.f32 $0.0e+00;
	v10 =	vimm.f32 $0.0e+00  }
.LBB2_52:
0x2ab: {  	s1 =	sshll.u32 s21, $0x3  }
0x2ac: {  	p0 =	sle.s32 s20, s1  }
.Ltmp43:
0x2ad: {  	_ = 	snop;
	(pc) =	sbr.rel @p0 .LBB2_56-.Ltmp43, $1  }
0x2ae: {  	_ =	sdelay $0x3  }
0x2af: {  	s21 =	sshll.u32 s21, $0xB  }
0x2b0: {  	s21 =	sshra.s32 s21, $0x2  }
0x2b1: {  	s1 =	ssub.s32 s20, s1;
	s21 =	sadd.s32 $0xED40, s21  }
0x2b2: {  	p0 =	sne.s32 s1, $0x1;
	v17 =	vld [tilespmem:s21+$0x10]  }
.Ltmp44:
0x2b3: {  	v14 =	vld [tilespmem:s21+$0xFFFFFFF0];
	(pc) =	sbr.rel @!p0 .LBB2_55-.Ltmp44, $3  }
0x2b4: {  	v15 =	vld [tilespmem:s21+$0x0]  }
0x2b5: {  	v16 =	vld [tilespmem:s21+$0xFFFFFFE0];
	_ =	sdelay $0x1  }
0x2b6: {  	s1 =	sadd.s32 $0xFFFFFFFF, s1;
	s21 =	sadd.s32 $0x40, s21;
	v9 =	vmax.f32 v9, v17;
	v10 =	vadd.f32 v17, v10  }
.LBB2_54:
0x2b7: {  	v17 =	vld [tilespmem:s21+$0x10];
	p0 =	sne.s32 s1, $0x1;
	s1 =	sadd.s32 $0xFFFFFFFF, s1;
	v21 =	vmax.f32 v21, v14;
	v12 =	vadd.f32 v14, v12  }
.Ltmp45:
0x2b8: {  	v14 =	vld [tilespmem:s21+$0xFFFFFFF0];
	v19 =	vmax.f32 v19, v15;
	v11 =	vadd.f32 v15, v11;
	(pc) =	sbr.rel @p0 .LBB2_54-.Ltmp45, $3  }
0x2b9: {  	v15 =	vld [tilespmem:s21+$0x0];
	v8 =	vmax.f32 v8, v16;
	v13 =	vadd.f32 v16, v13  }
0x2ba: {  	v16 =	vld [tilespmem:s21+$0xFFFFFFE0];
	_ =	sdelay $0x1  }
0x2bb: {  	s21 =	sadd.s32 $0x40, s21;
	v9 =	vmax.f32 v9, v17;
	v10 =	vadd.f32 v17, v10  }
.LBB2_55:
0x2bc: {  	_ = 	snop  }
0x2bd: {  	v21 =	vmax.f32 v21, v14;
	v12 =	vadd.f32 v14, v12;
	v19 =	vmax.f32 v19, v15  }
0x2be: {  	v11 =	vadd.f32 v15, v11;
	v8 =	vmax.f32 v8, v16;
	v13 =	vadd.f32 v16, v13  }
.LBB2_56:
0x2bf: {  	p1 =	sgt.s32 s19, $0x1  }
0x2c0: {  	p0 =	sgt.s32 s19, $0x0;
	p2 =	sgt.s32 s20, $0x1;
	s19 =	simm.s32 @!p1 $0x1  }
0x2c1: {  	p6 =	sgt.s32 s20, $0x0;
	s20 =	simm.s32 @!p2 $0x1;
	s1 =	scvt.s32.f32 s19  }
0x2c2: {  	s22 =	scvt.s32.f32 s20  }
0x2c3: {  	v14 =	vmov s1  }
0x2c4: {  	v62 =	vmov s22;
	(erf) = vrcp.f32 v14  }
0x2c5: {  	(erf) = vrcp.f32 v62;
	_ =	sdelay $0x6  }
0x2c6: {  	s23 =	sshll.u32 s17, $0x9  }
0x2c7: {  	v0 =	vpsel !p0, $0x0, v0;
	s1 =	sand.u32 $0x3FFFFE00, s23;
	v63 =	vpop (erf)  }
0x2c8: {  	[tilespmem:s1+$0x15120] =	vst v0;
	v0 =	vpsel !p6, $0x0, v8;
	v15 =	vpop (erf);
	v1 =	vmul.f32 v1, v63  }
0x2c9: {  	[tilespmem:s1+$0x15160] =	vst v0;
	v0 =	vmul.f32 v13, v15  }
0x2ca: {  	[tilespmem:s1+$0x151A0] =	vst v1  }
0x2cb: {  	[tilespmem:s1+$0x151E0] =	vst v0;
	v0 =	vpsel !p0, $0x0, v2  }
0x2cc: {  	v1 =	vmul.f32 v7, v63;
	[tilespmem:s1+$0x15130] =	vst v0;
	v0 =	vpsel !p6, $0x0, v21  }
0x2cd: {  	[tilespmem:s1+$0x15170] =	vst v0;
	v0 =	vmul.f32 v12, v15  }
0x2ce: {  	[tilespmem:s1+$0x151B0] =	vst v1  }
0x2cf: {  	[tilespmem:s1+$0x151F0] =	vst v0;
	v0 =	vpsel !p0, $0x0, v3  }
0x2d0: {  	v1 =	vmul.f32 v6, v63;
	[tilespmem:s1+$0x15140] =	vst v0;
	v0 =	vpsel !p6, $0x0, v19  }
0x2d1: {  	[tilespmem:s1+$0x15180] =	vst v0;
	v0 =	vmul.f32 v11, v15  }
0x2d2: {  	[tilespmem:s1+$0x151C0] =	vst v1  }
0x2d3: {  	[tilespmem:s1+$0x15200] =	vst v0;
	v0 =	vpsel !p0, $0x0, v4  }
0x2d4: {  	v1 =	vmul.f32 v5, v63;
	[tilespmem:s1+$0x15150] =	vst v0;
	v0 =	vpsel !p6, $0x0, v9  }
0x2d5: {  	[tilespmem:s1+$0x15190] =	vst v0;
	v0 =	vmul.f32 v10, v15  }
0x2d6: {  	[tilespmem:s1+$0x151D0] =	vst v1  }
0x2d7: {  	[tilespmem:s1+$0x15210] =	vst v0  }
0x2d8: {  	v0 =	vld [tilespmem:s15+$0x7000];
	_ =	sdelay $0x4  }
0x2d9: {  	(v2sf) =	vpush v0, $0x0  }
0x2da: {  	v1 =	vld [tilespmem:s15+$0x7090];
	_ =	sdelay $0x4  }
0x2db: {  	(v2sf) =	vpush v1, $0x0;
	_ =	sdelay $0x8  }
0x2dc: {  	s17 =	spop (v2sf)  }
0x2dd: {  	p0 =	slt.s32 s17, $0x4  }
.Ltmp46:
0x2de: {  	_ = 	snop;
	(pc) =	sbr.rel @p0 .LBB2_57-.Ltmp46, $4  }
0x2df: {  	s24 =	sshra.s32 s17, $0x1F  }
0x2e0: {  	s1 =	sshrl.u32 s24, $0x1E  }
0x2e1: {  	s1 =	sadd.s32 s1, s17  }
0x2e2: {  	v0 =	vimm.f32 $0.0e+00;
	v1 =	vimm.f32 $-1.000000020e+30;
	s19 =	spop (v2sf);
	s20 =	sshra.s32 s1, $0x2;
	s1 =	simm.s32 $0xE810  }
0x2e3: {  	v4 =	vld [tilespmem:s1+$0xFFFFFFD0]  }
0x2e4: {  	v6 =	vld [tilespmem:s1+$0xFFFFFFE0]  }
0x2e5: {  	v5 =	vld [tilespmem:s1+$0xFFFFFFF0]  }
0x2e6: {  	v7 =	vld [tilespmem:s1+$0xFFFFFF90]  }
0x2e7: {  	v13 =	vld [tilespmem:s1+$0xFFFFFF10]  }
0x2e8: {  	v14 =	vld [tilespmem:s1+$0xFFFFFF20]  }
0x2e9: {  	v3 =	vld [tilespmem:s1+$0xFFFFFF50];
	p0 =	sne.s32 s20, $0x1  }
.Ltmp47:
0x2ea: {  	v11 =	vld [tilespmem:s1+$0xFFFFFF60];
	(pc) =	sbr.rel @!p0 .LBB2_60-.Ltmp47, $4  }
0x2eb: {  	v8 =	vld [tilespmem:s1+$0xFFFFFFA0]  }
0x2ec: {  	v10 =	vld [tilespmem:s1+$0xFFFFFF70]  }
0x2ed: {  	v18 =	vld [tilespmem:s1+$0xFFFFFF30];
	v15 =	vimm.f32 $0.0e+00;
	v16 =	vimm.f32 $0.0e+00;
	v17 =	vimm.f32 $0.0e+00  }
0x2ee: {  	v12 =	vld [tilespmem:s1+$0xFFFFFF40];
	s22 =	sadd.s32 $0xFFFFFFFF, s20;
	s21 =	simm.s32 $0xE810;
	v9 =	vimm.f32 $-1.000000020e+30;
	v2 =	vmax.f32 v1, v13;
	v19 =	vmax.f32 v1, v14  }
.LBB2_59:
0x2ef: {  	p0 =	sne.s32 s22, $0x1;
	v2 =	vmax.f32 v2, v3;
	v19 =	vmax.f32 v19, v11;
	v20 =	vld [tilespmem:s1+$0xFFFFFFB0]  }
0x2f0: {  	s1 =	sadd.s32 $0x100, s1;
	v21 =	vld [tilespmem:s21+$0xFFFFFF80];
	v2 =	vmax.f32 v2, v7;
	v19 =	vmax.f32 v19, v8  }
0x2f1: {  	v22 =	vld [tilespmem:s1+$0xFFFFFFD0];
	v2 =	vmax.f32 v2, v4;
	v19 =	vmax.f32 v19, v6  }
0x2f2: {  	v0 =	vadd.f32 v13, v0;
	v13 =	vadd.f32 v14, v15;
	v1 =	vmax.f32 v1, v18;
	v14 =	vld [tilespmem:s21+$0xFFFFFFC0]  }
0x2f3: {  	v15 =	vadd.f32 v18, v16;
	v23 =	vld [tilespmem:s1+$0xFFFFFFE0];
	v16 =	vadd.f32 v12, v17;
	v1 =	vmax.f32 v1, v10  }
0x2f4: {  	v0 =	vadd.f32 v3, v0;
	v3 =	vadd.f32 v11, v13;
	v1 =	vmax.f32 v1, v20;
	v11 =	vld [tilespmem:s21+$0x0];
	s21 =	smov.u32 s1  }
0x2f5: {  	v10 =	vadd.f32 v10, v15;
	v18 =	vld [tilespmem:s1+$0xFFFFFFF0];
	v13 =	vadd.f32 v21, v16;
	v1 =	vmax.f32 v1, v5  }
0x2f6: {  	v9 =	vmax.f32 v9, v12;
	v0 =	vadd.f32 v7, v0;
	v8 =	vadd.f32 v8, v3;
	v7 =	vld [tilespmem:s1+$0xFFFFFF90]  }
0x2f7: {  	v9 =	vmax.f32 v9, v21;
	v10 =	vadd.f32 v20, v10;
	v3 =	vld [tilespmem:s1+$0xFFFFFF50];
	v12 =	vadd.f32 v14, v13  }
0x2f8: {  	v0 =	vadd.f32 v4, v0;
	v15 =	vadd.f32 v6, v8;
	v4 =	vmovc v22;
	v9 =	vmax.f32 v9, v14;
	v13 =	vld [tilespmem:s1+$0xFFFFFF10]  }
0x2f9: {  	v16 =	vadd.f32 v5, v10;
	v6 =	vmovc v23;
	v14 =	vld [tilespmem:s1+$0xFFFFFF20];
	v9 =	vmax.f32 v9, v11;
	v17 =	vadd.f32 v11, v12  }
.Ltmp48:
0x2fa: {  	v11 =	vld [tilespmem:s1+$0xFFFFFF60];
	v5 =	vmov v18;
	(pc) =	sbr.rel @p0 .LBB2_59-.Ltmp48, $4  }
0x2fb: {  	v8 =	vld [tilespmem:s1+$0xFFFFFFA0]  }
0x2fc: {  	v10 =	vld [tilespmem:s1+$0xFFFFFF70]  }
0x2fd: {  	v18 =	vld [tilespmem:s1+$0xFFFFFF30]  }
0x2fe: {  	s22 =	sadd.s32 $0xFFFFFFFF, s22;
	v2 =	vmax.f32 v2, v13;
	v12 =	vld [tilespmem:s1+$0xFFFFFF40];
	v19 =	vmax.f32 v19, v14  }
.LBB2_60:
0x2ff: {  	v20 =	vld [tilespmem:s1+$0xFFFFFFB0];
	_ =	sdelay $0x1  }
0x300: {  	v2 =	vmax.f32 v2, v3;
	v19 =	vmax.f32 v19, v11;
	v21 =	vld [tilespmem:s21+$0xFFFFFF80];
	v0 =	vadd.f32 v13, v0  }
0x301: {  	v55 =	vadd.f32 v14, v15;
	v56 =	vld [tilespmem:s21+$0xFFFFFFC0];
	v2 =	vmax.f32 v2, v7;
	v1 =	vmax.f32 v1, v18  }
0x302: {  	v19 =	vmax.f32 v19, v8;
	v0 =	vadd.f32 v3, v0;
	v1 =	vmax.f32 v1, v10  }
0x303: {  	v57 =	vadd.f32 v18, v16;
	v58 =	vadd.f32 v12, v17;
	v1 =	vmax.f32 v1, v20  }
0x304: {  	v60 =	vld [tilespmem:s21+$0x0];
	v59 =	vadd.f32 v11, v55;
	v3 =	vmax.f32 v1, v5;
	v1 =	vmax.f32 v9, v12  }
.Ltmp49:
0x305: {  	v61 =	vadd.f32 v10, v57;
	v62 =	vadd.f32 v21, v58;
	v1 =	vmax.f32 v1, v21;
	(pc) =	sbr.rel .LBB2_61-.Ltmp49, $4  }
0x306: {  	v0 =	vadd.f32 v7, v0;
	v7 =	vadd.f32 v8, v59;
	v1 =	vmax.f32 v1, v56  }
0x307: {  	v22 =	vmax.f32 v2, v4;
	v8 =	vadd.f32 v20, v61;
	v63 =	vadd.f32 v56, v62  }
0x308: {  	v2 =	vmax.f32 v19, v6;
	v0 =	vadd.f32 v4, v0;
	v7 =	vadd.f32 v6, v7  }
0x309: {  	v4 =	vmax.f32 v1, v60;
	v6 =	vadd.f32 v5, v8;
	v5 =	vadd.f32 v60, v63;
	v1 =	vmovc v22  }
.LBB2_57:
0x30a: {  	v2 =	vimm.f32 $-1.000000020e+30;
	v3 =	vimm.f32 $-1.000000020e+30;
	v4 =	vimm.f32 $-1.000000020e+30  }
0x30b: {  	v7 =	vimm.f32 $0.0e+00;
	v6 =	vimm.f32 $0.0e+00;
	v5 =	vimm.f32 $0.0e+00  }
.LBB2_61:
0x30c: {  	s1 =	sshll.u32 s20, $0x2  }
0x30d: {  	p0 =	sle.s32 s17, s1  }
.Ltmp50:
0x30e: {  	_ = 	snop;
	(pc) =	sbr.rel @p0 .LBB2_65-.Ltmp50, $1  }
0x30f: {  	_ =	sdelay $0x3  }
0x310: {  	s20 =	sshll.u32 s20, $0xA  }
0x311: {  	s20 =	sshra.s32 s20, $0x2  }
0x312: {  	s1 =	ssub.s32 s17, s1;
	s20 =	sadd.s32 $0xE750, s20  }
0x313: {  	p0 =	sne.s32 s1, $0x1;
	v11 =	vld [tilespmem:s20+$0x0]  }
.Ltmp51:
0x314: {  	v8 =	vld [tilespmem:s20+$0xFFFFFFE0];
	(pc) =	sbr.rel @!p0 .LBB2_64-.Ltmp51, $3  }
0x315: {  	v9 =	vld [tilespmem:s20+$0xFFFFFFF0]  }
0x316: {  	v10 =	vld [tilespmem:s20+$0xFFFFFFD0];
	_ =	sdelay $0x1  }
0x317: {  	s1 =	sadd.s32 $0xFFFFFFFF, s1;
	s20 =	sadd.s32 $0x40, s20;
	v4 =	vmax.f32 v4, v11;
	v5 =	vadd.f32 v11, v5  }
.LBB2_63:
0x318: {  	v11 =	vld [tilespmem:s20+$0x0];
	p0 =	sne.s32 s1, $0x1;
	s1 =	sadd.s32 $0xFFFFFFFF, s1;
	v2 =	vmax.f32 v2, v8;
	v7 =	vadd.f32 v8, v7  }
.Ltmp52:
0x319: {  	v8 =	vld [tilespmem:s20+$0xFFFFFFE0];
	v3 =	vmax.f32 v3, v9;
	v6 =	vadd.f32 v9, v6;
	(pc) =	sbr.rel @p0 .LBB2_63-.Ltmp52, $3  }
0x31a: {  	v9 =	vld [tilespmem:s20+$0xFFFFFFF0];
	v1 =	vmax.f32 v1, v10;
	v0 =	vadd.f32 v10, v0  }
0x31b: {  	v10 =	vld [tilespmem:s20+$0xFFFFFFD0];
	_ =	sdelay $0x1  }
0x31c: {  	s20 =	sadd.s32 $0x40, s20;
	v4 =	vmax.f32 v4, v11;
	v5 =	vadd.f32 v11, v5  }
.LBB2_64:
0x31d: {  	_ = 	snop  }
0x31e: {  	v2 =	vmax.f32 v2, v8;
	v7 =	vadd.f32 v8, v7;
	v3 =	vmax.f32 v3, v9  }
0x31f: {  	v6 =	vadd.f32 v9, v6;
	v1 =	vmax.f32 v1, v10;
	v0 =	vadd.f32 v10, v0  }
.LBB2_65:
0x320: {  	p0 =	slt.s32 s19, $0x8  }
.Ltmp53:
0x321: {  	_ = 	snop;
	(pc) =	sbr.rel @p0 .LBB2_66-.Ltmp53, $4  }
0x322: {  	s1 =	sshra.s32 s19, $0x1F  }
0x323: {  	s1 =	sshrl.u32 s1, $0x1D  }
0x324: {  	s1 =	sadd.s32 s1, s19  }
0x325: {  	v8 =	vimm.f32 $-1.000000020e+30;
	v13 =	vimm.f32 $0.0e+00;
	s21 =	simm.s32 $0x12110;
	s20 =	sshra.s32 s1, $0x3  }
0x326: {  	v9 =	vld [tilespmem:s21+$0xFFFFFFD0]  }
0x327: {  	v11 =	vld [tilespmem:s21+$0xFFFFFFE0]  }
0x328: {  	v10 =	vld [tilespmem:s21+$0xFFFFFFF0]  }
0x329: {  	v14 =	vld [tilespmem:s21+$0xFFFFFF90]  }
0x32a: {  	v15 =	vld [tilespmem:s21+$0xFFFFFFA0]  }
0x32b: {  	v12 =	vld [tilespmem:s21+$0xFFFFFF50]  }
0x32c: {  	v17 =	vld [tilespmem:s21+$0xFFFFFF10]  }
0x32d: {  	v19 =	vld [tilespmem:s21+$0xFFFFFED0]  }
0x32e: {  	v23 =	vld [tilespmem:s21+$0xFFFFFE90]  }
0x32f: {  	v27 =	vld [tilespmem:s21+$0xFFFFFE50]  }
0x330: {  	v30 =	vld [tilespmem:s21+$0xFFFFFE10]  }
0x331: {  	v31 =	vld [tilespmem:s21+$0xFFFFFE20]  }
0x332: {  	v29 =	vld [tilespmem:s21+$0xFFFFFE60]  }
0x333: {  	v26 =	vld [tilespmem:s21+$0xFFFFFEA0]  }
0x334: {  	v24 =	vld [tilespmem:s21+$0xFFFFFEE0]  }
0x335: {  	v20 =	vld [tilespmem:s21+$0xFFFFFF20]  }
0x336: {  	v16 =	vld [tilespmem:s21+$0xFFFFFF60];
	p0 =	sne.s32 s20, $0x1  }
.Ltmp54:
0x337: {  	v18 =	vld [tilespmem:s21+$0xFFFFFF70];
	v21 =	vmax.f32 v8, v30;
	v22 =	vmax.f32 v8, v31;
	(pc) =	sbr.rel @!p0 .LBB2_69-.Ltmp54, $4  }
0x338: {  	v25 =	vld [tilespmem:s21+$0xFFFFFEF0];
	v32 =	vimm.f32 $0.0e+00;
	v21 =	vmax.f32 v21, v27;
	v22 =	vmax.f32 v22, v29  }
0x339: {  	v35 =	vld [tilespmem:s21+$0xFFFFFE70];
	v33 =	vimm.f32 $0.0e+00;
	v21 =	vmax.f32 v21, v23;
	v22 =	vmax.f32 v22, v26  }
0x33a: {  	v36 =	vld [tilespmem:s21+$0xFFFFFE30];
	v34 =	vimm.f32 $0.0e+00;
	v21 =	vmax.f32 v21, v19;
	v22 =	vmax.f32 v22, v24  }
0x33b: {  	v28 =	vld [tilespmem:s21+$0xFFFFFE40];
	s1 =	sadd.s32 $0xFFFFFFFF, s20;
	s22 =	simm.s32 $0x12110;
	v21 =	vmax.f32 v21, v17;
	v37 =	vmax.f32 v22, v20;
	v22 =	vimm.f32 $-1.000000020e+30  }
.LBB2_68:
0x33c: {  	p0 =	sne.s32 s1, $0x1;
	v38 =	vld [tilespmem:s21+$0xFFFFFEB0];
	v21 =	vmax.f32 v21, v12;
	v37 =	vmax.f32 v37, v16  }
0x33d: {  	v39 =	vld [tilespmem:s21+$0xFFFFFE80];
	v21 =	vmax.f32 v21, v14;
	v37 =	vmax.f32 v37, v15  }
0x33e: {  	v40 =	vld [tilespmem:s21+$0xFFFFFF30];
	v21 =	vmax.f32 v21, v9;
	v37 =	vmax.f32 v37, v11  }
0x33f: {  	v13 =	vadd.f32 v30, v13;
	v30 =	vadd.f32 v31, v32;
	v8 =	vmax.f32 v8, v36;
	v31 =	vld [tilespmem:s21+$0xFFFFFEC0]  }
0x340: {  	v32 =	vadd.f32 v36, v33;
	v33 =	vadd.f32 v28, v34;
	v8 =	vmax.f32 v8, v35;
	v34 =	vld [tilespmem:s21+$0xFFFFFFB0]  }
0x341: {  	v13 =	vadd.f32 v27, v13;
	v27 =	vadd.f32 v29, v30;
	s21 =	sadd.s32 $0x200, s21;
	v8 =	vmax.f32 v8, v38;
	v29 =	vld [tilespmem:s22+$0xFFFFFF00]  }
0x342: {  	v32 =	vadd.f32 v35, v32;
	v30 =	vld [tilespmem:s21+$0xFFFFFFD0];
	v33 =	vadd.f32 v39, v33;
	v8 =	vmax.f32 v8, v25  }
0x343: {  	v13 =	vadd.f32 v23, v13;
	v23 =	vadd.f32 v26, v27;
	v26 =	vld [tilespmem:s22+$0xFFFFFF40];
	v8 =	vmax.f32 v8, v40  }
0x344: {  	v32 =	vadd.f32 v38, v32;
	v27 =	vld [tilespmem:s21+$0xFFFFFFE0];
	v33 =	vadd.f32 v31, v33;
	v8 =	vmax.f32 v8, v18  }
0x345: {  	v13 =	vadd.f32 v19, v13;
	v19 =	vadd.f32 v24, v23;
	v23 =	vld [tilespmem:s22+$0xFFFFFF80];
	v8 =	vmax.f32 v8, v34  }
0x346: {  	v25 =	vadd.f32 v25, v32;
	v24 =	vld [tilespmem:s21+$0xFFFFFFF0];
	v32 =	vadd.f32 v29, v33;
	v8 =	vmax.f32 v8, v10  }
0x347: {  	v22 =	vmax.f32 v22, v28;
	v13 =	vadd.f32 v17, v13;
	v17 =	vadd.f32 v20, v19;
	v19 =	vld [tilespmem:s22+$0xFFFFFFC0]  }
0x348: {  	v20 =	vmax.f32 v22, v39;
	v22 =	vadd.f32 v40, v25;
	v25 =	vadd.f32 v26, v32;
	v28 =	vld [tilespmem:s22+$0x0];
	s22 =	smov.u32 s21  }
0x349: {  	v20 =	vmax.f32 v20, v31;
	v13 =	vadd.f32 v12, v13;
	v16 =	vadd.f32 v16, v17;
	v35 =	vld [tilespmem:s21+$0xFFFFFF90]  }
0x34a: {  	v17 =	vmax.f32 v20, v29;
	v18 =	vadd.f32 v18, v22;
	v31 =	vld [tilespmem:s21+$0xFFFFFFA0];
	v20 =	vadd.f32 v23, v25  }
0x34b: {  	v17 =	vmax.f32 v17, v26;
	v13 =	vadd.f32 v14, v13;
	v14 =	vadd.f32 v15, v16;
	v12 =	vld [tilespmem:s21+$0xFFFFFF50]  }
0x34c: {  	v15 =	vmax.f32 v17, v23;
	v18 =	vadd.f32 v34, v18;
	v16 =	vld [tilespmem:s21+$0xFFFFFF60];
	v20 =	vadd.f32 v19, v20  }
0x34d: {  	v13 =	vadd.f32 v9, v13;
	v32 =	vadd.f32 v11, v14;
	v9 =	vmovc v30;
	v25 =	vmax.f32 v15, v19;
	v17 =	vld [tilespmem:s21+$0xFFFFFF10]  }
0x34e: {  	v11 =	vmovc v27;
	v22 =	vmax.f32 v25, v28;
	v33 =	vadd.f32 v10, v18;
	v19 =	vld [tilespmem:s21+$0xFFFFFED0];
	v34 =	vadd.f32 v28, v20  }
0x34f: {  	v10 =	vmov v24;
	v14 =	vmov v35;
	v23 =	vld [tilespmem:s21+$0xFFFFFE90];
	v15 =	vmov v31  }
0x350: {  	v27 =	vld [tilespmem:s21+$0xFFFFFE50]  }
0x351: {  	v30 =	vld [tilespmem:s21+$0xFFFFFE10]  }
0x352: {  	v31 =	vld [tilespmem:s21+$0xFFFFFE20]  }
0x353: {  	v29 =	vld [tilespmem:s21+$0xFFFFFE60]  }
0x354: {  	v26 =	vld [tilespmem:s21+$0xFFFFFEA0]  }
0x355: {  	v24 =	vld [tilespmem:s21+$0xFFFFFEE0]  }
0x356: {  	v20 =	vld [tilespmem:s21+$0xFFFFFF20]  }
.Ltmp55:
0x357: {  	v21 =	vmax.f32 v21, v30;
	v25 =	vmax.f32 v37, v31;
	v18 =	vld [tilespmem:s21+$0xFFFFFF70];
	(pc) =	sbr.rel @p0 .LBB2_68-.Ltmp55, $4  }
0x358: {  	v21 =	vmax.f32 v21, v27;
	v28 =	vmax.f32 v25, v29;
	v25 =	vld [tilespmem:s21+$0xFFFFFEF0]  }
0x359: {  	v21 =	vmax.f32 v21, v23;
	v35 =	vld [tilespmem:s21+$0xFFFFFE70];
	v28 =	vmax.f32 v28, v26  }
0x35a: {  	v21 =	vmax.f32 v21, v19;
	v36 =	vld [tilespmem:s21+$0xFFFFFE30];
	v37 =	vmax.f32 v28, v24  }
0x35b: {  	s1 =	sadd.s32 $0xFFFFFFFF, s1;
	v21 =	vmax.f32 v21, v17;
	v28 =	vld [tilespmem:s21+$0xFFFFFE40];
	v37 =	vmax.f32 v37, v20  }
.LBB2_69:
0x35c: {  	v38 =	vld [tilespmem:s21+$0xFFFFFEB0]  }
0x35d: {  	v39 =	vld [tilespmem:s21+$0xFFFFFE80];
	v13 =	vadd.f32 v30, v13  }
0x35e: {  	v21 =	vmax.f32 v21, v12;
	v40 =	vld [tilespmem:s21+$0xFFFFFF30];
	v48 =	vadd.f32 v31, v32  }
0x35f: {  	v37 =	vmax.f32 v37, v16;
	v49 =	vld [tilespmem:s21+$0xFFFFFEC0];
	v13 =	vadd.f32 v27, v13;
	v8 =	vmax.f32 v8, v36  }
0x360: {  	v52 =	vld [tilespmem:s21+$0xFFFFFFB0];
	v53 =	vadd.f32 v29, v48;
	v50 =	vadd.f32 v36, v33;
	v8 =	vmax.f32 v8, v35  }
0x361: {  	v51 =	vadd.f32 v28, v34;
	v13 =	vadd.f32 v23, v13;
	v8 =	vmax.f32 v8, v38  }
0x362: {  	v54 =	vld [tilespmem:s22+$0xFFFFFF00];
	v23 =	vadd.f32 v26, v53;
	v55 =	vadd.f32 v35, v50;
	v8 =	vmax.f32 v8, v25  }
0x363: {  	v56 =	vadd.f32 v39, v51;
	v13 =	vadd.f32 v19, v13;
	v8 =	vmax.f32 v8, v40  }
0x364: {  	v57 =	vld [tilespmem:s22+$0xFFFFFF40];
	v23 =	vadd.f32 v24, v23;
	v58 =	vadd.f32 v38, v55;
	v8 =	vmax.f32 v8, v18  }
0x365: {  	v59 =	vadd.f32 v49, v56;
	v13 =	vadd.f32 v17, v13;
	v8 =	vmax.f32 v8, v52  }
0x366: {  	v60 =	vld [tilespmem:s22+$0xFFFFFF80];
	v17 =	vadd.f32 v20, v23;
	v19 =	vmax.f32 v8, v10;
	v8 =	vmax.f32 v22, v28  }
0x367: {  	v20 =	vld [tilespmem:s22+$0xFFFFFFC0];
	v61 =	vadd.f32 v25, v58;
	v62 =	vadd.f32 v54, v59;
	v8 =	vmax.f32 v8, v39  }
0x368: {  	v21 =	vmax.f32 v21, v14;
	v37 =	vmax.f32 v37, v15;
	v8 =	vmax.f32 v8, v49  }
0x369: {  	v22 =	vadd.f32 v40, v61;
	v23 =	vadd.f32 v57, v62;
	v8 =	vmax.f32 v8, v54  }
0x36a: {  	v63 =	vld [tilespmem:s22+$0x0];
	v12 =	vadd.f32 v12, v13;
	v13 =	vadd.f32 v16, v17;
	v8 =	vmax.f32 v8, v57  }
.Ltmp56:
0x36b: {  	v16 =	vadd.f32 v18, v22;
	v17 =	vadd.f32 v60, v23;
	v8 =	vmax.f32 v8, v60;
	(pc) =	sbr.rel .LBB2_70-.Ltmp56, $4  }
0x36c: {  	v12 =	vadd.f32 v14, v12;
	v14 =	vadd.f32 v15, v13;
	v8 =	vmax.f32 v8, v20  }
0x36d: {  	v41 =	vmax.f32 v21, v9;
	v15 =	vadd.f32 v52, v16;
	v16 =	vadd.f32 v20, v17  }
0x36e: {  	v21 =	vmax.f32 v37, v11;
	v13 =	vadd.f32 v9, v12;
	v12 =	vadd.f32 v11, v14  }
0x36f: {  	v9 =	vmax.f32 v8, v63;
	v11 =	vadd.f32 v10, v15;
	v10 =	vadd.f32 v63, v16;
	v8 =	vmovc v41  }
.LBB2_66:
0x370: {  	v21 =	vimm.f32 $-1.000000020e+30;
	v19 =	vimm.f32 $-1.000000020e+30;
	v9 =	vimm.f32 $-1.000000020e+30  }
0x371: {  	v12 =	vimm.f32 $0.0e+00;
	v11 =	vimm.f32 $0.0e+00;
	v10 =	vimm.f32 $0.0e+00  }
.LBB2_70:
0x372: {  	s1 =	sshll.u32 s20, $0x3  }
0x373: {  	p0 =	sle.s32 s19, s1  }
.Ltmp57:
0x374: {  	_ = 	snop;
	(pc) =	sbr.rel @p0 .LBB2_74-.Ltmp57, $1  }
0x375: {  	_ =	sdelay $0x3  }
0x376: {  	s20 =	sshll.u32 s20, $0xB  }
0x377: {  	s20 =	sshra.s32 s20, $0x2  }
0x378: {  	s20 =	sadd.s32 $0x11F50, s20  }
0x379: {  	s1 =	ssub.s32 s19, s1;
	v17 =	vld [tilespmem:s20+$0x0]  }
0x37a: {  	p0 =	sne.s32 s1, $0x1;
	v14 =	vld [tilespmem:s20+$0xFFFFFFE0]  }
.Ltmp58:
0x37b: {  	v15 =	vld [tilespmem:s20+$0xFFFFFFF0];
	(pc) =	sbr.rel @!p0 .LBB2_73-.Ltmp58, $2  }
0x37c: {  	v16 =	vld [tilespmem:s20+$0xFFFFFFD0];
	_ =	sdelay $0x2  }
0x37d: {  	s1 =	sadd.s32 $0xFFFFFFFF, s1;
	s20 =	sadd.s32 $0x40, s20;
	v9 =	vmax.f32 v9, v17;
	v10 =	vadd.f32 v17, v10  }
.LBB2_72:
0x37e: {  	v17 =	vld [tilespmem:s20+$0x0];
	p0 =	sne.s32 s1, $0x1;
	s1 =	sadd.s32 $0xFFFFFFFF, s1;
	v21 =	vmax.f32 v21, v14;
	v12 =	vadd.f32 v14, v12  }
.Ltmp59:
0x37f: {  	v19 =	vmax.f32 v19, v15;
	v11 =	vadd.f32 v15, v11;
	v14 =	vld [tilespmem:s20+$0xFFFFFFE0];
	(pc) =	sbr.rel @p0 .LBB2_72-.Ltmp59, $3  }
0x380: {  	v8 =	vmax.f32 v8, v16;
	v13 =	vadd.f32 v16, v13;
	v15 =	vld [tilespmem:s20+$0xFFFFFFF0]  }
0x381: {  	v16 =	vld [tilespmem:s20+$0xFFFFFFD0];
	_ =	sdelay $0x1  }
0x382: {  	s20 =	sadd.s32 $0x40, s20;
	v9 =	vmax.f32 v9, v17;
	v10 =	vadd.f32 v17, v10  }
.Ltmp60:
0x383: {  	_ = 	snop;
	(pc) =	sbr.rel .LBB2_73-.Ltmp60, $1  }
0x384: {  	_ =	sdelay $0x3  }
.LBB2_76:
0x385: {  	_ =	sfence.sel $0x180000  }
0x386: {  	[bflag:$0x0] =	sbarrier.arrive $0xFFFF  }
0x387: {  	_ =	strace $0x90000047  }
0x388: {  	s0 =	stileid.u32;
	[bflag:$0x2] =	sbarrier.arrive $0xFFFF  }
0x389: {  	p0 =	sne.s32 s0, $0x0;
	s0 =	rddreg [dreg:$0x5]  }
0x38a: {  	s0 =	sadd.s32 @!p0 $0x100000, s0  }
0x38b: {  	[sflag:s0] =	ssyncadd.tile.s32 @!p0 $0x1;
	_ =	shalt  }
.Lfunc_end2:
_tile_overlayer_lowered:
.L_overlay_start_2:
0x38c: {  	(tag) =	ssettag $0x2  }
0x38d: {  	s0 =	rddreg [dreg:$0x0];
	s2 =	stileid.u32  }
0x38e: {  	s1 =	rddreg [dreg:$0x1];
	p0 =	sne.s32 s2, $0x0  }
0x38f: {  	s3 =	rddreg [dreg:$0x2];
	[bflag:$0x3] =	sbarrier.arrive $0xFFFF;
	s2 =	simm.s32 @!p0 $0x1C03  }
0x390: {  	[timem:s3], [sflag:s2] =	dma.local @!p0 [hbm:s0], s1  }
0x391: {  	s0 =	simm.s32 @!p0 $0x3  }
0x392: {  	_ =	swait.ge @!p0 [sflag:s0], s1  }
0x393: {  	s1 =	ssub.s32 @!p0 $0x0, s1;
	[sflag:s0] =	ssyncset.done @!p0 $0x0  }
0x394: {  	[sflag:s0] =	ssyncadd.s32 @!p0 s1  }
0x395: {  	[bflag:$0x3] =	sbarrier.arrive $0xFFFF  }
0x396: {  	_ =	shalt  }

</sc_bundles>
